<compile_context>
chip_gen: v7x
topology: tpu7x:2x2x1
jax: 0.10.2.dev20260603
libtpu: 0.0.44.dev20260713+nightly
codegen_flags: <defaults>
</compile_context>

<pallas_src>
import jax
import jax.numpy as jnp
from jax import lax
from jax.experimental import pallas as pl
from jax.experimental.pallas import tpu as pltpu
from jax.experimental.pallas import tpu_sc as plsc

NC = 2
NS = 16
L = 16

B = 8
N = 8192
M = 64
K = 3
SOM_K = 9

W = NC * NS
WPB = W // B
NP = N // WPB
NCHUNK = NP // L


def _body(x_hbm, sn_hbm, nodes_hbm, knn_hbm_in,
          out_hbm, knn_hbm, mask_hbm,
          x_v, sn_v, knn_v, node_v, idx_v, hist_v,
          part_v, red0, red1, red2, red3,
          cm_v, knnc_v, mask_v,
          obuf, dma_sem, shared_part, shared_mean):
    c = lax.axis_index("c")
    s = lax.axis_index("s")
    b = c * (B // NC) + s // WPB
    g = s // WPB
    q = s % WPB
    qoff = pl.multiple_of(q * NP, NP)

    handles = [
        pltpu.async_copy(x_hbm.at[b, :, pl.ds(qoff, NP)], x_v, dma_sem),
        pltpu.async_copy(sn_hbm.at[b, :, pl.ds(qoff, NP)], sn_v, dma_sem),
        pltpu.async_copy(nodes_hbm.at[b], node_v, dma_sem),
        pltpu.async_copy(knn_hbm_in.at[b], knn_v, dma_sem),
    ]
    for h in handles:
        h.wait()

    lane = lax.broadcasted_iota(jnp.int32, (L,), 0)
    lane_base = lane * M

    def zero_body(i, _):
        hist_v[pl.ds(i * L, L)] = jnp.zeros((L,), jnp.float32)
        return 0
    lax.fori_loop(0, (4 * M * L) // L, zero_body, 0)

    inf = jnp.full((L,), jnp.inf, jnp.float32)
    zero_i = jnp.zeros((L,), jnp.int32)
    ones = jnp.full((L,), 1.0, jnp.float32)

    def chunk_body(t, _):
        poa = t * (2 * L)
        pob = poa + L
        pa = tuple(x_v[cc, pl.ds(poa, L)] for cc in range(3))
        pb = tuple(x_v[cc, pl.ds(pob, L)] for cc in range(3))

        def insert(p, m, mi, carry):
            d1, d2, d3, i1, i2, i3 = carry
            mo = m * L
            d = node_v[3, pl.ds(mo, L)] - p[0] * node_v[0, pl.ds(mo, L)]
            d = d - p[1] * node_v[1, pl.ds(mo, L)]
            d = d - p[2] * node_v[2, pl.ds(mo, L)]
            c1 = d < d1
            c2 = d < d2
            c3 = d < d3
            d3n = jnp.where(c3, jnp.where(c2, d2, d), d3)
            i3n = jnp.where(c3, jnp.where(c2, i2, mi), i3)
            d2n = jnp.where(c2, jnp.where(c1, d1, d), d2)
            i2n = jnp.where(c2, jnp.where(c1, i1, mi), i2)
            d1n = jnp.where(c1, d, d1)
            i1n = jnp.where(c1, mi, i1)
            return (d1n, d2n, d3n, i1n, i2n, i3n)

        def m_body(mh, carry):
            ca, cb = carry[:6], carry[6:]
            for u in range(2):
                m = mh * 2 + u
                mi = jnp.full((L,), m, jnp.int32)
                ca = insert(pa, m, mi, ca)
                cb = insert(pb, m, mi, cb)
            return ca + cb

        init = (inf, inf, inf, zero_i, zero_i, zero_i)
        res = lax.fori_loop(0, M // 2, m_body, init + init)
        ia = res[3:6]
        ib = res[9:12]

        for po, p, ii in ((poa, pa, ia), (pob, pb, ib)):
            idx_v[pl.ds(po, L)] = ii[0]
            idx_v[pl.ds(NP + po, L)] = ii[1]
            idx_v[pl.ds(2 * NP + po, L)] = ii[2]
            for ik in ii:
                bidx = ik + lane_base
                plsc.addupdate_scatter(hist_v, [bidx], p[0])
                plsc.addupdate_scatter(hist_v, [bidx + M * L], p[1])
                plsc.addupdate_scatter(hist_v, [bidx + 2 * M * L], p[2])
                plsc.addupdate_scatter(hist_v, [bidx + 3 * M * L], ones)
        return 0

    lax.fori_loop(0, NCHUNK // 2, chunk_body, 0)

    for r in range(4):
        for jm in range(M // L):
            tot = hist_v[pl.ds(r * M * L + jm * L, L)]
            for ln in range(1, L):
                tot = tot + hist_v[pl.ds(r * M * L + ln * M + jm * L, L)]
            part_v[pl.ds(r * M + jm * L, L)] = tot

    pltpu.sync_copy(part_v, shared_part.at[s])
    plsc.subcore_barrier()

    @pl.when(q == 0)
    def _leader():
        pltpu.sync_copy(shared_part.at[s], red0)
        pltpu.sync_copy(shared_part.at[s + 1], red1)
        pltpu.sync_copy(shared_part.at[s + 2], red2)
        pltpu.sync_copy(shared_part.at[s + 3], red3)
        for jm in range(4 * M // L):
            tot = (red0[pl.ds(jm * L, L)] + red1[pl.ds(jm * L, L)]
                   + red2[pl.ds(jm * L, L)] + red3[pl.ds(jm * L, L)])
            part_v[pl.ds(jm * L, L)] = tot
        for jm in range(M // L):
            cnt = part_v[pl.ds(3 * M + jm * L, L)]
            den = cnt + 1e-5
            for cc in range(3):
                cm_v[pl.ds(cc * M + jm * L, L)] = (
                    part_v[pl.ds(cc * M + jm * L, L)] / den)
            mask_v[0, pl.ds(jm * L, L)] = jnp.where(
                cnt > 0.5, jnp.full((L,), 1.0, jnp.float32),
                jnp.zeros((L,), jnp.float32))
        for jm in range(M // L):
            acc = [jnp.zeros((L,), jnp.float32) for _ in range(3)]
            for kk in range(SOM_K):
                nidx = knn_v[kk, pl.ds(jm * L, L)]
                for cc in range(3):
                    acc[cc] = acc[cc] + plsc.load_gather(
                        cm_v, [nidx + cc * M])
            for cc in range(3):
                knnc_v[cc, pl.ds(jm * L, L)] = acc[cc] / 9.0
        pltpu.sync_copy(mask_v, mask_hbm.at[b])
        pltpu.sync_copy(knnc_v, knn_hbm.at[b])
        pltpu.sync_copy(cm_v, shared_mean.at[g])

    plsc.subcore_barrier()

    @pl.when(q != 0)
    def _followers():
        pltpu.sync_copy(shared_mean.at[g], cm_v)

    for kk in range(3):
        def out_body(t, _, kk=kk):
            po = t * L
            iv = idx_v[pl.ds(kk * NP + po, L)]
            for cc in range(3):
                gv = plsc.load_gather(cm_v, [iv + cc * M])
                obuf[cc, pl.ds(po, L)] = x_v[cc, pl.ds(po, L)] - gv
                if kk == 0:
                    obuf[3 + cc, pl.ds(po, L)] = sn_v[cc, pl.ds(po, L)]
            return 0

        lax.fori_loop(0, NCHUNK, out_body, 0)
        koff = pl.multiple_of(kk * N + q * NP, NP)
        pltpu.sync_copy(obuf, out_hbm.at[b, :, pl.ds(koff, NP)])


def kernel(x, sn, node, node_knn_I, k):
    del k
    node_pack = jnp.concatenate(
        [node + node, jnp.sum(node * node, axis=1, keepdims=True)], axis=1)
    nodes_splat = jnp.broadcast_to(
        node_pack[:, :, :, None], (B, 4, M, L)).reshape(B, 4, M * L)
    knnt = jnp.swapaxes(node_knn_I.astype(jnp.int32), 1, 2)

    mesh = plsc.VectorSubcoreMesh(core_axis_name="c", subcore_axis_name="s")
    out, knnc, mask = pl.kernel(
        _body,
        out_type=(
            jax.ShapeDtypeStruct((B, 6, K * N), jnp.float32),
            jax.ShapeDtypeStruct((B, 3, M), jnp.float32),
            jax.ShapeDtypeStruct((B, 1, M), jnp.float32),
        ),
        mesh=mesh,
        compiler_params=pltpu.CompilerParams(needs_layout_passes=False),
        scratch_types=[
            pltpu.VMEM((3, NP), jnp.float32),
            pltpu.VMEM((3, NP), jnp.float32),
            pltpu.VMEM((SOM_K, M), jnp.int32),
            pltpu.VMEM((4, M * L), jnp.float32),
            pltpu.VMEM((3 * NP,), jnp.int32),
            pltpu.VMEM((4 * M * L,), jnp.float32),
            pltpu.VMEM((4 * M,), jnp.float32),
            pltpu.VMEM((4 * M,), jnp.float32),
            pltpu.VMEM((4 * M,), jnp.float32),
            pltpu.VMEM((4 * M,), jnp.float32),
            pltpu.VMEM((4 * M,), jnp.float32),
            pltpu.VMEM((2 * 128,), jnp.float32),
            pltpu.VMEM((3, M), jnp.float32),
            pltpu.VMEM((1, M), jnp.float32),
            pltpu.VMEM((6, NP), jnp.float32),
            pltpu.SemaphoreType.DMA,
            pltpu.VMEM_SHARED((NS, 4 * M), jnp.float32),
            pltpu.VMEM_SHARED((NS // WPB, 2 * 128), jnp.float32),
        ],
    )(x, sn, nodes_splat, knnt)
    return out, knnc, mask.reshape(B, M)

# --- scband reference (transcript-rebuilt; emitter-appended) ---
"""Pipeline reference for scband-rot-encoder-fusion-78417512891254 (READ-ONLY COPY).

The authoritative reference and input builder live on the scoring server;
editing this copy changes nothing except your own understanding.
"""

import jax, jax.numpy as jnp
import numpy as np

B = 8
N = 8192
M = 64
K = 3
SOM_K = 9


def setup_inputs(seed: int = 0) -> dict:
    key = jax.random.key(seed)
    k1, k2, k3, k4 = jax.random.split(key, 4)
    x = jax.random.normal(k1, (B, 3, N), dtype=jnp.float32)
    sn = jax.random.normal(k2, (B, 3, N), dtype=jnp.float32)
    node = jax.random.normal(k3, (B, 3, M), dtype=jnp.float32)
    node_knn_I = jax.random.randint(k4, (B, M, SOM_K), 0, M).astype(jnp.int64)
    return {"x": x, "sn": sn, "node": node, "node_knn_I": node_knn_I, "k": K}


def reference(x, sn, node, node_knn_I, k):
    # som.query_topk: for each point, find the k nearest SOM nodes and build
    # a one-hot assignment mask over the k-stacked point cloud.
    Bb, _, Nn = x.shape
    Mm = node.shape[2]
    diff = x[:, :, :, None] - node[:, :, None, :]          # B,3,N,M
    dist = jnp.sum(diff * diff, axis=1)                     # B,N,M
    _, idx = jax.lax.top_k(-dist, K)                        # B,N,k (k smallest dists)
    min_idx = jnp.transpose(idx, (0, 2, 1)).reshape(Bb, K * Nn)  # B,kN
    min_idx = min_idx + (jnp.asarray(k) - K).astype(min_idx.dtype)
    mask = jax.nn.one_hot(min_idx, Mm, dtype=jnp.float32)   # B,kN,M
    mask_row_max = jnp.max(mask, axis=1)                    # B,M (node has >=1 point)
    mask_row_sum = jnp.sum(mask, axis=1)                    # B,M
    # stack k copies of the point cloud (torch.cat of x k times along dim 2)
    x_stack = jnp.tile(x, (1, 1, K))                        # B,3,kN
    sn_stack = jnp.tile(sn, (1, 1, K))                      # B,3,kN
    # masked cluster mean per node (einsum == sum over kN of x_stack*mask)
    cluster_sum = jnp.einsum('bck,bkm->bcm', x_stack, mask)  # B,3,M
    cluster_mean = cluster_sum / (mask_row_sum[:, None, :] + 1e-5)
    # gather each point's assigned-node center, detached as in torch
    gather_idx = jnp.broadcast_to(min_idx[:, None, :], (Bb, 3, K * Nn))
    centers = jax.lax.stop_gradient(
        jnp.take_along_axis(cluster_mean, gather_idx, axis=2))  # B,3,kN
    x_decentered = x_stack - centers                        # B,3,kN
    # KNN fusion over SOM node graph: gather som_k neighbor cluster means
    som_k = node_knn_I.shape[2]
    nk_idx = jnp.broadcast_to(node_knn_I[:, None, :, :], (Bb, 3, Mm, som_k))
    cm_exp = jnp.broadcast_to(cluster_mean[:, :, :, None], (Bb, 3, Mm, som_k))
    neighbors = jnp.take_along_axis(cm_exp, nk_idx, axis=2)  # B,3,M,som_k
    knn_center = jnp.mean(neighbors, axis=3)                 # B,3,M
    out = jnp.concatenate((x_decentered, sn_stack), axis=1)  # B,6,kN
    return out, knn_center, mask_row_max

if __name__ == "__main__":
    import jax
    _d = setup_inputs()
    print(jax.jit(kernel)(*tuple(_d.values())))

</pallas_src>

<mosaic_0001>
#map = affine_map<(d0, d1) -> (0, 0, 0)>
module attributes {stable_mosaic.version = 14 : i64} {
  func.func @_body(%arg0: i32, %arg1: i32, %arg2: memref<8x3x8192xf32, #tpu.memory_space<hbm>>, %arg3: memref<8x3x8192xf32, #tpu.memory_space<hbm>>, %arg4: memref<8x4x1024xf32, #tpu.memory_space<hbm>>, %arg5: memref<8x9x64xi32, #tpu.memory_space<hbm>>, %arg6: memref<8x6x24576xf32, #tpu.memory_space<hbm>>, %arg7: memref<8x3x64xf32, #tpu.memory_space<hbm>>, %arg8: memref<8x1x64xf32, #tpu.memory_space<hbm>>, %arg9: memref<3x2048xf32, #tpu.memory_space<vmem>>, %arg10: memref<3x2048xf32, #tpu.memory_space<vmem>>, %arg11: memref<9x64xi32, #tpu.memory_space<vmem>>, %arg12: memref<4x1024xf32, #tpu.memory_space<vmem>>, %arg13: memref<6144xi32, #tpu.memory_space<vmem>>, %arg14: memref<4096xf32, #tpu.memory_space<vmem>>, %arg15: memref<256xf32, #tpu.memory_space<vmem>>, %arg16: memref<256xf32, #tpu.memory_space<vmem>>, %arg17: memref<256xf32, #tpu.memory_space<vmem>>, %arg18: memref<256xf32, #tpu.memory_space<vmem>>, %arg19: memref<256xf32, #tpu.memory_space<vmem>>, %arg20: memref<256xf32, #tpu.memory_space<vmem>>, %arg21: memref<3x64xf32, #tpu.memory_space<vmem>>, %arg22: memref<1x64xf32, #tpu.memory_space<vmem>>, %arg23: memref<6x2048xf32, #tpu.memory_space<vmem>>, %arg24: memref<!tpu.dma_semaphore, #tpu.memory_space<semaphore_mem>>, %arg25: memref<16x256xf32, #tpu.memory_space<vmem_shared>>, %arg26: memref<4x256xf32, #tpu.memory_space<vmem_shared>>) attributes {dimension_semantics = [#tpu.dimension_semantics<core_parallel>, #tpu.dimension_semantics<subcore_parallel>], iteration_bounds = array<i64: 2, 16>, scalar_prefetch = 0 : i64, scratch_operands = 18 : i64, tpu.core_type = #tpu.core_type<sc_vector_subcore>, window_params = [{transform_indices = #map}, {transform_indices = #map}, {transform_indices = #map}, {transform_indices = #map}, {transform_indices = #map}, {transform_indices = #map}, {transform_indices = #map}]} {
    %mul3A = arith.constant 4 : i32
    %mul3A_0 = arith.muli %arg0, %mul3A : i32
    %jit3A = arith.constant 4 : i32
    %div3A = arith.divsi %arg1, %jit3A : i32
    %sign3A = arith.constant 0 : i32
    %sign3A_1 = arith.cmpi sgt, %arg1, %sign3A : i32
    %sign3A_2 = arith.extui %sign3A_1 : i1 to i32
    %sign3A_3 = arith.constant 0 : i32
    %sign3A_4 = arith.cmpi slt, %arg1, %sign3A_3 : i32
    %sign3A_5 = arith.extui %sign3A_4 : i1 to i32
    %sign3A_6 = arith.subi %sign3A_2, %sign3A_5 : i32
    %sign3A_7 = arith.constant 0 : i32
    %sign3A_8 = arith.cmpi sgt, %jit3A, %sign3A_7 : i32
    %sign3A_9 = arith.extui %sign3A_8 : i1 to i32
    %sign3A_10 = arith.constant 0 : i32
    %sign3A_11 = arith.cmpi slt, %jit3A, %sign3A_10 : i32
    %sign3A_12 = arith.extui %sign3A_11 : i1 to i32
    %sign3A_13 = arith.subi %sign3A_9, %sign3A_12 : i32
    %ne3A = arith.cmpi ne, %sign3A_6, %sign3A_13 : i32
    %rem3A = arith.remsi %arg1, %jit3A : i32
    %ne3A_14 = arith.constant 0 : i32
    %ne3A_15 = arith.cmpi ne, %rem3A, %ne3A_14 : i32
    %and3A = arith.andi %ne3A, %ne3A_15 : i1
    %sub3A = arith.constant 1 : i32
    %sub3A_16 = arith.subi %div3A, %sub3A : i32
    %select_n3A = arith.select %and3A, %sub3A_16, %div3A : i32
    %add3A = arith.addi %mul3A_0, %select_n3A : i32
    %jit3A_17 = arith.constant 4 : i32
    %div3A_18 = arith.divsi %arg1, %jit3A_17 : i32
    %sign3A_19 = arith.constant 0 : i32
    %sign3A_20 = arith.cmpi sgt, %arg1, %sign3A_19 : i32
    %sign3A_21 = arith.extui %sign3A_20 : i1 to i32
    %sign3A_22 = arith.constant 0 : i32
    %sign3A_23 = arith.cmpi slt, %arg1, %sign3A_22 : i32
    %sign3A_24 = arith.extui %sign3A_23 : i1 to i32
    %sign3A_25 = arith.subi %sign3A_21, %sign3A_24 : i32
    %sign3A_26 = arith.constant 0 : i32
    %sign3A_27 = arith.cmpi sgt, %jit3A_17, %sign3A_26 : i32
    %sign3A_28 = arith.extui %sign3A_27 : i1 to i32
    %sign3A_29 = arith.constant 0 : i32
    %sign3A_30 = arith.cmpi slt, %jit3A_17, %sign3A_29 : i32
    %sign3A_31 = arith.extui %sign3A_30 : i1 to i32
    %sign3A_32 = arith.subi %sign3A_28, %sign3A_31 : i32
    %ne3A_33 = arith.cmpi ne, %sign3A_25, %sign3A_32 : i32
    %rem3A_34 = arith.remsi %arg1, %jit3A_17 : i32
    %ne3A_35 = arith.constant 0 : i32
    %ne3A_36 = arith.cmpi ne, %rem3A_34, %ne3A_35 : i32
    %and3A_37 = arith.andi %ne3A_33, %ne3A_36 : i1
    %sub3A_38 = arith.constant 1 : i32
    %sub3A_39 = arith.subi %div3A_18, %sub3A_38 : i32
    %select_n3A_40 = arith.select %and3A_37, %sub3A_39, %div3A_18 : i32
    %jit3A_41 = arith.constant 4 : i32
    %eq3A = arith.constant 0 : i32
    %eq3A_42 = arith.cmpi eq, %jit3A_41, %eq3A : i32
    %jit3A_43 = arith.constant 1 : i32
    %select_n3A_44 = arith.select %eq3A_42, %jit3A_43, %jit3A_41 : i32
    %rem3A_45 = arith.remsi %arg1, %select_n3A_44 : i32
    %ne3A_46 = arith.constant 0 : i32
    %ne3A_47 = arith.cmpi ne, %rem3A_45, %ne3A_46 : i32
    %lt3A = arith.constant 0 : i32
    %lt3A_48 = arith.cmpi slt, %rem3A_45, %lt3A : i32
    %lt3A_49 = arith.constant 0 : i32
    %lt3A_50 = arith.cmpi slt, %select_n3A_44, %lt3A_49 : i32
    %ne3A_51 = arith.xori %lt3A_48, %lt3A_50 : i1
    %and3A_52 = arith.andi %ne3A_51, %ne3A_47 : i1
    %add3A_53 = arith.addi %rem3A_45, %select_n3A_44 : i32
    %select_n3A_54 = arith.select %and3A_52, %add3A_53, %rem3A_45 : i32
    %mul3A_55 = arith.constant 2048 : i32
    %mul3A_56 = arith.muli %select_n3A_54, %mul3A_55 : i32
    %multiple_of3A = tpu.assume_multiple %mul3A_56, 2048 : i32
    %dma_start3A = arith.constant 0 : i32
    %dma_start3A_57 = tpu.memref_slice %arg2[%add3A, %dma_start3A, %multiple_of3A] : memref<8x3x8192xf32, #tpu.memory_space<hbm>> -> memref<1x3x2048xf32, #tpu.memory_space<hbm>>
    %dma_start3A_58 = tpu.memref_squeeze %dma_start3A_57 : memref<1x3x2048xf32, #tpu.memory_space<hbm>> -> memref<3x2048xf32, #tpu.memory_space<hbm>>
    %dma_start3A_59 = arith.constant 0 : i32
    %dma_start3A_60 = tpu.memref_slice %arg2[%add3A, %dma_start3A_59, %multiple_of3A] : memref<8x3x8192xf32, #tpu.memory_space<hbm>> -> memref<1x3x2048xf32, #tpu.memory_space<hbm>>
    %dma_start3A_61 = tpu.memref_squeeze %dma_start3A_60 : memref<1x3x2048xf32, #tpu.memory_space<hbm>> -> memref<3x2048xf32, #tpu.memory_space<hbm>>
    tpu.enqueue_dma source(%dma_start3A_61 : memref<3x2048xf32, #tpu.memory_space<hbm>>) target(%arg9 : memref<3x2048xf32, #tpu.memory_space<vmem>>) target_semaphore(%arg24 : memref<!tpu.dma_semaphore, #tpu.memory_space<semaphore_mem>>)
    %dma_start3A_62 = arith.constant 0 : i32
    %dma_start3A_63 = tpu.memref_slice %arg3[%add3A, %dma_start3A_62, %multiple_of3A] : memref<8x3x8192xf32, #tpu.memory_space<hbm>> -> memref<1x3x2048xf32, #tpu.memory_space<hbm>>
    %dma_start3A_64 = tpu.memref_squeeze %dma_start3A_63 : memref<1x3x2048xf32, #tpu.memory_space<hbm>> -> memref<3x2048xf32, #tpu.memory_space<hbm>>
    %dma_start3A_65 = arith.constant 0 : i32
    %dma_start3A_66 = tpu.memref_slice %arg3[%add3A, %dma_start3A_65, %multiple_of3A] : memref<8x3x8192xf32, #tpu.memory_space<hbm>> -> memref<1x3x2048xf32, #tpu.memory_space<hbm>>
    %dma_start3A_67 = tpu.memref_squeeze %dma_start3A_66 : memref<1x3x2048xf32, #tpu.memory_space<hbm>> -> memref<3x2048xf32, #tpu.memory_space<hbm>>
    tpu.enqueue_dma source(%dma_start3A_67 : memref<3x2048xf32, #tpu.memory_space<hbm>>) target(%arg10 : memref<3x2048xf32, #tpu.memory_space<vmem>>) target_semaphore(%arg24 : memref<!tpu.dma_semaphore, #tpu.memory_space<semaphore_mem>>)
    %dma_start3A_68 = arith.constant 0 : i32
    %dma_start3A_69 = arith.constant 0 : i32
    %dma_start3A_70 = tpu.memref_slice %arg4[%add3A, %dma_start3A_68, %dma_start3A_69] : memref<8x4x1024xf32, #tpu.memory_space<hbm>> -> memref<1x4x1024xf32, #tpu.memory_space<hbm>>
    %dma_start3A_71 = tpu.memref_squeeze %dma_start3A_70 : memref<1x4x1024xf32, #tpu.memory_space<hbm>> -> memref<4x1024xf32, #tpu.memory_space<hbm>>
    %dma_start3A_72 = arith.constant 0 : i32
    %dma_start3A_73 = arith.constant 0 : i32
    %dma_start3A_74 = tpu.memref_slice %arg4[%add3A, %dma_start3A_72, %dma_start3A_73] : memref<8x4x1024xf32, #tpu.memory_space<hbm>> -> memref<1x4x1024xf32, #tpu.memory_space<hbm>>
    %dma_start3A_75 = tpu.memref_squeeze %dma_start3A_74 : memref<1x4x1024xf32, #tpu.memory_space<hbm>> -> memref<4x1024xf32, #tpu.memory_space<hbm>>
    tpu.enqueue_dma source(%dma_start3A_75 : memref<4x1024xf32, #tpu.memory_space<hbm>>) target(%arg12 : memref<4x1024xf32, #tpu.memory_space<vmem>>) target_semaphore(%arg24 : memref<!tpu.dma_semaphore, #tpu.memory_space<semaphore_mem>>)
    %dma_start3A_76 = arith.constant 0 : i32
    %dma_start3A_77 = arith.constant 0 : i32
    %dma_start3A_78 = tpu.memref_slice %arg5[%add3A, %dma_start3A_76, %dma_start3A_77] : memref<8x9x64xi32, #tpu.memory_space<hbm>> -> memref<1x9x64xi32, #tpu.memory_space<hbm>>
    %dma_start3A_79 = tpu.memref_squeeze %dma_start3A_78 : memref<1x9x64xi32, #tpu.memory_space<hbm>> -> memref<9x64xi32, #tpu.memory_space<hbm>>
    %dma_start3A_80 = arith.constant 0 : i32
    %dma_start3A_81 = arith.constant 0 : i32
    %dma_start3A_82 = tpu.memref_slice %arg5[%add3A, %dma_start3A_80, %dma_start3A_81] : memref<8x9x64xi32, #tpu.memory_space<hbm>> -> memref<1x9x64xi32, #tpu.memory_space<hbm>>
    %dma_start3A_83 = tpu.memref_squeeze %dma_start3A_82 : memref<1x9x64xi32, #tpu.memory_space<hbm>> -> memref<9x64xi32, #tpu.memory_space<hbm>>
    tpu.enqueue_dma source(%dma_start3A_83 : memref<9x64xi32, #tpu.memory_space<hbm>>) target(%arg11 : memref<9x64xi32, #tpu.memory_space<vmem>>) target_semaphore(%arg24 : memref<!tpu.dma_semaphore, #tpu.memory_space<semaphore_mem>>)
    %dma_wait3A = arith.constant 0 : i32
    %dma_wait3A_84 = tpu.memref_slice %arg2[%add3A, %dma_wait3A, %multiple_of3A] : memref<8x3x8192xf32, #tpu.memory_space<hbm>> -> memref<1x3x2048xf32, #tpu.memory_space<hbm>>
    %dma_wait3A_85 = tpu.memref_squeeze %dma_wait3A_84 : memref<1x3x2048xf32, #tpu.memory_space<hbm>> -> memref<3x2048xf32, #tpu.memory_space<hbm>>
    %dma_wait3A_86 = arith.constant 0 : i32
    %dma_wait3A_87 = tpu.memref_slice %arg2[%add3A, %dma_wait3A_86, %multiple_of3A] : memref<8x3x8192xf32, #tpu.memory_space<hbm>> -> memref<1x3x2048xf32, #tpu.memory_space<hbm>>
    %dma_wait3A_88 = tpu.memref_squeeze %dma_wait3A_87 : memref<1x3x2048xf32, #tpu.memory_space<hbm>> -> memref<3x2048xf32, #tpu.memory_space<hbm>>
    tpu.wait_dma2 semaphore(%arg24 : memref<!tpu.dma_semaphore, #tpu.memory_space<semaphore_mem>>) src(%dma_wait3A_88 : memref<3x2048xf32, #tpu.memory_space<hbm>>) dst(%arg9 : memref<3x2048xf32, #tpu.memory_space<vmem>>)
    %dma_wait3A_89 = arith.constant 0 : i32
    %dma_wait3A_90 = tpu.memref_slice %arg3[%add3A, %dma_wait3A_89, %multiple_of3A] : memref<8x3x8192xf32, #tpu.memory_space<hbm>> -> memref<1x3x2048xf32, #tpu.memory_space<hbm>>
    %dma_wait3A_91 = tpu.memref_squeeze %dma_wait3A_90 : memref<1x3x2048xf32, #tpu.memory_space<hbm>> -> memref<3x2048xf32, #tpu.memory_space<hbm>>
    %dma_wait3A_92 = arith.constant 0 : i32
    %dma_wait3A_93 = tpu.memref_slice %arg3[%add3A, %dma_wait3A_92, %multiple_of3A] : memref<8x3x8192xf32, #tpu.memory_space<hbm>> -> memref<1x3x2048xf32, #tpu.memory_space<hbm>>
    %dma_wait3A_94 = tpu.memref_squeeze %dma_wait3A_93 : memref<1x3x2048xf32, #tpu.memory_space<hbm>> -> memref<3x2048xf32, #tpu.memory_space<hbm>>
    tpu.wait_dma2 semaphore(%arg24 : memref<!tpu.dma_semaphore, #tpu.memory_space<semaphore_mem>>) src(%dma_wait3A_94 : memref<3x2048xf32, #tpu.memory_space<hbm>>) dst(%arg10 : memref<3x2048xf32, #tpu.memory_space<vmem>>)
    %dma_wait3A_95 = arith.constant 0 : i32
    %dma_wait3A_96 = arith.constant 0 : i32
    %dma_wait3A_97 = tpu.memref_slice %arg4[%add3A, %dma_wait3A_95, %dma_wait3A_96] : memref<8x4x1024xf32, #tpu.memory_space<hbm>> -> memref<1x4x1024xf32, #tpu.memory_space<hbm>>
    %dma_wait3A_98 = tpu.memref_squeeze %dma_wait3A_97 : memref<1x4x1024xf32, #tpu.memory_space<hbm>> -> memref<4x1024xf32, #tpu.memory_space<hbm>>
    %dma_wait3A_99 = arith.constant 0 : i32
    %dma_wait3A_100 = arith.constant 0 : i32
    %dma_wait3A_101 = tpu.memref_slice %arg4[%add3A, %dma_wait3A_99, %dma_wait3A_100] : memref<8x4x1024xf32, #tpu.memory_space<hbm>> -> memref<1x4x1024xf32, #tpu.memory_space<hbm>>
    %dma_wait3A_102 = tpu.memref_squeeze %dma_wait3A_101 : memref<1x4x1024xf32, #tpu.memory_space<hbm>> -> memref<4x1024xf32, #tpu.memory_space<hbm>>
    tpu.wait_dma2 semaphore(%arg24 : memref<!tpu.dma_semaphore, #tpu.memory_space<semaphore_mem>>) src(%dma_wait3A_102 : memref<4x1024xf32, #tpu.memory_space<hbm>>) dst(%arg12 : memref<4x1024xf32, #tpu.memory_space<vmem>>)
    %dma_wait3A_103 = arith.constant 0 : i32
    %dma_wait3A_104 = arith.constant 0 : i32
    %dma_wait3A_105 = tpu.memref_slice %arg5[%add3A, %dma_wait3A_103, %dma_wait3A_104] : memref<8x9x64xi32, #tpu.memory_space<hbm>> -> memref<1x9x64xi32, #tpu.memory_space<hbm>>
    %dma_wait3A_106 = tpu.memref_squeeze %dma_wait3A_105 : memref<1x9x64xi32, #tpu.memory_space<hbm>> -> memref<9x64xi32, #tpu.memory_space<hbm>>
    %dma_wait3A_107 = arith.constant 0 : i32
    %dma_wait3A_108 = arith.constant 0 : i32
    %dma_wait3A_109 = tpu.memref_slice %arg5[%add3A, %dma_wait3A_107, %dma_wait3A_108] : memref<8x9x64xi32, #tpu.memory_space<hbm>> -> memref<1x9x64xi32, #tpu.memory_space<hbm>>
    %dma_wait3A_110 = tpu.memref_squeeze %dma_wait3A_109 : memref<1x9x64xi32, #tpu.memory_space<hbm>> -> memref<9x64xi32, #tpu.memory_space<hbm>>
    tpu.wait_dma2 semaphore(%arg24 : memref<!tpu.dma_semaphore, #tpu.memory_space<semaphore_mem>>) src(%dma_wait3A_110 : memref<9x64xi32, #tpu.memory_space<hbm>>) dst(%arg11 : memref<9x64xi32, #tpu.memory_space<vmem>>)
    %iota3A = tpu.iota {dimensions = array<i32: 0>} : vector<16xi32>
    %mul3A_111 = arith.constant 64 : i32
    %mul3A_112 = vector.broadcast %mul3A_111 : i32 to vector<16xi32>
    %mul3A_113 = arith.muli %iota3A, %mul3A_112 : vector<16xi32>
    %scan3A = arith.constant 0 : i32
    %scan3A_114 = arith.constant 0 : i32
    %scan3A_115 = arith.constant 256 : i32
    %scan3A_116 = arith.addi %scan3A_114, %scan3A_115 : i32
    %scan3A_117 = arith.constant 1 : i32
    %scan3A_118 = scf.for %scan3A_959 = %scan3A_114 to %scan3A_116 step %scan3A_117 iter_args(%scan3A_960 = %scan3A) -> (i32)  : i32 {
      %broadcast_in_dim3A_961 = arith.constant 0.000000e+00 : f32
      %broadcast_in_dim3A_962 = vector.broadcast %broadcast_in_dim3A_961 : f32 to vector<16xf32>
      %mul3A_963 = arith.constant 16 : i32
      %mul3A_964 = arith.muli %scan3A_959, %mul3A_963 : i32
      %swap3A_965 = arith.index_cast %mul3A_964 : i32 to index
      %swap3A_966 = tpu.vector_load %arg14[%swap3A_965] {strides = array<i32>} : memref<4096xf32, #tpu.memory_space<vmem>>, vector<16xf32>,
      tpu.vector_store %arg14[%swap3A_965], %broadcast_in_dim3A_962 {strides = array<i32>} : memref<4096xf32, #tpu.memory_space<vmem>>, vector<16xf32>,
      %scan3A_967 = arith.constant 0 : i32
      scf.yield %scan3A_967 : i32
    }
    %scan3A_119 = arith.constant 256 : i32
    %broadcast_in_dim3A = arith.constant 0x7F800000 : f32
    %broadcast_in_dim3A_120 = vector.broadcast %broadcast_in_dim3A : f32 to vector<16xf32>
    %broadcast_in_dim3A_121 = arith.constant 0 : i32
    %broadcast_in_dim3A_122 = vector.broadcast %broadcast_in_dim3A_121 : i32 to vector<16xi32>
    %broadcast_in_dim3A_123 = arith.constant 1.000000e+00 : f32
    %broadcast_in_dim3A_124 = vector.broadcast %broadcast_in_dim3A_123 : f32 to vector<16xf32>
    %scan3A_125 = arith.constant 0 : i32
    %scan3A_126 = arith.constant 0 : i32
    %scan3A_127 = arith.constant 64 : i32
    %scan3A_128 = arith.addi %scan3A_126, %scan3A_127 : i32
    %scan3A_129 = arith.constant 1 : i32
    %scan3A_130 = scf.for %scan3A_959 = %scan3A_126 to %scan3A_128 step %scan3A_129 iter_args(%scan3A_960 = %scan3A_125) -> (i32)  : i32 {
      %mul3A_961 = arith.constant 32 : i32
      %mul3A_962 = arith.muli %scan3A_959, %mul3A_961 : i32
      %add3A_963 = arith.constant 16 : i32
      %add3A_964 = arith.addi %mul3A_962, %add3A_963 : i32
      %get3A_965 = arith.constant 0 : i32
      %get3A_966 = arith.index_cast %get3A_965 : i32 to index
      %get3A_967 = arith.index_cast %mul3A_962 : i32 to index
      %get3A_968 = tpu.vector_load %arg9[%get3A_966, %get3A_967] {strides = array<i32>} : memref<3x2048xf32, #tpu.memory_space<vmem>>, vector<16xf32>,
      %get3A_969 = arith.constant 1 : i32
      %get3A_970 = arith.index_cast %get3A_969 : i32 to index
      %get3A_971 = arith.index_cast %mul3A_962 : i32 to index
      %get3A_972 = tpu.vector_load %arg9[%get3A_970, %get3A_971] {strides = array<i32>} : memref<3x2048xf32, #tpu.memory_space<vmem>>, vector<16xf32>,
      %get3A_973 = arith.constant 2 : i32
      %get3A_974 = arith.index_cast %get3A_973 : i32 to index
      %get3A_975 = arith.index_cast %mul3A_962 : i32 to index
      %get3A_976 = tpu.vector_load %arg9[%get3A_974, %get3A_975] {strides = array<i32>} : memref<3x2048xf32, #tpu.memory_space<vmem>>, vector<16xf32>,
      %get3A_977 = arith.constant 0 : i32
      %get3A_978 = arith.index_cast %get3A_977 : i32 to index
      %get3A_979 = arith.index_cast %add3A_964 : i32 to index
      %get3A_980 = tpu.vector_load %arg9[%get3A_978, %get3A_979] {strides = array<i32>} : memref<3x2048xf32, #tpu.memory_space<vmem>>, vector<16xf32>,
      %get3A_981 = arith.constant 1 : i32
      %get3A_982 = arith.index_cast %get3A_981 : i32 to index
      %get3A_983 = arith.index_cast %add3A_964 : i32 to index
      %get3A_984 = tpu.vector_load %arg9[%get3A_982, %get3A_983] {strides = array<i32>} : memref<3x2048xf32, #tpu.memory_space<vmem>>, vector<16xf32>,
      %get3A_985 = arith.constant 2 : i32
      %get3A_986 = arith.index_cast %get3A_985 : i32 to index
      %get3A_987 = arith.index_cast %add3A_964 : i32 to index
      %get3A_988 = tpu.vector_load %arg9[%get3A_986, %get3A_987] {strides = array<i32>} : memref<3x2048xf32, #tpu.memory_space<vmem>>, vector<16xf32>,
      %scan3A_989 = arith.constant 0 : i32
      %scan3A_990 = arith.constant 32 : i32
      %scan3A_991 = arith.addi %scan3A_989, %scan3A_990 : i32
      %scan3A_992 = arith.constant 1 : i32
      %scan3A_993:12 = scf.for %scan3A_1076 = %scan3A_989 to %scan3A_991 step %scan3A_992 iter_args(%scan3A_1077 = %broadcast_in_dim3A_120, %scan3A_1078 = %broadcast_in_dim3A_120, %scan3A_1079 = %broadcast_in_dim3A_120, %scan3A_1080 = %broadcast_in_dim3A_122, %scan3A_1081 = %broadcast_in_dim3A_122, %scan3A_1082 = %broadcast_in_dim3A_122, %scan3A_1083 = %broadcast_in_dim3A_120, %scan3A_1084 = %broadcast_in_dim3A_120, %scan3A_1085 = %broadcast_in_dim3A_120, %scan3A_1086 = %broadcast_in_dim3A_122, %scan3A_1087 = %broadcast_in_dim3A_122, %scan3A_1088 = %broadcast_in_dim3A_122) -> (vector<16xf32>, vector<16xf32>, vector<16xf32>, vector<16xi32>, vector<16xi32>, vector<16xi32>, vector<16xf32>, vector<16xf32>, vector<16xf32>, vector<16xi32>, vector<16xi32>, vector<16xi32>)  : i32 {
        %mul3A_1089 = arith.constant 2 : i32
        %mul3A_1090 = arith.muli %scan3A_1076, %mul3A_1089 : i32
        %add3A_1091 = arith.constant 0 : i32
        %add3A_1092 = arith.addi %mul3A_1090, %add3A_1091 : i32
        %broadcast_in_dim3A_1093 = vector.broadcast %add3A_1092 : i32 to vector<16xi32>
        %mul3A_1094 = arith.constant 16 : i32
        %mul3A_1095 = arith.muli %add3A_1092, %mul3A_1094 : i32
        %get3A_1096 = arith.constant 3 : i32
        %get3A_1097 = arith.index_cast %get3A_1096 : i32 to index
        %get3A_1098 = arith.index_cast %mul3A_1095 : i32 to index
        %get3A_1099 = tpu.vector_load %arg12[%get3A_1097, %get3A_1098] {strides = array<i32>} : memref<4x1024xf32, #tpu.memory_space<vmem>>, vector<16xf32>,
        %get3A_1100 = arith.constant 0 : i32
        %get3A_1101 = arith.index_cast %get3A_1100 : i32 to index
        %get3A_1102 = arith.index_cast %mul3A_1095 : i32 to index
        %get3A_1103 = tpu.vector_load %arg12[%get3A_1101, %get3A_1102] {strides = array<i32>} : memref<4x1024xf32, #tpu.memory_space<vmem>>, vector<16xf32>,
        %mul3A_1104 = arith.mulf %get3A_968, %get3A_1103 : vector<16xf32>
        %sub3A_1105 = arith.subf %get3A_1099, %mul3A_1104 : vector<16xf32>
        %get3A_1106 = arith.constant 1 : i32
        %get3A_1107 = arith.index_cast %get3A_1106 : i32 to index
        %get3A_1108 = arith.index_cast %mul3A_1095 : i32 to index
        %get3A_1109 = tpu.vector_load %arg12[%get3A_1107, %get3A_1108] {strides = array<i32>} : memref<4x1024xf32, #tpu.memory_space<vmem>>, vector<16xf32>,
        %mul3A_1110 = arith.mulf %get3A_972, %get3A_1109 : vector<16xf32>
        %sub3A_1111 = arith.subf %sub3A_1105, %mul3A_1110 : vector<16xf32>
        %get3A_1112 = arith.constant 2 : i32
        %get3A_1113 = arith.index_cast %get3A_1112 : i32 to index
        %get3A_1114 = arith.index_cast %mul3A_1095 : i32 to index
        %get3A_1115 = tpu.vector_load %arg12[%get3A_1113, %get3A_1114] {strides = array<i32>} : memref<4x1024xf32, #tpu.memory_space<vmem>>, vector<16xf32>,
        %mul3A_1116 = arith.mulf %get3A_976, %get3A_1115 : vector<16xf32>
        %sub3A_1117 = arith.subf %sub3A_1111, %mul3A_1116 : vector<16xf32>
        %lt3A_1118 = arith.cmpf olt, %sub3A_1117, %scan3A_1077 : vector<16xf32>
        %lt3A_1119 = arith.cmpf olt, %sub3A_1117, %scan3A_1078 : vector<16xf32>
        %lt3A_1120 = arith.cmpf olt, %sub3A_1117, %scan3A_1079 : vector<16xf32>
        %select_n3A_1121 = arith.select %lt3A_1119, %scan3A_1078, %sub3A_1117 : vector<16xi1>, vector<16xf32>
        %select_n3A_1122 = arith.select %lt3A_1120, %select_n3A_1121, %scan3A_1079 : vector<16xi1>, vector<16xf32>
        %select_n3A_1123 = arith.select %lt3A_1119, %scan3A_1081, %broadcast_in_dim3A_1093 : vector<16xi1>, vector<16xi32>
        %select_n3A_1124 = arith.select %lt3A_1120, %select_n3A_1123, %scan3A_1082 : vector<16xi1>, vector<16xi32>
        %select_n3A_1125 = arith.select %lt3A_1118, %scan3A_1077, %sub3A_1117 : vector<16xi1>, vector<16xf32>
        %select_n3A_1126 = arith.select %lt3A_1119, %select_n3A_1125, %scan3A_1078 : vector<16xi1>, vector<16xf32>
        %select_n3A_1127 = arith.select %lt3A_1118, %scan3A_1080, %broadcast_in_dim3A_1093 : vector<16xi1>, vector<16xi32>
        %select_n3A_1128 = arith.select %lt3A_1119, %select_n3A_1127, %scan3A_1081 : vector<16xi1>, vector<16xi32>
        %select_n3A_1129 = arith.select %lt3A_1118, %sub3A_1117, %scan3A_1077 : vector<16xi1>, vector<16xf32>
        %select_n3A_1130 = arith.select %lt3A_1118, %broadcast_in_dim3A_1093, %scan3A_1080 : vector<16xi1>, vector<16xi32>
        %mul3A_1131 = arith.constant 16 : i32
        %mul3A_1132 = arith.muli %add3A_1092, %mul3A_1131 : i32
        %get3A_1133 = arith.constant 3 : i32
        %get3A_1134 = arith.index_cast %get3A_1133 : i32 to index
        %get3A_1135 = arith.index_cast %mul3A_1132 : i32 to index
        %get3A_1136 = tpu.vector_load %arg12[%get3A_1134, %get3A_1135] {strides = array<i32>} : memref<4x1024xf32, #tpu.memory_space<vmem>>, vector<16xf32>,
        %get3A_1137 = arith.constant 0 : i32
        %get3A_1138 = arith.index_cast %get3A_1137 : i32 to index
        %get3A_1139 = arith.index_cast %mul3A_1132 : i32 to index
        %get3A_1140 = tpu.vector_load %arg12[%get3A_1138, %get3A_1139] {strides = array<i32>} : memref<4x1024xf32, #tpu.memory_space<vmem>>, vector<16xf32>,
        %mul3A_1141 = arith.mulf %get3A_980, %get3A_1140 : vector<16xf32>
        %sub3A_1142 = arith.subf %get3A_1136, %mul3A_1141 : vector<16xf32>
        %get3A_1143 = arith.constant 1 : i32
        %get3A_1144 = arith.index_cast %get3A_1143 : i32 to index
        %get3A_1145 = arith.index_cast %mul3A_1132 : i32 to index
        %get3A_1146 = tpu.vector_load %arg12[%get3A_1144, %get3A_1145] {strides = array<i32>} : memref<4x1024xf32, #tpu.memory_space<vmem>>, vector<16xf32>,
        %mul3A_1147 = arith.mulf %get3A_984, %get3A_1146 : vector<16xf32>
        %sub3A_1148 = arith.subf %sub3A_1142, %mul3A_1147 : vector<16xf32>
        %get3A_1149 = arith.constant 2 : i32
        %get3A_1150 = arith.index_cast %get3A_1149 : i32 to index
        %get3A_1151 = arith.index_cast %mul3A_1132 : i32 to index
        %get3A_1152 = tpu.vector_load %arg12[%get3A_1150, %get3A_1151] {strides = array<i32>} : memref<4x1024xf32, #tpu.memory_space<vmem>>, vector<16xf32>,
        %mul3A_1153 = arith.mulf %get3A_988, %get3A_1152 : vector<16xf32>
        %sub3A_1154 = arith.subf %sub3A_1148, %mul3A_1153 : vector<16xf32>
        %lt3A_1155 = arith.cmpf olt, %sub3A_1154, %scan3A_1083 : vector<16xf32>
        %lt3A_1156 = arith.cmpf olt, %sub3A_1154, %scan3A_1084 : vector<16xf32>
        %lt3A_1157 = arith.cmpf olt, %sub3A_1154, %scan3A_1085 : vector<16xf32>
        %select_n3A_1158 = arith.select %lt3A_1156, %scan3A_1084, %sub3A_1154 : vector<16xi1>, vector<16xf32>
        %select_n3A_1159 = arith.select %lt3A_1157, %select_n3A_1158, %scan3A_1085 : vector<16xi1>, vector<16xf32>
        %select_n3A_1160 = arith.select %lt3A_1156, %scan3A_1087, %broadcast_in_dim3A_1093 : vector<16xi1>, vector<16xi32>
        %select_n3A_1161 = arith.select %lt3A_1157, %select_n3A_1160, %scan3A_1088 : vector<16xi1>, vector<16xi32>
        %select_n3A_1162 = arith.select %lt3A_1155, %scan3A_1083, %sub3A_1154 : vector<16xi1>, vector<16xf32>
        %select_n3A_1163 = arith.select %lt3A_1156, %select_n3A_1162, %scan3A_1084 : vector<16xi1>, vector<16xf32>
        %select_n3A_1164 = arith.select %lt3A_1155, %scan3A_1086, %broadcast_in_dim3A_1093 : vector<16xi1>, vector<16xi32>
        %select_n3A_1165 = arith.select %lt3A_1156, %select_n3A_1164, %scan3A_1087 : vector<16xi1>, vector<16xi32>
        %select_n3A_1166 = arith.select %lt3A_1155, %sub3A_1154, %scan3A_1083 : vector<16xi1>, vector<16xf32>
        %select_n3A_1167 = arith.select %lt3A_1155, %broadcast_in_dim3A_1093, %scan3A_1086 : vector<16xi1>, vector<16xi32>
        %mul3A_1168 = arith.constant 2 : i32
        %mul3A_1169 = arith.muli %scan3A_1076, %mul3A_1168 : i32
        %add3A_1170 = arith.constant 1 : i32
        %add3A_1171 = arith.addi %mul3A_1169, %add3A_1170 : i32
        %broadcast_in_dim3A_1172 = vector.broadcast %add3A_1171 : i32 to vector<16xi32>
        %mul3A_1173 = arith.constant 16 : i32
        %mul3A_1174 = arith.muli %add3A_1171, %mul3A_1173 : i32
        %get3A_1175 = arith.constant 3 : i32
        %get3A_1176 = arith.index_cast %get3A_1175 : i32 to index
        %get3A_1177 = arith.index_cast %mul3A_1174 : i32 to index
        %get3A_1178 = tpu.vector_load %arg12[%get3A_1176, %get3A_1177] {strides = array<i32>} : memref<4x1024xf32, #tpu.memory_space<vmem>>, vector<16xf32>,
        %get3A_1179 = arith.constant 0 : i32
        %get3A_1180 = arith.index_cast %get3A_1179 : i32 to index
        %get3A_1181 = arith.index_cast %mul3A_1174 : i32 to index
        %get3A_1182 = tpu.vector_load %arg12[%get3A_1180, %get3A_1181] {strides = array<i32>} : memref<4x1024xf32, #tpu.memory_space<vmem>>, vector<16xf32>,
        %mul3A_1183 = arith.mulf %get3A_968, %get3A_1182 : vector<16xf32>
        %sub3A_1184 = arith.subf %get3A_1178, %mul3A_1183 : vector<16xf32>
        %get3A_1185 = arith.constant 1 : i32
        %get3A_1186 = arith.index_cast %get3A_1185 : i32 to index
        %get3A_1187 = arith.index_cast %mul3A_1174 : i32 to index
        %get3A_1188 = tpu.vector_load %arg12[%get3A_1186, %get3A_1187] {strides = array<i32>} : memref<4x1024xf32, #tpu.memory_space<vmem>>, vector<16xf32>,
        %mul3A_1189 = arith.mulf %get3A_972, %get3A_1188 : vector<16xf32>
        %sub3A_1190 = arith.subf %sub3A_1184, %mul3A_1189 : vector<16xf32>
        %get3A_1191 = arith.constant 2 : i32
        %get3A_1192 = arith.index_cast %get3A_1191 : i32 to index
        %get3A_1193 = arith.index_cast %mul3A_1174 : i32 to index
        %get3A_1194 = tpu.vector_load %arg12[%get3A_1192, %get3A_1193] {strides = array<i32>} : memref<4x1024xf32, #tpu.memory_space<vmem>>, vector<16xf32>,
        %mul3A_1195 = arith.mulf %get3A_976, %get3A_1194 : vector<16xf32>
        %sub3A_1196 = arith.subf %sub3A_1190, %mul3A_1195 : vector<16xf32>
        %lt3A_1197 = arith.cmpf olt, %sub3A_1196, %select_n3A_1129 : vector<16xf32>
        %lt3A_1198 = arith.cmpf olt, %sub3A_1196, %select_n3A_1126 : vector<16xf32>
        %lt3A_1199 = arith.cmpf olt, %sub3A_1196, %select_n3A_1122 : vector<16xf32>
        %select_n3A_1200 = arith.select %lt3A_1198, %select_n3A_1126, %sub3A_1196 : vector<16xi1>, vector<16xf32>
        %select_n3A_1201 = arith.select %lt3A_1199, %select_n3A_1200, %select_n3A_1122 : vector<16xi1>, vector<16xf32>
        %select_n3A_1202 = arith.select %lt3A_1198, %select_n3A_1128, %broadcast_in_dim3A_1172 : vector<16xi1>, vector<16xi32>
        %select_n3A_1203 = arith.select %lt3A_1199, %select_n3A_1202, %select_n3A_1124 : vector<16xi1>, vector<16xi32>
        %select_n3A_1204 = arith.select %lt3A_1197, %select_n3A_1129, %sub3A_1196 : vector<16xi1>, vector<16xf32>
        %select_n3A_1205 = arith.select %lt3A_1198, %select_n3A_1204, %select_n3A_1126 : vector<16xi1>, vector<16xf32>
        %select_n3A_1206 = arith.select %lt3A_1197, %select_n3A_1130, %broadcast_in_dim3A_1172 : vector<16xi1>, vector<16xi32>
        %select_n3A_1207 = arith.select %lt3A_1198, %select_n3A_1206, %select_n3A_1128 : vector<16xi1>, vector<16xi32>
        %select_n3A_1208 = arith.select %lt3A_1197, %sub3A_1196, %select_n3A_1129 : vector<16xi1>, vector<16xf32>
        %select_n3A_1209 = arith.select %lt3A_1197, %broadcast_in_dim3A_1172, %select_n3A_1130 : vector<16xi1>, vector<16xi32>
        %mul3A_1210 = arith.constant 16 : i32
        %mul3A_1211 = arith.muli %add3A_1171, %mul3A_1210 : i32
        %get3A_1212 = arith.constant 3 : i32
        %get3A_1213 = arith.index_cast %get3A_1212 : i32 to index
        %get3A_1214 = arith.index_cast %mul3A_1211 : i32 to index
        %get3A_1215 = tpu.vector_load %arg12[%get3A_1213, %get3A_1214] {strides = array<i32>} : memref<4x1024xf32, #tpu.memory_space<vmem>>, vector<16xf32>,
        %get3A_1216 = arith.constant 0 : i32
        %get3A_1217 = arith.index_cast %get3A_1216 : i32 to index
        %get3A_1218 = arith.index_cast %mul3A_1211 : i32 to index
        %get3A_1219 = tpu.vector_load %arg12[%get3A_1217, %get3A_1218] {strides = array<i32>} : memref<4x1024xf32, #tpu.memory_space<vmem>>, vector<16xf32>,
        %mul3A_1220 = arith.mulf %get3A_980, %get3A_1219 : vector<16xf32>
        %sub3A_1221 = arith.subf %get3A_1215, %mul3A_1220 : vector<16xf32>
        %get3A_1222 = arith.constant 1 : i32
        %get3A_1223 = arith.index_cast %get3A_1222 : i32 to index
        %get3A_1224 = arith.index_cast %mul3A_1211 : i32 to index
        %get3A_1225 = tpu.vector_load %arg12[%get3A_1223, %get3A_1224] {strides = array<i32>} : memref<4x1024xf32, #tpu.memory_space<vmem>>, vector<16xf32>,
        %mul3A_1226 = arith.mulf %get3A_984, %get3A_1225 : vector<16xf32>
        %sub3A_1227 = arith.subf %sub3A_1221, %mul3A_1226 : vector<16xf32>
        %get3A_1228 = arith.constant 2 : i32
        %get3A_1229 = arith.index_cast %get3A_1228 : i32 to index
        %get3A_1230 = arith.index_cast %mul3A_1211 : i32 to index
        %get3A_1231 = tpu.vector_load %arg12[%get3A_1229, %get3A_1230] {strides = array<i32>} : memref<4x1024xf32, #tpu.memory_space<vmem>>, vector<16xf32>,
        %mul3A_1232 = arith.mulf %get3A_988, %get3A_1231 : vector<16xf32>
        %sub3A_1233 = arith.subf %sub3A_1227, %mul3A_1232 : vector<16xf32>
        %lt3A_1234 = arith.cmpf olt, %sub3A_1233, %select_n3A_1166 : vector<16xf32>
        %lt3A_1235 = arith.cmpf olt, %sub3A_1233, %select_n3A_1163 : vector<16xf32>
        %lt3A_1236 = arith.cmpf olt, %sub3A_1233, %select_n3A_1159 : vector<16xf32>
        %select_n3A_1237 = arith.select %lt3A_1235, %select_n3A_1163, %sub3A_1233 : vector<16xi1>, vector<16xf32>
        %select_n3A_1238 = arith.select %lt3A_1236, %select_n3A_1237, %select_n3A_1159 : vector<16xi1>, vector<16xf32>
        %select_n3A_1239 = arith.select %lt3A_1235, %select_n3A_1165, %broadcast_in_dim3A_1172 : vector<16xi1>, vector<16xi32>
        %select_n3A_1240 = arith.select %lt3A_1236, %select_n3A_1239, %select_n3A_1161 : vector<16xi1>, vector<16xi32>
        %select_n3A_1241 = arith.select %lt3A_1234, %select_n3A_1166, %sub3A_1233 : vector<16xi1>, vector<16xf32>
        %select_n3A_1242 = arith.select %lt3A_1235, %select_n3A_1241, %select_n3A_1163 : vector<16xi1>, vector<16xf32>
        %select_n3A_1243 = arith.select %lt3A_1234, %select_n3A_1167, %broadcast_in_dim3A_1172 : vector<16xi1>, vector<16xi32>
        %select_n3A_1244 = arith.select %lt3A_1235, %select_n3A_1243, %select_n3A_1165 : vector<16xi1>, vector<16xi32>
        %select_n3A_1245 = arith.select %lt3A_1234, %sub3A_1233, %select_n3A_1166 : vector<16xi1>, vector<16xf32>
        %select_n3A_1246 = arith.select %lt3A_1234, %broadcast_in_dim3A_1172, %select_n3A_1167 : vector<16xi1>, vector<16xi32>
        scf.yield %select_n3A_1208, %select_n3A_1205, %select_n3A_1201, %select_n3A_1209, %select_n3A_1207, %select_n3A_1203, %select_n3A_1245, %select_n3A_1242, %select_n3A_1238, %select_n3A_1246, %select_n3A_1244, %select_n3A_1240 : vector<16xf32>, vector<16xf32>, vector<16xf32>, vector<16xi32>, vector<16xi32>, vector<16xi32>, vector<16xf32>, vector<16xf32>, vector<16xf32>, vector<16xi32>, vector<16xi32>, vector<16xi32>
      }
      %scan3A_994 = arith.constant 32 : i32
      %swap3A_995 = arith.index_cast %mul3A_962 : i32 to index
      %swap3A_996 = tpu.vector_load %arg13[%swap3A_995] {strides = array<i32>} : memref<6144xi32, #tpu.memory_space<vmem>>, vector<16xi32>,
      tpu.vector_store %arg13[%swap3A_995], %scan3A_993#3 {strides = array<i32>} : memref<6144xi32, #tpu.memory_space<vmem>>, vector<16xi32>,
      %add3A_997 = arith.constant 2048 : i32
      %add3A_998 = arith.addi %add3A_997, %mul3A_962 : i32
      %swap3A_999 = arith.index_cast %add3A_998 : i32 to index
      %swap3A_1000 = tpu.vector_load %arg13[%swap3A_999] {strides = array<i32>} : memref<6144xi32, #tpu.memory_space<vmem>>, vector<16xi32>,
      tpu.vector_store %arg13[%swap3A_999], %scan3A_993#4 {strides = array<i32>} : memref<6144xi32, #tpu.memory_space<vmem>>, vector<16xi32>,
      %add3A_1001 = arith.constant 4096 : i32
      %add3A_1002 = arith.addi %add3A_1001, %mul3A_962 : i32
      %swap3A_1003 = arith.index_cast %add3A_1002 : i32 to index
      %swap3A_1004 = tpu.vector_load %arg13[%swap3A_1003] {strides = array<i32>} : memref<6144xi32, #tpu.memory_space<vmem>>, vector<16xi32>,
      tpu.vector_store %arg13[%swap3A_1003], %scan3A_993#5 {strides = array<i32>} : memref<6144xi32, #tpu.memory_space<vmem>>, vector<16xi32>,
      %add3A_1005 = arith.addi %scan3A_993#3, %mul3A_113 : vector<16xi32>
      tpu.vector_store_idx %arg14[%add3A_1005], %get3A_968 {add = true} : memref<4096xf32, #tpu.memory_space<vmem>>[vector<16xi32>], vector<16xf32>,
      %add3A_1006 = arith.constant 1024 : i32
      %add3A_1007 = vector.broadcast %add3A_1006 : i32 to vector<16xi32>
      %add3A_1008 = arith.addi %add3A_1005, %add3A_1007 : vector<16xi32>
      tpu.vector_store_idx %arg14[%add3A_1008], %get3A_972 {add = true} : memref<4096xf32, #tpu.memory_space<vmem>>[vector<16xi32>], vector<16xf32>,
      %add3A_1009 = arith.constant 2048 : i32
      %add3A_1010 = vector.broadcast %add3A_1009 : i32 to vector<16xi32>
      %add3A_1011 = arith.addi %add3A_1005, %add3A_1010 : vector<16xi32>
      tpu.vector_store_idx %arg14[%add3A_1011], %get3A_976 {add = true} : memref<4096xf32, #tpu.memory_space<vmem>>[vector<16xi32>], vector<16xf32>,
      %add3A_1012 = arith.constant 3072 : i32
      %add3A_1013 = vector.broadcast %add3A_1012 : i32 to vector<16xi32>
      %add3A_1014 = arith.addi %add3A_1005, %add3A_1013 : vector<16xi32>
      tpu.vector_store_idx %arg14[%add3A_1014], %broadcast_in_dim3A_124 {add = true} : memref<4096xf32, #tpu.memory_space<vmem>>[vector<16xi32>], vector<16xf32>,
      %add3A_1015 = arith.addi %scan3A_993#4, %mul3A_113 : vector<16xi32>
      tpu.vector_store_idx %arg14[%add3A_1015], %get3A_968 {add = true} : memref<4096xf32, #tpu.memory_space<vmem>>[vector<16xi32>], vector<16xf32>,
      %add3A_1016 = arith.constant 1024 : i32
      %add3A_1017 = vector.broadcast %add3A_1016 : i32 to vector<16xi32>
      %add3A_1018 = arith.addi %add3A_1015, %add3A_1017 : vector<16xi32>
      tpu.vector_store_idx %arg14[%add3A_1018], %get3A_972 {add = true} : memref<4096xf32, #tpu.memory_space<vmem>>[vector<16xi32>], vector<16xf32>,
      %add3A_1019 = arith.constant 2048 : i32
      %add3A_1020 = vector.broadcast %add3A_1019 : i32 to vector<16xi32>
      %add3A_1021 = arith.addi %add3A_1015, %add3A_1020 : vector<16xi32>
      tpu.vector_store_idx %arg14[%add3A_1021], %get3A_976 {add = true} : memref<4096xf32, #tpu.memory_space<vmem>>[vector<16xi32>], vector<16xf32>,
      %add3A_1022 = arith.constant 3072 : i32
      %add3A_1023 = vector.broadcast %add3A_1022 : i32 to vector<16xi32>
      %add3A_1024 = arith.addi %add3A_1015, %add3A_1023 : vector<16xi32>
      tpu.vector_store_idx %arg14[%add3A_1024], %broadcast_in_dim3A_124 {add = true} : memref<4096xf32, #tpu.memory_space<vmem>>[vector<16xi32>], vector<16xf32>,
      %add3A_1025 = arith.addi %scan3A_993#5, %mul3A_113 : vector<16xi32>
      tpu.vector_store_idx %arg14[%add3A_1025], %get3A_968 {add = true} : memref<4096xf32, #tpu.memory_space<vmem>>[vector<16xi32>], vector<16xf32>,
      %add3A_1026 = arith.constant 1024 : i32
      %add3A_1027 = vector.broadcast %add3A_1026 : i32 to vector<16xi32>
      %add3A_1028 = arith.addi %add3A_1025, %add3A_1027 : vector<16xi32>
      tpu.vector_store_idx %arg14[%add3A_1028], %get3A_972 {add = true} : memref<4096xf32, #tpu.memory_space<vmem>>[vector<16xi32>], vector<16xf32>,
      %add3A_1029 = arith.constant 2048 : i32
      %add3A_1030 = vector.broadcast %add3A_1029 : i32 to vector<16xi32>
      %add3A_1031 = arith.addi %add3A_1025, %add3A_1030 : vector<16xi32>
      tpu.vector_store_idx %arg14[%add3A_1031], %get3A_976 {add = true} : memref<4096xf32, #tpu.memory_space<vmem>>[vector<16xi32>], vector<16xf32>,
      %add3A_1032 = arith.constant 3072 : i32
      %add3A_1033 = vector.broadcast %add3A_1032 : i32 to vector<16xi32>
      %add3A_1034 = arith.addi %add3A_1025, %add3A_1033 : vector<16xi32>
      tpu.vector_store_idx %arg14[%add3A_1034], %broadcast_in_dim3A_124 {add = true} : memref<4096xf32, #tpu.memory_space<vmem>>[vector<16xi32>], vector<16xf32>,
      %swap3A_1035 = arith.index_cast %add3A_964 : i32 to index
      %swap3A_1036 = tpu.vector_load %arg13[%swap3A_1035] {strides = array<i32>} : memref<6144xi32, #tpu.memory_space<vmem>>, vector<16xi32>,
      tpu.vector_store %arg13[%swap3A_1035], %scan3A_993#9 {strides = array<i32>} : memref<6144xi32, #tpu.memory_space<vmem>>, vector<16xi32>,
      %add3A_1037 = arith.constant 2048 : i32
      %add3A_1038 = arith.addi %add3A_1037, %add3A_964 : i32
      %swap3A_1039 = arith.index_cast %add3A_1038 : i32 to index
      %swap3A_1040 = tpu.vector_load %arg13[%swap3A_1039] {strides = array<i32>} : memref<6144xi32, #tpu.memory_space<vmem>>, vector<16xi32>,
      tpu.vector_store %arg13[%swap3A_1039], %scan3A_993#10 {strides = array<i32>} : memref<6144xi32, #tpu.memory_space<vmem>>, vector<16xi32>,
      %add3A_1041 = arith.constant 4096 : i32
      %add3A_1042 = arith.addi %add3A_1041, %add3A_964 : i32
      %swap3A_1043 = arith.index_cast %add3A_1042 : i32 to index
      %swap3A_1044 = tpu.vector_load %arg13[%swap3A_1043] {strides = array<i32>} : memref<6144xi32, #tpu.memory_space<vmem>>, vector<16xi32>,
      tpu.vector_store %arg13[%swap3A_1043], %scan3A_993#11 {strides = array<i32>} : memref<6144xi32, #tpu.memory_space<vmem>>, vector<16xi32>,
      %add3A_1045 = arith.addi %scan3A_993#9, %mul3A_113 : vector<16xi32>
      tpu.vector_store_idx %arg14[%add3A_1045], %get3A_980 {add = true} : memref<4096xf32, #tpu.memory_space<vmem>>[vector<16xi32>], vector<16xf32>,
      %add3A_1046 = arith.constant 1024 : i32
      %add3A_1047 = vector.broadcast %add3A_1046 : i32 to vector<16xi32>
      %add3A_1048 = arith.addi %add3A_1045, %add3A_1047 : vector<16xi32>
      tpu.vector_store_idx %arg14[%add3A_1048], %get3A_984 {add = true} : memref<4096xf32, #tpu.memory_space<vmem>>[vector<16xi32>], vector<16xf32>,
      %add3A_1049 = arith.constant 2048 : i32
      %add3A_1050 = vector.broadcast %add3A_1049 : i32 to vector<16xi32>
      %add3A_1051 = arith.addi %add3A_1045, %add3A_1050 : vector<16xi32>
      tpu.vector_store_idx %arg14[%add3A_1051], %get3A_988 {add = true} : memref<4096xf32, #tpu.memory_space<vmem>>[vector<16xi32>], vector<16xf32>,
      %add3A_1052 = arith.constant 3072 : i32
      %add3A_1053 = vector.broadcast %add3A_1052 : i32 to vector<16xi32>
      %add3A_1054 = arith.addi %add3A_1045, %add3A_1053 : vector<16xi32>
      tpu.vector_store_idx %arg14[%add3A_1054], %broadcast_in_dim3A_124 {add = true} : memref<4096xf32, #tpu.memory_space<vmem>>[vector<16xi32>], vector<16xf32>,
      %add3A_1055 = arith.addi %scan3A_993#10, %mul3A_113 : vector<16xi32>
      tpu.vector_store_idx %arg14[%add3A_1055], %get3A_980 {add = true} : memref<4096xf32, #tpu.memory_space<vmem>>[vector<16xi32>], vector<16xf32>,
      %add3A_1056 = arith.constant 1024 : i32
      %add3A_1057 = vector.broadcast %add3A_1056 : i32 to vector<16xi32>
      %add3A_1058 = arith.addi %add3A_1055, %add3A_1057 : vector<16xi32>
      tpu.vector_store_idx %arg14[%add3A_1058], %get3A_984 {add = true} : memref<4096xf32, #tpu.memory_space<vmem>>[vector<16xi32>], vector<16xf32>,
      %add3A_1059 = arith.constant 2048 : i32
      %add3A_1060 = vector.broadcast %add3A_1059 : i32 to vector<16xi32>
      %add3A_1061 = arith.addi %add3A_1055, %add3A_1060 : vector<16xi32>
      tpu.vector_store_idx %arg14[%add3A_1061], %get3A_988 {add = true} : memref<4096xf32, #tpu.memory_space<vmem>>[vector<16xi32>], vector<16xf32>,
      %add3A_1062 = arith.constant 3072 : i32
      %add3A_1063 = vector.broadcast %add3A_1062 : i32 to vector<16xi32>
      %add3A_1064 = arith.addi %add3A_1055, %add3A_1063 : vector<16xi32>
      tpu.vector_store_idx %arg14[%add3A_1064], %broadcast_in_dim3A_124 {add = true} : memref<4096xf32, #tpu.memory_space<vmem>>[vector<16xi32>], vector<16xf32>,
      %add3A_1065 = arith.addi %scan3A_993#11, %mul3A_113 : vector<16xi32>
      tpu.vector_store_idx %arg14[%add3A_1065], %get3A_980 {add = true} : memref<4096xf32, #tpu.memory_space<vmem>>[vector<16xi32>], vector<16xf32>,
      %add3A_1066 = arith.constant 1024 : i32
      %add3A_1067 = vector.broadcast %add3A_1066 : i32 to vector<16xi32>
      %add3A_1068 = arith.addi %add3A_1065, %add3A_1067 : vector<16xi32>
      tpu.vector_store_idx %arg14[%add3A_1068], %get3A_984 {add = true} : memref<4096xf32, #tpu.memory_space<vmem>>[vector<16xi32>], vector<16xf32>,
      %add3A_1069 = arith.constant 2048 : i32
      %add3A_1070 = vector.broadcast %add3A_1069 : i32 to vector<16xi32>
      %add3A_1071 = arith.addi %add3A_1065, %add3A_1070 : vector<16xi32>
      tpu.vector_store_idx %arg14[%add3A_1071], %get3A_988 {add = true} : memref<4096xf32, #tpu.memory_space<vmem>>[vector<16xi32>], vector<16xf32>,
      %add3A_1072 = arith.constant 3072 : i32
      %add3A_1073 = vector.broadcast %add3A_1072 : i32 to vector<16xi32>
      %add3A_1074 = arith.addi %add3A_1065, %add3A_1073 : vector<16xi32>
      tpu.vector_store_idx %arg14[%add3A_1074], %broadcast_in_dim3A_124 {add = true} : memref<4096xf32, #tpu.memory_space<vmem>>[vector<16xi32>], vector<16xf32>,
      %scan3A_1075 = arith.constant 0 : i32
      scf.yield %scan3A_1075 : i32
    }
    %scan3A_131 = arith.constant 64 : i32
    %get3A = arith.constant 0 : index
    %get3A_132 = tpu.vector_load %arg14[%get3A] {strides = array<i32>} : memref<4096xf32, #tpu.memory_space<vmem>>, vector<16xf32>,
    %get3A_133 = arith.constant 64 : index
    %get3A_134 = tpu.vector_load %arg14[%get3A_133] {strides = array<i32>} : memref<4096xf32, #tpu.memory_space<vmem>>, vector<16xf32>,
    %add3A_135 = arith.addf %get3A_132, %get3A_134 : vector<16xf32>
    %get3A_136 = arith.constant 128 : index
    %get3A_137 = tpu.vector_load %arg14[%get3A_136] {strides = array<i32>} : memref<4096xf32, #tpu.memory_space<vmem>>, vector<16xf32>,
    %add3A_138 = arith.addf %add3A_135, %get3A_137 : vector<16xf32>
    %get3A_139 = arith.constant 192 : index
    %get3A_140 = tpu.vector_load %arg14[%get3A_139] {strides = array<i32>} : memref<4096xf32, #tpu.memory_space<vmem>>, vector<16xf32>,
    %add3A_141 = arith.addf %add3A_138, %get3A_140 : vector<16xf32>
    %get3A_142 = arith.constant 256 : index
    %get3A_143 = tpu.vector_load %arg14[%get3A_142] {strides = array<i32>} : memref<4096xf32, #tpu.memory_space<vmem>>, vector<16xf32>,
    %add3A_144 = arith.addf %add3A_141, %get3A_143 : vector<16xf32>
    %get3A_145 = arith.constant 320 : index
    %get3A_146 = tpu.vector_load %arg14[%get3A_145] {strides = array<i32>} : memref<4096xf32, #tpu.memory_space<vmem>>, vector<16xf32>,
    %add3A_147 = arith.addf %add3A_144, %get3A_146 : vector<16xf32>
    %get3A_148 = arith.constant 384 : index
    %get3A_149 = tpu.vector_load %arg14[%get3A_148] {strides = array<i32>} : memref<4096xf32, #tpu.memory_space<vmem>>, vector<16xf32>,
    %add3A_150 = arith.addf %add3A_147, %get3A_149 : vector<16xf32>
    %get3A_151 = arith.constant 448 : index
    %get3A_152 = tpu.vector_load %arg14[%get3A_151] {strides = array<i32>} : memref<4096xf32, #tpu.memory_space<vmem>>, vector<16xf32>,
    %add3A_153 = arith.addf %add3A_150, %get3A_152 : vector<16xf32>
    %get3A_154 = arith.constant 512 : index
    %get3A_155 = tpu.vector_load %arg14[%get3A_154] {strides = array<i32>} : memref<4096xf32, #tpu.memory_space<vmem>>, vector<16xf32>,
    %add3A_156 = arith.addf %add3A_153, %get3A_155 : vector<16xf32>
    %get3A_157 = arith.constant 576 : index
    %get3A_158 = tpu.vector_load %arg14[%get3A_157] {strides = array<i32>} : memref<4096xf32, #tpu.memory_space<vmem>>, vector<16xf32>,
    %add3A_159 = arith.addf %add3A_156, %get3A_158 : vector<16xf32>
    %get3A_160 = arith.constant 640 : index
    %get3A_161 = tpu.vector_load %arg14[%get3A_160] {strides = array<i32>} : memref<4096xf32, #tpu.memory_space<vmem>>, vector<16xf32>,
    %add3A_162 = arith.addf %add3A_159, %get3A_161 : vector<16xf32>
    %get3A_163 = arith.constant 704 : index
    %get3A_164 = tpu.vector_load %arg14[%get3A_163] {strides = array<i32>} : memref<4096xf32, #tpu.memory_space<vmem>>, vector<16xf32>,
    %add3A_165 = arith.addf %add3A_162, %get3A_164 : vector<16xf32>
    %get3A_166 = arith.constant 768 : index
    %get3A_167 = tpu.vector_load %arg14[%get3A_166] {strides = array<i32>} : memref<4096xf32, #tpu.memory_space<vmem>>, vector<16xf32>,
    %add3A_168 = arith.addf %add3A_165, %get3A_167 : vector<16xf32>
    %get3A_169 = arith.constant 832 : index
    %get3A_170 = tpu.vector_load %arg14[%get3A_169] {strides = array<i32>} : memref<4096xf32, #tpu.memory_space<vmem>>, vector<16xf32>,
    %add3A_171 = arith.addf %add3A_168, %get3A_170 : vector<16xf32>
    %get3A_172 = arith.constant 896 : index
    %get3A_173 = tpu.vector_load %arg14[%get3A_172] {strides = array<i32>} : memref<4096xf32, #tpu.memory_space<vmem>>, vector<16xf32>,
    %add3A_174 = arith.addf %add3A_171, %get3A_173 : vector<16xf32>
    %get3A_175 = arith.constant 960 : index
    %get3A_176 = tpu.vector_load %arg14[%get3A_175] {strides = array<i32>} : memref<4096xf32, #tpu.memory_space<vmem>>, vector<16xf32>,
    %add3A_177 = arith.addf %add3A_174, %get3A_176 : vector<16xf32>
    %swap3A = arith.constant 0 : index
    %swap3A_178 = tpu.vector_load %arg15[%swap3A] {strides = array<i32>} : memref<256xf32, #tpu.memory_space<vmem>>, vector<16xf32>,
    tpu.vector_store %arg15[%swap3A], %add3A_177 {strides = array<i32>} : memref<256xf32, #tpu.memory_space<vmem>>, vector<16xf32>,
    %get3A_179 = arith.constant 16 : index
    %get3A_180 = tpu.vector_load %arg14[%get3A_179] {strides = array<i32>} : memref<4096xf32, #tpu.memory_space<vmem>>, vector<16xf32>,
    %get3A_181 = arith.constant 80 : index
    %get3A_182 = tpu.vector_load %arg14[%get3A_181] {strides = array<i32>} : memref<4096xf32, #tpu.memory_space<vmem>>, vector<16xf32>,
    %add3A_183 = arith.addf %get3A_180, %get3A_182 : vector<16xf32>
    %get3A_184 = arith.constant 144 : index
    %get3A_185 = tpu.vector_load %arg14[%get3A_184] {strides = array<i32>} : memref<4096xf32, #tpu.memory_space<vmem>>, vector<16xf32>,
    %add3A_186 = arith.addf %add3A_183, %get3A_185 : vector<16xf32>
    %get3A_187 = arith.constant 208 : index
    %get3A_188 = tpu.vector_load %arg14[%get3A_187] {strides = array<i32>} : memref<4096xf32, #tpu.memory_space<vmem>>, vector<16xf32>,
    %add3A_189 = arith.addf %add3A_186, %get3A_188 : vector<16xf32>
    %get3A_190 = arith.constant 272 : index
    %get3A_191 = tpu.vector_load %arg14[%get3A_190] {strides = array<i32>} : memref<4096xf32, #tpu.memory_space<vmem>>, vector<16xf32>,
    %add3A_192 = arith.addf %add3A_189, %get3A_191 : vector<16xf32>
    %get3A_193 = arith.constant 336 : index
    %get3A_194 = tpu.vector_load %arg14[%get3A_193] {strides = array<i32>} : memref<4096xf32, #tpu.memory_space<vmem>>, vector<16xf32>,
    %add3A_195 = arith.addf %add3A_192, %get3A_194 : vector<16xf32>
    %get3A_196 = arith.constant 400 : index
    %get3A_197 = tpu.vector_load %arg14[%get3A_196] {strides = array<i32>} : memref<4096xf32, #tpu.memory_space<vmem>>, vector<16xf32>,
    %add3A_198 = arith.addf %add3A_195, %get3A_197 : vector<16xf32>
    %get3A_199 = arith.constant 464 : index
    %get3A_200 = tpu.vector_load %arg14[%get3A_199] {strides = array<i32>} : memref<4096xf32, #tpu.memory_space<vmem>>, vector<16xf32>,
    %add3A_201 = arith.addf %add3A_198, %get3A_200 : vector<16xf32>
    %get3A_202 = arith.constant 528 : index
    %get3A_203 = tpu.vector_load %arg14[%get3A_202] {strides = array<i32>} : memref<4096xf32, #tpu.memory_space<vmem>>, vector<16xf32>,
    %add3A_204 = arith.addf %add3A_201, %get3A_203 : vector<16xf32>
    %get3A_205 = arith.constant 592 : index
    %get3A_206 = tpu.vector_load %arg14[%get3A_205] {strides = array<i32>} : memref<4096xf32, #tpu.memory_space<vmem>>, vector<16xf32>,
    %add3A_207 = arith.addf %add3A_204, %get3A_206 : vector<16xf32>
    %get3A_208 = arith.constant 656 : index
    %get3A_209 = tpu.vector_load %arg14[%get3A_208] {strides = array<i32>} : memref<4096xf32, #tpu.memory_space<vmem>>, vector<16xf32>,
    %add3A_210 = arith.addf %add3A_207, %get3A_209 : vector<16xf32>
    %get3A_211 = arith.constant 720 : index
    %get3A_212 = tpu.vector_load %arg14[%get3A_211] {strides = array<i32>} : memref<4096xf32, #tpu.memory_space<vmem>>, vector<16xf32>,
    %add3A_213 = arith.addf %add3A_210, %get3A_212 : vector<16xf32>
    %get3A_214 = arith.constant 784 : index
    %get3A_215 = tpu.vector_load %arg14[%get3A_214] {strides = array<i32>} : memref<4096xf32, #tpu.memory_space<vmem>>, vector<16xf32>,
    %add3A_216 = arith.addf %add3A_213, %get3A_215 : vector<16xf32>
    %get3A_217 = arith.constant 848 : index
    %get3A_218 = tpu.vector_load %arg14[%get3A_217] {strides = array<i32>} : memref<4096xf32, #tpu.memory_space<vmem>>, vector<16xf32>,
    %add3A_219 = arith.addf %add3A_216, %get3A_218 : vector<16xf32>
    %get3A_220 = arith.constant 912 : index
    %get3A_221 = tpu.vector_load %arg14[%get3A_220] {strides = array<i32>} : memref<4096xf32, #tpu.memory_space<vmem>>, vector<16xf32>,
    %add3A_222 = arith.addf %add3A_219, %get3A_221 : vector<16xf32>
    %get3A_223 = arith.constant 976 : index
    %get3A_224 = tpu.vector_load %arg14[%get3A_223] {strides = array<i32>} : memref<4096xf32, #tpu.memory_space<vmem>>, vector<16xf32>,
    %add3A_225 = arith.addf %add3A_222, %get3A_224 : vector<16xf32>
    %swap3A_226 = arith.constant 16 : index
    %swap3A_227 = tpu.vector_load %arg15[%swap3A_226] {strides = array<i32>} : memref<256xf32, #tpu.memory_space<vmem>>, vector<16xf32>,
    tpu.vector_store %arg15[%swap3A_226], %add3A_225 {strides = array<i32>} : memref<256xf32, #tpu.memory_space<vmem>>, vector<16xf32>,
    %get3A_228 = arith.constant 32 : index
    %get3A_229 = tpu.vector_load %arg14[%get3A_228] {strides = array<i32>} : memref<4096xf32, #tpu.memory_space<vmem>>, vector<16xf32>,
    %get3A_230 = arith.constant 96 : index
    %get3A_231 = tpu.vector_load %arg14[%get3A_230] {strides = array<i32>} : memref<4096xf32, #tpu.memory_space<vmem>>, vector<16xf32>,
    %add3A_232 = arith.addf %get3A_229, %get3A_231 : vector<16xf32>
    %get3A_233 = arith.constant 160 : index
    %get3A_234 = tpu.vector_load %arg14[%get3A_233] {strides = array<i32>} : memref<4096xf32, #tpu.memory_space<vmem>>, vector<16xf32>,
    %add3A_235 = arith.addf %add3A_232, %get3A_234 : vector<16xf32>
    %get3A_236 = arith.constant 224 : index
    %get3A_237 = tpu.vector_load %arg14[%get3A_236] {strides = array<i32>} : memref<4096xf32, #tpu.memory_space<vmem>>, vector<16xf32>,
    %add3A_238 = arith.addf %add3A_235, %get3A_237 : vector<16xf32>
    %get3A_239 = arith.constant 288 : index
    %get3A_240 = tpu.vector_load %arg14[%get3A_239] {strides = array<i32>} : memref<4096xf32, #tpu.memory_space<vmem>>, vector<16xf32>,
    %add3A_241 = arith.addf %add3A_238, %get3A_240 : vector<16xf32>
    %get3A_242 = arith.constant 352 : index
    %get3A_243 = tpu.vector_load %arg14[%get3A_242] {strides = array<i32>} : memref<4096xf32, #tpu.memory_space<vmem>>, vector<16xf32>,
    %add3A_244 = arith.addf %add3A_241, %get3A_243 : vector<16xf32>
    %get3A_245 = arith.constant 416 : index
    %get3A_246 = tpu.vector_load %arg14[%get3A_245] {strides = array<i32>} : memref<4096xf32, #tpu.memory_space<vmem>>, vector<16xf32>,
    %add3A_247 = arith.addf %add3A_244, %get3A_246 : vector<16xf32>
    %get3A_248 = arith.constant 480 : index
    %get3A_249 = tpu.vector_load %arg14[%get3A_248] {strides = array<i32>} : memref<4096xf32, #tpu.memory_space<vmem>>, vector<16xf32>,
    %add3A_250 = arith.addf %add3A_247, %get3A_249 : vector<16xf32>
    %get3A_251 = arith.constant 544 : index
    %get3A_252 = tpu.vector_load %arg14[%get3A_251] {strides = array<i32>} : memref<4096xf32, #tpu.memory_space<vmem>>, vector<16xf32>,
    %add3A_253 = arith.addf %add3A_250, %get3A_252 : vector<16xf32>
    %get3A_254 = arith.constant 608 : index
    %get3A_255 = tpu.vector_load %arg14[%get3A_254] {strides = array<i32>} : memref<4096xf32, #tpu.memory_space<vmem>>, vector<16xf32>,
    %add3A_256 = arith.addf %add3A_253, %get3A_255 : vector<16xf32>
    %get3A_257 = arith.constant 672 : index
    %get3A_258 = tpu.vector_load %arg14[%get3A_257] {strides = array<i32>} : memref<4096xf32, #tpu.memory_space<vmem>>, vector<16xf32>,
    %add3A_259 = arith.addf %add3A_256, %get3A_258 : vector<16xf32>
    %get3A_260 = arith.constant 736 : index
    %get3A_261 = tpu.vector_load %arg14[%get3A_260] {strides = array<i32>} : memref<4096xf32, #tpu.memory_space<vmem>>, vector<16xf32>,
    %add3A_262 = arith.addf %add3A_259, %get3A_261 : vector<16xf32>
    %get3A_263 = arith.constant 800 : index
    %get3A_264 = tpu.vector_load %arg14[%get3A_263] {strides = array<i32>} : memref<4096xf32, #tpu.memory_space<vmem>>, vector<16xf32>,
    %add3A_265 = arith.addf %add3A_262, %get3A_264 : vector<16xf32>
    %get3A_266 = arith.constant 864 : index
    %get3A_267 = tpu.vector_load %arg14[%get3A_266] {strides = array<i32>} : memref<4096xf32, #tpu.memory_space<vmem>>, vector<16xf32>,
    %add3A_268 = arith.addf %add3A_265, %get3A_267 : vector<16xf32>
    %get3A_269 = arith.constant 928 : index
    %get3A_270 = tpu.vector_load %arg14[%get3A_269] {strides = array<i32>} : memref<4096xf32, #tpu.memory_space<vmem>>, vector<16xf32>,
    %add3A_271 = arith.addf %add3A_268, %get3A_270 : vector<16xf32>
    %get3A_272 = arith.constant 992 : index
    %get3A_273 = tpu.vector_load %arg14[%get3A_272] {strides = array<i32>} : memref<4096xf32, #tpu.memory_space<vmem>>, vector<16xf32>,
    %add3A_274 = arith.addf %add3A_271, %get3A_273 : vector<16xf32>
    %swap3A_275 = arith.constant 32 : index
    %swap3A_276 = tpu.vector_load %arg15[%swap3A_275] {strides = array<i32>} : memref<256xf32, #tpu.memory_space<vmem>>, vector<16xf32>,
    tpu.vector_store %arg15[%swap3A_275], %add3A_274 {strides = array<i32>} : memref<256xf32, #tpu.memory_space<vmem>>, vector<16xf32>,
    %get3A_277 = arith.constant 48 : index
    %get3A_278 = tpu.vector_load %arg14[%get3A_277] {strides = array<i32>} : memref<4096xf32, #tpu.memory_space<vmem>>, vector<16xf32>,
    %get3A_279 = arith.constant 112 : index
    %get3A_280 = tpu.vector_load %arg14[%get3A_279] {strides = array<i32>} : memref<4096xf32, #tpu.memory_space<vmem>>, vector<16xf32>,
    %add3A_281 = arith.addf %get3A_278, %get3A_280 : vector<16xf32>
    %get3A_282 = arith.constant 176 : index
    %get3A_283 = tpu.vector_load %arg14[%get3A_282] {strides = array<i32>} : memref<4096xf32, #tpu.memory_space<vmem>>, vector<16xf32>,
    %add3A_284 = arith.addf %add3A_281, %get3A_283 : vector<16xf32>
    %get3A_285 = arith.constant 240 : index
    %get3A_286 = tpu.vector_load %arg14[%get3A_285] {strides = array<i32>} : memref<4096xf32, #tpu.memory_space<vmem>>, vector<16xf32>,
    %add3A_287 = arith.addf %add3A_284, %get3A_286 : vector<16xf32>
    %get3A_288 = arith.constant 304 : index
    %get3A_289 = tpu.vector_load %arg14[%get3A_288] {strides = array<i32>} : memref<4096xf32, #tpu.memory_space<vmem>>, vector<16xf32>,
    %add3A_290 = arith.addf %add3A_287, %get3A_289 : vector<16xf32>
    %get3A_291 = arith.constant 368 : index
    %get3A_292 = tpu.vector_load %arg14[%get3A_291] {strides = array<i32>} : memref<4096xf32, #tpu.memory_space<vmem>>, vector<16xf32>,
    %add3A_293 = arith.addf %add3A_290, %get3A_292 : vector<16xf32>
    %get3A_294 = arith.constant 432 : index
    %get3A_295 = tpu.vector_load %arg14[%get3A_294] {strides = array<i32>} : memref<4096xf32, #tpu.memory_space<vmem>>, vector<16xf32>,
    %add3A_296 = arith.addf %add3A_293, %get3A_295 : vector<16xf32>
    %get3A_297 = arith.constant 496 : index
    %get3A_298 = tpu.vector_load %arg14[%get3A_297] {strides = array<i32>} : memref<4096xf32, #tpu.memory_space<vmem>>, vector<16xf32>,
    %add3A_299 = arith.addf %add3A_296, %get3A_298 : vector<16xf32>
    %get3A_300 = arith.constant 560 : index
    %get3A_301 = tpu.vector_load %arg14[%get3A_300] {strides = array<i32>} : memref<4096xf32, #tpu.memory_space<vmem>>, vector<16xf32>,
    %add3A_302 = arith.addf %add3A_299, %get3A_301 : vector<16xf32>
    %get3A_303 = arith.constant 624 : index
    %get3A_304 = tpu.vector_load %arg14[%get3A_303] {strides = array<i32>} : memref<4096xf32, #tpu.memory_space<vmem>>, vector<16xf32>,
    %add3A_305 = arith.addf %add3A_302, %get3A_304 : vector<16xf32>
    %get3A_306 = arith.constant 688 : index
    %get3A_307 = tpu.vector_load %arg14[%get3A_306] {strides = array<i32>} : memref<4096xf32, #tpu.memory_space<vmem>>, vector<16xf32>,
    %add3A_308 = arith.addf %add3A_305, %get3A_307 : vector<16xf32>
    %get3A_309 = arith.constant 752 : index
    %get3A_310 = tpu.vector_load %arg14[%get3A_309] {strides = array<i32>} : memref<4096xf32, #tpu.memory_space<vmem>>, vector<16xf32>,
    %add3A_311 = arith.addf %add3A_308, %get3A_310 : vector<16xf32>
    %get3A_312 = arith.constant 816 : index
    %get3A_313 = tpu.vector_load %arg14[%get3A_312] {strides = array<i32>} : memref<4096xf32, #tpu.memory_space<vmem>>, vector<16xf32>,
    %add3A_314 = arith.addf %add3A_311, %get3A_313 : vector<16xf32>
    %get3A_315 = arith.constant 880 : index
    %get3A_316 = tpu.vector_load %arg14[%get3A_315] {strides = array<i32>} : memref<4096xf32, #tpu.memory_space<vmem>>, vector<16xf32>,
    %add3A_317 = arith.addf %add3A_314, %get3A_316 : vector<16xf32>
    %get3A_318 = arith.constant 944 : index
    %get3A_319 = tpu.vector_load %arg14[%get3A_318] {strides = array<i32>} : memref<4096xf32, #tpu.memory_space<vmem>>, vector<16xf32>,
    %add3A_320 = arith.addf %add3A_317, %get3A_319 : vector<16xf32>
    %get3A_321 = arith.constant 1008 : index
    %get3A_322 = tpu.vector_load %arg14[%get3A_321] {strides = array<i32>} : memref<4096xf32, #tpu.memory_space<vmem>>, vector<16xf32>,
    %add3A_323 = arith.addf %add3A_320, %get3A_322 : vector<16xf32>
    %swap3A_324 = arith.constant 48 : index
    %swap3A_325 = tpu.vector_load %arg15[%swap3A_324] {strides = array<i32>} : memref<256xf32, #tpu.memory_space<vmem>>, vector<16xf32>,
    tpu.vector_store %arg15[%swap3A_324], %add3A_323 {strides = array<i32>} : memref<256xf32, #tpu.memory_space<vmem>>, vector<16xf32>,
    %get3A_326 = arith.constant 1024 : index
    %get3A_327 = tpu.vector_load %arg14[%get3A_326] {strides = array<i32>} : memref<4096xf32, #tpu.memory_space<vmem>>, vector<16xf32>,
    %get3A_328 = arith.constant 1088 : index
    %get3A_329 = tpu.vector_load %arg14[%get3A_328] {strides = array<i32>} : memref<4096xf32, #tpu.memory_space<vmem>>, vector<16xf32>,
    %add3A_330 = arith.addf %get3A_327, %get3A_329 : vector<16xf32>
    %get3A_331 = arith.constant 1152 : index
    %get3A_332 = tpu.vector_load %arg14[%get3A_331] {strides = array<i32>} : memref<4096xf32, #tpu.memory_space<vmem>>, vector<16xf32>,
    %add3A_333 = arith.addf %add3A_330, %get3A_332 : vector<16xf32>
    %get3A_334 = arith.constant 1216 : index
    %get3A_335 = tpu.vector_load %arg14[%get3A_334] {strides = array<i32>} : memref<4096xf32, #tpu.memory_space<vmem>>, vector<16xf32>,
    %add3A_336 = arith.addf %add3A_333, %get3A_335 : vector<16xf32>
    %get3A_337 = arith.constant 1280 : index
    %get3A_338 = tpu.vector_load %arg14[%get3A_337] {strides = array<i32>} : memref<4096xf32, #tpu.memory_space<vmem>>, vector<16xf32>,
    %add3A_339 = arith.addf %add3A_336, %get3A_338 : vector<16xf32>
    %get3A_340 = arith.constant 1344 : index
    %get3A_341 = tpu.vector_load %arg14[%get3A_340] {strides = array<i32>} : memref<4096xf32, #tpu.memory_space<vmem>>, vector<16xf32>,
    %add3A_342 = arith.addf %add3A_339, %get3A_341 : vector<16xf32>
    %get3A_343 = arith.constant 1408 : index
    %get3A_344 = tpu.vector_load %arg14[%get3A_343] {strides = array<i32>} : memref<4096xf32, #tpu.memory_space<vmem>>, vector<16xf32>,
    %add3A_345 = arith.addf %add3A_342, %get3A_344 : vector<16xf32>
    %get3A_346 = arith.constant 1472 : index
    %get3A_347 = tpu.vector_load %arg14[%get3A_346] {strides = array<i32>} : memref<4096xf32, #tpu.memory_space<vmem>>, vector<16xf32>,
    %add3A_348 = arith.addf %add3A_345, %get3A_347 : vector<16xf32>
    %get3A_349 = arith.constant 1536 : index
    %get3A_350 = tpu.vector_load %arg14[%get3A_349] {strides = array<i32>} : memref<4096xf32, #tpu.memory_space<vmem>>, vector<16xf32>,
    %add3A_351 = arith.addf %add3A_348, %get3A_350 : vector<16xf32>
    %get3A_352 = arith.constant 1600 : index
    %get3A_353 = tpu.vector_load %arg14[%get3A_352] {strides = array<i32>} : memref<4096xf32, #tpu.memory_space<vmem>>, vector<16xf32>,
    %add3A_354 = arith.addf %add3A_351, %get3A_353 : vector<16xf32>
    %get3A_355 = arith.constant 1664 : index
    %get3A_356 = tpu.vector_load %arg14[%get3A_355] {strides = array<i32>} : memref<4096xf32, #tpu.memory_space<vmem>>, vector<16xf32>,
    %add3A_357 = arith.addf %add3A_354, %get3A_356 : vector<16xf32>
    %get3A_358 = arith.constant 1728 : index
    %get3A_359 = tpu.vector_load %arg14[%get3A_358] {strides = array<i32>} : memref<4096xf32, #tpu.memory_space<vmem>>, vector<16xf32>,
    %add3A_360 = arith.addf %add3A_357, %get3A_359 : vector<16xf32>
    %get3A_361 = arith.constant 1792 : index
    %get3A_362 = tpu.vector_load %arg14[%get3A_361] {strides = array<i32>} : memref<4096xf32, #tpu.memory_space<vmem>>, vector<16xf32>,
    %add3A_363 = arith.addf %add3A_360, %get3A_362 : vector<16xf32>
    %get3A_364 = arith.constant 1856 : index
    %get3A_365 = tpu.vector_load %arg14[%get3A_364] {strides = array<i32>} : memref<4096xf32, #tpu.memory_space<vmem>>, vector<16xf32>,
    %add3A_366 = arith.addf %add3A_363, %get3A_365 : vector<16xf32>
    %get3A_367 = arith.constant 1920 : index
    %get3A_368 = tpu.vector_load %arg14[%get3A_367] {strides = array<i32>} : memref<4096xf32, #tpu.memory_space<vmem>>, vector<16xf32>,
    %add3A_369 = arith.addf %add3A_366, %get3A_368 : vector<16xf32>
    %get3A_370 = arith.constant 1984 : index
    %get3A_371 = tpu.vector_load %arg14[%get3A_370] {strides = array<i32>} : memref<4096xf32, #tpu.memory_space<vmem>>, vector<16xf32>,
    %add3A_372 = arith.addf %add3A_369, %get3A_371 : vector<16xf32>
    %swap3A_373 = arith.constant 64 : index
    %swap3A_374 = tpu.vector_load %arg15[%swap3A_373] {strides = array<i32>} : memref<256xf32, #tpu.memory_space<vmem>>, vector<16xf32>,
    tpu.vector_store %arg15[%swap3A_373], %add3A_372 {strides = array<i32>} : memref<256xf32, #tpu.memory_space<vmem>>, vector<16xf32>,
    %get3A_375 = arith.constant 1040 : index
    %get3A_376 = tpu.vector_load %arg14[%get3A_375] {strides = array<i32>} : memref<4096xf32, #tpu.memory_space<vmem>>, vector<16xf32>,
    %get3A_377 = arith.constant 1104 : index
    %get3A_378 = tpu.vector_load %arg14[%get3A_377] {strides = array<i32>} : memref<4096xf32, #tpu.memory_space<vmem>>, vector<16xf32>,
    %add3A_379 = arith.addf %get3A_376, %get3A_378 : vector<16xf32>
    %get3A_380 = arith.constant 1168 : index
    %get3A_381 = tpu.vector_load %arg14[%get3A_380] {strides = array<i32>} : memref<4096xf32, #tpu.memory_space<vmem>>, vector<16xf32>,
    %add3A_382 = arith.addf %add3A_379, %get3A_381 : vector<16xf32>
    %get3A_383 = arith.constant 1232 : index
    %get3A_384 = tpu.vector_load %arg14[%get3A_383] {strides = array<i32>} : memref<4096xf32, #tpu.memory_space<vmem>>, vector<16xf32>,
    %add3A_385 = arith.addf %add3A_382, %get3A_384 : vector<16xf32>
    %get3A_386 = arith.constant 1296 : index
    %get3A_387 = tpu.vector_load %arg14[%get3A_386] {strides = array<i32>} : memref<4096xf32, #tpu.memory_space<vmem>>, vector<16xf32>,
    %add3A_388 = arith.addf %add3A_385, %get3A_387 : vector<16xf32>
    %get3A_389 = arith.constant 1360 : index
    %get3A_390 = tpu.vector_load %arg14[%get3A_389] {strides = array<i32>} : memref<4096xf32, #tpu.memory_space<vmem>>, vector<16xf32>,
    %add3A_391 = arith.addf %add3A_388, %get3A_390 : vector<16xf32>
    %get3A_392 = arith.constant 1424 : index
    %get3A_393 = tpu.vector_load %arg14[%get3A_392] {strides = array<i32>} : memref<4096xf32, #tpu.memory_space<vmem>>, vector<16xf32>,
    %add3A_394 = arith.addf %add3A_391, %get3A_393 : vector<16xf32>
    %get3A_395 = arith.constant 1488 : index
    %get3A_396 = tpu.vector_load %arg14[%get3A_395] {strides = array<i32>} : memref<4096xf32, #tpu.memory_space<vmem>>, vector<16xf32>,
    %add3A_397 = arith.addf %add3A_394, %get3A_396 : vector<16xf32>
    %get3A_398 = arith.constant 1552 : index
    %get3A_399 = tpu.vector_load %arg14[%get3A_398] {strides = array<i32>} : memref<4096xf32, #tpu.memory_space<vmem>>, vector<16xf32>,
    %add3A_400 = arith.addf %add3A_397, %get3A_399 : vector<16xf32>
    %get3A_401 = arith.constant 1616 : index
    %get3A_402 = tpu.vector_load %arg14[%get3A_401] {strides = array<i32>} : memref<4096xf32, #tpu.memory_space<vmem>>, vector<16xf32>,
    %add3A_403 = arith.addf %add3A_400, %get3A_402 : vector<16xf32>
    %get3A_404 = arith.constant 1680 : index
    %get3A_405 = tpu.vector_load %arg14[%get3A_404] {strides = array<i32>} : memref<4096xf32, #tpu.memory_space<vmem>>, vector<16xf32>,
    %add3A_406 = arith.addf %add3A_403, %get3A_405 : vector<16xf32>
    %get3A_407 = arith.constant 1744 : index
    %get3A_408 = tpu.vector_load %arg14[%get3A_407] {strides = array<i32>} : memref<4096xf32, #tpu.memory_space<vmem>>, vector<16xf32>,
    %add3A_409 = arith.addf %add3A_406, %get3A_408 : vector<16xf32>
    %get3A_410 = arith.constant 1808 : index
    %get3A_411 = tpu.vector_load %arg14[%get3A_410] {strides = array<i32>} : memref<4096xf32, #tpu.memory_space<vmem>>, vector<16xf32>,
    %add3A_412 = arith.addf %add3A_409, %get3A_411 : vector<16xf32>
    %get3A_413 = arith.constant 1872 : index
    %get3A_414 = tpu.vector_load %arg14[%get3A_413] {strides = array<i32>} : memref<4096xf32, #tpu.memory_space<vmem>>, vector<16xf32>,
    %add3A_415 = arith.addf %add3A_412, %get3A_414 : vector<16xf32>
    %get3A_416 = arith.constant 1936 : index
    %get3A_417 = tpu.vector_load %arg14[%get3A_416] {strides = array<i32>} : memref<4096xf32, #tpu.memory_space<vmem>>, vector<16xf32>,
    %add3A_418 = arith.addf %add3A_415, %get3A_417 : vector<16xf32>
    %get3A_419 = arith.constant 2000 : index
    %get3A_420 = tpu.vector_load %arg14[%get3A_419] {strides = array<i32>} : memref<4096xf32, #tpu.memory_space<vmem>>, vector<16xf32>,
    %add3A_421 = arith.addf %add3A_418, %get3A_420 : vector<16xf32>
    %swap3A_422 = arith.constant 80 : index
    %swap3A_423 = tpu.vector_load %arg15[%swap3A_422] {strides = array<i32>} : memref<256xf32, #tpu.memory_space<vmem>>, vector<16xf32>,
    tpu.vector_store %arg15[%swap3A_422], %add3A_421 {strides = array<i32>} : memref<256xf32, #tpu.memory_space<vmem>>, vector<16xf32>,
    %get3A_424 = arith.constant 1056 : index
    %get3A_425 = tpu.vector_load %arg14[%get3A_424] {strides = array<i32>} : memref<4096xf32, #tpu.memory_space<vmem>>, vector<16xf32>,
    %get3A_426 = arith.constant 1120 : index
    %get3A_427 = tpu.vector_load %arg14[%get3A_426] {strides = array<i32>} : memref<4096xf32, #tpu.memory_space<vmem>>, vector<16xf32>,
    %add3A_428 = arith.addf %get3A_425, %get3A_427 : vector<16xf32>
    %get3A_429 = arith.constant 1184 : index
    %get3A_430 = tpu.vector_load %arg14[%get3A_429] {strides = array<i32>} : memref<4096xf32, #tpu.memory_space<vmem>>, vector<16xf32>,
    %add3A_431 = arith.addf %add3A_428, %get3A_430 : vector<16xf32>
    %get3A_432 = arith.constant 1248 : index
    %get3A_433 = tpu.vector_load %arg14[%get3A_432] {strides = array<i32>} : memref<4096xf32, #tpu.memory_space<vmem>>, vector<16xf32>,
    %add3A_434 = arith.addf %add3A_431, %get3A_433 : vector<16xf32>
    %get3A_435 = arith.constant 1312 : index
    %get3A_436 = tpu.vector_load %arg14[%get3A_435] {strides = array<i32>} : memref<4096xf32, #tpu.memory_space<vmem>>, vector<16xf32>,
    %add3A_437 = arith.addf %add3A_434, %get3A_436 : vector<16xf32>
    %get3A_438 = arith.constant 1376 : index
    %get3A_439 = tpu.vector_load %arg14[%get3A_438] {strides = array<i32>} : memref<4096xf32, #tpu.memory_space<vmem>>, vector<16xf32>,
    %add3A_440 = arith.addf %add3A_437, %get3A_439 : vector<16xf32>
    %get3A_441 = arith.constant 1440 : index
    %get3A_442 = tpu.vector_load %arg14[%get3A_441] {strides = array<i32>} : memref<4096xf32, #tpu.memory_space<vmem>>, vector<16xf32>,
    %add3A_443 = arith.addf %add3A_440, %get3A_442 : vector<16xf32>
    %get3A_444 = arith.constant 1504 : index
    %get3A_445 = tpu.vector_load %arg14[%get3A_444] {strides = array<i32>} : memref<4096xf32, #tpu.memory_space<vmem>>, vector<16xf32>,
    %add3A_446 = arith.addf %add3A_443, %get3A_445 : vector<16xf32>
    %get3A_447 = arith.constant 1568 : index
    %get3A_448 = tpu.vector_load %arg14[%get3A_447] {strides = array<i32>} : memref<4096xf32, #tpu.memory_space<vmem>>, vector<16xf32>,
    %add3A_449 = arith.addf %add3A_446, %get3A_448 : vector<16xf32>
    %get3A_450 = arith.constant 1632 : index
    %get3A_451 = tpu.vector_load %arg14[%get3A_450] {strides = array<i32>} : memref<4096xf32, #tpu.memory_space<vmem>>, vector<16xf32>,
    %add3A_452 = arith.addf %add3A_449, %get3A_451 : vector<16xf32>
    %get3A_453 = arith.constant 1696 : index
    %get3A_454 = tpu.vector_load %arg14[%get3A_453] {strides = array<i32>} : memref<4096xf32, #tpu.memory_space<vmem>>, vector<16xf32>,
    %add3A_455 = arith.addf %add3A_452, %get3A_454 : vector<16xf32>
    %get3A_456 = arith.constant 1760 : index
    %get3A_457 = tpu.vector_load %arg14[%get3A_456] {strides = array<i32>} : memref<4096xf32, #tpu.memory_space<vmem>>, vector<16xf32>,
    %add3A_458 = arith.addf %add3A_455, %get3A_457 : vector<16xf32>
    %get3A_459 = arith.constant 1824 : index
    %get3A_460 = tpu.vector_load %arg14[%get3A_459] {strides = array<i32>} : memref<4096xf32, #tpu.memory_space<vmem>>, vector<16xf32>,
    %add3A_461 = arith.addf %add3A_458, %get3A_460 : vector<16xf32>
    %get3A_462 = arith.constant 1888 : index
    %get3A_463 = tpu.vector_load %arg14[%get3A_462] {strides = array<i32>} : memref<4096xf32, #tpu.memory_space<vmem>>, vector<16xf32>,
    %add3A_464 = arith.addf %add3A_461, %get3A_463 : vector<16xf32>
    %get3A_465 = arith.constant 1952 : index
    %get3A_466 = tpu.vector_load %arg14[%get3A_465] {strides = array<i32>} : memref<4096xf32, #tpu.memory_space<vmem>>, vector<16xf32>,
    %add3A_467 = arith.addf %add3A_464, %get3A_466 : vector<16xf32>
    %get3A_468 = arith.constant 2016 : index
    %get3A_469 = tpu.vector_load %arg14[%get3A_468] {strides = array<i32>} : memref<4096xf32, #tpu.memory_space<vmem>>, vector<16xf32>,
    %add3A_470 = arith.addf %add3A_467, %get3A_469 : vector<16xf32>
    %swap3A_471 = arith.constant 96 : index
    %swap3A_472 = tpu.vector_load %arg15[%swap3A_471] {strides = array<i32>} : memref<256xf32, #tpu.memory_space<vmem>>, vector<16xf32>,
    tpu.vector_store %arg15[%swap3A_471], %add3A_470 {strides = array<i32>} : memref<256xf32, #tpu.memory_space<vmem>>, vector<16xf32>,
    %get3A_473 = arith.constant 1072 : index
    %get3A_474 = tpu.vector_load %arg14[%get3A_473] {strides = array<i32>} : memref<4096xf32, #tpu.memory_space<vmem>>, vector<16xf32>,
    %get3A_475 = arith.constant 1136 : index
    %get3A_476 = tpu.vector_load %arg14[%get3A_475] {strides = array<i32>} : memref<4096xf32, #tpu.memory_space<vmem>>, vector<16xf32>,
    %add3A_477 = arith.addf %get3A_474, %get3A_476 : vector<16xf32>
    %get3A_478 = arith.constant 1200 : index
    %get3A_479 = tpu.vector_load %arg14[%get3A_478] {strides = array<i32>} : memref<4096xf32, #tpu.memory_space<vmem>>, vector<16xf32>,
    %add3A_480 = arith.addf %add3A_477, %get3A_479 : vector<16xf32>
    %get3A_481 = arith.constant 1264 : index
    %get3A_482 = tpu.vector_load %arg14[%get3A_481] {strides = array<i32>} : memref<4096xf32, #tpu.memory_space<vmem>>, vector<16xf32>,
    %add3A_483 = arith.addf %add3A_480, %get3A_482 : vector<16xf32>
    %get3A_484 = arith.constant 1328 : index
    %get3A_485 = tpu.vector_load %arg14[%get3A_484] {strides = array<i32>} : memref<4096xf32, #tpu.memory_space<vmem>>, vector<16xf32>,
    %add3A_486 = arith.addf %add3A_483, %get3A_485 : vector<16xf32>
    %get3A_487 = arith.constant 1392 : index
    %get3A_488 = tpu.vector_load %arg14[%get3A_487] {strides = array<i32>} : memref<4096xf32, #tpu.memory_space<vmem>>, vector<16xf32>,
    %add3A_489 = arith.addf %add3A_486, %get3A_488 : vector<16xf32>
    %get3A_490 = arith.constant 1456 : index
    %get3A_491 = tpu.vector_load %arg14[%get3A_490] {strides = array<i32>} : memref<4096xf32, #tpu.memory_space<vmem>>, vector<16xf32>,
    %add3A_492 = arith.addf %add3A_489, %get3A_491 : vector<16xf32>
    %get3A_493 = arith.constant 1520 : index
    %get3A_494 = tpu.vector_load %arg14[%get3A_493] {strides = array<i32>} : memref<4096xf32, #tpu.memory_space<vmem>>, vector<16xf32>,
    %add3A_495 = arith.addf %add3A_492, %get3A_494 : vector<16xf32>
    %get3A_496 = arith.constant 1584 : index
    %get3A_497 = tpu.vector_load %arg14[%get3A_496] {strides = array<i32>} : memref<4096xf32, #tpu.memory_space<vmem>>, vector<16xf32>,
    %add3A_498 = arith.addf %add3A_495, %get3A_497 : vector<16xf32>
    %get3A_499 = arith.constant 1648 : index
    %get3A_500 = tpu.vector_load %arg14[%get3A_499] {strides = array<i32>} : memref<4096xf32, #tpu.memory_space<vmem>>, vector<16xf32>,
    %add3A_501 = arith.addf %add3A_498, %get3A_500 : vector<16xf32>
    %get3A_502 = arith.constant 1712 : index
    %get3A_503 = tpu.vector_load %arg14[%get3A_502] {strides = array<i32>} : memref<4096xf32, #tpu.memory_space<vmem>>, vector<16xf32>,
    %add3A_504 = arith.addf %add3A_501, %get3A_503 : vector<16xf32>
    %get3A_505 = arith.constant 1776 : index
    %get3A_506 = tpu.vector_load %arg14[%get3A_505] {strides = array<i32>} : memref<4096xf32, #tpu.memory_space<vmem>>, vector<16xf32>,
    %add3A_507 = arith.addf %add3A_504, %get3A_506 : vector<16xf32>
    %get3A_508 = arith.constant 1840 : index
    %get3A_509 = tpu.vector_load %arg14[%get3A_508] {strides = array<i32>} : memref<4096xf32, #tpu.memory_space<vmem>>, vector<16xf32>,
    %add3A_510 = arith.addf %add3A_507, %get3A_509 : vector<16xf32>
    %get3A_511 = arith.constant 1904 : index
    %get3A_512 = tpu.vector_load %arg14[%get3A_511] {strides = array<i32>} : memref<4096xf32, #tpu.memory_space<vmem>>, vector<16xf32>,
    %add3A_513 = arith.addf %add3A_510, %get3A_512 : vector<16xf32>
    %get3A_514 = arith.constant 1968 : index
    %get3A_515 = tpu.vector_load %arg14[%get3A_514] {strides = array<i32>} : memref<4096xf32, #tpu.memory_space<vmem>>, vector<16xf32>,
    %add3A_516 = arith.addf %add3A_513, %get3A_515 : vector<16xf32>
    %get3A_517 = arith.constant 2032 : index
    %get3A_518 = tpu.vector_load %arg14[%get3A_517] {strides = array<i32>} : memref<4096xf32, #tpu.memory_space<vmem>>, vector<16xf32>,
    %add3A_519 = arith.addf %add3A_516, %get3A_518 : vector<16xf32>
    %swap3A_520 = arith.constant 112 : index
    %swap3A_521 = tpu.vector_load %arg15[%swap3A_520] {strides = array<i32>} : memref<256xf32, #tpu.memory_space<vmem>>, vector<16xf32>,
    tpu.vector_store %arg15[%swap3A_520], %add3A_519 {strides = array<i32>} : memref<256xf32, #tpu.memory_space<vmem>>, vector<16xf32>,
    %get3A_522 = arith.constant 2048 : index
    %get3A_523 = tpu.vector_load %arg14[%get3A_522] {strides = array<i32>} : memref<4096xf32, #tpu.memory_space<vmem>>, vector<16xf32>,
    %get3A_524 = arith.constant 2112 : index
    %get3A_525 = tpu.vector_load %arg14[%get3A_524] {strides = array<i32>} : memref<4096xf32, #tpu.memory_space<vmem>>, vector<16xf32>,
    %add3A_526 = arith.addf %get3A_523, %get3A_525 : vector<16xf32>
    %get3A_527 = arith.constant 2176 : index
    %get3A_528 = tpu.vector_load %arg14[%get3A_527] {strides = array<i32>} : memref<4096xf32, #tpu.memory_space<vmem>>, vector<16xf32>,
    %add3A_529 = arith.addf %add3A_526, %get3A_528 : vector<16xf32>
    %get3A_530 = arith.constant 2240 : index
    %get3A_531 = tpu.vector_load %arg14[%get3A_530] {strides = array<i32>} : memref<4096xf32, #tpu.memory_space<vmem>>, vector<16xf32>,
    %add3A_532 = arith.addf %add3A_529, %get3A_531 : vector<16xf32>
    %get3A_533 = arith.constant 2304 : index
    %get3A_534 = tpu.vector_load %arg14[%get3A_533] {strides = array<i32>} : memref<4096xf32, #tpu.memory_space<vmem>>, vector<16xf32>,
    %add3A_535 = arith.addf %add3A_532, %get3A_534 : vector<16xf32>
    %get3A_536 = arith.constant 2368 : index
    %get3A_537 = tpu.vector_load %arg14[%get3A_536] {strides = array<i32>} : memref<4096xf32, #tpu.memory_space<vmem>>, vector<16xf32>,
    %add3A_538 = arith.addf %add3A_535, %get3A_537 : vector<16xf32>
    %get3A_539 = arith.constant 2432 : index
    %get3A_540 = tpu.vector_load %arg14[%get3A_539] {strides = array<i32>} : memref<4096xf32, #tpu.memory_space<vmem>>, vector<16xf32>,
    %add3A_541 = arith.addf %add3A_538, %get3A_540 : vector<16xf32>
    %get3A_542 = arith.constant 2496 : index
    %get3A_543 = tpu.vector_load %arg14[%get3A_542] {strides = array<i32>} : memref<4096xf32, #tpu.memory_space<vmem>>, vector<16xf32>,
    %add3A_544 = arith.addf %add3A_541, %get3A_543 : vector<16xf32>
    %get3A_545 = arith.constant 2560 : index
    %get3A_546 = tpu.vector_load %arg14[%get3A_545] {strides = array<i32>} : memref<4096xf32, #tpu.memory_space<vmem>>, vector<16xf32>,
    %add3A_547 = arith.addf %add3A_544, %get3A_546 : vector<16xf32>
    %get3A_548 = arith.constant 2624 : index
    %get3A_549 = tpu.vector_load %arg14[%get3A_548] {strides = array<i32>} : memref<4096xf32, #tpu.memory_space<vmem>>, vector<16xf32>,
    %add3A_550 = arith.addf %add3A_547, %get3A_549 : vector<16xf32>
    %get3A_551 = arith.constant 2688 : index
    %get3A_552 = tpu.vector_load %arg14[%get3A_551] {strides = array<i32>} : memref<4096xf32, #tpu.memory_space<vmem>>, vector<16xf32>,
    %add3A_553 = arith.addf %add3A_550, %get3A_552 : vector<16xf32>
    %get3A_554 = arith.constant 2752 : index
    %get3A_555 = tpu.vector_load %arg14[%get3A_554] {strides = array<i32>} : memref<4096xf32, #tpu.memory_space<vmem>>, vector<16xf32>,
    %add3A_556 = arith.addf %add3A_553, %get3A_555 : vector<16xf32>
    %get3A_557 = arith.constant 2816 : index
    %get3A_558 = tpu.vector_load %arg14[%get3A_557] {strides = array<i32>} : memref<4096xf32, #tpu.memory_space<vmem>>, vector<16xf32>,
    %add3A_559 = arith.addf %add3A_556, %get3A_558 : vector<16xf32>
    %get3A_560 = arith.constant 2880 : index
    %get3A_561 = tpu.vector_load %arg14[%get3A_560] {strides = array<i32>} : memref<4096xf32, #tpu.memory_space<vmem>>, vector<16xf32>,
    %add3A_562 = arith.addf %add3A_559, %get3A_561 : vector<16xf32>
    %get3A_563 = arith.constant 2944 : index
    %get3A_564 = tpu.vector_load %arg14[%get3A_563] {strides = array<i32>} : memref<4096xf32, #tpu.memory_space<vmem>>, vector<16xf32>,
    %add3A_565 = arith.addf %add3A_562, %get3A_564 : vector<16xf32>
    %get3A_566 = arith.constant 3008 : index
    %get3A_567 = tpu.vector_load %arg14[%get3A_566] {strides = array<i32>} : memref<4096xf32, #tpu.memory_space<vmem>>, vector<16xf32>,
    %add3A_568 = arith.addf %add3A_565, %get3A_567 : vector<16xf32>
    %swap3A_569 = arith.constant 128 : index
    %swap3A_570 = tpu.vector_load %arg15[%swap3A_569] {strides = array<i32>} : memref<256xf32, #tpu.memory_space<vmem>>, vector<16xf32>,
    tpu.vector_store %arg15[%swap3A_569], %add3A_568 {strides = array<i32>} : memref<256xf32, #tpu.memory_space<vmem>>, vector<16xf32>,
    %get3A_571 = arith.constant 2064 : index
    %get3A_572 = tpu.vector_load %arg14[%get3A_571] {strides = array<i32>} : memref<4096xf32, #tpu.memory_space<vmem>>, vector<16xf32>,
    %get3A_573 = arith.constant 2128 : index
    %get3A_574 = tpu.vector_load %arg14[%get3A_573] {strides = array<i32>} : memref<4096xf32, #tpu.memory_space<vmem>>, vector<16xf32>,
    %add3A_575 = arith.addf %get3A_572, %get3A_574 : vector<16xf32>
    %get3A_576 = arith.constant 2192 : index
    %get3A_577 = tpu.vector_load %arg14[%get3A_576] {strides = array<i32>} : memref<4096xf32, #tpu.memory_space<vmem>>, vector<16xf32>,
    %add3A_578 = arith.addf %add3A_575, %get3A_577 : vector<16xf32>
    %get3A_579 = arith.constant 2256 : index
    %get3A_580 = tpu.vector_load %arg14[%get3A_579] {strides = array<i32>} : memref<4096xf32, #tpu.memory_space<vmem>>, vector<16xf32>,
    %add3A_581 = arith.addf %add3A_578, %get3A_580 : vector<16xf32>
    %get3A_582 = arith.constant 2320 : index
    %get3A_583 = tpu.vector_load %arg14[%get3A_582] {strides = array<i32>} : memref<4096xf32, #tpu.memory_space<vmem>>, vector<16xf32>,
    %add3A_584 = arith.addf %add3A_581, %get3A_583 : vector<16xf32>
    %get3A_585 = arith.constant 2384 : index
    %get3A_586 = tpu.vector_load %arg14[%get3A_585] {strides = array<i32>} : memref<4096xf32, #tpu.memory_space<vmem>>, vector<16xf32>,
    %add3A_587 = arith.addf %add3A_584, %get3A_586 : vector<16xf32>
    %get3A_588 = arith.constant 2448 : index
    %get3A_589 = tpu.vector_load %arg14[%get3A_588] {strides = array<i32>} : memref<4096xf32, #tpu.memory_space<vmem>>, vector<16xf32>,
    %add3A_590 = arith.addf %add3A_587, %get3A_589 : vector<16xf32>
    %get3A_591 = arith.constant 2512 : index
    %get3A_592 = tpu.vector_load %arg14[%get3A_591] {strides = array<i32>} : memref<4096xf32, #tpu.memory_space<vmem>>, vector<16xf32>,
    %add3A_593 = arith.addf %add3A_590, %get3A_592 : vector<16xf32>
    %get3A_594 = arith.constant 2576 : index
    %get3A_595 = tpu.vector_load %arg14[%get3A_594] {strides = array<i32>} : memref<4096xf32, #tpu.memory_space<vmem>>, vector<16xf32>,
    %add3A_596 = arith.addf %add3A_593, %get3A_595 : vector<16xf32>
    %get3A_597 = arith.constant 2640 : index
    %get3A_598 = tpu.vector_load %arg14[%get3A_597] {strides = array<i32>} : memref<4096xf32, #tpu.memory_space<vmem>>, vector<16xf32>,
    %add3A_599 = arith.addf %add3A_596, %get3A_598 : vector<16xf32>
    %get3A_600 = arith.constant 2704 : index
    %get3A_601 = tpu.vector_load %arg14[%get3A_600] {strides = array<i32>} : memref<4096xf32, #tpu.memory_space<vmem>>, vector<16xf32>,
    %add3A_602 = arith.addf %add3A_599, %get3A_601 : vector<16xf32>
    %get3A_603 = arith.constant 2768 : index
    %get3A_604 = tpu.vector_load %arg14[%get3A_603] {strides = array<i32>} : memref<4096xf32, #tpu.memory_space<vmem>>, vector<16xf32>,
    %add3A_605 = arith.addf %add3A_602, %get3A_604 : vector<16xf32>
    %get3A_606 = arith.constant 2832 : index
    %get3A_607 = tpu.vector_load %arg14[%get3A_606] {strides = array<i32>} : memref<4096xf32, #tpu.memory_space<vmem>>, vector<16xf32>,
    %add3A_608 = arith.addf %add3A_605, %get3A_607 : vector<16xf32>
    %get3A_609 = arith.constant 2896 : index
    %get3A_610 = tpu.vector_load %arg14[%get3A_609] {strides = array<i32>} : memref<4096xf32, #tpu.memory_space<vmem>>, vector<16xf32>,
    %add3A_611 = arith.addf %add3A_608, %get3A_610 : vector<16xf32>
    %get3A_612 = arith.constant 2960 : index
    %get3A_613 = tpu.vector_load %arg14[%get3A_612] {strides = array<i32>} : memref<4096xf32, #tpu.memory_space<vmem>>, vector<16xf32>,
    %add3A_614 = arith.addf %add3A_611, %get3A_613 : vector<16xf32>
    %get3A_615 = arith.constant 3024 : index
    %get3A_616 = tpu.vector_load %arg14[%get3A_615] {strides = array<i32>} : memref<4096xf32, #tpu.memory_space<vmem>>, vector<16xf32>,
    %add3A_617 = arith.addf %add3A_614, %get3A_616 : vector<16xf32>
    %swap3A_618 = arith.constant 144 : index
    %swap3A_619 = tpu.vector_load %arg15[%swap3A_618] {strides = array<i32>} : memref<256xf32, #tpu.memory_space<vmem>>, vector<16xf32>,
    tpu.vector_store %arg15[%swap3A_618], %add3A_617 {strides = array<i32>} : memref<256xf32, #tpu.memory_space<vmem>>, vector<16xf32>,
    %get3A_620 = arith.constant 2080 : index
    %get3A_621 = tpu.vector_load %arg14[%get3A_620] {strides = array<i32>} : memref<4096xf32, #tpu.memory_space<vmem>>, vector<16xf32>,
    %get3A_622 = arith.constant 2144 : index
    %get3A_623 = tpu.vector_load %arg14[%get3A_622] {strides = array<i32>} : memref<4096xf32, #tpu.memory_space<vmem>>, vector<16xf32>,
    %add3A_624 = arith.addf %get3A_621, %get3A_623 : vector<16xf32>
    %get3A_625 = arith.constant 2208 : index
    %get3A_626 = tpu.vector_load %arg14[%get3A_625] {strides = array<i32>} : memref<4096xf32, #tpu.memory_space<vmem>>, vector<16xf32>,
    %add3A_627 = arith.addf %add3A_624, %get3A_626 : vector<16xf32>
    %get3A_628 = arith.constant 2272 : index
    %get3A_629 = tpu.vector_load %arg14[%get3A_628] {strides = array<i32>} : memref<4096xf32, #tpu.memory_space<vmem>>, vector<16xf32>,
    %add3A_630 = arith.addf %add3A_627, %get3A_629 : vector<16xf32>
    %get3A_631 = arith.constant 2336 : index
    %get3A_632 = tpu.vector_load %arg14[%get3A_631] {strides = array<i32>} : memref<4096xf32, #tpu.memory_space<vmem>>, vector<16xf32>,
    %add3A_633 = arith.addf %add3A_630, %get3A_632 : vector<16xf32>
    %get3A_634 = arith.constant 2400 : index
    %get3A_635 = tpu.vector_load %arg14[%get3A_634] {strides = array<i32>} : memref<4096xf32, #tpu.memory_space<vmem>>, vector<16xf32>,
    %add3A_636 = arith.addf %add3A_633, %get3A_635 : vector<16xf32>
    %get3A_637 = arith.constant 2464 : index
    %get3A_638 = tpu.vector_load %arg14[%get3A_637] {strides = array<i32>} : memref<4096xf32, #tpu.memory_space<vmem>>, vector<16xf32>,
    %add3A_639 = arith.addf %add3A_636, %get3A_638 : vector<16xf32>
    %get3A_640 = arith.constant 2528 : index
    %get3A_641 = tpu.vector_load %arg14[%get3A_640] {strides = array<i32>} : memref<4096xf32, #tpu.memory_space<vmem>>, vector<16xf32>,
    %add3A_642 = arith.addf %add3A_639, %get3A_641 : vector<16xf32>
    %get3A_643 = arith.constant 2592 : index
    %get3A_644 = tpu.vector_load %arg14[%get3A_643] {strides = array<i32>} : memref<4096xf32, #tpu.memory_space<vmem>>, vector<16xf32>,
    %add3A_645 = arith.addf %add3A_642, %get3A_644 : vector<16xf32>
    %get3A_646 = arith.constant 2656 : index
    %get3A_647 = tpu.vector_load %arg14[%get3A_646] {strides = array<i32>} : memref<4096xf32, #tpu.memory_space<vmem>>, vector<16xf32>,
    %add3A_648 = arith.addf %add3A_645, %get3A_647 : vector<16xf32>
    %get3A_649 = arith.constant 2720 : index
    %get3A_650 = tpu.vector_load %arg14[%get3A_649] {strides = array<i32>} : memref<4096xf32, #tpu.memory_space<vmem>>, vector<16xf32>,
    %add3A_651 = arith.addf %add3A_648, %get3A_650 : vector<16xf32>
    %get3A_652 = arith.constant 2784 : index
    %get3A_653 = tpu.vector_load %arg14[%get3A_652] {strides = array<i32>} : memref<4096xf32, #tpu.memory_space<vmem>>, vector<16xf32>,
    %add3A_654 = arith.addf %add3A_651, %get3A_653 : vector<16xf32>
    %get3A_655 = arith.constant 2848 : index
    %get3A_656 = tpu.vector_load %arg14[%get3A_655] {strides = array<i32>} : memref<4096xf32, #tpu.memory_space<vmem>>, vector<16xf32>,
    %add3A_657 = arith.addf %add3A_654, %get3A_656 : vector<16xf32>
    %get3A_658 = arith.constant 2912 : index
    %get3A_659 = tpu.vector_load %arg14[%get3A_658] {strides = array<i32>} : memref<4096xf32, #tpu.memory_space<vmem>>, vector<16xf32>,
    %add3A_660 = arith.addf %add3A_657, %get3A_659 : vector<16xf32>
    %get3A_661 = arith.constant 2976 : index
    %get3A_662 = tpu.vector_load %arg14[%get3A_661] {strides = array<i32>} : memref<4096xf32, #tpu.memory_space<vmem>>, vector<16xf32>,
    %add3A_663 = arith.addf %add3A_660, %get3A_662 : vector<16xf32>
    %get3A_664 = arith.constant 3040 : index
    %get3A_665 = tpu.vector_load %arg14[%get3A_664] {strides = array<i32>} : memref<4096xf32, #tpu.memory_space<vmem>>, vector<16xf32>,
    %add3A_666 = arith.addf %add3A_663, %get3A_665 : vector<16xf32>
    %swap3A_667 = arith.constant 160 : index
    %swap3A_668 = tpu.vector_load %arg15[%swap3A_667] {strides = array<i32>} : memref<256xf32, #tpu.memory_space<vmem>>, vector<16xf32>,
    tpu.vector_store %arg15[%swap3A_667], %add3A_666 {strides = array<i32>} : memref<256xf32, #tpu.memory_space<vmem>>, vector<16xf32>,
    %get3A_669 = arith.constant 2096 : index
    %get3A_670 = tpu.vector_load %arg14[%get3A_669] {strides = array<i32>} : memref<4096xf32, #tpu.memory_space<vmem>>, vector<16xf32>,
    %get3A_671 = arith.constant 2160 : index
    %get3A_672 = tpu.vector_load %arg14[%get3A_671] {strides = array<i32>} : memref<4096xf32, #tpu.memory_space<vmem>>, vector<16xf32>,
    %add3A_673 = arith.addf %get3A_670, %get3A_672 : vector<16xf32>
    %get3A_674 = arith.constant 2224 : index
    %get3A_675 = tpu.vector_load %arg14[%get3A_674] {strides = array<i32>} : memref<4096xf32, #tpu.memory_space<vmem>>, vector<16xf32>,
    %add3A_676 = arith.addf %add3A_673, %get3A_675 : vector<16xf32>
    %get3A_677 = arith.constant 2288 : index
    %get3A_678 = tpu.vector_load %arg14[%get3A_677] {strides = array<i32>} : memref<4096xf32, #tpu.memory_space<vmem>>, vector<16xf32>,
    %add3A_679 = arith.addf %add3A_676, %get3A_678 : vector<16xf32>
    %get3A_680 = arith.constant 2352 : index
    %get3A_681 = tpu.vector_load %arg14[%get3A_680] {strides = array<i32>} : memref<4096xf32, #tpu.memory_space<vmem>>, vector<16xf32>,
    %add3A_682 = arith.addf %add3A_679, %get3A_681 : vector<16xf32>
    %get3A_683 = arith.constant 2416 : index
    %get3A_684 = tpu.vector_load %arg14[%get3A_683] {strides = array<i32>} : memref<4096xf32, #tpu.memory_space<vmem>>, vector<16xf32>,
    %add3A_685 = arith.addf %add3A_682, %get3A_684 : vector<16xf32>
    %get3A_686 = arith.constant 2480 : index
    %get3A_687 = tpu.vector_load %arg14[%get3A_686] {strides = array<i32>} : memref<4096xf32, #tpu.memory_space<vmem>>, vector<16xf32>,
    %add3A_688 = arith.addf %add3A_685, %get3A_687 : vector<16xf32>
    %get3A_689 = arith.constant 2544 : index
    %get3A_690 = tpu.vector_load %arg14[%get3A_689] {strides = array<i32>} : memref<4096xf32, #tpu.memory_space<vmem>>, vector<16xf32>,
    %add3A_691 = arith.addf %add3A_688, %get3A_690 : vector<16xf32>
    %get3A_692 = arith.constant 2608 : index
    %get3A_693 = tpu.vector_load %arg14[%get3A_692] {strides = array<i32>} : memref<4096xf32, #tpu.memory_space<vmem>>, vector<16xf32>,
    %add3A_694 = arith.addf %add3A_691, %get3A_693 : vector<16xf32>
    %get3A_695 = arith.constant 2672 : index
    %get3A_696 = tpu.vector_load %arg14[%get3A_695] {strides = array<i32>} : memref<4096xf32, #tpu.memory_space<vmem>>, vector<16xf32>,
    %add3A_697 = arith.addf %add3A_694, %get3A_696 : vector<16xf32>
    %get3A_698 = arith.constant 2736 : index
    %get3A_699 = tpu.vector_load %arg14[%get3A_698] {strides = array<i32>} : memref<4096xf32, #tpu.memory_space<vmem>>, vector<16xf32>,
    %add3A_700 = arith.addf %add3A_697, %get3A_699 : vector<16xf32>
    %get3A_701 = arith.constant 2800 : index
    %get3A_702 = tpu.vector_load %arg14[%get3A_701] {strides = array<i32>} : memref<4096xf32, #tpu.memory_space<vmem>>, vector<16xf32>,
    %add3A_703 = arith.addf %add3A_700, %get3A_702 : vector<16xf32>
    %get3A_704 = arith.constant 2864 : index
    %get3A_705 = tpu.vector_load %arg14[%get3A_704] {strides = array<i32>} : memref<4096xf32, #tpu.memory_space<vmem>>, vector<16xf32>,
    %add3A_706 = arith.addf %add3A_703, %get3A_705 : vector<16xf32>
    %get3A_707 = arith.constant 2928 : index
    %get3A_708 = tpu.vector_load %arg14[%get3A_707] {strides = array<i32>} : memref<4096xf32, #tpu.memory_space<vmem>>, vector<16xf32>,
    %add3A_709 = arith.addf %add3A_706, %get3A_708 : vector<16xf32>
    %get3A_710 = arith.constant 2992 : index
    %get3A_711 = tpu.vector_load %arg14[%get3A_710] {strides = array<i32>} : memref<4096xf32, #tpu.memory_space<vmem>>, vector<16xf32>,
    %add3A_712 = arith.addf %add3A_709, %get3A_711 : vector<16xf32>
    %get3A_713 = arith.constant 3056 : index
    %get3A_714 = tpu.vector_load %arg14[%get3A_713] {strides = array<i32>} : memref<4096xf32, #tpu.memory_space<vmem>>, vector<16xf32>,
    %add3A_715 = arith.addf %add3A_712, %get3A_714 : vector<16xf32>
    %swap3A_716 = arith.constant 176 : index
    %swap3A_717 = tpu.vector_load %arg15[%swap3A_716] {strides = array<i32>} : memref<256xf32, #tpu.memory_space<vmem>>, vector<16xf32>,
    tpu.vector_store %arg15[%swap3A_716], %add3A_715 {strides = array<i32>} : memref<256xf32, #tpu.memory_space<vmem>>, vector<16xf32>,
    %get3A_718 = arith.constant 3072 : index
    %get3A_719 = tpu.vector_load %arg14[%get3A_718] {strides = array<i32>} : memref<4096xf32, #tpu.memory_space<vmem>>, vector<16xf32>,
    %get3A_720 = arith.constant 3136 : index
    %get3A_721 = tpu.vector_load %arg14[%get3A_720] {strides = array<i32>} : memref<4096xf32, #tpu.memory_space<vmem>>, vector<16xf32>,
    %add3A_722 = arith.addf %get3A_719, %get3A_721 : vector<16xf32>
    %get3A_723 = arith.constant 3200 : index
    %get3A_724 = tpu.vector_load %arg14[%get3A_723] {strides = array<i32>} : memref<4096xf32, #tpu.memory_space<vmem>>, vector<16xf32>,
    %add3A_725 = arith.addf %add3A_722, %get3A_724 : vector<16xf32>
    %get3A_726 = arith.constant 3264 : index
    %get3A_727 = tpu.vector_load %arg14[%get3A_726] {strides = array<i32>} : memref<4096xf32, #tpu.memory_space<vmem>>, vector<16xf32>,
    %add3A_728 = arith.addf %add3A_725, %get3A_727 : vector<16xf32>
    %get3A_729 = arith.constant 3328 : index
    %get3A_730 = tpu.vector_load %arg14[%get3A_729] {strides = array<i32>} : memref<4096xf32, #tpu.memory_space<vmem>>, vector<16xf32>,
    %add3A_731 = arith.addf %add3A_728, %get3A_730 : vector<16xf32>
    %get3A_732 = arith.constant 3392 : index
    %get3A_733 = tpu.vector_load %arg14[%get3A_732] {strides = array<i32>} : memref<4096xf32, #tpu.memory_space<vmem>>, vector<16xf32>,
    %add3A_734 = arith.addf %add3A_731, %get3A_733 : vector<16xf32>
    %get3A_735 = arith.constant 3456 : index
    %get3A_736 = tpu.vector_load %arg14[%get3A_735] {strides = array<i32>} : memref<4096xf32, #tpu.memory_space<vmem>>, vector<16xf32>,
    %add3A_737 = arith.addf %add3A_734, %get3A_736 : vector<16xf32>
    %get3A_738 = arith.constant 3520 : index
    %get3A_739 = tpu.vector_load %arg14[%get3A_738] {strides = array<i32>} : memref<4096xf32, #tpu.memory_space<vmem>>, vector<16xf32>,
    %add3A_740 = arith.addf %add3A_737, %get3A_739 : vector<16xf32>
    %get3A_741 = arith.constant 3584 : index
    %get3A_742 = tpu.vector_load %arg14[%get3A_741] {strides = array<i32>} : memref<4096xf32, #tpu.memory_space<vmem>>, vector<16xf32>,
    %add3A_743 = arith.addf %add3A_740, %get3A_742 : vector<16xf32>
    %get3A_744 = arith.constant 3648 : index
    %get3A_745 = tpu.vector_load %arg14[%get3A_744] {strides = array<i32>} : memref<4096xf32, #tpu.memory_space<vmem>>, vector<16xf32>,
    %add3A_746 = arith.addf %add3A_743, %get3A_745 : vector<16xf32>
    %get3A_747 = arith.constant 3712 : index
    %get3A_748 = tpu.vector_load %arg14[%get3A_747] {strides = array<i32>} : memref<4096xf32, #tpu.memory_space<vmem>>, vector<16xf32>,
    %add3A_749 = arith.addf %add3A_746, %get3A_748 : vector<16xf32>
    %get3A_750 = arith.constant 3776 : index
    %get3A_751 = tpu.vector_load %arg14[%get3A_750] {strides = array<i32>} : memref<4096xf32, #tpu.memory_space<vmem>>, vector<16xf32>,
    %add3A_752 = arith.addf %add3A_749, %get3A_751 : vector<16xf32>
    %get3A_753 = arith.constant 3840 : index
    %get3A_754 = tpu.vector_load %arg14[%get3A_753] {strides = array<i32>} : memref<4096xf32, #tpu.memory_space<vmem>>, vector<16xf32>,
    %add3A_755 = arith.addf %add3A_752, %get3A_754 : vector<16xf32>
    %get3A_756 = arith.constant 3904 : index
    %get3A_757 = tpu.vector_load %arg14[%get3A_756] {strides = array<i32>} : memref<4096xf32, #tpu.memory_space<vmem>>, vector<16xf32>,
    %add3A_758 = arith.addf %add3A_755, %get3A_757 : vector<16xf32>
    %get3A_759 = arith.constant 3968 : index
    %get3A_760 = tpu.vector_load %arg14[%get3A_759] {strides = array<i32>} : memref<4096xf32, #tpu.memory_space<vmem>>, vector<16xf32>,
    %add3A_761 = arith.addf %add3A_758, %get3A_760 : vector<16xf32>
    %get3A_762 = arith.constant 4032 : index
    %get3A_763 = tpu.vector_load %arg14[%get3A_762] {strides = array<i32>} : memref<4096xf32, #tpu.memory_space<vmem>>, vector<16xf32>,
    %add3A_764 = arith.addf %add3A_761, %get3A_763 : vector<16xf32>
    %swap3A_765 = arith.constant 192 : index
    %swap3A_766 = tpu.vector_load %arg15[%swap3A_765] {strides = array<i32>} : memref<256xf32, #tpu.memory_space<vmem>>, vector<16xf32>,
    tpu.vector_store %arg15[%swap3A_765], %add3A_764 {strides = array<i32>} : memref<256xf32, #tpu.memory_space<vmem>>, vector<16xf32>,
    %get3A_767 = arith.constant 3088 : index
    %get3A_768 = tpu.vector_load %arg14[%get3A_767] {strides = array<i32>} : memref<4096xf32, #tpu.memory_space<vmem>>, vector<16xf32>,
    %get3A_769 = arith.constant 3152 : index
    %get3A_770 = tpu.vector_load %arg14[%get3A_769] {strides = array<i32>} : memref<4096xf32, #tpu.memory_space<vmem>>, vector<16xf32>,
    %add3A_771 = arith.addf %get3A_768, %get3A_770 : vector<16xf32>
    %get3A_772 = arith.constant 3216 : index
    %get3A_773 = tpu.vector_load %arg14[%get3A_772] {strides = array<i32>} : memref<4096xf32, #tpu.memory_space<vmem>>, vector<16xf32>,
    %add3A_774 = arith.addf %add3A_771, %get3A_773 : vector<16xf32>
    %get3A_775 = arith.constant 3280 : index
    %get3A_776 = tpu.vector_load %arg14[%get3A_775] {strides = array<i32>} : memref<4096xf32, #tpu.memory_space<vmem>>, vector<16xf32>,
    %add3A_777 = arith.addf %add3A_774, %get3A_776 : vector<16xf32>
    %get3A_778 = arith.constant 3344 : index
    %get3A_779 = tpu.vector_load %arg14[%get3A_778] {strides = array<i32>} : memref<4096xf32, #tpu.memory_space<vmem>>, vector<16xf32>,
    %add3A_780 = arith.addf %add3A_777, %get3A_779 : vector<16xf32>
    %get3A_781 = arith.constant 3408 : index
    %get3A_782 = tpu.vector_load %arg14[%get3A_781] {strides = array<i32>} : memref<4096xf32, #tpu.memory_space<vmem>>, vector<16xf32>,
    %add3A_783 = arith.addf %add3A_780, %get3A_782 : vector<16xf32>
    %get3A_784 = arith.constant 3472 : index
    %get3A_785 = tpu.vector_load %arg14[%get3A_784] {strides = array<i32>} : memref<4096xf32, #tpu.memory_space<vmem>>, vector<16xf32>,
    %add3A_786 = arith.addf %add3A_783, %get3A_785 : vector<16xf32>
    %get3A_787 = arith.constant 3536 : index
    %get3A_788 = tpu.vector_load %arg14[%get3A_787] {strides = array<i32>} : memref<4096xf32, #tpu.memory_space<vmem>>, vector<16xf32>,
    %add3A_789 = arith.addf %add3A_786, %get3A_788 : vector<16xf32>
    %get3A_790 = arith.constant 3600 : index
    %get3A_791 = tpu.vector_load %arg14[%get3A_790] {strides = array<i32>} : memref<4096xf32, #tpu.memory_space<vmem>>, vector<16xf32>,
    %add3A_792 = arith.addf %add3A_789, %get3A_791 : vector<16xf32>
    %get3A_793 = arith.constant 3664 : index
    %get3A_794 = tpu.vector_load %arg14[%get3A_793] {strides = array<i32>} : memref<4096xf32, #tpu.memory_space<vmem>>, vector<16xf32>,
    %add3A_795 = arith.addf %add3A_792, %get3A_794 : vector<16xf32>
    %get3A_796 = arith.constant 3728 : index
    %get3A_797 = tpu.vector_load %arg14[%get3A_796] {strides = array<i32>} : memref<4096xf32, #tpu.memory_space<vmem>>, vector<16xf32>,
    %add3A_798 = arith.addf %add3A_795, %get3A_797 : vector<16xf32>
    %get3A_799 = arith.constant 3792 : index
    %get3A_800 = tpu.vector_load %arg14[%get3A_799] {strides = array<i32>} : memref<4096xf32, #tpu.memory_space<vmem>>, vector<16xf32>,
    %add3A_801 = arith.addf %add3A_798, %get3A_800 : vector<16xf32>
    %get3A_802 = arith.constant 3856 : index
    %get3A_803 = tpu.vector_load %arg14[%get3A_802] {strides = array<i32>} : memref<4096xf32, #tpu.memory_space<vmem>>, vector<16xf32>,
    %add3A_804 = arith.addf %add3A_801, %get3A_803 : vector<16xf32>
    %get3A_805 = arith.constant 3920 : index
    %get3A_806 = tpu.vector_load %arg14[%get3A_805] {strides = array<i32>} : memref<4096xf32, #tpu.memory_space<vmem>>, vector<16xf32>,
    %add3A_807 = arith.addf %add3A_804, %get3A_806 : vector<16xf32>
    %get3A_808 = arith.constant 3984 : index
    %get3A_809 = tpu.vector_load %arg14[%get3A_808] {strides = array<i32>} : memref<4096xf32, #tpu.memory_space<vmem>>, vector<16xf32>,
    %add3A_810 = arith.addf %add3A_807, %get3A_809 : vector<16xf32>
    %get3A_811 = arith.constant 4048 : index
    %get3A_812 = tpu.vector_load %arg14[%get3A_811] {strides = array<i32>} : memref<4096xf32, #tpu.memory_space<vmem>>, vector<16xf32>,
    %add3A_813 = arith.addf %add3A_810, %get3A_812 : vector<16xf32>
    %swap3A_814 = arith.constant 208 : index
    %swap3A_815 = tpu.vector_load %arg15[%swap3A_814] {strides = array<i32>} : memref<256xf32, #tpu.memory_space<vmem>>, vector<16xf32>,
    tpu.vector_store %arg15[%swap3A_814], %add3A_813 {strides = array<i32>} : memref<256xf32, #tpu.memory_space<vmem>>, vector<16xf32>,
    %get3A_816 = arith.constant 3104 : index
    %get3A_817 = tpu.vector_load %arg14[%get3A_816] {strides = array<i32>} : memref<4096xf32, #tpu.memory_space<vmem>>, vector<16xf32>,
    %get3A_818 = arith.constant 3168 : index
    %get3A_819 = tpu.vector_load %arg14[%get3A_818] {strides = array<i32>} : memref<4096xf32, #tpu.memory_space<vmem>>, vector<16xf32>,
    %add3A_820 = arith.addf %get3A_817, %get3A_819 : vector<16xf32>
    %get3A_821 = arith.constant 3232 : index
    %get3A_822 = tpu.vector_load %arg14[%get3A_821] {strides = array<i32>} : memref<4096xf32, #tpu.memory_space<vmem>>, vector<16xf32>,
    %add3A_823 = arith.addf %add3A_820, %get3A_822 : vector<16xf32>
    %get3A_824 = arith.constant 3296 : index
    %get3A_825 = tpu.vector_load %arg14[%get3A_824] {strides = array<i32>} : memref<4096xf32, #tpu.memory_space<vmem>>, vector<16xf32>,
    %add3A_826 = arith.addf %add3A_823, %get3A_825 : vector<16xf32>
    %get3A_827 = arith.constant 3360 : index
    %get3A_828 = tpu.vector_load %arg14[%get3A_827] {strides = array<i32>} : memref<4096xf32, #tpu.memory_space<vmem>>, vector<16xf32>,
    %add3A_829 = arith.addf %add3A_826, %get3A_828 : vector<16xf32>
    %get3A_830 = arith.constant 3424 : index
    %get3A_831 = tpu.vector_load %arg14[%get3A_830] {strides = array<i32>} : memref<4096xf32, #tpu.memory_space<vmem>>, vector<16xf32>,
    %add3A_832 = arith.addf %add3A_829, %get3A_831 : vector<16xf32>
    %get3A_833 = arith.constant 3488 : index
    %get3A_834 = tpu.vector_load %arg14[%get3A_833] {strides = array<i32>} : memref<4096xf32, #tpu.memory_space<vmem>>, vector<16xf32>,
    %add3A_835 = arith.addf %add3A_832, %get3A_834 : vector<16xf32>
    %get3A_836 = arith.constant 3552 : index
    %get3A_837 = tpu.vector_load %arg14[%get3A_836] {strides = array<i32>} : memref<4096xf32, #tpu.memory_space<vmem>>, vector<16xf32>,
    %add3A_838 = arith.addf %add3A_835, %get3A_837 : vector<16xf32>
    %get3A_839 = arith.constant 3616 : index
    %get3A_840 = tpu.vector_load %arg14[%get3A_839] {strides = array<i32>} : memref<4096xf32, #tpu.memory_space<vmem>>, vector<16xf32>,
    %add3A_841 = arith.addf %add3A_838, %get3A_840 : vector<16xf32>
    %get3A_842 = arith.constant 3680 : index
    %get3A_843 = tpu.vector_load %arg14[%get3A_842] {strides = array<i32>} : memref<4096xf32, #tpu.memory_space<vmem>>, vector<16xf32>,
    %add3A_844 = arith.addf %add3A_841, %get3A_843 : vector<16xf32>
    %get3A_845 = arith.constant 3744 : index
    %get3A_846 = tpu.vector_load %arg14[%get3A_845] {strides = array<i32>} : memref<4096xf32, #tpu.memory_space<vmem>>, vector<16xf32>,
    %add3A_847 = arith.addf %add3A_844, %get3A_846 : vector<16xf32>
    %get3A_848 = arith.constant 3808 : index
    %get3A_849 = tpu.vector_load %arg14[%get3A_848] {strides = array<i32>} : memref<4096xf32, #tpu.memory_space<vmem>>, vector<16xf32>,
    %add3A_850 = arith.addf %add3A_847, %get3A_849 : vector<16xf32>
    %get3A_851 = arith.constant 3872 : index
    %get3A_852 = tpu.vector_load %arg14[%get3A_851] {strides = array<i32>} : memref<4096xf32, #tpu.memory_space<vmem>>, vector<16xf32>,
    %add3A_853 = arith.addf %add3A_850, %get3A_852 : vector<16xf32>
    %get3A_854 = arith.constant 3936 : index
    %get3A_855 = tpu.vector_load %arg14[%get3A_854] {strides = array<i32>} : memref<4096xf32, #tpu.memory_space<vmem>>, vector<16xf32>,
    %add3A_856 = arith.addf %add3A_853, %get3A_855 : vector<16xf32>
    %get3A_857 = arith.constant 4000 : index
    %get3A_858 = tpu.vector_load %arg14[%get3A_857] {strides = array<i32>} : memref<4096xf32, #tpu.memory_space<vmem>>, vector<16xf32>,
    %add3A_859 = arith.addf %add3A_856, %get3A_858 : vector<16xf32>
    %get3A_860 = arith.constant 4064 : index
    %get3A_861 = tpu.vector_load %arg14[%get3A_860] {strides = array<i32>} : memref<4096xf32, #tpu.memory_space<vmem>>, vector<16xf32>,
    %add3A_862 = arith.addf %add3A_859, %get3A_861 : vector<16xf32>
    %swap3A_863 = arith.constant 224 : index
    %swap3A_864 = tpu.vector_load %arg15[%swap3A_863] {strides = array<i32>} : memref<256xf32, #tpu.memory_space<vmem>>, vector<16xf32>,
    tpu.vector_store %arg15[%swap3A_863], %add3A_862 {strides = array<i32>} : memref<256xf32, #tpu.memory_space<vmem>>, vector<16xf32>,
    %get3A_865 = arith.constant 3120 : index
    %get3A_866 = tpu.vector_load %arg14[%get3A_865] {strides = array<i32>} : memref<4096xf32, #tpu.memory_space<vmem>>, vector<16xf32>,
    %get3A_867 = arith.constant 3184 : index
    %get3A_868 = tpu.vector_load %arg14[%get3A_867] {strides = array<i32>} : memref<4096xf32, #tpu.memory_space<vmem>>, vector<16xf32>,
    %add3A_869 = arith.addf %get3A_866, %get3A_868 : vector<16xf32>
    %get3A_870 = arith.constant 3248 : index
    %get3A_871 = tpu.vector_load %arg14[%get3A_870] {strides = array<i32>} : memref<4096xf32, #tpu.memory_space<vmem>>, vector<16xf32>,
    %add3A_872 = arith.addf %add3A_869, %get3A_871 : vector<16xf32>
    %get3A_873 = arith.constant 3312 : index
    %get3A_874 = tpu.vector_load %arg14[%get3A_873] {strides = array<i32>} : memref<4096xf32, #tpu.memory_space<vmem>>, vector<16xf32>,
    %add3A_875 = arith.addf %add3A_872, %get3A_874 : vector<16xf32>
    %get3A_876 = arith.constant 3376 : index
    %get3A_877 = tpu.vector_load %arg14[%get3A_876] {strides = array<i32>} : memref<4096xf32, #tpu.memory_space<vmem>>, vector<16xf32>,
    %add3A_878 = arith.addf %add3A_875, %get3A_877 : vector<16xf32>
    %get3A_879 = arith.constant 3440 : index
    %get3A_880 = tpu.vector_load %arg14[%get3A_879] {strides = array<i32>} : memref<4096xf32, #tpu.memory_space<vmem>>, vector<16xf32>,
    %add3A_881 = arith.addf %add3A_878, %get3A_880 : vector<16xf32>
    %get3A_882 = arith.constant 3504 : index
    %get3A_883 = tpu.vector_load %arg14[%get3A_882] {strides = array<i32>} : memref<4096xf32, #tpu.memory_space<vmem>>, vector<16xf32>,
    %add3A_884 = arith.addf %add3A_881, %get3A_883 : vector<16xf32>
    %get3A_885 = arith.constant 3568 : index
    %get3A_886 = tpu.vector_load %arg14[%get3A_885] {strides = array<i32>} : memref<4096xf32, #tpu.memory_space<vmem>>, vector<16xf32>,
    %add3A_887 = arith.addf %add3A_884, %get3A_886 : vector<16xf32>
    %get3A_888 = arith.constant 3632 : index
    %get3A_889 = tpu.vector_load %arg14[%get3A_888] {strides = array<i32>} : memref<4096xf32, #tpu.memory_space<vmem>>, vector<16xf32>,
    %add3A_890 = arith.addf %add3A_887, %get3A_889 : vector<16xf32>
    %get3A_891 = arith.constant 3696 : index
    %get3A_892 = tpu.vector_load %arg14[%get3A_891] {strides = array<i32>} : memref<4096xf32, #tpu.memory_space<vmem>>, vector<16xf32>,
    %add3A_893 = arith.addf %add3A_890, %get3A_892 : vector<16xf32>
    %get3A_894 = arith.constant 3760 : index
    %get3A_895 = tpu.vector_load %arg14[%get3A_894] {strides = array<i32>} : memref<4096xf32, #tpu.memory_space<vmem>>, vector<16xf32>,
    %add3A_896 = arith.addf %add3A_893, %get3A_895 : vector<16xf32>
    %get3A_897 = arith.constant 3824 : index
    %get3A_898 = tpu.vector_load %arg14[%get3A_897] {strides = array<i32>} : memref<4096xf32, #tpu.memory_space<vmem>>, vector<16xf32>,
    %add3A_899 = arith.addf %add3A_896, %get3A_898 : vector<16xf32>
    %get3A_900 = arith.constant 3888 : index
    %get3A_901 = tpu.vector_load %arg14[%get3A_900] {strides = array<i32>} : memref<4096xf32, #tpu.memory_space<vmem>>, vector<16xf32>,
    %add3A_902 = arith.addf %add3A_899, %get3A_901 : vector<16xf32>
    %get3A_903 = arith.constant 3952 : index
    %get3A_904 = tpu.vector_load %arg14[%get3A_903] {strides = array<i32>} : memref<4096xf32, #tpu.memory_space<vmem>>, vector<16xf32>,
    %add3A_905 = arith.addf %add3A_902, %get3A_904 : vector<16xf32>
    %get3A_906 = arith.constant 4016 : index
    %get3A_907 = tpu.vector_load %arg14[%get3A_906] {strides = array<i32>} : memref<4096xf32, #tpu.memory_space<vmem>>, vector<16xf32>,
    %add3A_908 = arith.addf %add3A_905, %get3A_907 : vector<16xf32>
    %get3A_909 = arith.constant 4080 : index
    %get3A_910 = tpu.vector_load %arg14[%get3A_909] {strides = array<i32>} : memref<4096xf32, #tpu.memory_space<vmem>>, vector<16xf32>,
    %add3A_911 = arith.addf %add3A_908, %get3A_910 : vector<16xf32>
    %swap3A_912 = arith.constant 240 : index
    %swap3A_913 = tpu.vector_load %arg15[%swap3A_912] {strides = array<i32>} : memref<256xf32, #tpu.memory_space<vmem>>, vector<16xf32>,
    tpu.vector_store %arg15[%swap3A_912], %add3A_911 {strides = array<i32>} : memref<256xf32, #tpu.memory_space<vmem>>, vector<16xf32>,
    "tpu.region"() ({
      %run_scoped3A = tpu.sem_alloc : memref<!tpu.dma_semaphore, #tpu.memory_space<semaphore_mem>>
      %dma_start3A_959 = arith.constant 0 : i32
      %dma_start3A_960 = tpu.memref_slice %arg25[%arg1, %dma_start3A_959] : memref<16x256xf32, #tpu.memory_space<vmem_shared>> -> memref<1x256xf32, #tpu.memory_space<vmem_shared>>
      %dma_start3A_961 = tpu.memref_squeeze %dma_start3A_960 : memref<1x256xf32, #tpu.memory_space<vmem_shared>> -> memref<256xf32, #tpu.memory_space<vmem_shared>>
      %dma_start3A_962 = arith.constant 0 : i32
      %dma_start3A_963 = tpu.memref_slice %arg25[%arg1, %dma_start3A_962] : memref<16x256xf32, #tpu.memory_space<vmem_shared>> -> memref<1x256xf32, #tpu.memory_space<vmem_shared>>
      %dma_start3A_964 = tpu.memref_squeeze %dma_start3A_963 : memref<1x256xf32, #tpu.memory_space<vmem_shared>> -> memref<256xf32, #tpu.memory_space<vmem_shared>>
      tpu.enqueue_dma source(%arg15 : memref<256xf32, #tpu.memory_space<vmem>>) target(%dma_start3A_964 : memref<256xf32, #tpu.memory_space<vmem_shared>>) target_semaphore(%run_scoped3A : memref<!tpu.dma_semaphore, #tpu.memory_space<semaphore_mem>>)
      %dma_wait3A_965 = arith.constant 0 : i32
      %dma_wait3A_966 = tpu.memref_slice %arg25[%arg1, %dma_wait3A_965] : memref<16x256xf32, #tpu.memory_space<vmem_shared>> -> memref<1x256xf32, #tpu.memory_space<vmem_shared>>
      %dma_wait3A_967 = tpu.memref_squeeze %dma_wait3A_966 : memref<1x256xf32, #tpu.memory_space<vmem_shared>> -> memref<256xf32, #tpu.memory_space<vmem_shared>>
      %dma_wait3A_968 = arith.constant 0 : i32
      %dma_wait3A_969 = tpu.memref_slice %arg25[%arg1, %dma_wait3A_968] : memref<16x256xf32, #tpu.memory_space<vmem_shared>> -> memref<1x256xf32, #tpu.memory_space<vmem_shared>>
      %dma_wait3A_970 = tpu.memref_squeeze %dma_wait3A_969 : memref<1x256xf32, #tpu.memory_space<vmem_shared>> -> memref<256xf32, #tpu.memory_space<vmem_shared>>
      tpu.wait_dma2 semaphore(%run_scoped3A : memref<!tpu.dma_semaphore, #tpu.memory_space<semaphore_mem>>) src(%arg15 : memref<256xf32, #tpu.memory_space<vmem>>) dst(%dma_wait3A_970 : memref<256xf32, #tpu.memory_space<vmem_shared>>)
      tpu.yield
    }) : () -> ()
    %barrier3A = arith.constant 0 : index
    tpu.barrier barrier_id(%barrier3A)
    %eq3A_914 = arith.constant 0 : i32
    %eq3A_915 = arith.cmpi eq, %select_n3A_54, %eq3A_914 : i32
    %convert_element_type3A = arith.extui %eq3A_915 : i1 to i32
    %cond3A = arith.constant 0 : i32
    %cond3A_916 = arith.cmpi ne, %convert_element_type3A, %cond3A : i32
    scf.if %cond3A_916 {
      "tpu.region"() ({
        %run_scoped3A = tpu.sem_alloc : memref<!tpu.dma_semaphore, #tpu.memory_space<semaphore_mem>>
        %dma_start3A_2091 = arith.constant 0 : i32
        %dma_start3A_2092 = tpu.memref_slice %arg25[%arg1, %dma_start3A_2091] : memref<16x256xf32, #tpu.memory_space<vmem_shared>> -> memref<1x256xf32, #tpu.memory_space<vmem_shared>>
        %dma_start3A_2093 = tpu.memref_squeeze %dma_start3A_2092 : memref<1x256xf32, #tpu.memory_space<vmem_shared>> -> memref<256xf32, #tpu.memory_space<vmem_shared>>
        %dma_start3A_2094 = arith.constant 0 : i32
        %dma_start3A_2095 = tpu.memref_slice %arg25[%arg1, %dma_start3A_2094] : memref<16x256xf32, #tpu.memory_space<vmem_shared>> -> memref<1x256xf32, #tpu.memory_space<vmem_shared>>
        %dma_start3A_2096 = tpu.memref_squeeze %dma_start3A_2095 : memref<1x256xf32, #tpu.memory_space<vmem_shared>> -> memref<256xf32, #tpu.memory_space<vmem_shared>>
        tpu.enqueue_dma source(%dma_start3A_2096 : memref<256xf32, #tpu.memory_space<vmem_shared>>) target(%arg16 : memref<256xf32, #tpu.memory_space<vmem>>) target_semaphore(%run_scoped3A : memref<!tpu.dma_semaphore, #tpu.memory_space<semaphore_mem>>)
        %dma_wait3A_2097 = arith.constant 0 : i32
        %dma_wait3A_2098 = tpu.memref_slice %arg25[%arg1, %dma_wait3A_2097] : memref<16x256xf32, #tpu.memory_space<vmem_shared>> -> memref<1x256xf32, #tpu.memory_space<vmem_shared>>
        %dma_wait3A_2099 = tpu.memref_squeeze %dma_wait3A_2098 : memref<1x256xf32, #tpu.memory_space<vmem_shared>> -> memref<256xf32, #tpu.memory_space<vmem_shared>>
        %dma_wait3A_2100 = arith.constant 0 : i32
        %dma_wait3A_2101 = tpu.memref_slice %arg25[%arg1, %dma_wait3A_2100] : memref<16x256xf32, #tpu.memory_space<vmem_shared>> -> memref<1x256xf32, #tpu.memory_space<vmem_shared>>
        %dma_wait3A_2102 = tpu.memref_squeeze %dma_wait3A_2101 : memref<1x256xf32, #tpu.memory_space<vmem_shared>> -> memref<256xf32, #tpu.memory_space<vmem_shared>>
        tpu.wait_dma2 semaphore(%run_scoped3A : memref<!tpu.dma_semaphore, #tpu.memory_space<semaphore_mem>>) src(%dma_wait3A_2102 : memref<256xf32, #tpu.memory_space<vmem_shared>>) dst(%arg16 : memref<256xf32, #tpu.memory_space<vmem>>)
        tpu.yield
      }) : () -> ()
      %add3A_959 = arith.constant 1 : i32
      %add3A_960 = arith.addi %arg1, %add3A_959 : i32
      "tpu.region"() ({
        %run_scoped3A = tpu.sem_alloc : memref<!tpu.dma_semaphore, #tpu.memory_space<semaphore_mem>>
        %dma_start3A_2091 = arith.constant 0 : i32
        %dma_start3A_2092 = tpu.memref_slice %arg25[%add3A_960, %dma_start3A_2091] : memref<16x256xf32, #tpu.memory_space<vmem_shared>> -> memref<1x256xf32, #tpu.memory_space<vmem_shared>>
        %dma_start3A_2093 = tpu.memref_squeeze %dma_start3A_2092 : memref<1x256xf32, #tpu.memory_space<vmem_shared>> -> memref<256xf32, #tpu.memory_space<vmem_shared>>
        %dma_start3A_2094 = arith.constant 0 : i32
        %dma_start3A_2095 = tpu.memref_slice %arg25[%add3A_960, %dma_start3A_2094] : memref<16x256xf32, #tpu.memory_space<vmem_shared>> -> memref<1x256xf32, #tpu.memory_space<vmem_shared>>
        %dma_start3A_2096 = tpu.memref_squeeze %dma_start3A_2095 : memref<1x256xf32, #tpu.memory_space<vmem_shared>> -> memref<256xf32, #tpu.memory_space<vmem_shared>>
        tpu.enqueue_dma source(%dma_start3A_2096 : memref<256xf32, #tpu.memory_space<vmem_shared>>) target(%arg17 : memref<256xf32, #tpu.memory_space<vmem>>) target_semaphore(%run_scoped3A : memref<!tpu.dma_semaphore, #tpu.memory_space<semaphore_mem>>)
        %dma_wait3A_2097 = arith.constant 0 : i32
        %dma_wait3A_2098 = tpu.memref_slice %arg25[%add3A_960, %dma_wait3A_2097] : memref<16x256xf32, #tpu.memory_space<vmem_shared>> -> memref<1x256xf32, #tpu.memory_space<vmem_shared>>
        %dma_wait3A_2099 = tpu.memref_squeeze %dma_wait3A_2098 : memref<1x256xf32, #tpu.memory_space<vmem_shared>> -> memref<256xf32, #tpu.memory_space<vmem_shared>>
        %dma_wait3A_2100 = arith.constant 0 : i32
        %dma_wait3A_2101 = tpu.memref_slice %arg25[%add3A_960, %dma_wait3A_2100] : memref<16x256xf32, #tpu.memory_space<vmem_shared>> -> memref<1x256xf32, #tpu.memory_space<vmem_shared>>
        %dma_wait3A_2102 = tpu.memref_squeeze %dma_wait3A_2101 : memref<1x256xf32, #tpu.memory_space<vmem_shared>> -> memref<256xf32, #tpu.memory_space<vmem_shared>>
        tpu.wait_dma2 semaphore(%run_scoped3A : memref<!tpu.dma_semaphore, #tpu.memory_space<semaphore_mem>>) src(%dma_wait3A_2102 : memref<256xf32, #tpu.memory_space<vmem_shared>>) dst(%arg17 : memref<256xf32, #tpu.memory_space<vmem>>)
        tpu.yield
      }) : () -> ()
      %add3A_961 = arith.constant 2 : i32
      %add3A_962 = arith.addi %arg1, %add3A_961 : i32
      "tpu.region"() ({
        %run_scoped3A = tpu.sem_alloc : memref<!tpu.dma_semaphore, #tpu.memory_space<semaphore_mem>>
        %dma_start3A_2091 = arith.constant 0 : i32
        %dma_start3A_2092 = tpu.memref_slice %arg25[%add3A_962, %dma_start3A_2091] : memref<16x256xf32, #tpu.memory_space<vmem_shared>> -> memref<1x256xf32, #tpu.memory_space<vmem_shared>>
        %dma_start3A_2093 = tpu.memref_squeeze %dma_start3A_2092 : memref<1x256xf32, #tpu.memory_space<vmem_shared>> -> memref<256xf32, #tpu.memory_space<vmem_shared>>
        %dma_start3A_2094 = arith.constant 0 : i32
        %dma_start3A_2095 = tpu.memref_slice %arg25[%add3A_962, %dma_start3A_2094] : memref<16x256xf32, #tpu.memory_space<vmem_shared>> -> memref<1x256xf32, #tpu.memory_space<vmem_shared>>
        %dma_start3A_2096 = tpu.memref_squeeze %dma_start3A_2095 : memref<1x256xf32, #tpu.memory_space<vmem_shared>> -> memref<256xf32, #tpu.memory_space<vmem_shared>>
        tpu.enqueue_dma source(%dma_start3A_2096 : memref<256xf32, #tpu.memory_space<vmem_shared>>) target(%arg18 : memref<256xf32, #tpu.memory_space<vmem>>) target_semaphore(%run_scoped3A : memref<!tpu.dma_semaphore, #tpu.memory_space<semaphore_mem>>)
        %dma_wait3A_2097 = arith.constant 0 : i32
        %dma_wait3A_2098 = tpu.memref_slice %arg25[%add3A_962, %dma_wait3A_2097] : memref<16x256xf32, #tpu.memory_space<vmem_shared>> -> memref<1x256xf32, #tpu.memory_space<vmem_shared>>
        %dma_wait3A_2099 = tpu.memref_squeeze %dma_wait3A_2098 : memref<1x256xf32, #tpu.memory_space<vmem_shared>> -> memref<256xf32, #tpu.memory_space<vmem_shared>>
        %dma_wait3A_2100 = arith.constant 0 : i32
        %dma_wait3A_2101 = tpu.memref_slice %arg25[%add3A_962, %dma_wait3A_2100] : memref<16x256xf32, #tpu.memory_space<vmem_shared>> -> memref<1x256xf32, #tpu.memory_space<vmem_shared>>
        %dma_wait3A_2102 = tpu.memref_squeeze %dma_wait3A_2101 : memref<1x256xf32, #tpu.memory_space<vmem_shared>> -> memref<256xf32, #tpu.memory_space<vmem_shared>>
        tpu.wait_dma2 semaphore(%run_scoped3A : memref<!tpu.dma_semaphore, #tpu.memory_space<semaphore_mem>>) src(%dma_wait3A_2102 : memref<256xf32, #tpu.memory_space<vmem_shared>>) dst(%arg18 : memref<256xf32, #tpu.memory_space<vmem>>)
        tpu.yield
      }) : () -> ()
      %add3A_963 = arith.constant 3 : i32
      %add3A_964 = arith.addi %arg1, %add3A_963 : i32
      "tpu.region"() ({
        %run_scoped3A = tpu.sem_alloc : memref<!tpu.dma_semaphore, #tpu.memory_space<semaphore_mem>>
        %dma_start3A_2091 = arith.constant 0 : i32
        %dma_start3A_2092 = tpu.memref_slice %arg25[%add3A_964, %dma_start3A_2091] : memref<16x256xf32, #tpu.memory_space<vmem_shared>> -> memref<1x256xf32, #tpu.memory_space<vmem_shared>>
        %dma_start3A_2093 = tpu.memref_squeeze %dma_start3A_2092 : memref<1x256xf32, #tpu.memory_space<vmem_shared>> -> memref<256xf32, #tpu.memory_space<vmem_shared>>
        %dma_start3A_2094 = arith.constant 0 : i32
        %dma_start3A_2095 = tpu.memref_slice %arg25[%add3A_964, %dma_start3A_2094] : memref<16x256xf32, #tpu.memory_space<vmem_shared>> -> memref<1x256xf32, #tpu.memory_space<vmem_shared>>
        %dma_start3A_2096 = tpu.memref_squeeze %dma_start3A_2095 : memref<1x256xf32, #tpu.memory_space<vmem_shared>> -> memref<256xf32, #tpu.memory_space<vmem_shared>>
        tpu.enqueue_dma source(%dma_start3A_2096 : memref<256xf32, #tpu.memory_space<vmem_shared>>) target(%arg19 : memref<256xf32, #tpu.memory_space<vmem>>) target_semaphore(%run_scoped3A : memref<!tpu.dma_semaphore, #tpu.memory_space<semaphore_mem>>)
        %dma_wait3A_2097 = arith.constant 0 : i32
        %dma_wait3A_2098 = tpu.memref_slice %arg25[%add3A_964, %dma_wait3A_2097] : memref<16x256xf32, #tpu.memory_space<vmem_shared>> -> memref<1x256xf32, #tpu.memory_space<vmem_shared>>
        %dma_wait3A_2099 = tpu.memref_squeeze %dma_wait3A_2098 : memref<1x256xf32, #tpu.memory_space<vmem_shared>> -> memref<256xf32, #tpu.memory_space<vmem_shared>>
        %dma_wait3A_2100 = arith.constant 0 : i32
        %dma_wait3A_2101 = tpu.memref_slice %arg25[%add3A_964, %dma_wait3A_2100] : memref<16x256xf32, #tpu.memory_space<vmem_shared>> -> memref<1x256xf32, #tpu.memory_space<vmem_shared>>
        %dma_wait3A_2102 = tpu.memref_squeeze %dma_wait3A_2101 : memref<1x256xf32, #tpu.memory_space<vmem_shared>> -> memref<256xf32, #tpu.memory_space<vmem_shared>>
        tpu.wait_dma2 semaphore(%run_scoped3A : memref<!tpu.dma_semaphore, #tpu.memory_space<semaphore_mem>>) src(%dma_wait3A_2102 : memref<256xf32, #tpu.memory_space<vmem_shared>>) dst(%arg19 : memref<256xf32, #tpu.memory_space<vmem>>)
        tpu.yield
      }) : () -> ()
      %get3A_965 = arith.constant 0 : index
      %get3A_966 = tpu.vector_load %arg16[%get3A_965] {strides = array<i32>} : memref<256xf32, #tpu.memory_space<vmem>>, vector<16xf32>,
      %get3A_967 = arith.constant 0 : index
      %get3A_968 = tpu.vector_load %arg17[%get3A_967] {strides = array<i32>} : memref<256xf32, #tpu.memory_space<vmem>>, vector<16xf32>,
      %add3A_969 = arith.addf %get3A_966, %get3A_968 : vector<16xf32>
      %get3A_970 = arith.constant 0 : index
      %get3A_971 = tpu.vector_load %arg18[%get3A_970] {strides = array<i32>} : memref<256xf32, #tpu.memory_space<vmem>>, vector<16xf32>,
      %add3A_972 = arith.addf %add3A_969, %get3A_971 : vector<16xf32>
      %get3A_973 = arith.constant 0 : index
      %get3A_974 = tpu.vector_load %arg19[%get3A_973] {strides = array<i32>} : memref<256xf32, #tpu.memory_space<vmem>>, vector<16xf32>,
      %add3A_975 = arith.addf %add3A_972, %get3A_974 : vector<16xf32>
      %swap3A_976 = arith.constant 0 : index
      %swap3A_977 = tpu.vector_load %arg15[%swap3A_976] {strides = array<i32>} : memref<256xf32, #tpu.memory_space<vmem>>, vector<16xf32>,
      tpu.vector_store %arg15[%swap3A_976], %add3A_975 {strides = array<i32>} : memref<256xf32, #tpu.memory_space<vmem>>, vector<16xf32>,
      %get3A_978 = arith.constant 16 : index
      %get3A_979 = tpu.vector_load %arg16[%get3A_978] {strides = array<i32>} : memref<256xf32, #tpu.memory_space<vmem>>, vector<16xf32>,
      %get3A_980 = arith.constant 16 : index
      %get3A_981 = tpu.vector_load %arg17[%get3A_980] {strides = array<i32>} : memref<256xf32, #tpu.memory_space<vmem>>, vector<16xf32>,
      %add3A_982 = arith.addf %get3A_979, %get3A_981 : vector<16xf32>
      %get3A_983 = arith.constant 16 : index
      %get3A_984 = tpu.vector_load %arg18[%get3A_983] {strides = array<i32>} : memref<256xf32, #tpu.memory_space<vmem>>, vector<16xf32>,
      %add3A_985 = arith.addf %add3A_982, %get3A_984 : vector<16xf32>
      %get3A_986 = arith.constant 16 : index
      %get3A_987 = tpu.vector_load %arg19[%get3A_986] {strides = array<i32>} : memref<256xf32, #tpu.memory_space<vmem>>, vector<16xf32>,
      %add3A_988 = arith.addf %add3A_985, %get3A_987 : vector<16xf32>
      %swap3A_989 = arith.constant 16 : index
      %swap3A_990 = tpu.vector_load %arg15[%swap3A_989] {strides = array<i32>} : memref<256xf32, #tpu.memory_space<vmem>>, vector<16xf32>,
      tpu.vector_store %arg15[%swap3A_989], %add3A_988 {strides = array<i32>} : memref<256xf32, #tpu.memory_space<vmem>>, vector<16xf32>,
      %get3A_991 = arith.constant 32 : index
      %get3A_992 = tpu.vector_load %arg16[%get3A_991] {strides = array<i32>} : memref<256xf32, #tpu.memory_space<vmem>>, vector<16xf32>,
      %get3A_993 = arith.constant 32 : index
      %get3A_994 = tpu.vector_load %arg17[%get3A_993] {strides = array<i32>} : memref<256xf32, #tpu.memory_space<vmem>>, vector<16xf32>,
      %add3A_995 = arith.addf %get3A_992, %get3A_994 : vector<16xf32>
      %get3A_996 = arith.constant 32 : index
      %get3A_997 = tpu.vector_load %arg18[%get3A_996] {strides = array<i32>} : memref<256xf32, #tpu.memory_space<vmem>>, vector<16xf32>,
      %add3A_998 = arith.addf %add3A_995, %get3A_997 : vector<16xf32>
      %get3A_999 = arith.constant 32 : index
      %get3A_1000 = tpu.vector_load %arg19[%get3A_999] {strides = array<i32>} : memref<256xf32, #tpu.memory_space<vmem>>, vector<16xf32>,
      %add3A_1001 = arith.addf %add3A_998, %get3A_1000 : vector<16xf32>
      %swap3A_1002 = arith.constant 32 : index
      %swap3A_1003 = tpu.vector_load %arg15[%swap3A_1002] {strides = array<i32>} : memref<256xf32, #tpu.memory_space<vmem>>, vector<16xf32>,
      tpu.vector_store %arg15[%swap3A_1002], %add3A_1001 {strides = array<i32>} : memref<256xf32, #tpu.memory_space<vmem>>, vector<16xf32>,
      %get3A_1004 = arith.constant 48 : index
      %get3A_1005 = tpu.vector_load %arg16[%get3A_1004] {strides = array<i32>} : memref<256xf32, #tpu.memory_space<vmem>>, vector<16xf32>,
      %get3A_1006 = arith.constant 48 : index
      %get3A_1007 = tpu.vector_load %arg17[%get3A_1006] {strides = array<i32>} : memref<256xf32, #tpu.memory_space<vmem>>, vector<16xf32>,
      %add3A_1008 = arith.addf %get3A_1005, %get3A_1007 : vector<16xf32>
      %get3A_1009 = arith.constant 48 : index
      %get3A_1010 = tpu.vector_load %arg18[%get3A_1009] {strides = array<i32>} : memref<256xf32, #tpu.memory_space<vmem>>, vector<16xf32>,
      %add3A_1011 = arith.addf %add3A_1008, %get3A_1010 : vector<16xf32>
      %get3A_1012 = arith.constant 48 : index
      %get3A_1013 = tpu.vector_load %arg19[%get3A_1012] {strides = array<i32>} : memref<256xf32, #tpu.memory_space<vmem>>, vector<16xf32>,
      %add3A_1014 = arith.addf %add3A_1011, %get3A_1013 : vector<16xf32>
      %swap3A_1015 = arith.constant 48 : index
      %swap3A_1016 = tpu.vector_load %arg15[%swap3A_1015] {strides = array<i32>} : memref<256xf32, #tpu.memory_space<vmem>>, vector<16xf32>,
      tpu.vector_store %arg15[%swap3A_1015], %add3A_1014 {strides = array<i32>} : memref<256xf32, #tpu.memory_space<vmem>>, vector<16xf32>,
      %get3A_1017 = arith.constant 64 : index
      %get3A_1018 = tpu.vector_load %arg16[%get3A_1017] {strides = array<i32>} : memref<256xf32, #tpu.memory_space<vmem>>, vector<16xf32>,
      %get3A_1019 = arith.constant 64 : index
      %get3A_1020 = tpu.vector_load %arg17[%get3A_1019] {strides = array<i32>} : memref<256xf32, #tpu.memory_space<vmem>>, vector<16xf32>,
      %add3A_1021 = arith.addf %get3A_1018, %get3A_1020 : vector<16xf32>
      %get3A_1022 = arith.constant 64 : index
      %get3A_1023 = tpu.vector_load %arg18[%get3A_1022] {strides = array<i32>} : memref<256xf32, #tpu.memory_space<vmem>>, vector<16xf32>,
      %add3A_1024 = arith.addf %add3A_1021, %get3A_1023 : vector<16xf32>
      %get3A_1025 = arith.constant 64 : index
      %get3A_1026 = tpu.vector_load %arg19[%get3A_1025] {strides = array<i32>} : memref<256xf32, #tpu.memory_space<vmem>>, vector<16xf32>,
      %add3A_1027 = arith.addf %add3A_1024, %get3A_1026 : vector<16xf32>
      %swap3A_1028 = arith.constant 64 : index
      %swap3A_1029 = tpu.vector_load %arg15[%swap3A_1028] {strides = array<i32>} : memref<256xf32, #tpu.memory_space<vmem>>, vector<16xf32>,
      tpu.vector_store %arg15[%swap3A_1028], %add3A_1027 {strides = array<i32>} : memref<256xf32, #tpu.memory_space<vmem>>, vector<16xf32>,
      %get3A_1030 = arith.constant 80 : index
      %get3A_1031 = tpu.vector_load %arg16[%get3A_1030] {strides = array<i32>} : memref<256xf32, #tpu.memory_space<vmem>>, vector<16xf32>,
      %get3A_1032 = arith.constant 80 : index
      %get3A_1033 = tpu.vector_load %arg17[%get3A_1032] {strides = array<i32>} : memref<256xf32, #tpu.memory_space<vmem>>, vector<16xf32>,
      %add3A_1034 = arith.addf %get3A_1031, %get3A_1033 : vector<16xf32>
      %get3A_1035 = arith.constant 80 : index
      %get3A_1036 = tpu.vector_load %arg18[%get3A_1035] {strides = array<i32>} : memref<256xf32, #tpu.memory_space<vmem>>, vector<16xf32>,
      %add3A_1037 = arith.addf %add3A_1034, %get3A_1036 : vector<16xf32>
      %get3A_1038 = arith.constant 80 : index
      %get3A_1039 = tpu.vector_load %arg19[%get3A_1038] {strides = array<i32>} : memref<256xf32, #tpu.memory_space<vmem>>, vector<16xf32>,
      %add3A_1040 = arith.addf %add3A_1037, %get3A_1039 : vector<16xf32>
      %swap3A_1041 = arith.constant 80 : index
      %swap3A_1042 = tpu.vector_load %arg15[%swap3A_1041] {strides = array<i32>} : memref<256xf32, #tpu.memory_space<vmem>>, vector<16xf32>,
      tpu.vector_store %arg15[%swap3A_1041], %add3A_1040 {strides = array<i32>} : memref<256xf32, #tpu.memory_space<vmem>>, vector<16xf32>,
      %get3A_1043 = arith.constant 96 : index
      %get3A_1044 = tpu.vector_load %arg16[%get3A_1043] {strides = array<i32>} : memref<256xf32, #tpu.memory_space<vmem>>, vector<16xf32>,
      %get3A_1045 = arith.constant 96 : index
      %get3A_1046 = tpu.vector_load %arg17[%get3A_1045] {strides = array<i32>} : memref<256xf32, #tpu.memory_space<vmem>>, vector<16xf32>,
      %add3A_1047 = arith.addf %get3A_1044, %get3A_1046 : vector<16xf32>
      %get3A_1048 = arith.constant 96 : index
      %get3A_1049 = tpu.vector_load %arg18[%get3A_1048] {strides = array<i32>} : memref<256xf32, #tpu.memory_space<vmem>>, vector<16xf32>,
      %add3A_1050 = arith.addf %add3A_1047, %get3A_1049 : vector<16xf32>
      %get3A_1051 = arith.constant 96 : index
      %get3A_1052 = tpu.vector_load %arg19[%get3A_1051] {strides = array<i32>} : memref<256xf32, #tpu.memory_space<vmem>>, vector<16xf32>,
      %add3A_1053 = arith.addf %add3A_1050, %get3A_1052 : vector<16xf32>
      %swap3A_1054 = arith.constant 96 : index
      %swap3A_1055 = tpu.vector_load %arg15[%swap3A_1054] {strides = array<i32>} : memref<256xf32, #tpu.memory_space<vmem>>, vector<16xf32>,
      tpu.vector_store %arg15[%swap3A_1054], %add3A_1053 {strides = array<i32>} : memref<256xf32, #tpu.memory_space<vmem>>, vector<16xf32>,
      %get3A_1056 = arith.constant 112 : index
      %get3A_1057 = tpu.vector_load %arg16[%get3A_1056] {strides = array<i32>} : memref<256xf32, #tpu.memory_space<vmem>>, vector<16xf32>,
      %get3A_1058 = arith.constant 112 : index
      %get3A_1059 = tpu.vector_load %arg17[%get3A_1058] {strides = array<i32>} : memref<256xf32, #tpu.memory_space<vmem>>, vector<16xf32>,
      %add3A_1060 = arith.addf %get3A_1057, %get3A_1059 : vector<16xf32>
      %get3A_1061 = arith.constant 112 : index
      %get3A_1062 = tpu.vector_load %arg18[%get3A_1061] {strides = array<i32>} : memref<256xf32, #tpu.memory_space<vmem>>, vector<16xf32>,
      %add3A_1063 = arith.addf %add3A_1060, %get3A_1062 : vector<16xf32>
      %get3A_1064 = arith.constant 112 : index
      %get3A_1065 = tpu.vector_load %arg19[%get3A_1064] {strides = array<i32>} : memref<256xf32, #tpu.memory_space<vmem>>, vector<16xf32>,
      %add3A_1066 = arith.addf %add3A_1063, %get3A_1065 : vector<16xf32>
      %swap3A_1067 = arith.constant 112 : index
      %swap3A_1068 = tpu.vector_load %arg15[%swap3A_1067] {strides = array<i32>} : memref<256xf32, #tpu.memory_space<vmem>>, vector<16xf32>,
      tpu.vector_store %arg15[%swap3A_1067], %add3A_1066 {strides = array<i32>} : memref<256xf32, #tpu.memory_space<vmem>>, vector<16xf32>,
      %get3A_1069 = arith.constant 128 : index
      %get3A_1070 = tpu.vector_load %arg16[%get3A_1069] {strides = array<i32>} : memref<256xf32, #tpu.memory_space<vmem>>, vector<16xf32>,
      %get3A_1071 = arith.constant 128 : index
      %get3A_1072 = tpu.vector_load %arg17[%get3A_1071] {strides = array<i32>} : memref<256xf32, #tpu.memory_space<vmem>>, vector<16xf32>,
      %add3A_1073 = arith.addf %get3A_1070, %get3A_1072 : vector<16xf32>
      %get3A_1074 = arith.constant 128 : index
      %get3A_1075 = tpu.vector_load %arg18[%get3A_1074] {strides = array<i32>} : memref<256xf32, #tpu.memory_space<vmem>>, vector<16xf32>,
      %add3A_1076 = arith.addf %add3A_1073, %get3A_1075 : vector<16xf32>
      %get3A_1077 = arith.constant 128 : index
      %get3A_1078 = tpu.vector_load %arg19[%get3A_1077] {strides = array<i32>} : memref<256xf32, #tpu.memory_space<vmem>>, vector<16xf32>,
      %add3A_1079 = arith.addf %add3A_1076, %get3A_1078 : vector<16xf32>
      %swap3A_1080 = arith.constant 128 : index
      %swap3A_1081 = tpu.vector_load %arg15[%swap3A_1080] {strides = array<i32>} : memref<256xf32, #tpu.memory_space<vmem>>, vector<16xf32>,
      tpu.vector_store %arg15[%swap3A_1080], %add3A_1079 {strides = array<i32>} : memref<256xf32, #tpu.memory_space<vmem>>, vector<16xf32>,
      %get3A_1082 = arith.constant 144 : index
      %get3A_1083 = tpu.vector_load %arg16[%get3A_1082] {strides = array<i32>} : memref<256xf32, #tpu.memory_space<vmem>>, vector<16xf32>,
      %get3A_1084 = arith.constant 144 : index
      %get3A_1085 = tpu.vector_load %arg17[%get3A_1084] {strides = array<i32>} : memref<256xf32, #tpu.memory_space<vmem>>, vector<16xf32>,
      %add3A_1086 = arith.addf %get3A_1083, %get3A_1085 : vector<16xf32>
      %get3A_1087 = arith.constant 144 : index
      %get3A_1088 = tpu.vector_load %arg18[%get3A_1087] {strides = array<i32>} : memref<256xf32, #tpu.memory_space<vmem>>, vector<16xf32>,
      %add3A_1089 = arith.addf %add3A_1086, %get3A_1088 : vector<16xf32>
      %get3A_1090 = arith.constant 144 : index
      %get3A_1091 = tpu.vector_load %arg19[%get3A_1090] {strides = array<i32>} : memref<256xf32, #tpu.memory_space<vmem>>, vector<16xf32>,
      %add3A_1092 = arith.addf %add3A_1089, %get3A_1091 : vector<16xf32>
      %swap3A_1093 = arith.constant 144 : index
      %swap3A_1094 = tpu.vector_load %arg15[%swap3A_1093] {strides = array<i32>} : memref<256xf32, #tpu.memory_space<vmem>>, vector<16xf32>,
      tpu.vector_store %arg15[%swap3A_1093], %add3A_1092 {strides = array<i32>} : memref<256xf32, #tpu.memory_space<vmem>>, vector<16xf32>,
      %get3A_1095 = arith.constant 160 : index
      %get3A_1096 = tpu.vector_load %arg16[%get3A_1095] {strides = array<i32>} : memref<256xf32, #tpu.memory_space<vmem>>, vector<16xf32>,
      %get3A_1097 = arith.constant 160 : index
      %get3A_1098 = tpu.vector_load %arg17[%get3A_1097] {strides = array<i32>} : memref<256xf32, #tpu.memory_space<vmem>>, vector<16xf32>,
      %add3A_1099 = arith.addf %get3A_1096, %get3A_1098 : vector<16xf32>
      %get3A_1100 = arith.constant 160 : index
      %get3A_1101 = tpu.vector_load %arg18[%get3A_1100] {strides = array<i32>} : memref<256xf32, #tpu.memory_space<vmem>>, vector<16xf32>,
      %add3A_1102 = arith.addf %add3A_1099, %get3A_1101 : vector<16xf32>
      %get3A_1103 = arith.constant 160 : index
      %get3A_1104 = tpu.vector_load %arg19[%get3A_1103] {strides = array<i32>} : memref<256xf32, #tpu.memory_space<vmem>>, vector<16xf32>,
      %add3A_1105 = arith.addf %add3A_1102, %get3A_1104 : vector<16xf32>
      %swap3A_1106 = arith.constant 160 : index
      %swap3A_1107 = tpu.vector_load %arg15[%swap3A_1106] {strides = array<i32>} : memref<256xf32, #tpu.memory_space<vmem>>, vector<16xf32>,
      tpu.vector_store %arg15[%swap3A_1106], %add3A_1105 {strides = array<i32>} : memref<256xf32, #tpu.memory_space<vmem>>, vector<16xf32>,
      %get3A_1108 = arith.constant 176 : index
      %get3A_1109 = tpu.vector_load %arg16[%get3A_1108] {strides = array<i32>} : memref<256xf32, #tpu.memory_space<vmem>>, vector<16xf32>,
      %get3A_1110 = arith.constant 176 : index
      %get3A_1111 = tpu.vector_load %arg17[%get3A_1110] {strides = array<i32>} : memref<256xf32, #tpu.memory_space<vmem>>, vector<16xf32>,
      %add3A_1112 = arith.addf %get3A_1109, %get3A_1111 : vector<16xf32>
      %get3A_1113 = arith.constant 176 : index
      %get3A_1114 = tpu.vector_load %arg18[%get3A_1113] {strides = array<i32>} : memref<256xf32, #tpu.memory_space<vmem>>, vector<16xf32>,
      %add3A_1115 = arith.addf %add3A_1112, %get3A_1114 : vector<16xf32>
      %get3A_1116 = arith.constant 176 : index
      %get3A_1117 = tpu.vector_load %arg19[%get3A_1116] {strides = array<i32>} : memref<256xf32, #tpu.memory_space<vmem>>, vector<16xf32>,
      %add3A_1118 = arith.addf %add3A_1115, %get3A_1117 : vector<16xf32>
      %swap3A_1119 = arith.constant 176 : index
      %swap3A_1120 = tpu.vector_load %arg15[%swap3A_1119] {strides = array<i32>} : memref<256xf32, #tpu.memory_space<vmem>>, vector<16xf32>,
      tpu.vector_store %arg15[%swap3A_1119], %add3A_1118 {strides = array<i32>} : memref<256xf32, #tpu.memory_space<vmem>>, vector<16xf32>,
      %get3A_1121 = arith.constant 192 : index
      %get3A_1122 = tpu.vector_load %arg16[%get3A_1121] {strides = array<i32>} : memref<256xf32, #tpu.memory_space<vmem>>, vector<16xf32>,
      %get3A_1123 = arith.constant 192 : index
      %get3A_1124 = tpu.vector_load %arg17[%get3A_1123] {strides = array<i32>} : memref<256xf32, #tpu.memory_space<vmem>>, vector<16xf32>,
      %add3A_1125 = arith.addf %get3A_1122, %get3A_1124 : vector<16xf32>
      %get3A_1126 = arith.constant 192 : index
      %get3A_1127 = tpu.vector_load %arg18[%get3A_1126] {strides = array<i32>} : memref<256xf32, #tpu.memory_space<vmem>>, vector<16xf32>,
      %add3A_1128 = arith.addf %add3A_1125, %get3A_1127 : vector<16xf32>
      %get3A_1129 = arith.constant 192 : index
      %get3A_1130 = tpu.vector_load %arg19[%get3A_1129] {strides = array<i32>} : memref<256xf32, #tpu.memory_space<vmem>>, vector<16xf32>,
      %add3A_1131 = arith.addf %add3A_1128, %get3A_1130 : vector<16xf32>
      %swap3A_1132 = arith.constant 192 : index
      %swap3A_1133 = tpu.vector_load %arg15[%swap3A_1132] {strides = array<i32>} : memref<256xf32, #tpu.memory_space<vmem>>, vector<16xf32>,
      tpu.vector_store %arg15[%swap3A_1132], %add3A_1131 {strides = array<i32>} : memref<256xf32, #tpu.memory_space<vmem>>, vector<16xf32>,
      %get3A_1134 = arith.constant 208 : index
      %get3A_1135 = tpu.vector_load %arg16[%get3A_1134] {strides = array<i32>} : memref<256xf32, #tpu.memory_space<vmem>>, vector<16xf32>,
      %get3A_1136 = arith.constant 208 : index
      %get3A_1137 = tpu.vector_load %arg17[%get3A_1136] {strides = array<i32>} : memref<256xf32, #tpu.memory_space<vmem>>, vector<16xf32>,
      %add3A_1138 = arith.addf %get3A_1135, %get3A_1137 : vector<16xf32>
      %get3A_1139 = arith.constant 208 : index
      %get3A_1140 = tpu.vector_load %arg18[%get3A_1139] {strides = array<i32>} : memref<256xf32, #tpu.memory_space<vmem>>, vector<16xf32>,
      %add3A_1141 = arith.addf %add3A_1138, %get3A_1140 : vector<16xf32>
      %get3A_1142 = arith.constant 208 : index
      %get3A_1143 = tpu.vector_load %arg19[%get3A_1142] {strides = array<i32>} : memref<256xf32, #tpu.memory_space<vmem>>, vector<16xf32>,
      %add3A_1144 = arith.addf %add3A_1141, %get3A_1143 : vector<16xf32>
      %swap3A_1145 = arith.constant 208 : index
      %swap3A_1146 = tpu.vector_load %arg15[%swap3A_1145] {strides = array<i32>} : memref<256xf32, #tpu.memory_space<vmem>>, vector<16xf32>,
      tpu.vector_store %arg15[%swap3A_1145], %add3A_1144 {strides = array<i32>} : memref<256xf32, #tpu.memory_space<vmem>>, vector<16xf32>,
      %get3A_1147 = arith.constant 224 : index
      %get3A_1148 = tpu.vector_load %arg16[%get3A_1147] {strides = array<i32>} : memref<256xf32, #tpu.memory_space<vmem>>, vector<16xf32>,
      %get3A_1149 = arith.constant 224 : index
      %get3A_1150 = tpu.vector_load %arg17[%get3A_1149] {strides = array<i32>} : memref<256xf32, #tpu.memory_space<vmem>>, vector<16xf32>,
      %add3A_1151 = arith.addf %get3A_1148, %get3A_1150 : vector<16xf32>
      %get3A_1152 = arith.constant 224 : index
      %get3A_1153 = tpu.vector_load %arg18[%get3A_1152] {strides = array<i32>} : memref<256xf32, #tpu.memory_space<vmem>>, vector<16xf32>,
      %add3A_1154 = arith.addf %add3A_1151, %get3A_1153 : vector<16xf32>
      %get3A_1155 = arith.constant 224 : index
      %get3A_1156 = tpu.vector_load %arg19[%get3A_1155] {strides = array<i32>} : memref<256xf32, #tpu.memory_space<vmem>>, vector<16xf32>,
      %add3A_1157 = arith.addf %add3A_1154, %get3A_1156 : vector<16xf32>
      %swap3A_1158 = arith.constant 224 : index
      %swap3A_1159 = tpu.vector_load %arg15[%swap3A_1158] {strides = array<i32>} : memref<256xf32, #tpu.memory_space<vmem>>, vector<16xf32>,
      tpu.vector_store %arg15[%swap3A_1158], %add3A_1157 {strides = array<i32>} : memref<256xf32, #tpu.memory_space<vmem>>, vector<16xf32>,
      %get3A_1160 = arith.constant 240 : index
      %get3A_1161 = tpu.vector_load %arg16[%get3A_1160] {strides = array<i32>} : memref<256xf32, #tpu.memory_space<vmem>>, vector<16xf32>,
      %get3A_1162 = arith.constant 240 : index
      %get3A_1163 = tpu.vector_load %arg17[%get3A_1162] {strides = array<i32>} : memref<256xf32, #tpu.memory_space<vmem>>, vector<16xf32>,
      %add3A_1164 = arith.addf %get3A_1161, %get3A_1163 : vector<16xf32>
      %get3A_1165 = arith.constant 240 : index
      %get3A_1166 = tpu.vector_load %arg18[%get3A_1165] {strides = array<i32>} : memref<256xf32, #tpu.memory_space<vmem>>, vector<16xf32>,
      %add3A_1167 = arith.addf %add3A_1164, %get3A_1166 : vector<16xf32>
      %get3A_1168 = arith.constant 240 : index
      %get3A_1169 = tpu.vector_load %arg19[%get3A_1168] {strides = array<i32>} : memref<256xf32, #tpu.memory_space<vmem>>, vector<16xf32>,
      %add3A_1170 = arith.addf %add3A_1167, %get3A_1169 : vector<16xf32>
      %swap3A_1171 = arith.constant 240 : index
      %swap3A_1172 = tpu.vector_load %arg15[%swap3A_1171] {strides = array<i32>} : memref<256xf32, #tpu.memory_space<vmem>>, vector<16xf32>,
      tpu.vector_store %arg15[%swap3A_1171], %add3A_1170 {strides = array<i32>} : memref<256xf32, #tpu.memory_space<vmem>>, vector<16xf32>,
      %get3A_1173 = arith.constant 192 : index
      %get3A_1174 = tpu.vector_load %arg15[%get3A_1173] {strides = array<i32>} : memref<256xf32, #tpu.memory_space<vmem>>, vector<16xf32>,
      %add3A_1175 = arith.constant 9.99999974E-6 : f32
      %add3A_1176 = vector.broadcast %add3A_1175 : f32 to vector<16xf32>
      %add3A_1177 = arith.addf %get3A_1174, %add3A_1176 : vector<16xf32>
      %get3A_1178 = arith.constant 0 : index
      %get3A_1179 = tpu.vector_load %arg15[%get3A_1178] {strides = array<i32>} : memref<256xf32, #tpu.memory_space<vmem>>, vector<16xf32>,
      %div3A_1180 = arith.divf %get3A_1179, %add3A_1177 : vector<16xf32>
      %swap3A_1181 = arith.constant 0 : index
      %swap3A_1182 = tpu.vector_load %arg20[%swap3A_1181] {strides = array<i32>} : memref<256xf32, #tpu.memory_space<vmem>>, vector<16xf32>,
      tpu.vector_store %arg20[%swap3A_1181], %div3A_1180 {strides = array<i32>} : memref<256xf32, #tpu.memory_space<vmem>>, vector<16xf32>,
      %get3A_1183 = arith.constant 64 : index
      %get3A_1184 = tpu.vector_load %arg15[%get3A_1183] {strides = array<i32>} : memref<256xf32, #tpu.memory_space<vmem>>, vector<16xf32>,
      %div3A_1185 = arith.divf %get3A_1184, %add3A_1177 : vector<16xf32>
      %swap3A_1186 = arith.constant 64 : index
      %swap3A_1187 = tpu.vector_load %arg20[%swap3A_1186] {strides = array<i32>} : memref<256xf32, #tpu.memory_space<vmem>>, vector<16xf32>,
      tpu.vector_store %arg20[%swap3A_1186], %div3A_1185 {strides = array<i32>} : memref<256xf32, #tpu.memory_space<vmem>>, vector<16xf32>,
      %get3A_1188 = arith.constant 128 : index
      %get3A_1189 = tpu.vector_load %arg15[%get3A_1188] {strides = array<i32>} : memref<256xf32, #tpu.memory_space<vmem>>, vector<16xf32>,
      %div3A_1190 = arith.divf %get3A_1189, %add3A_1177 : vector<16xf32>
      %swap3A_1191 = arith.constant 128 : index
      %swap3A_1192 = tpu.vector_load %arg20[%swap3A_1191] {strides = array<i32>} : memref<256xf32, #tpu.memory_space<vmem>>, vector<16xf32>,
      tpu.vector_store %arg20[%swap3A_1191], %div3A_1190 {strides = array<i32>} : memref<256xf32, #tpu.memory_space<vmem>>, vector<16xf32>,
      %gt3A = arith.constant 5.000000e-01 : f32
      %gt3A_1193 = vector.broadcast %gt3A : f32 to vector<16xf32>
      %gt3A_1194 = arith.cmpf ogt, %get3A_1174, %gt3A_1193 : vector<16xf32>
      %broadcast_in_dim3A_1195 = arith.constant 1.000000e+00 : f32
      %broadcast_in_dim3A_1196 = vector.broadcast %broadcast_in_dim3A_1195 : f32 to vector<16xf32>
      %broadcast_in_dim3A_1197 = arith.constant 0.000000e+00 : f32
      %broadcast_in_dim3A_1198 = vector.broadcast %broadcast_in_dim3A_1197 : f32 to vector<16xf32>
      %select_n3A_1199 = arith.select %gt3A_1194, %broadcast_in_dim3A_1196, %broadcast_in_dim3A_1198 : vector<16xi1>, vector<16xf32>
      %swap3A_1200 = arith.constant 0 : i32
      %swap3A_1201 = arith.index_cast %swap3A_1200 : i32 to index
      %swap3A_1202 = arith.constant 0 : index
      %swap3A_1203 = tpu.vector_load %arg22[%swap3A_1201, %swap3A_1202] {strides = array<i32>} : memref<1x64xf32, #tpu.memory_space<vmem>>, vector<16xf32>,
      tpu.vector_store %arg22[%swap3A_1201, %swap3A_1202], %select_n3A_1199 {strides = array<i32>} : memref<1x64xf32, #tpu.memory_space<vmem>>, vector<16xf32>,
      %get3A_1204 = arith.constant 208 : index
      %get3A_1205 = tpu.vector_load %arg15[%get3A_1204] {strides = array<i32>} : memref<256xf32, #tpu.memory_space<vmem>>, vector<16xf32>,
      %add3A_1206 = arith.constant 9.99999974E-6 : f32
      %add3A_1207 = vector.broadcast %add3A_1206 : f32 to vector<16xf32>
      %add3A_1208 = arith.addf %get3A_1205, %add3A_1207 : vector<16xf32>
      %get3A_1209 = arith.constant 16 : index
      %get3A_1210 = tpu.vector_load %arg15[%get3A_1209] {strides = array<i32>} : memref<256xf32, #tpu.memory_space<vmem>>, vector<16xf32>,
      %div3A_1211 = arith.divf %get3A_1210, %add3A_1208 : vector<16xf32>
      %swap3A_1212 = arith.constant 16 : index
      %swap3A_1213 = tpu.vector_load %arg20[%swap3A_1212] {strides = array<i32>} : memref<256xf32, #tpu.memory_space<vmem>>, vector<16xf32>,
      tpu.vector_store %arg20[%swap3A_1212], %div3A_1211 {strides = array<i32>} : memref<256xf32, #tpu.memory_space<vmem>>, vector<16xf32>,
      %get3A_1214 = arith.constant 80 : index
      %get3A_1215 = tpu.vector_load %arg15[%get3A_1214] {strides = array<i32>} : memref<256xf32, #tpu.memory_space<vmem>>, vector<16xf32>,
      %div3A_1216 = arith.divf %get3A_1215, %add3A_1208 : vector<16xf32>
      %swap3A_1217 = arith.constant 80 : index
      %swap3A_1218 = tpu.vector_load %arg20[%swap3A_1217] {strides = array<i32>} : memref<256xf32, #tpu.memory_space<vmem>>, vector<16xf32>,
      tpu.vector_store %arg20[%swap3A_1217], %div3A_1216 {strides = array<i32>} : memref<256xf32, #tpu.memory_space<vmem>>, vector<16xf32>,
      %get3A_1219 = arith.constant 144 : index
      %get3A_1220 = tpu.vector_load %arg15[%get3A_1219] {strides = array<i32>} : memref<256xf32, #tpu.memory_space<vmem>>, vector<16xf32>,
      %div3A_1221 = arith.divf %get3A_1220, %add3A_1208 : vector<16xf32>
      %swap3A_1222 = arith.constant 144 : index
      %swap3A_1223 = tpu.vector_load %arg20[%swap3A_1222] {strides = array<i32>} : memref<256xf32, #tpu.memory_space<vmem>>, vector<16xf32>,
      tpu.vector_store %arg20[%swap3A_1222], %div3A_1221 {strides = array<i32>} : memref<256xf32, #tpu.memory_space<vmem>>, vector<16xf32>,
      %gt3A_1224 = arith.constant 5.000000e-01 : f32
      %gt3A_1225 = vector.broadcast %gt3A_1224 : f32 to vector<16xf32>
      %gt3A_1226 = arith.cmpf ogt, %get3A_1205, %gt3A_1225 : vector<16xf32>
      %broadcast_in_dim3A_1227 = arith.constant 1.000000e+00 : f32
      %broadcast_in_dim3A_1228 = vector.broadcast %broadcast_in_dim3A_1227 : f32 to vector<16xf32>
      %broadcast_in_dim3A_1229 = arith.constant 0.000000e+00 : f32
      %broadcast_in_dim3A_1230 = vector.broadcast %broadcast_in_dim3A_1229 : f32 to vector<16xf32>
      %select_n3A_1231 = arith.select %gt3A_1226, %broadcast_in_dim3A_1228, %broadcast_in_dim3A_1230 : vector<16xi1>, vector<16xf32>
      %swap3A_1232 = arith.constant 0 : i32
      %swap3A_1233 = arith.index_cast %swap3A_1232 : i32 to index
      %swap3A_1234 = arith.constant 16 : index
      %swap3A_1235 = tpu.vector_load %arg22[%swap3A_1233, %swap3A_1234] {strides = array<i32>} : memref<1x64xf32, #tpu.memory_space<vmem>>, vector<16xf32>,
      tpu.vector_store %arg22[%swap3A_1233, %swap3A_1234], %select_n3A_1231 {strides = array<i32>} : memref<1x64xf32, #tpu.memory_space<vmem>>, vector<16xf32>,
      %get3A_1236 = arith.constant 224 : index
      %get3A_1237 = tpu.vector_load %arg15[%get3A_1236] {strides = array<i32>} : memref<256xf32, #tpu.memory_space<vmem>>, vector<16xf32>,
      %add3A_1238 = arith.constant 9.99999974E-6 : f32
      %add3A_1239 = vector.broadcast %add3A_1238 : f32 to vector<16xf32>
      %add3A_1240 = arith.addf %get3A_1237, %add3A_1239 : vector<16xf32>
      %get3A_1241 = arith.constant 32 : index
      %get3A_1242 = tpu.vector_load %arg15[%get3A_1241] {strides = array<i32>} : memref<256xf32, #tpu.memory_space<vmem>>, vector<16xf32>,
      %div3A_1243 = arith.divf %get3A_1242, %add3A_1240 : vector<16xf32>
      %swap3A_1244 = arith.constant 32 : index
      %swap3A_1245 = tpu.vector_load %arg20[%swap3A_1244] {strides = array<i32>} : memref<256xf32, #tpu.memory_space<vmem>>, vector<16xf32>,
      tpu.vector_store %arg20[%swap3A_1244], %div3A_1243 {strides = array<i32>} : memref<256xf32, #tpu.memory_space<vmem>>, vector<16xf32>,
      %get3A_1246 = arith.constant 96 : index
      %get3A_1247 = tpu.vector_load %arg15[%get3A_1246] {strides = array<i32>} : memref<256xf32, #tpu.memory_space<vmem>>, vector<16xf32>,
      %div3A_1248 = arith.divf %get3A_1247, %add3A_1240 : vector<16xf32>
      %swap3A_1249 = arith.constant 96 : index
      %swap3A_1250 = tpu.vector_load %arg20[%swap3A_1249] {strides = array<i32>} : memref<256xf32, #tpu.memory_space<vmem>>, vector<16xf32>,
      tpu.vector_store %arg20[%swap3A_1249], %div3A_1248 {strides = array<i32>} : memref<256xf32, #tpu.memory_space<vmem>>, vector<16xf32>,
      %get3A_1251 = arith.constant 160 : index
      %get3A_1252 = tpu.vector_load %arg15[%get3A_1251] {strides = array<i32>} : memref<256xf32, #tpu.memory_space<vmem>>, vector<16xf32>,
      %div3A_1253 = arith.divf %get3A_1252, %add3A_1240 : vector<16xf32>
      %swap3A_1254 = arith.constant 160 : index
      %swap3A_1255 = tpu.vector_load %arg20[%swap3A_1254] {strides = array<i32>} : memref<256xf32, #tpu.memory_space<vmem>>, vector<16xf32>,
      tpu.vector_store %arg20[%swap3A_1254], %div3A_1253 {strides = array<i32>} : memref<256xf32, #tpu.memory_space<vmem>>, vector<16xf32>,
      %gt3A_1256 = arith.constant 5.000000e-01 : f32
      %gt3A_1257 = vector.broadcast %gt3A_1256 : f32 to vector<16xf32>
      %gt3A_1258 = arith.cmpf ogt, %get3A_1237, %gt3A_1257 : vector<16xf32>
      %broadcast_in_dim3A_1259 = arith.constant 1.000000e+00 : f32
      %broadcast_in_dim3A_1260 = vector.broadcast %broadcast_in_dim3A_1259 : f32 to vector<16xf32>
      %broadcast_in_dim3A_1261 = arith.constant 0.000000e+00 : f32
      %broadcast_in_dim3A_1262 = vector.broadcast %broadcast_in_dim3A_1261 : f32 to vector<16xf32>
      %select_n3A_1263 = arith.select %gt3A_1258, %broadcast_in_dim3A_1260, %broadcast_in_dim3A_1262 : vector<16xi1>, vector<16xf32>
      %swap3A_1264 = arith.constant 0 : i32
      %swap3A_1265 = arith.index_cast %swap3A_1264 : i32 to index
      %swap3A_1266 = arith.constant 32 : index
      %swap3A_1267 = tpu.vector_load %arg22[%swap3A_1265, %swap3A_1266] {strides = array<i32>} : memref<1x64xf32, #tpu.memory_space<vmem>>, vector<16xf32>,
      tpu.vector_store %arg22[%swap3A_1265, %swap3A_1266], %select_n3A_1263 {strides = array<i32>} : memref<1x64xf32, #tpu.memory_space<vmem>>, vector<16xf32>,
      %get3A_1268 = arith.constant 240 : index
      %get3A_1269 = tpu.vector_load %arg15[%get3A_1268] {strides = array<i32>} : memref<256xf32, #tpu.memory_space<vmem>>, vector<16xf32>,
      %add3A_1270 = arith.constant 9.99999974E-6 : f32
      %add3A_1271 = vector.broadcast %add3A_1270 : f32 to vector<16xf32>
      %add3A_1272 = arith.addf %get3A_1269, %add3A_1271 : vector<16xf32>
      %get3A_1273 = arith.constant 48 : index
      %get3A_1274 = tpu.vector_load %arg15[%get3A_1273] {strides = array<i32>} : memref<256xf32, #tpu.memory_space<vmem>>, vector<16xf32>,
      %div3A_1275 = arith.divf %get3A_1274, %add3A_1272 : vector<16xf32>
      %swap3A_1276 = arith.constant 48 : index
      %swap3A_1277 = tpu.vector_load %arg20[%swap3A_1276] {strides = array<i32>} : memref<256xf32, #tpu.memory_space<vmem>>, vector<16xf32>,
      tpu.vector_store %arg20[%swap3A_1276], %div3A_1275 {strides = array<i32>} : memref<256xf32, #tpu.memory_space<vmem>>, vector<16xf32>,
      %get3A_1278 = arith.constant 112 : index
      %get3A_1279 = tpu.vector_load %arg15[%get3A_1278] {strides = array<i32>} : memref<256xf32, #tpu.memory_space<vmem>>, vector<16xf32>,
      %div3A_1280 = arith.divf %get3A_1279, %add3A_1272 : vector<16xf32>
      %swap3A_1281 = arith.constant 112 : index
      %swap3A_1282 = tpu.vector_load %arg20[%swap3A_1281] {strides = array<i32>} : memref<256xf32, #tpu.memory_space<vmem>>, vector<16xf32>,
      tpu.vector_store %arg20[%swap3A_1281], %div3A_1280 {strides = array<i32>} : memref<256xf32, #tpu.memory_space<vmem>>, vector<16xf32>,
      %get3A_1283 = arith.constant 176 : index
      %get3A_1284 = tpu.vector_load %arg15[%get3A_1283] {strides = array<i32>} : memref<256xf32, #tpu.memory_space<vmem>>, vector<16xf32>,
      %div3A_1285 = arith.divf %get3A_1284, %add3A_1272 : vector<16xf32>
      %swap3A_1286 = arith.constant 176 : index
      %swap3A_1287 = tpu.vector_load %arg20[%swap3A_1286] {strides = array<i32>} : memref<256xf32, #tpu.memory_space<vmem>>, vector<16xf32>,
      tpu.vector_store %arg20[%swap3A_1286], %div3A_1285 {strides = array<i32>} : memref<256xf32, #tpu.memory_space<vmem>>, vector<16xf32>,
      %gt3A_1288 = arith.constant 5.000000e-01 : f32
      %gt3A_1289 = vector.broadcast %gt3A_1288 : f32 to vector<16xf32>
      %gt3A_1290 = arith.cmpf ogt, %get3A_1269, %gt3A_1289 : vector<16xf32>
      %broadcast_in_dim3A_1291 = arith.constant 1.000000e+00 : f32
      %broadcast_in_dim3A_1292 = vector.broadcast %broadcast_in_dim3A_1291 : f32 to vector<16xf32>
      %broadcast_in_dim3A_1293 = arith.constant 0.000000e+00 : f32
      %broadcast_in_dim3A_1294 = vector.broadcast %broadcast_in_dim3A_1293 : f32 to vector<16xf32>
      %select_n3A_1295 = arith.select %gt3A_1290, %broadcast_in_dim3A_1292, %broadcast_in_dim3A_1294 : vector<16xi1>, vector<16xf32>
      %swap3A_1296 = arith.constant 0 : i32
      %swap3A_1297 = arith.index_cast %swap3A_1296 : i32 to index
      %swap3A_1298 = arith.constant 48 : index
      %swap3A_1299 = tpu.vector_load %arg22[%swap3A_1297, %swap3A_1298] {strides = array<i32>} : memref<1x64xf32, #tpu.memory_space<vmem>>, vector<16xf32>,
      tpu.vector_store %arg22[%swap3A_1297, %swap3A_1298], %select_n3A_1295 {strides = array<i32>} : memref<1x64xf32, #tpu.memory_space<vmem>>, vector<16xf32>,
      %broadcast_in_dim3A_1300 = arith.constant 0.000000e+00 : f32
      %broadcast_in_dim3A_1301 = vector.broadcast %broadcast_in_dim3A_1300 : f32 to vector<16xf32>
      %broadcast_in_dim3A_1302 = arith.constant 0.000000e+00 : f32
      %broadcast_in_dim3A_1303 = vector.broadcast %broadcast_in_dim3A_1302 : f32 to vector<16xf32>
      %broadcast_in_dim3A_1304 = arith.constant 0.000000e+00 : f32
      %broadcast_in_dim3A_1305 = vector.broadcast %broadcast_in_dim3A_1304 : f32 to vector<16xf32>
      %get3A_1306 = arith.constant 0 : i32
      %get3A_1307 = arith.index_cast %get3A_1306 : i32 to index
      %get3A_1308 = arith.constant 0 : index
      %get3A_1309 = tpu.vector_load %arg11[%get3A_1307, %get3A_1308] {strides = array<i32>} : memref<9x64xi32, #tpu.memory_space<vmem>>, vector<16xi32>,
      %add3A_1310 = arith.constant 0 : i32
      %add3A_1311 = vector.broadcast %add3A_1310 : i32 to vector<16xi32>
      %add3A_1312 = arith.addi %get3A_1309, %add3A_1311 : vector<16xi32>
      %gather3A = tpu.vector_load_idx %arg20[%add3A_1312] : memref<256xf32, #tpu.memory_space<vmem>>[vector<16xi32>], vector<16xf32>,
      %add3A_1313 = arith.addf %broadcast_in_dim3A_1301, %gather3A : vector<16xf32>
      %add3A_1314 = arith.constant 64 : i32
      %add3A_1315 = vector.broadcast %add3A_1314 : i32 to vector<16xi32>
      %add3A_1316 = arith.addi %get3A_1309, %add3A_1315 : vector<16xi32>
      %gather3A_1317 = tpu.vector_load_idx %arg20[%add3A_1316] : memref<256xf32, #tpu.memory_space<vmem>>[vector<16xi32>], vector<16xf32>,
      %add3A_1318 = arith.addf %broadcast_in_dim3A_1303, %gather3A_1317 : vector<16xf32>
      %add3A_1319 = arith.constant 128 : i32
      %add3A_1320 = vector.broadcast %add3A_1319 : i32 to vector<16xi32>
      %add3A_1321 = arith.addi %get3A_1309, %add3A_1320 : vector<16xi32>
      %gather3A_1322 = tpu.vector_load_idx %arg20[%add3A_1321] : memref<256xf32, #tpu.memory_space<vmem>>[vector<16xi32>], vector<16xf32>,
      %add3A_1323 = arith.addf %broadcast_in_dim3A_1305, %gather3A_1322 : vector<16xf32>
      %get3A_1324 = arith.constant 1 : i32
      %get3A_1325 = arith.index_cast %get3A_1324 : i32 to index
      %get3A_1326 = arith.constant 0 : index
      %get3A_1327 = tpu.vector_load %arg11[%get3A_1325, %get3A_1326] {strides = array<i32>} : memref<9x64xi32, #tpu.memory_space<vmem>>, vector<16xi32>,
      %add3A_1328 = arith.constant 0 : i32
      %add3A_1329 = vector.broadcast %add3A_1328 : i32 to vector<16xi32>
      %add3A_1330 = arith.addi %get3A_1327, %add3A_1329 : vector<16xi32>
      %gather3A_1331 = tpu.vector_load_idx %arg20[%add3A_1330] : memref<256xf32, #tpu.memory_space<vmem>>[vector<16xi32>], vector<16xf32>,
      %add3A_1332 = arith.addf %add3A_1313, %gather3A_1331 : vector<16xf32>
      %add3A_1333 = arith.constant 64 : i32
      %add3A_1334 = vector.broadcast %add3A_1333 : i32 to vector<16xi32>
      %add3A_1335 = arith.addi %get3A_1327, %add3A_1334 : vector<16xi32>
      %gather3A_1336 = tpu.vector_load_idx %arg20[%add3A_1335] : memref<256xf32, #tpu.memory_space<vmem>>[vector<16xi32>], vector<16xf32>,
      %add3A_1337 = arith.addf %add3A_1318, %gather3A_1336 : vector<16xf32>
      %add3A_1338 = arith.constant 128 : i32
      %add3A_1339 = vector.broadcast %add3A_1338 : i32 to vector<16xi32>
      %add3A_1340 = arith.addi %get3A_1327, %add3A_1339 : vector<16xi32>
      %gather3A_1341 = tpu.vector_load_idx %arg20[%add3A_1340] : memref<256xf32, #tpu.memory_space<vmem>>[vector<16xi32>], vector<16xf32>,
      %add3A_1342 = arith.addf %add3A_1323, %gather3A_1341 : vector<16xf32>
      %get3A_1343 = arith.constant 2 : i32
      %get3A_1344 = arith.index_cast %get3A_1343 : i32 to index
      %get3A_1345 = arith.constant 0 : index
      %get3A_1346 = tpu.vector_load %arg11[%get3A_1344, %get3A_1345] {strides = array<i32>} : memref<9x64xi32, #tpu.memory_space<vmem>>, vector<16xi32>,
      %add3A_1347 = arith.constant 0 : i32
      %add3A_1348 = vector.broadcast %add3A_1347 : i32 to vector<16xi32>
      %add3A_1349 = arith.addi %get3A_1346, %add3A_1348 : vector<16xi32>
      %gather3A_1350 = tpu.vector_load_idx %arg20[%add3A_1349] : memref<256xf32, #tpu.memory_space<vmem>>[vector<16xi32>], vector<16xf32>,
      %add3A_1351 = arith.addf %add3A_1332, %gather3A_1350 : vector<16xf32>
      %add3A_1352 = arith.constant 64 : i32
      %add3A_1353 = vector.broadcast %add3A_1352 : i32 to vector<16xi32>
      %add3A_1354 = arith.addi %get3A_1346, %add3A_1353 : vector<16xi32>
      %gather3A_1355 = tpu.vector_load_idx %arg20[%add3A_1354] : memref<256xf32, #tpu.memory_space<vmem>>[vector<16xi32>], vector<16xf32>,
      %add3A_1356 = arith.addf %add3A_1337, %gather3A_1355 : vector<16xf32>
      %add3A_1357 = arith.constant 128 : i32
      %add3A_1358 = vector.broadcast %add3A_1357 : i32 to vector<16xi32>
      %add3A_1359 = arith.addi %get3A_1346, %add3A_1358 : vector<16xi32>
      %gather3A_1360 = tpu.vector_load_idx %arg20[%add3A_1359] : memref<256xf32, #tpu.memory_space<vmem>>[vector<16xi32>], vector<16xf32>,
      %add3A_1361 = arith.addf %add3A_1342, %gather3A_1360 : vector<16xf32>
      %get3A_1362 = arith.constant 3 : i32
      %get3A_1363 = arith.index_cast %get3A_1362 : i32 to index
      %get3A_1364 = arith.constant 0 : index
      %get3A_1365 = tpu.vector_load %arg11[%get3A_1363, %get3A_1364] {strides = array<i32>} : memref<9x64xi32, #tpu.memory_space<vmem>>, vector<16xi32>,
      %add3A_1366 = arith.constant 0 : i32
      %add3A_1367 = vector.broadcast %add3A_1366 : i32 to vector<16xi32>
      %add3A_1368 = arith.addi %get3A_1365, %add3A_1367 : vector<16xi32>
      %gather3A_1369 = tpu.vector_load_idx %arg20[%add3A_1368] : memref<256xf32, #tpu.memory_space<vmem>>[vector<16xi32>], vector<16xf32>,
      %add3A_1370 = arith.addf %add3A_1351, %gather3A_1369 : vector<16xf32>
      %add3A_1371 = arith.constant 64 : i32
      %add3A_1372 = vector.broadcast %add3A_1371 : i32 to vector<16xi32>
      %add3A_1373 = arith.addi %get3A_1365, %add3A_1372 : vector<16xi32>
      %gather3A_1374 = tpu.vector_load_idx %arg20[%add3A_1373] : memref<256xf32, #tpu.memory_space<vmem>>[vector<16xi32>], vector<16xf32>,
      %add3A_1375 = arith.addf %add3A_1356, %gather3A_1374 : vector<16xf32>
      %add3A_1376 = arith.constant 128 : i32
      %add3A_1377 = vector.broadcast %add3A_1376 : i32 to vector<16xi32>
      %add3A_1378 = arith.addi %get3A_1365, %add3A_1377 : vector<16xi32>
      %gather3A_1379 = tpu.vector_load_idx %arg20[%add3A_1378] : memref<256xf32, #tpu.memory_space<vmem>>[vector<16xi32>], vector<16xf32>,
      %add3A_1380 = arith.addf %add3A_1361, %gather3A_1379 : vector<16xf32>
      %get3A_1381 = arith.constant 4 : i32
      %get3A_1382 = arith.index_cast %get3A_1381 : i32 to index
      %get3A_1383 = arith.constant 0 : index
      %get3A_1384 = tpu.vector_load %arg11[%get3A_1382, %get3A_1383] {strides = array<i32>} : memref<9x64xi32, #tpu.memory_space<vmem>>, vector<16xi32>,
      %add3A_1385 = arith.constant 0 : i32
      %add3A_1386 = vector.broadcast %add3A_1385 : i32 to vector<16xi32>
      %add3A_1387 = arith.addi %get3A_1384, %add3A_1386 : vector<16xi32>
      %gather3A_1388 = tpu.vector_load_idx %arg20[%add3A_1387] : memref<256xf32, #tpu.memory_space<vmem>>[vector<16xi32>], vector<16xf32>,
      %add3A_1389 = arith.addf %add3A_1370, %gather3A_1388 : vector<16xf32>
      %add3A_1390 = arith.constant 64 : i32
      %add3A_1391 = vector.broadcast %add3A_1390 : i32 to vector<16xi32>
      %add3A_1392 = arith.addi %get3A_1384, %add3A_1391 : vector<16xi32>
      %gather3A_1393 = tpu.vector_load_idx %arg20[%add3A_1392] : memref<256xf32, #tpu.memory_space<vmem>>[vector<16xi32>], vector<16xf32>,
      %add3A_1394 = arith.addf %add3A_1375, %gather3A_1393 : vector<16xf32>
      %add3A_1395 = arith.constant 128 : i32
      %add3A_1396 = vector.broadcast %add3A_1395 : i32 to vector<16xi32>
      %add3A_1397 = arith.addi %get3A_1384, %add3A_1396 : vector<16xi32>
      %gather3A_1398 = tpu.vector_load_idx %arg20[%add3A_1397] : memref<256xf32, #tpu.memory_space<vmem>>[vector<16xi32>], vector<16xf32>,
      %add3A_1399 = arith.addf %add3A_1380, %gather3A_1398 : vector<16xf32>
      %get3A_1400 = arith.constant 5 : i32
      %get3A_1401 = arith.index_cast %get3A_1400 : i32 to index
      %get3A_1402 = arith.constant 0 : index
      %get3A_1403 = tpu.vector_load %arg11[%get3A_1401, %get3A_1402] {strides = array<i32>} : memref<9x64xi32, #tpu.memory_space<vmem>>, vector<16xi32>,
      %add3A_1404 = arith.constant 0 : i32
      %add3A_1405 = vector.broadcast %add3A_1404 : i32 to vector<16xi32>
      %add3A_1406 = arith.addi %get3A_1403, %add3A_1405 : vector<16xi32>
      %gather3A_1407 = tpu.vector_load_idx %arg20[%add3A_1406] : memref<256xf32, #tpu.memory_space<vmem>>[vector<16xi32>], vector<16xf32>,
      %add3A_1408 = arith.addf %add3A_1389, %gather3A_1407 : vector<16xf32>
      %add3A_1409 = arith.constant 64 : i32
      %add3A_1410 = vector.broadcast %add3A_1409 : i32 to vector<16xi32>
      %add3A_1411 = arith.addi %get3A_1403, %add3A_1410 : vector<16xi32>
      %gather3A_1412 = tpu.vector_load_idx %arg20[%add3A_1411] : memref<256xf32, #tpu.memory_space<vmem>>[vector<16xi32>], vector<16xf32>,
      %add3A_1413 = arith.addf %add3A_1394, %gather3A_1412 : vector<16xf32>
      %add3A_1414 = arith.constant 128 : i32
      %add3A_1415 = vector.broadcast %add3A_1414 : i32 to vector<16xi32>
      %add3A_1416 = arith.addi %get3A_1403, %add3A_1415 : vector<16xi32>
      %gather3A_1417 = tpu.vector_load_idx %arg20[%add3A_1416] : memref<256xf32, #tpu.memory_space<vmem>>[vector<16xi32>], vector<16xf32>,
      %add3A_1418 = arith.addf %add3A_1399, %gather3A_1417 : vector<16xf32>
      %get3A_1419 = arith.constant 6 : i32
      %get3A_1420 = arith.index_cast %get3A_1419 : i32 to index
      %get3A_1421 = arith.constant 0 : index
      %get3A_1422 = tpu.vector_load %arg11[%get3A_1420, %get3A_1421] {strides = array<i32>} : memref<9x64xi32, #tpu.memory_space<vmem>>, vector<16xi32>,
      %add3A_1423 = arith.constant 0 : i32
      %add3A_1424 = vector.broadcast %add3A_1423 : i32 to vector<16xi32>
      %add3A_1425 = arith.addi %get3A_1422, %add3A_1424 : vector<16xi32>
      %gather3A_1426 = tpu.vector_load_idx %arg20[%add3A_1425] : memref<256xf32, #tpu.memory_space<vmem>>[vector<16xi32>], vector<16xf32>,
      %add3A_1427 = arith.addf %add3A_1408, %gather3A_1426 : vector<16xf32>
      %add3A_1428 = arith.constant 64 : i32
      %add3A_1429 = vector.broadcast %add3A_1428 : i32 to vector<16xi32>
      %add3A_1430 = arith.addi %get3A_1422, %add3A_1429 : vector<16xi32>
      %gather3A_1431 = tpu.vector_load_idx %arg20[%add3A_1430] : memref<256xf32, #tpu.memory_space<vmem>>[vector<16xi32>], vector<16xf32>,
      %add3A_1432 = arith.addf %add3A_1413, %gather3A_1431 : vector<16xf32>
      %add3A_1433 = arith.constant 128 : i32
      %add3A_1434 = vector.broadcast %add3A_1433 : i32 to vector<16xi32>
      %add3A_1435 = arith.addi %get3A_1422, %add3A_1434 : vector<16xi32>
      %gather3A_1436 = tpu.vector_load_idx %arg20[%add3A_1435] : memref<256xf32, #tpu.memory_space<vmem>>[vector<16xi32>], vector<16xf32>,
      %add3A_1437 = arith.addf %add3A_1418, %gather3A_1436 : vector<16xf32>
      %get3A_1438 = arith.constant 7 : i32
      %get3A_1439 = arith.index_cast %get3A_1438 : i32 to index
      %get3A_1440 = arith.constant 0 : index
      %get3A_1441 = tpu.vector_load %arg11[%get3A_1439, %get3A_1440] {strides = array<i32>} : memref<9x64xi32, #tpu.memory_space<vmem>>, vector<16xi32>,
      %add3A_1442 = arith.constant 0 : i32
      %add3A_1443 = vector.broadcast %add3A_1442 : i32 to vector<16xi32>
      %add3A_1444 = arith.addi %get3A_1441, %add3A_1443 : vector<16xi32>
      %gather3A_1445 = tpu.vector_load_idx %arg20[%add3A_1444] : memref<256xf32, #tpu.memory_space<vmem>>[vector<16xi32>], vector<16xf32>,
      %add3A_1446 = arith.addf %add3A_1427, %gather3A_1445 : vector<16xf32>
      %add3A_1447 = arith.constant 64 : i32
      %add3A_1448 = vector.broadcast %add3A_1447 : i32 to vector<16xi32>
      %add3A_1449 = arith.addi %get3A_1441, %add3A_1448 : vector<16xi32>
      %gather3A_1450 = tpu.vector_load_idx %arg20[%add3A_1449] : memref<256xf32, #tpu.memory_space<vmem>>[vector<16xi32>], vector<16xf32>,
      %add3A_1451 = arith.addf %add3A_1432, %gather3A_1450 : vector<16xf32>
      %add3A_1452 = arith.constant 128 : i32
      %add3A_1453 = vector.broadcast %add3A_1452 : i32 to vector<16xi32>
      %add3A_1454 = arith.addi %get3A_1441, %add3A_1453 : vector<16xi32>
      %gather3A_1455 = tpu.vector_load_idx %arg20[%add3A_1454] : memref<256xf32, #tpu.memory_space<vmem>>[vector<16xi32>], vector<16xf32>,
      %add3A_1456 = arith.addf %add3A_1437, %gather3A_1455 : vector<16xf32>
      %get3A_1457 = arith.constant 8 : i32
      %get3A_1458 = arith.index_cast %get3A_1457 : i32 to index
      %get3A_1459 = arith.constant 0 : index
      %get3A_1460 = tpu.vector_load %arg11[%get3A_1458, %get3A_1459] {strides = array<i32>} : memref<9x64xi32, #tpu.memory_space<vmem>>, vector<16xi32>,
      %add3A_1461 = arith.constant 0 : i32
      %add3A_1462 = vector.broadcast %add3A_1461 : i32 to vector<16xi32>
      %add3A_1463 = arith.addi %get3A_1460, %add3A_1462 : vector<16xi32>
      %gather3A_1464 = tpu.vector_load_idx %arg20[%add3A_1463] : memref<256xf32, #tpu.memory_space<vmem>>[vector<16xi32>], vector<16xf32>,
      %add3A_1465 = arith.addf %add3A_1446, %gather3A_1464 : vector<16xf32>
      %add3A_1466 = arith.constant 64 : i32
      %add3A_1467 = vector.broadcast %add3A_1466 : i32 to vector<16xi32>
      %add3A_1468 = arith.addi %get3A_1460, %add3A_1467 : vector<16xi32>
      %gather3A_1469 = tpu.vector_load_idx %arg20[%add3A_1468] : memref<256xf32, #tpu.memory_space<vmem>>[vector<16xi32>], vector<16xf32>,
      %add3A_1470 = arith.addf %add3A_1451, %gather3A_1469 : vector<16xf32>
      %add3A_1471 = arith.constant 128 : i32
      %add3A_1472 = vector.broadcast %add3A_1471 : i32 to vector<16xi32>
      %add3A_1473 = arith.addi %get3A_1460, %add3A_1472 : vector<16xi32>
      %gather3A_1474 = tpu.vector_load_idx %arg20[%add3A_1473] : memref<256xf32, #tpu.memory_space<vmem>>[vector<16xi32>], vector<16xf32>,
      %add3A_1475 = arith.addf %add3A_1456, %gather3A_1474 : vector<16xf32>
      %div3A_1476 = arith.constant 9.000000e+00 : f32
      %div3A_1477 = vector.broadcast %div3A_1476 : f32 to vector<16xf32>
      %div3A_1478 = arith.divf %add3A_1465, %div3A_1477 : vector<16xf32>
      %swap3A_1479 = arith.constant 0 : i32
      %swap3A_1480 = arith.index_cast %swap3A_1479 : i32 to index
      %swap3A_1481 = arith.constant 0 : index
      %swap3A_1482 = tpu.vector_load %arg21[%swap3A_1480, %swap3A_1481] {strides = array<i32>} : memref<3x64xf32, #tpu.memory_space<vmem>>, vector<16xf32>,
      tpu.vector_store %arg21[%swap3A_1480, %swap3A_1481], %div3A_1478 {strides = array<i32>} : memref<3x64xf32, #tpu.memory_space<vmem>>, vector<16xf32>,
      %div3A_1483 = arith.constant 9.000000e+00 : f32
      %div3A_1484 = vector.broadcast %div3A_1483 : f32 to vector<16xf32>
      %div3A_1485 = arith.divf %add3A_1470, %div3A_1484 : vector<16xf32>
      %swap3A_1486 = arith.constant 1 : i32
      %swap3A_1487 = arith.index_cast %swap3A_1486 : i32 to index
      %swap3A_1488 = arith.constant 0 : index
      %swap3A_1489 = tpu.vector_load %arg21[%swap3A_1487, %swap3A_1488] {strides = array<i32>} : memref<3x64xf32, #tpu.memory_space<vmem>>, vector<16xf32>,
      tpu.vector_store %arg21[%swap3A_1487, %swap3A_1488], %div3A_1485 {strides = array<i32>} : memref<3x64xf32, #tpu.memory_space<vmem>>, vector<16xf32>,
      %div3A_1490 = arith.constant 9.000000e+00 : f32
      %div3A_1491 = vector.broadcast %div3A_1490 : f32 to vector<16xf32>
      %div3A_1492 = arith.divf %add3A_1475, %div3A_1491 : vector<16xf32>
      %swap3A_1493 = arith.constant 2 : i32
      %swap3A_1494 = arith.index_cast %swap3A_1493 : i32 to index
      %swap3A_1495 = arith.constant 0 : index
      %swap3A_1496 = tpu.vector_load %arg21[%swap3A_1494, %swap3A_1495] {strides = array<i32>} : memref<3x64xf32, #tpu.memory_space<vmem>>, vector<16xf32>,
      tpu.vector_store %arg21[%swap3A_1494, %swap3A_1495], %div3A_1492 {strides = array<i32>} : memref<3x64xf32, #tpu.memory_space<vmem>>, vector<16xf32>,
      %broadcast_in_dim3A_1497 = arith.constant 0.000000e+00 : f32
      %broadcast_in_dim3A_1498 = vector.broadcast %broadcast_in_dim3A_1497 : f32 to vector<16xf32>
      %broadcast_in_dim3A_1499 = arith.constant 0.000000e+00 : f32
      %broadcast_in_dim3A_1500 = vector.broadcast %broadcast_in_dim3A_1499 : f32 to vector<16xf32>
      %broadcast_in_dim3A_1501 = arith.constant 0.000000e+00 : f32
      %broadcast_in_dim3A_1502 = vector.broadcast %broadcast_in_dim3A_1501 : f32 to vector<16xf32>
      %get3A_1503 = arith.constant 0 : i32
      %get3A_1504 = arith.index_cast %get3A_1503 : i32 to index
      %get3A_1505 = arith.constant 16 : index
      %get3A_1506 = tpu.vector_load %arg11[%get3A_1504, %get3A_1505] {strides = array<i32>} : memref<9x64xi32, #tpu.memory_space<vmem>>, vector<16xi32>,
      %add3A_1507 = arith.constant 0 : i32
      %add3A_1508 = vector.broadcast %add3A_1507 : i32 to vector<16xi32>
      %add3A_1509 = arith.addi %get3A_1506, %add3A_1508 : vector<16xi32>
      %gather3A_1510 = tpu.vector_load_idx %arg20[%add3A_1509] : memref<256xf32, #tpu.memory_space<vmem>>[vector<16xi32>], vector<16xf32>,
      %add3A_1511 = arith.addf %broadcast_in_dim3A_1498, %gather3A_1510 : vector<16xf32>
      %add3A_1512 = arith.constant 64 : i32
      %add3A_1513 = vector.broadcast %add3A_1512 : i32 to vector<16xi32>
      %add3A_1514 = arith.addi %get3A_1506, %add3A_1513 : vector<16xi32>
      %gather3A_1515 = tpu.vector_load_idx %arg20[%add3A_1514] : memref<256xf32, #tpu.memory_space<vmem>>[vector<16xi32>], vector<16xf32>,
      %add3A_1516 = arith.addf %broadcast_in_dim3A_1500, %gather3A_1515 : vector<16xf32>
      %add3A_1517 = arith.constant 128 : i32
      %add3A_1518 = vector.broadcast %add3A_1517 : i32 to vector<16xi32>
      %add3A_1519 = arith.addi %get3A_1506, %add3A_1518 : vector<16xi32>
      %gather3A_1520 = tpu.vector_load_idx %arg20[%add3A_1519] : memref<256xf32, #tpu.memory_space<vmem>>[vector<16xi32>], vector<16xf32>,
      %add3A_1521 = arith.addf %broadcast_in_dim3A_1502, %gather3A_1520 : vector<16xf32>
      %get3A_1522 = arith.constant 1 : i32
      %get3A_1523 = arith.index_cast %get3A_1522 : i32 to index
      %get3A_1524 = arith.constant 16 : index
      %get3A_1525 = tpu.vector_load %arg11[%get3A_1523, %get3A_1524] {strides = array<i32>} : memref<9x64xi32, #tpu.memory_space<vmem>>, vector<16xi32>,
      %add3A_1526 = arith.constant 0 : i32
      %add3A_1527 = vector.broadcast %add3A_1526 : i32 to vector<16xi32>
      %add3A_1528 = arith.addi %get3A_1525, %add3A_1527 : vector<16xi32>
      %gather3A_1529 = tpu.vector_load_idx %arg20[%add3A_1528] : memref<256xf32, #tpu.memory_space<vmem>>[vector<16xi32>], vector<16xf32>,
      %add3A_1530 = arith.addf %add3A_1511, %gather3A_1529 : vector<16xf32>
      %add3A_1531 = arith.constant 64 : i32
      %add3A_1532 = vector.broadcast %add3A_1531 : i32 to vector<16xi32>
      %add3A_1533 = arith.addi %get3A_1525, %add3A_1532 : vector<16xi32>
      %gather3A_1534 = tpu.vector_load_idx %arg20[%add3A_1533] : memref<256xf32, #tpu.memory_space<vmem>>[vector<16xi32>], vector<16xf32>,
      %add3A_1535 = arith.addf %add3A_1516, %gather3A_1534 : vector<16xf32>
      %add3A_1536 = arith.constant 128 : i32
      %add3A_1537 = vector.broadcast %add3A_1536 : i32 to vector<16xi32>
      %add3A_1538 = arith.addi %get3A_1525, %add3A_1537 : vector<16xi32>
      %gather3A_1539 = tpu.vector_load_idx %arg20[%add3A_1538] : memref<256xf32, #tpu.memory_space<vmem>>[vector<16xi32>], vector<16xf32>,
      %add3A_1540 = arith.addf %add3A_1521, %gather3A_1539 : vector<16xf32>
      %get3A_1541 = arith.constant 2 : i32
      %get3A_1542 = arith.index_cast %get3A_1541 : i32 to index
      %get3A_1543 = arith.constant 16 : index
      %get3A_1544 = tpu.vector_load %arg11[%get3A_1542, %get3A_1543] {strides = array<i32>} : memref<9x64xi32, #tpu.memory_space<vmem>>, vector<16xi32>,
      %add3A_1545 = arith.constant 0 : i32
      %add3A_1546 = vector.broadcast %add3A_1545 : i32 to vector<16xi32>
      %add3A_1547 = arith.addi %get3A_1544, %add3A_1546 : vector<16xi32>
      %gather3A_1548 = tpu.vector_load_idx %arg20[%add3A_1547] : memref<256xf32, #tpu.memory_space<vmem>>[vector<16xi32>], vector<16xf32>,
      %add3A_1549 = arith.addf %add3A_1530, %gather3A_1548 : vector<16xf32>
      %add3A_1550 = arith.constant 64 : i32
      %add3A_1551 = vector.broadcast %add3A_1550 : i32 to vector<16xi32>
      %add3A_1552 = arith.addi %get3A_1544, %add3A_1551 : vector<16xi32>
      %gather3A_1553 = tpu.vector_load_idx %arg20[%add3A_1552] : memref<256xf32, #tpu.memory_space<vmem>>[vector<16xi32>], vector<16xf32>,
      %add3A_1554 = arith.addf %add3A_1535, %gather3A_1553 : vector<16xf32>
      %add3A_1555 = arith.constant 128 : i32
      %add3A_1556 = vector.broadcast %add3A_1555 : i32 to vector<16xi32>
      %add3A_1557 = arith.addi %get3A_1544, %add3A_1556 : vector<16xi32>
      %gather3A_1558 = tpu.vector_load_idx %arg20[%add3A_1557] : memref<256xf32, #tpu.memory_space<vmem>>[vector<16xi32>], vector<16xf32>,
      %add3A_1559 = arith.addf %add3A_1540, %gather3A_1558 : vector<16xf32>
      %get3A_1560 = arith.constant 3 : i32
      %get3A_1561 = arith.index_cast %get3A_1560 : i32 to index
      %get3A_1562 = arith.constant 16 : index
      %get3A_1563 = tpu.vector_load %arg11[%get3A_1561, %get3A_1562] {strides = array<i32>} : memref<9x64xi32, #tpu.memory_space<vmem>>, vector<16xi32>,
      %add3A_1564 = arith.constant 0 : i32
      %add3A_1565 = vector.broadcast %add3A_1564 : i32 to vector<16xi32>
      %add3A_1566 = arith.addi %get3A_1563, %add3A_1565 : vector<16xi32>
      %gather3A_1567 = tpu.vector_load_idx %arg20[%add3A_1566] : memref<256xf32, #tpu.memory_space<vmem>>[vector<16xi32>], vector<16xf32>,
      %add3A_1568 = arith.addf %add3A_1549, %gather3A_1567 : vector<16xf32>
      %add3A_1569 = arith.constant 64 : i32
      %add3A_1570 = vector.broadcast %add3A_1569 : i32 to vector<16xi32>
      %add3A_1571 = arith.addi %get3A_1563, %add3A_1570 : vector<16xi32>
      %gather3A_1572 = tpu.vector_load_idx %arg20[%add3A_1571] : memref<256xf32, #tpu.memory_space<vmem>>[vector<16xi32>], vector<16xf32>,
      %add3A_1573 = arith.addf %add3A_1554, %gather3A_1572 : vector<16xf32>
      %add3A_1574 = arith.constant 128 : i32
      %add3A_1575 = vector.broadcast %add3A_1574 : i32 to vector<16xi32>
      %add3A_1576 = arith.addi %get3A_1563, %add3A_1575 : vector<16xi32>
      %gather3A_1577 = tpu.vector_load_idx %arg20[%add3A_1576] : memref<256xf32, #tpu.memory_space<vmem>>[vector<16xi32>], vector<16xf32>,
      %add3A_1578 = arith.addf %add3A_1559, %gather3A_1577 : vector<16xf32>
      %get3A_1579 = arith.constant 4 : i32
      %get3A_1580 = arith.index_cast %get3A_1579 : i32 to index
      %get3A_1581 = arith.constant 16 : index
      %get3A_1582 = tpu.vector_load %arg11[%get3A_1580, %get3A_1581] {strides = array<i32>} : memref<9x64xi32, #tpu.memory_space<vmem>>, vector<16xi32>,
      %add3A_1583 = arith.constant 0 : i32
      %add3A_1584 = vector.broadcast %add3A_1583 : i32 to vector<16xi32>
      %add3A_1585 = arith.addi %get3A_1582, %add3A_1584 : vector<16xi32>
      %gather3A_1586 = tpu.vector_load_idx %arg20[%add3A_1585] : memref<256xf32, #tpu.memory_space<vmem>>[vector<16xi32>], vector<16xf32>,
      %add3A_1587 = arith.addf %add3A_1568, %gather3A_1586 : vector<16xf32>
      %add3A_1588 = arith.constant 64 : i32
      %add3A_1589 = vector.broadcast %add3A_1588 : i32 to vector<16xi32>
      %add3A_1590 = arith.addi %get3A_1582, %add3A_1589 : vector<16xi32>
      %gather3A_1591 = tpu.vector_load_idx %arg20[%add3A_1590] : memref<256xf32, #tpu.memory_space<vmem>>[vector<16xi32>], vector<16xf32>,
      %add3A_1592 = arith.addf %add3A_1573, %gather3A_1591 : vector<16xf32>
      %add3A_1593 = arith.constant 128 : i32
      %add3A_1594 = vector.broadcast %add3A_1593 : i32 to vector<16xi32>
      %add3A_1595 = arith.addi %get3A_1582, %add3A_1594 : vector<16xi32>
      %gather3A_1596 = tpu.vector_load_idx %arg20[%add3A_1595] : memref<256xf32, #tpu.memory_space<vmem>>[vector<16xi32>], vector<16xf32>,
      %add3A_1597 = arith.addf %add3A_1578, %gather3A_1596 : vector<16xf32>
      %get3A_1598 = arith.constant 5 : i32
      %get3A_1599 = arith.index_cast %get3A_1598 : i32 to index
      %get3A_1600 = arith.constant 16 : index
      %get3A_1601 = tpu.vector_load %arg11[%get3A_1599, %get3A_1600] {strides = array<i32>} : memref<9x64xi32, #tpu.memory_space<vmem>>, vector<16xi32>,
      %add3A_1602 = arith.constant 0 : i32
      %add3A_1603 = vector.broadcast %add3A_1602 : i32 to vector<16xi32>
      %add3A_1604 = arith.addi %get3A_1601, %add3A_1603 : vector<16xi32>
      %gather3A_1605 = tpu.vector_load_idx %arg20[%add3A_1604] : memref<256xf32, #tpu.memory_space<vmem>>[vector<16xi32>], vector<16xf32>,
      %add3A_1606 = arith.addf %add3A_1587, %gather3A_1605 : vector<16xf32>
      %add3A_1607 = arith.constant 64 : i32
      %add3A_1608 = vector.broadcast %add3A_1607 : i32 to vector<16xi32>
      %add3A_1609 = arith.addi %get3A_1601, %add3A_1608 : vector<16xi32>
      %gather3A_1610 = tpu.vector_load_idx %arg20[%add3A_1609] : memref<256xf32, #tpu.memory_space<vmem>>[vector<16xi32>], vector<16xf32>,
      %add3A_1611 = arith.addf %add3A_1592, %gather3A_1610 : vector<16xf32>
      %add3A_1612 = arith.constant 128 : i32
      %add3A_1613 = vector.broadcast %add3A_1612 : i32 to vector<16xi32>
      %add3A_1614 = arith.addi %get3A_1601, %add3A_1613 : vector<16xi32>
      %gather3A_1615 = tpu.vector_load_idx %arg20[%add3A_1614] : memref<256xf32, #tpu.memory_space<vmem>>[vector<16xi32>], vector<16xf32>,
      %add3A_1616 = arith.addf %add3A_1597, %gather3A_1615 : vector<16xf32>
      %get3A_1617 = arith.constant 6 : i32
      %get3A_1618 = arith.index_cast %get3A_1617 : i32 to index
      %get3A_1619 = arith.constant 16 : index
      %get3A_1620 = tpu.vector_load %arg11[%get3A_1618, %get3A_1619] {strides = array<i32>} : memref<9x64xi32, #tpu.memory_space<vmem>>, vector<16xi32>,
      %add3A_1621 = arith.constant 0 : i32
      %add3A_1622 = vector.broadcast %add3A_1621 : i32 to vector<16xi32>
      %add3A_1623 = arith.addi %get3A_1620, %add3A_1622 : vector<16xi32>
      %gather3A_1624 = tpu.vector_load_idx %arg20[%add3A_1623] : memref<256xf32, #tpu.memory_space<vmem>>[vector<16xi32>], vector<16xf32>,
      %add3A_1625 = arith.addf %add3A_1606, %gather3A_1624 : vector<16xf32>
      %add3A_1626 = arith.constant 64 : i32
      %add3A_1627 = vector.broadcast %add3A_1626 : i32 to vector<16xi32>
      %add3A_1628 = arith.addi %get3A_1620, %add3A_1627 : vector<16xi32>
      %gather3A_1629 = tpu.vector_load_idx %arg20[%add3A_1628] : memref<256xf32, #tpu.memory_space<vmem>>[vector<16xi32>], vector<16xf32>,
      %add3A_1630 = arith.addf %add3A_1611, %gather3A_1629 : vector<16xf32>
      %add3A_1631 = arith.constant 128 : i32
      %add3A_1632 = vector.broadcast %add3A_1631 : i32 to vector<16xi32>
      %add3A_1633 = arith.addi %get3A_1620, %add3A_1632 : vector<16xi32>
      %gather3A_1634 = tpu.vector_load_idx %arg20[%add3A_1633] : memref<256xf32, #tpu.memory_space<vmem>>[vector<16xi32>], vector<16xf32>,
      %add3A_1635 = arith.addf %add3A_1616, %gather3A_1634 : vector<16xf32>
      %get3A_1636 = arith.constant 7 : i32
      %get3A_1637 = arith.index_cast %get3A_1636 : i32 to index
      %get3A_1638 = arith.constant 16 : index
      %get3A_1639 = tpu.vector_load %arg11[%get3A_1637, %get3A_1638] {strides = array<i32>} : memref<9x64xi32, #tpu.memory_space<vmem>>, vector<16xi32>,
      %add3A_1640 = arith.constant 0 : i32
      %add3A_1641 = vector.broadcast %add3A_1640 : i32 to vector<16xi32>
      %add3A_1642 = arith.addi %get3A_1639, %add3A_1641 : vector<16xi32>
      %gather3A_1643 = tpu.vector_load_idx %arg20[%add3A_1642] : memref<256xf32, #tpu.memory_space<vmem>>[vector<16xi32>], vector<16xf32>,
      %add3A_1644 = arith.addf %add3A_1625, %gather3A_1643 : vector<16xf32>
      %add3A_1645 = arith.constant 64 : i32
      %add3A_1646 = vector.broadcast %add3A_1645 : i32 to vector<16xi32>
      %add3A_1647 = arith.addi %get3A_1639, %add3A_1646 : vector<16xi32>
      %gather3A_1648 = tpu.vector_load_idx %arg20[%add3A_1647] : memref<256xf32, #tpu.memory_space<vmem>>[vector<16xi32>], vector<16xf32>,
      %add3A_1649 = arith.addf %add3A_1630, %gather3A_1648 : vector<16xf32>
      %add3A_1650 = arith.constant 128 : i32
      %add3A_1651 = vector.broadcast %add3A_1650 : i32 to vector<16xi32>
      %add3A_1652 = arith.addi %get3A_1639, %add3A_1651 : vector<16xi32>
      %gather3A_1653 = tpu.vector_load_idx %arg20[%add3A_1652] : memref<256xf32, #tpu.memory_space<vmem>>[vector<16xi32>], vector<16xf32>,
      %add3A_1654 = arith.addf %add3A_1635, %gather3A_1653 : vector<16xf32>
      %get3A_1655 = arith.constant 8 : i32
      %get3A_1656 = arith.index_cast %get3A_1655 : i32 to index
      %get3A_1657 = arith.constant 16 : index
      %get3A_1658 = tpu.vector_load %arg11[%get3A_1656, %get3A_1657] {strides = array<i32>} : memref<9x64xi32, #tpu.memory_space<vmem>>, vector<16xi32>,
      %add3A_1659 = arith.constant 0 : i32
      %add3A_1660 = vector.broadcast %add3A_1659 : i32 to vector<16xi32>
      %add3A_1661 = arith.addi %get3A_1658, %add3A_1660 : vector<16xi32>
      %gather3A_1662 = tpu.vector_load_idx %arg20[%add3A_1661] : memref<256xf32, #tpu.memory_space<vmem>>[vector<16xi32>], vector<16xf32>,
      %add3A_1663 = arith.addf %add3A_1644, %gather3A_1662 : vector<16xf32>
      %add3A_1664 = arith.constant 64 : i32
      %add3A_1665 = vector.broadcast %add3A_1664 : i32 to vector<16xi32>
      %add3A_1666 = arith.addi %get3A_1658, %add3A_1665 : vector<16xi32>
      %gather3A_1667 = tpu.vector_load_idx %arg20[%add3A_1666] : memref<256xf32, #tpu.memory_space<vmem>>[vector<16xi32>], vector<16xf32>,
      %add3A_1668 = arith.addf %add3A_1649, %gather3A_1667 : vector<16xf32>
      %add3A_1669 = arith.constant 128 : i32
      %add3A_1670 = vector.broadcast %add3A_1669 : i32 to vector<16xi32>
      %add3A_1671 = arith.addi %get3A_1658, %add3A_1670 : vector<16xi32>
      %gather3A_1672 = tpu.vector_load_idx %arg20[%add3A_1671] : memref<256xf32, #tpu.memory_space<vmem>>[vector<16xi32>], vector<16xf32>,
      %add3A_1673 = arith.addf %add3A_1654, %gather3A_1672 : vector<16xf32>
      %div3A_1674 = arith.constant 9.000000e+00 : f32
      %div3A_1675 = vector.broadcast %div3A_1674 : f32 to vector<16xf32>
      %div3A_1676 = arith.divf %add3A_1663, %div3A_1675 : vector<16xf32>
      %swap3A_1677 = arith.constant 0 : i32
      %swap3A_1678 = arith.index_cast %swap3A_1677 : i32 to index
      %swap3A_1679 = arith.constant 16 : index
      %swap3A_1680 = tpu.vector_load %arg21[%swap3A_1678, %swap3A_1679] {strides = array<i32>} : memref<3x64xf32, #tpu.memory_space<vmem>>, vector<16xf32>,
      tpu.vector_store %arg21[%swap3A_1678, %swap3A_1679], %div3A_1676 {strides = array<i32>} : memref<3x64xf32, #tpu.memory_space<vmem>>, vector<16xf32>,
      %div3A_1681 = arith.constant 9.000000e+00 : f32
      %div3A_1682 = vector.broadcast %div3A_1681 : f32 to vector<16xf32>
      %div3A_1683 = arith.divf %add3A_1668, %div3A_1682 : vector<16xf32>
      %swap3A_1684 = arith.constant 1 : i32
      %swap3A_1685 = arith.index_cast %swap3A_1684 : i32 to index
      %swap3A_1686 = arith.constant 16 : index
      %swap3A_1687 = tpu.vector_load %arg21[%swap3A_1685, %swap3A_1686] {strides = array<i32>} : memref<3x64xf32, #tpu.memory_space<vmem>>, vector<16xf32>,
      tpu.vector_store %arg21[%swap3A_1685, %swap3A_1686], %div3A_1683 {strides = array<i32>} : memref<3x64xf32, #tpu.memory_space<vmem>>, vector<16xf32>,
      %div3A_1688 = arith.constant 9.000000e+00 : f32
      %div3A_1689 = vector.broadcast %div3A_1688 : f32 to vector<16xf32>
      %div3A_1690 = arith.divf %add3A_1673, %div3A_1689 : vector<16xf32>
      %swap3A_1691 = arith.constant 2 : i32
      %swap3A_1692 = arith.index_cast %swap3A_1691 : i32 to index
      %swap3A_1693 = arith.constant 16 : index
      %swap3A_1694 = tpu.vector_load %arg21[%swap3A_1692, %swap3A_1693] {strides = array<i32>} : memref<3x64xf32, #tpu.memory_space<vmem>>, vector<16xf32>,
      tpu.vector_store %arg21[%swap3A_1692, %swap3A_1693], %div3A_1690 {strides = array<i32>} : memref<3x64xf32, #tpu.memory_space<vmem>>, vector<16xf32>,
      %broadcast_in_dim3A_1695 = arith.constant 0.000000e+00 : f32
      %broadcast_in_dim3A_1696 = vector.broadcast %broadcast_in_dim3A_1695 : f32 to vector<16xf32>
      %broadcast_in_dim3A_1697 = arith.constant 0.000000e+00 : f32
      %broadcast_in_dim3A_1698 = vector.broadcast %broadcast_in_dim3A_1697 : f32 to vector<16xf32>
      %broadcast_in_dim3A_1699 = arith.constant 0.000000e+00 : f32
      %broadcast_in_dim3A_1700 = vector.broadcast %broadcast_in_dim3A_1699 : f32 to vector<16xf32>
      %get3A_1701 = arith.constant 0 : i32
      %get3A_1702 = arith.index_cast %get3A_1701 : i32 to index
      %get3A_1703 = arith.constant 32 : index
      %get3A_1704 = tpu.vector_load %arg11[%get3A_1702, %get3A_1703] {strides = array<i32>} : memref<9x64xi32, #tpu.memory_space<vmem>>, vector<16xi32>,
      %add3A_1705 = arith.constant 0 : i32
      %add3A_1706 = vector.broadcast %add3A_1705 : i32 to vector<16xi32>
      %add3A_1707 = arith.addi %get3A_1704, %add3A_1706 : vector<16xi32>
      %gather3A_1708 = tpu.vector_load_idx %arg20[%add3A_1707] : memref<256xf32, #tpu.memory_space<vmem>>[vector<16xi32>], vector<16xf32>,
      %add3A_1709 = arith.addf %broadcast_in_dim3A_1696, %gather3A_1708 : vector<16xf32>
      %add3A_1710 = arith.constant 64 : i32
      %add3A_1711 = vector.broadcast %add3A_1710 : i32 to vector<16xi32>
      %add3A_1712 = arith.addi %get3A_1704, %add3A_1711 : vector<16xi32>
      %gather3A_1713 = tpu.vector_load_idx %arg20[%add3A_1712] : memref<256xf32, #tpu.memory_space<vmem>>[vector<16xi32>], vector<16xf32>,
      %add3A_1714 = arith.addf %broadcast_in_dim3A_1698, %gather3A_1713 : vector<16xf32>
      %add3A_1715 = arith.constant 128 : i32
      %add3A_1716 = vector.broadcast %add3A_1715 : i32 to vector<16xi32>
      %add3A_1717 = arith.addi %get3A_1704, %add3A_1716 : vector<16xi32>
      %gather3A_1718 = tpu.vector_load_idx %arg20[%add3A_1717] : memref<256xf32, #tpu.memory_space<vmem>>[vector<16xi32>], vector<16xf32>,
      %add3A_1719 = arith.addf %broadcast_in_dim3A_1700, %gather3A_1718 : vector<16xf32>
      %get3A_1720 = arith.constant 1 : i32
      %get3A_1721 = arith.index_cast %get3A_1720 : i32 to index
      %get3A_1722 = arith.constant 32 : index
      %get3A_1723 = tpu.vector_load %arg11[%get3A_1721, %get3A_1722] {strides = array<i32>} : memref<9x64xi32, #tpu.memory_space<vmem>>, vector<16xi32>,
      %add3A_1724 = arith.constant 0 : i32
      %add3A_1725 = vector.broadcast %add3A_1724 : i32 to vector<16xi32>
      %add3A_1726 = arith.addi %get3A_1723, %add3A_1725 : vector<16xi32>
      %gather3A_1727 = tpu.vector_load_idx %arg20[%add3A_1726] : memref<256xf32, #tpu.memory_space<vmem>>[vector<16xi32>], vector<16xf32>,
      %add3A_1728 = arith.addf %add3A_1709, %gather3A_1727 : vector<16xf32>
      %add3A_1729 = arith.constant 64 : i32
      %add3A_1730 = vector.broadcast %add3A_1729 : i32 to vector<16xi32>
      %add3A_1731 = arith.addi %get3A_1723, %add3A_1730 : vector<16xi32>
      %gather3A_1732 = tpu.vector_load_idx %arg20[%add3A_1731] : memref<256xf32, #tpu.memory_space<vmem>>[vector<16xi32>], vector<16xf32>,
      %add3A_1733 = arith.addf %add3A_1714, %gather3A_1732 : vector<16xf32>
      %add3A_1734 = arith.constant 128 : i32
      %add3A_1735 = vector.broadcast %add3A_1734 : i32 to vector<16xi32>
      %add3A_1736 = arith.addi %get3A_1723, %add3A_1735 : vector<16xi32>
      %gather3A_1737 = tpu.vector_load_idx %arg20[%add3A_1736] : memref<256xf32, #tpu.memory_space<vmem>>[vector<16xi32>], vector<16xf32>,
      %add3A_1738 = arith.addf %add3A_1719, %gather3A_1737 : vector<16xf32>
      %get3A_1739 = arith.constant 2 : i32
      %get3A_1740 = arith.index_cast %get3A_1739 : i32 to index
      %get3A_1741 = arith.constant 32 : index
      %get3A_1742 = tpu.vector_load %arg11[%get3A_1740, %get3A_1741] {strides = array<i32>} : memref<9x64xi32, #tpu.memory_space<vmem>>, vector<16xi32>,
      %add3A_1743 = arith.constant 0 : i32
      %add3A_1744 = vector.broadcast %add3A_1743 : i32 to vector<16xi32>
      %add3A_1745 = arith.addi %get3A_1742, %add3A_1744 : vector<16xi32>
      %gather3A_1746 = tpu.vector_load_idx %arg20[%add3A_1745] : memref<256xf32, #tpu.memory_space<vmem>>[vector<16xi32>], vector<16xf32>,
      %add3A_1747 = arith.addf %add3A_1728, %gather3A_1746 : vector<16xf32>
      %add3A_1748 = arith.constant 64 : i32
      %add3A_1749 = vector.broadcast %add3A_1748 : i32 to vector<16xi32>
      %add3A_1750 = arith.addi %get3A_1742, %add3A_1749 : vector<16xi32>
      %gather3A_1751 = tpu.vector_load_idx %arg20[%add3A_1750] : memref<256xf32, #tpu.memory_space<vmem>>[vector<16xi32>], vector<16xf32>,
      %add3A_1752 = arith.addf %add3A_1733, %gather3A_1751 : vector<16xf32>
      %add3A_1753 = arith.constant 128 : i32
      %add3A_1754 = vector.broadcast %add3A_1753 : i32 to vector<16xi32>
      %add3A_1755 = arith.addi %get3A_1742, %add3A_1754 : vector<16xi32>
      %gather3A_1756 = tpu.vector_load_idx %arg20[%add3A_1755] : memref<256xf32, #tpu.memory_space<vmem>>[vector<16xi32>], vector<16xf32>,
      %add3A_1757 = arith.addf %add3A_1738, %gather3A_1756 : vector<16xf32>
      %get3A_1758 = arith.constant 3 : i32
      %get3A_1759 = arith.index_cast %get3A_1758 : i32 to index
      %get3A_1760 = arith.constant 32 : index
      %get3A_1761 = tpu.vector_load %arg11[%get3A_1759, %get3A_1760] {strides = array<i32>} : memref<9x64xi32, #tpu.memory_space<vmem>>, vector<16xi32>,
      %add3A_1762 = arith.constant 0 : i32
      %add3A_1763 = vector.broadcast %add3A_1762 : i32 to vector<16xi32>
      %add3A_1764 = arith.addi %get3A_1761, %add3A_1763 : vector<16xi32>
      %gather3A_1765 = tpu.vector_load_idx %arg20[%add3A_1764] : memref<256xf32, #tpu.memory_space<vmem>>[vector<16xi32>], vector<16xf32>,
      %add3A_1766 = arith.addf %add3A_1747, %gather3A_1765 : vector<16xf32>
      %add3A_1767 = arith.constant 64 : i32
      %add3A_1768 = vector.broadcast %add3A_1767 : i32 to vector<16xi32>
      %add3A_1769 = arith.addi %get3A_1761, %add3A_1768 : vector<16xi32>
      %gather3A_1770 = tpu.vector_load_idx %arg20[%add3A_1769] : memref<256xf32, #tpu.memory_space<vmem>>[vector<16xi32>], vector<16xf32>,
      %add3A_1771 = arith.addf %add3A_1752, %gather3A_1770 : vector<16xf32>
      %add3A_1772 = arith.constant 128 : i32
      %add3A_1773 = vector.broadcast %add3A_1772 : i32 to vector<16xi32>
      %add3A_1774 = arith.addi %get3A_1761, %add3A_1773 : vector<16xi32>
      %gather3A_1775 = tpu.vector_load_idx %arg20[%add3A_1774] : memref<256xf32, #tpu.memory_space<vmem>>[vector<16xi32>], vector<16xf32>,
      %add3A_1776 = arith.addf %add3A_1757, %gather3A_1775 : vector<16xf32>
      %get3A_1777 = arith.constant 4 : i32
      %get3A_1778 = arith.index_cast %get3A_1777 : i32 to index
      %get3A_1779 = arith.constant 32 : index
      %get3A_1780 = tpu.vector_load %arg11[%get3A_1778, %get3A_1779] {strides = array<i32>} : memref<9x64xi32, #tpu.memory_space<vmem>>, vector<16xi32>,
      %add3A_1781 = arith.constant 0 : i32
      %add3A_1782 = vector.broadcast %add3A_1781 : i32 to vector<16xi32>
      %add3A_1783 = arith.addi %get3A_1780, %add3A_1782 : vector<16xi32>
      %gather3A_1784 = tpu.vector_load_idx %arg20[%add3A_1783] : memref<256xf32, #tpu.memory_space<vmem>>[vector<16xi32>], vector<16xf32>,
      %add3A_1785 = arith.addf %add3A_1766, %gather3A_1784 : vector<16xf32>
      %add3A_1786 = arith.constant 64 : i32
      %add3A_1787 = vector.broadcast %add3A_1786 : i32 to vector<16xi32>
      %add3A_1788 = arith.addi %get3A_1780, %add3A_1787 : vector<16xi32>
      %gather3A_1789 = tpu.vector_load_idx %arg20[%add3A_1788] : memref<256xf32, #tpu.memory_space<vmem>>[vector<16xi32>], vector<16xf32>,
      %add3A_1790 = arith.addf %add3A_1771, %gather3A_1789 : vector<16xf32>
      %add3A_1791 = arith.constant 128 : i32
      %add3A_1792 = vector.broadcast %add3A_1791 : i32 to vector<16xi32>
      %add3A_1793 = arith.addi %get3A_1780, %add3A_1792 : vector<16xi32>
      %gather3A_1794 = tpu.vector_load_idx %arg20[%add3A_1793] : memref<256xf32, #tpu.memory_space<vmem>>[vector<16xi32>], vector<16xf32>,
      %add3A_1795 = arith.addf %add3A_1776, %gather3A_1794 : vector<16xf32>
      %get3A_1796 = arith.constant 5 : i32
      %get3A_1797 = arith.index_cast %get3A_1796 : i32 to index
      %get3A_1798 = arith.constant 32 : index
      %get3A_1799 = tpu.vector_load %arg11[%get3A_1797, %get3A_1798] {strides = array<i32>} : memref<9x64xi32, #tpu.memory_space<vmem>>, vector<16xi32>,
      %add3A_1800 = arith.constant 0 : i32
      %add3A_1801 = vector.broadcast %add3A_1800 : i32 to vector<16xi32>
      %add3A_1802 = arith.addi %get3A_1799, %add3A_1801 : vector<16xi32>
      %gather3A_1803 = tpu.vector_load_idx %arg20[%add3A_1802] : memref<256xf32, #tpu.memory_space<vmem>>[vector<16xi32>], vector<16xf32>,
      %add3A_1804 = arith.addf %add3A_1785, %gather3A_1803 : vector<16xf32>
      %add3A_1805 = arith.constant 64 : i32
      %add3A_1806 = vector.broadcast %add3A_1805 : i32 to vector<16xi32>
      %add3A_1807 = arith.addi %get3A_1799, %add3A_1806 : vector<16xi32>
      %gather3A_1808 = tpu.vector_load_idx %arg20[%add3A_1807] : memref<256xf32, #tpu.memory_space<vmem>>[vector<16xi32>], vector<16xf32>,
      %add3A_1809 = arith.addf %add3A_1790, %gather3A_1808 : vector<16xf32>
      %add3A_1810 = arith.constant 128 : i32
      %add3A_1811 = vector.broadcast %add3A_1810 : i32 to vector<16xi32>
      %add3A_1812 = arith.addi %get3A_1799, %add3A_1811 : vector<16xi32>
      %gather3A_1813 = tpu.vector_load_idx %arg20[%add3A_1812] : memref<256xf32, #tpu.memory_space<vmem>>[vector<16xi32>], vector<16xf32>,
      %add3A_1814 = arith.addf %add3A_1795, %gather3A_1813 : vector<16xf32>
      %get3A_1815 = arith.constant 6 : i32
      %get3A_1816 = arith.index_cast %get3A_1815 : i32 to index
      %get3A_1817 = arith.constant 32 : index
      %get3A_1818 = tpu.vector_load %arg11[%get3A_1816, %get3A_1817] {strides = array<i32>} : memref<9x64xi32, #tpu.memory_space<vmem>>, vector<16xi32>,
      %add3A_1819 = arith.constant 0 : i32
      %add3A_1820 = vector.broadcast %add3A_1819 : i32 to vector<16xi32>
      %add3A_1821 = arith.addi %get3A_1818, %add3A_1820 : vector<16xi32>
      %gather3A_1822 = tpu.vector_load_idx %arg20[%add3A_1821] : memref<256xf32, #tpu.memory_space<vmem>>[vector<16xi32>], vector<16xf32>,
      %add3A_1823 = arith.addf %add3A_1804, %gather3A_1822 : vector<16xf32>
      %add3A_1824 = arith.constant 64 : i32
      %add3A_1825 = vector.broadcast %add3A_1824 : i32 to vector<16xi32>
      %add3A_1826 = arith.addi %get3A_1818, %add3A_1825 : vector<16xi32>
      %gather3A_1827 = tpu.vector_load_idx %arg20[%add3A_1826] : memref<256xf32, #tpu.memory_space<vmem>>[vector<16xi32>], vector<16xf32>,
      %add3A_1828 = arith.addf %add3A_1809, %gather3A_1827 : vector<16xf32>
      %add3A_1829 = arith.constant 128 : i32
      %add3A_1830 = vector.broadcast %add3A_1829 : i32 to vector<16xi32>
      %add3A_1831 = arith.addi %get3A_1818, %add3A_1830 : vector<16xi32>
      %gather3A_1832 = tpu.vector_load_idx %arg20[%add3A_1831] : memref<256xf32, #tpu.memory_space<vmem>>[vector<16xi32>], vector<16xf32>,
      %add3A_1833 = arith.addf %add3A_1814, %gather3A_1832 : vector<16xf32>
      %get3A_1834 = arith.constant 7 : i32
      %get3A_1835 = arith.index_cast %get3A_1834 : i32 to index
      %get3A_1836 = arith.constant 32 : index
      %get3A_1837 = tpu.vector_load %arg11[%get3A_1835, %get3A_1836] {strides = array<i32>} : memref<9x64xi32, #tpu.memory_space<vmem>>, vector<16xi32>,
      %add3A_1838 = arith.constant 0 : i32
      %add3A_1839 = vector.broadcast %add3A_1838 : i32 to vector<16xi32>
      %add3A_1840 = arith.addi %get3A_1837, %add3A_1839 : vector<16xi32>
      %gather3A_1841 = tpu.vector_load_idx %arg20[%add3A_1840] : memref<256xf32, #tpu.memory_space<vmem>>[vector<16xi32>], vector<16xf32>,
      %add3A_1842 = arith.addf %add3A_1823, %gather3A_1841 : vector<16xf32>
      %add3A_1843 = arith.constant 64 : i32
      %add3A_1844 = vector.broadcast %add3A_1843 : i32 to vector<16xi32>
      %add3A_1845 = arith.addi %get3A_1837, %add3A_1844 : vector<16xi32>
      %gather3A_1846 = tpu.vector_load_idx %arg20[%add3A_1845] : memref<256xf32, #tpu.memory_space<vmem>>[vector<16xi32>], vector<16xf32>,
      %add3A_1847 = arith.addf %add3A_1828, %gather3A_1846 : vector<16xf32>
      %add3A_1848 = arith.constant 128 : i32
      %add3A_1849 = vector.broadcast %add3A_1848 : i32 to vector<16xi32>
      %add3A_1850 = arith.addi %get3A_1837, %add3A_1849 : vector<16xi32>
      %gather3A_1851 = tpu.vector_load_idx %arg20[%add3A_1850] : memref<256xf32, #tpu.memory_space<vmem>>[vector<16xi32>], vector<16xf32>,
      %add3A_1852 = arith.addf %add3A_1833, %gather3A_1851 : vector<16xf32>
      %get3A_1853 = arith.constant 8 : i32
      %get3A_1854 = arith.index_cast %get3A_1853 : i32 to index
      %get3A_1855 = arith.constant 32 : index
      %get3A_1856 = tpu.vector_load %arg11[%get3A_1854, %get3A_1855] {strides = array<i32>} : memref<9x64xi32, #tpu.memory_space<vmem>>, vector<16xi32>,
      %add3A_1857 = arith.constant 0 : i32
      %add3A_1858 = vector.broadcast %add3A_1857 : i32 to vector<16xi32>
      %add3A_1859 = arith.addi %get3A_1856, %add3A_1858 : vector<16xi32>
      %gather3A_1860 = tpu.vector_load_idx %arg20[%add3A_1859] : memref<256xf32, #tpu.memory_space<vmem>>[vector<16xi32>], vector<16xf32>,
      %add3A_1861 = arith.addf %add3A_1842, %gather3A_1860 : vector<16xf32>
      %add3A_1862 = arith.constant 64 : i32
      %add3A_1863 = vector.broadcast %add3A_1862 : i32 to vector<16xi32>
      %add3A_1864 = arith.addi %get3A_1856, %add3A_1863 : vector<16xi32>
      %gather3A_1865 = tpu.vector_load_idx %arg20[%add3A_1864] : memref<256xf32, #tpu.memory_space<vmem>>[vector<16xi32>], vector<16xf32>,
      %add3A_1866 = arith.addf %add3A_1847, %gather3A_1865 : vector<16xf32>
      %add3A_1867 = arith.constant 128 : i32
      %add3A_1868 = vector.broadcast %add3A_1867 : i32 to vector<16xi32>
      %add3A_1869 = arith.addi %get3A_1856, %add3A_1868 : vector<16xi32>
      %gather3A_1870 = tpu.vector_load_idx %arg20[%add3A_1869] : memref<256xf32, #tpu.memory_space<vmem>>[vector<16xi32>], vector<16xf32>,
      %add3A_1871 = arith.addf %add3A_1852, %gather3A_1870 : vector<16xf32>
      %div3A_1872 = arith.constant 9.000000e+00 : f32
      %div3A_1873 = vector.broadcast %div3A_1872 : f32 to vector<16xf32>
      %div3A_1874 = arith.divf %add3A_1861, %div3A_1873 : vector<16xf32>
      %swap3A_1875 = arith.constant 0 : i32
      %swap3A_1876 = arith.index_cast %swap3A_1875 : i32 to index
      %swap3A_1877 = arith.constant 32 : index
      %swap3A_1878 = tpu.vector_load %arg21[%swap3A_1876, %swap3A_1877] {strides = array<i32>} : memref<3x64xf32, #tpu.memory_space<vmem>>, vector<16xf32>,
      tpu.vector_store %arg21[%swap3A_1876, %swap3A_1877], %div3A_1874 {strides = array<i32>} : memref<3x64xf32, #tpu.memory_space<vmem>>, vector<16xf32>,
      %div3A_1879 = arith.constant 9.000000e+00 : f32
      %div3A_1880 = vector.broadcast %div3A_1879 : f32 to vector<16xf32>
      %div3A_1881 = arith.divf %add3A_1866, %div3A_1880 : vector<16xf32>
      %swap3A_1882 = arith.constant 1 : i32
      %swap3A_1883 = arith.index_cast %swap3A_1882 : i32 to index
      %swap3A_1884 = arith.constant 32 : index
      %swap3A_1885 = tpu.vector_load %arg21[%swap3A_1883, %swap3A_1884] {strides = array<i32>} : memref<3x64xf32, #tpu.memory_space<vmem>>, vector<16xf32>,
      tpu.vector_store %arg21[%swap3A_1883, %swap3A_1884], %div3A_1881 {strides = array<i32>} : memref<3x64xf32, #tpu.memory_space<vmem>>, vector<16xf32>,
      %div3A_1886 = arith.constant 9.000000e+00 : f32
      %div3A_1887 = vector.broadcast %div3A_1886 : f32 to vector<16xf32>
      %div3A_1888 = arith.divf %add3A_1871, %div3A_1887 : vector<16xf32>
      %swap3A_1889 = arith.constant 2 : i32
      %swap3A_1890 = arith.index_cast %swap3A_1889 : i32 to index
      %swap3A_1891 = arith.constant 32 : index
      %swap3A_1892 = tpu.vector_load %arg21[%swap3A_1890, %swap3A_1891] {strides = array<i32>} : memref<3x64xf32, #tpu.memory_space<vmem>>, vector<16xf32>,
      tpu.vector_store %arg21[%swap3A_1890, %swap3A_1891], %div3A_1888 {strides = array<i32>} : memref<3x64xf32, #tpu.memory_space<vmem>>, vector<16xf32>,
      %broadcast_in_dim3A_1893 = arith.constant 0.000000e+00 : f32
      %broadcast_in_dim3A_1894 = vector.broadcast %broadcast_in_dim3A_1893 : f32 to vector<16xf32>
      %broadcast_in_dim3A_1895 = arith.constant 0.000000e+00 : f32
      %broadcast_in_dim3A_1896 = vector.broadcast %broadcast_in_dim3A_1895 : f32 to vector<16xf32>
      %broadcast_in_dim3A_1897 = arith.constant 0.000000e+00 : f32
      %broadcast_in_dim3A_1898 = vector.broadcast %broadcast_in_dim3A_1897 : f32 to vector<16xf32>
      %get3A_1899 = arith.constant 0 : i32
      %get3A_1900 = arith.index_cast %get3A_1899 : i32 to index
      %get3A_1901 = arith.constant 48 : index
      %get3A_1902 = tpu.vector_load %arg11[%get3A_1900, %get3A_1901] {strides = array<i32>} : memref<9x64xi32, #tpu.memory_space<vmem>>, vector<16xi32>,
      %add3A_1903 = arith.constant 0 : i32
      %add3A_1904 = vector.broadcast %add3A_1903 : i32 to vector<16xi32>
      %add3A_1905 = arith.addi %get3A_1902, %add3A_1904 : vector<16xi32>
      %gather3A_1906 = tpu.vector_load_idx %arg20[%add3A_1905] : memref<256xf32, #tpu.memory_space<vmem>>[vector<16xi32>], vector<16xf32>,
      %add3A_1907 = arith.addf %broadcast_in_dim3A_1894, %gather3A_1906 : vector<16xf32>
      %add3A_1908 = arith.constant 64 : i32
      %add3A_1909 = vector.broadcast %add3A_1908 : i32 to vector<16xi32>
      %add3A_1910 = arith.addi %get3A_1902, %add3A_1909 : vector<16xi32>
      %gather3A_1911 = tpu.vector_load_idx %arg20[%add3A_1910] : memref<256xf32, #tpu.memory_space<vmem>>[vector<16xi32>], vector<16xf32>,
      %add3A_1912 = arith.addf %broadcast_in_dim3A_1896, %gather3A_1911 : vector<16xf32>
      %add3A_1913 = arith.constant 128 : i32
      %add3A_1914 = vector.broadcast %add3A_1913 : i32 to vector<16xi32>
      %add3A_1915 = arith.addi %get3A_1902, %add3A_1914 : vector<16xi32>
      %gather3A_1916 = tpu.vector_load_idx %arg20[%add3A_1915] : memref<256xf32, #tpu.memory_space<vmem>>[vector<16xi32>], vector<16xf32>,
      %add3A_1917 = arith.addf %broadcast_in_dim3A_1898, %gather3A_1916 : vector<16xf32>
      %get3A_1918 = arith.constant 1 : i32
      %get3A_1919 = arith.index_cast %get3A_1918 : i32 to index
      %get3A_1920 = arith.constant 48 : index
      %get3A_1921 = tpu.vector_load %arg11[%get3A_1919, %get3A_1920] {strides = array<i32>} : memref<9x64xi32, #tpu.memory_space<vmem>>, vector<16xi32>,
      %add3A_1922 = arith.constant 0 : i32
      %add3A_1923 = vector.broadcast %add3A_1922 : i32 to vector<16xi32>
      %add3A_1924 = arith.addi %get3A_1921, %add3A_1923 : vector<16xi32>
      %gather3A_1925 = tpu.vector_load_idx %arg20[%add3A_1924] : memref<256xf32, #tpu.memory_space<vmem>>[vector<16xi32>], vector<16xf32>,
      %add3A_1926 = arith.addf %add3A_1907, %gather3A_1925 : vector<16xf32>
      %add3A_1927 = arith.constant 64 : i32
      %add3A_1928 = vector.broadcast %add3A_1927 : i32 to vector<16xi32>
      %add3A_1929 = arith.addi %get3A_1921, %add3A_1928 : vector<16xi32>
      %gather3A_1930 = tpu.vector_load_idx %arg20[%add3A_1929] : memref<256xf32, #tpu.memory_space<vmem>>[vector<16xi32>], vector<16xf32>,
      %add3A_1931 = arith.addf %add3A_1912, %gather3A_1930 : vector<16xf32>
      %add3A_1932 = arith.constant 128 : i32
      %add3A_1933 = vector.broadcast %add3A_1932 : i32 to vector<16xi32>
      %add3A_1934 = arith.addi %get3A_1921, %add3A_1933 : vector<16xi32>
      %gather3A_1935 = tpu.vector_load_idx %arg20[%add3A_1934] : memref<256xf32, #tpu.memory_space<vmem>>[vector<16xi32>], vector<16xf32>,
      %add3A_1936 = arith.addf %add3A_1917, %gather3A_1935 : vector<16xf32>
      %get3A_1937 = arith.constant 2 : i32
      %get3A_1938 = arith.index_cast %get3A_1937 : i32 to index
      %get3A_1939 = arith.constant 48 : index
      %get3A_1940 = tpu.vector_load %arg11[%get3A_1938, %get3A_1939] {strides = array<i32>} : memref<9x64xi32, #tpu.memory_space<vmem>>, vector<16xi32>,
      %add3A_1941 = arith.constant 0 : i32
      %add3A_1942 = vector.broadcast %add3A_1941 : i32 to vector<16xi32>
      %add3A_1943 = arith.addi %get3A_1940, %add3A_1942 : vector<16xi32>
      %gather3A_1944 = tpu.vector_load_idx %arg20[%add3A_1943] : memref<256xf32, #tpu.memory_space<vmem>>[vector<16xi32>], vector<16xf32>,
      %add3A_1945 = arith.addf %add3A_1926, %gather3A_1944 : vector<16xf32>
      %add3A_1946 = arith.constant 64 : i32
      %add3A_1947 = vector.broadcast %add3A_1946 : i32 to vector<16xi32>
      %add3A_1948 = arith.addi %get3A_1940, %add3A_1947 : vector<16xi32>
      %gather3A_1949 = tpu.vector_load_idx %arg20[%add3A_1948] : memref<256xf32, #tpu.memory_space<vmem>>[vector<16xi32>], vector<16xf32>,
      %add3A_1950 = arith.addf %add3A_1931, %gather3A_1949 : vector<16xf32>
      %add3A_1951 = arith.constant 128 : i32
      %add3A_1952 = vector.broadcast %add3A_1951 : i32 to vector<16xi32>
      %add3A_1953 = arith.addi %get3A_1940, %add3A_1952 : vector<16xi32>
      %gather3A_1954 = tpu.vector_load_idx %arg20[%add3A_1953] : memref<256xf32, #tpu.memory_space<vmem>>[vector<16xi32>], vector<16xf32>,
      %add3A_1955 = arith.addf %add3A_1936, %gather3A_1954 : vector<16xf32>
      %get3A_1956 = arith.constant 3 : i32
      %get3A_1957 = arith.index_cast %get3A_1956 : i32 to index
      %get3A_1958 = arith.constant 48 : index
      %get3A_1959 = tpu.vector_load %arg11[%get3A_1957, %get3A_1958] {strides = array<i32>} : memref<9x64xi32, #tpu.memory_space<vmem>>, vector<16xi32>,
      %add3A_1960 = arith.constant 0 : i32
      %add3A_1961 = vector.broadcast %add3A_1960 : i32 to vector<16xi32>
      %add3A_1962 = arith.addi %get3A_1959, %add3A_1961 : vector<16xi32>
      %gather3A_1963 = tpu.vector_load_idx %arg20[%add3A_1962] : memref<256xf32, #tpu.memory_space<vmem>>[vector<16xi32>], vector<16xf32>,
      %add3A_1964 = arith.addf %add3A_1945, %gather3A_1963 : vector<16xf32>
      %add3A_1965 = arith.constant 64 : i32
      %add3A_1966 = vector.broadcast %add3A_1965 : i32 to vector<16xi32>
      %add3A_1967 = arith.addi %get3A_1959, %add3A_1966 : vector<16xi32>
      %gather3A_1968 = tpu.vector_load_idx %arg20[%add3A_1967] : memref<256xf32, #tpu.memory_space<vmem>>[vector<16xi32>], vector<16xf32>,
      %add3A_1969 = arith.addf %add3A_1950, %gather3A_1968 : vector<16xf32>
      %add3A_1970 = arith.constant 128 : i32
      %add3A_1971 = vector.broadcast %add3A_1970 : i32 to vector<16xi32>
      %add3A_1972 = arith.addi %get3A_1959, %add3A_1971 : vector<16xi32>
      %gather3A_1973 = tpu.vector_load_idx %arg20[%add3A_1972] : memref<256xf32, #tpu.memory_space<vmem>>[vector<16xi32>], vector<16xf32>,
      %add3A_1974 = arith.addf %add3A_1955, %gather3A_1973 : vector<16xf32>
      %get3A_1975 = arith.constant 4 : i32
      %get3A_1976 = arith.index_cast %get3A_1975 : i32 to index
      %get3A_1977 = arith.constant 48 : index
      %get3A_1978 = tpu.vector_load %arg11[%get3A_1976, %get3A_1977] {strides = array<i32>} : memref<9x64xi32, #tpu.memory_space<vmem>>, vector<16xi32>,
      %add3A_1979 = arith.constant 0 : i32
      %add3A_1980 = vector.broadcast %add3A_1979 : i32 to vector<16xi32>
      %add3A_1981 = arith.addi %get3A_1978, %add3A_1980 : vector<16xi32>
      %gather3A_1982 = tpu.vector_load_idx %arg20[%add3A_1981] : memref<256xf32, #tpu.memory_space<vmem>>[vector<16xi32>], vector<16xf32>,
      %add3A_1983 = arith.addf %add3A_1964, %gather3A_1982 : vector<16xf32>
      %add3A_1984 = arith.constant 64 : i32
      %add3A_1985 = vector.broadcast %add3A_1984 : i32 to vector<16xi32>
      %add3A_1986 = arith.addi %get3A_1978, %add3A_1985 : vector<16xi32>
      %gather3A_1987 = tpu.vector_load_idx %arg20[%add3A_1986] : memref<256xf32, #tpu.memory_space<vmem>>[vector<16xi32>], vector<16xf32>,
      %add3A_1988 = arith.addf %add3A_1969, %gather3A_1987 : vector<16xf32>
      %add3A_1989 = arith.constant 128 : i32
      %add3A_1990 = vector.broadcast %add3A_1989 : i32 to vector<16xi32>
      %add3A_1991 = arith.addi %get3A_1978, %add3A_1990 : vector<16xi32>
      %gather3A_1992 = tpu.vector_load_idx %arg20[%add3A_1991] : memref<256xf32, #tpu.memory_space<vmem>>[vector<16xi32>], vector<16xf32>,
      %add3A_1993 = arith.addf %add3A_1974, %gather3A_1992 : vector<16xf32>
      %get3A_1994 = arith.constant 5 : i32
      %get3A_1995 = arith.index_cast %get3A_1994 : i32 to index
      %get3A_1996 = arith.constant 48 : index
      %get3A_1997 = tpu.vector_load %arg11[%get3A_1995, %get3A_1996] {strides = array<i32>} : memref<9x64xi32, #tpu.memory_space<vmem>>, vector<16xi32>,
      %add3A_1998 = arith.constant 0 : i32
      %add3A_1999 = vector.broadcast %add3A_1998 : i32 to vector<16xi32>
      %add3A_2000 = arith.addi %get3A_1997, %add3A_1999 : vector<16xi32>
      %gather3A_2001 = tpu.vector_load_idx %arg20[%add3A_2000] : memref<256xf32, #tpu.memory_space<vmem>>[vector<16xi32>], vector<16xf32>,
      %add3A_2002 = arith.addf %add3A_1983, %gather3A_2001 : vector<16xf32>
      %add3A_2003 = arith.constant 64 : i32
      %add3A_2004 = vector.broadcast %add3A_2003 : i32 to vector<16xi32>
      %add3A_2005 = arith.addi %get3A_1997, %add3A_2004 : vector<16xi32>
      %gather3A_2006 = tpu.vector_load_idx %arg20[%add3A_2005] : memref<256xf32, #tpu.memory_space<vmem>>[vector<16xi32>], vector<16xf32>,
      %add3A_2007 = arith.addf %add3A_1988, %gather3A_2006 : vector<16xf32>
      %add3A_2008 = arith.constant 128 : i32
      %add3A_2009 = vector.broadcast %add3A_2008 : i32 to vector<16xi32>
      %add3A_2010 = arith.addi %get3A_1997, %add3A_2009 : vector<16xi32>
      %gather3A_2011 = tpu.vector_load_idx %arg20[%add3A_2010] : memref<256xf32, #tpu.memory_space<vmem>>[vector<16xi32>], vector<16xf32>,
      %add3A_2012 = arith.addf %add3A_1993, %gather3A_2011 : vector<16xf32>
      %get3A_2013 = arith.constant 6 : i32
      %get3A_2014 = arith.index_cast %get3A_2013 : i32 to index
      %get3A_2015 = arith.constant 48 : index
      %get3A_2016 = tpu.vector_load %arg11[%get3A_2014, %get3A_2015] {strides = array<i32>} : memref<9x64xi32, #tpu.memory_space<vmem>>, vector<16xi32>,
      %add3A_2017 = arith.constant 0 : i32
      %add3A_2018 = vector.broadcast %add3A_2017 : i32 to vector<16xi32>
      %add3A_2019 = arith.addi %get3A_2016, %add3A_2018 : vector<16xi32>
      %gather3A_2020 = tpu.vector_load_idx %arg20[%add3A_2019] : memref<256xf32, #tpu.memory_space<vmem>>[vector<16xi32>], vector<16xf32>,
      %add3A_2021 = arith.addf %add3A_2002, %gather3A_2020 : vector<16xf32>
      %add3A_2022 = arith.constant 64 : i32
      %add3A_2023 = vector.broadcast %add3A_2022 : i32 to vector<16xi32>
      %add3A_2024 = arith.addi %get3A_2016, %add3A_2023 : vector<16xi32>
      %gather3A_2025 = tpu.vector_load_idx %arg20[%add3A_2024] : memref<256xf32, #tpu.memory_space<vmem>>[vector<16xi32>], vector<16xf32>,
      %add3A_2026 = arith.addf %add3A_2007, %gather3A_2025 : vector<16xf32>
      %add3A_2027 = arith.constant 128 : i32
      %add3A_2028 = vector.broadcast %add3A_2027 : i32 to vector<16xi32>
      %add3A_2029 = arith.addi %get3A_2016, %add3A_2028 : vector<16xi32>
      %gather3A_2030 = tpu.vector_load_idx %arg20[%add3A_2029] : memref<256xf32, #tpu.memory_space<vmem>>[vector<16xi32>], vector<16xf32>,
      %add3A_2031 = arith.addf %add3A_2012, %gather3A_2030 : vector<16xf32>
      %get3A_2032 = arith.constant 7 : i32
      %get3A_2033 = arith.index_cast %get3A_2032 : i32 to index
      %get3A_2034 = arith.constant 48 : index
      %get3A_2035 = tpu.vector_load %arg11[%get3A_2033, %get3A_2034] {strides = array<i32>} : memref<9x64xi32, #tpu.memory_space<vmem>>, vector<16xi32>,
      %add3A_2036 = arith.constant 0 : i32
      %add3A_2037 = vector.broadcast %add3A_2036 : i32 to vector<16xi32>
      %add3A_2038 = arith.addi %get3A_2035, %add3A_2037 : vector<16xi32>
      %gather3A_2039 = tpu.vector_load_idx %arg20[%add3A_2038] : memref<256xf32, #tpu.memory_space<vmem>>[vector<16xi32>], vector<16xf32>,
      %add3A_2040 = arith.addf %add3A_2021, %gather3A_2039 : vector<16xf32>
      %add3A_2041 = arith.constant 64 : i32
      %add3A_2042 = vector.broadcast %add3A_2041 : i32 to vector<16xi32>
      %add3A_2043 = arith.addi %get3A_2035, %add3A_2042 : vector<16xi32>
      %gather3A_2044 = tpu.vector_load_idx %arg20[%add3A_2043] : memref<256xf32, #tpu.memory_space<vmem>>[vector<16xi32>], vector<16xf32>,
      %add3A_2045 = arith.addf %add3A_2026, %gather3A_2044 : vector<16xf32>
      %add3A_2046 = arith.constant 128 : i32
      %add3A_2047 = vector.broadcast %add3A_2046 : i32 to vector<16xi32>
      %add3A_2048 = arith.addi %get3A_2035, %add3A_2047 : vector<16xi32>
      %gather3A_2049 = tpu.vector_load_idx %arg20[%add3A_2048] : memref<256xf32, #tpu.memory_space<vmem>>[vector<16xi32>], vector<16xf32>,
      %add3A_2050 = arith.addf %add3A_2031, %gather3A_2049 : vector<16xf32>
      %get3A_2051 = arith.constant 8 : i32
      %get3A_2052 = arith.index_cast %get3A_2051 : i32 to index
      %get3A_2053 = arith.constant 48 : index
      %get3A_2054 = tpu.vector_load %arg11[%get3A_2052, %get3A_2053] {strides = array<i32>} : memref<9x64xi32, #tpu.memory_space<vmem>>, vector<16xi32>,
      %add3A_2055 = arith.constant 0 : i32
      %add3A_2056 = vector.broadcast %add3A_2055 : i32 to vector<16xi32>
      %add3A_2057 = arith.addi %get3A_2054, %add3A_2056 : vector<16xi32>
      %gather3A_2058 = tpu.vector_load_idx %arg20[%add3A_2057] : memref<256xf32, #tpu.memory_space<vmem>>[vector<16xi32>], vector<16xf32>,
      %add3A_2059 = arith.addf %add3A_2040, %gather3A_2058 : vector<16xf32>
      %add3A_2060 = arith.constant 64 : i32
      %add3A_2061 = vector.broadcast %add3A_2060 : i32 to vector<16xi32>
      %add3A_2062 = arith.addi %get3A_2054, %add3A_2061 : vector<16xi32>
      %gather3A_2063 = tpu.vector_load_idx %arg20[%add3A_2062] : memref<256xf32, #tpu.memory_space<vmem>>[vector<16xi32>], vector<16xf32>,
      %add3A_2064 = arith.addf %add3A_2045, %gather3A_2063 : vector<16xf32>
      %add3A_2065 = arith.constant 128 : i32
      %add3A_2066 = vector.broadcast %add3A_2065 : i32 to vector<16xi32>
      %add3A_2067 = arith.addi %get3A_2054, %add3A_2066 : vector<16xi32>
      %gather3A_2068 = tpu.vector_load_idx %arg20[%add3A_2067] : memref<256xf32, #tpu.memory_space<vmem>>[vector<16xi32>], vector<16xf32>,
      %add3A_2069 = arith.addf %add3A_2050, %gather3A_2068 : vector<16xf32>
      %div3A_2070 = arith.constant 9.000000e+00 : f32
      %div3A_2071 = vector.broadcast %div3A_2070 : f32 to vector<16xf32>
      %div3A_2072 = arith.divf %add3A_2059, %div3A_2071 : vector<16xf32>
      %swap3A_2073 = arith.constant 0 : i32
      %swap3A_2074 = arith.index_cast %swap3A_2073 : i32 to index
      %swap3A_2075 = arith.constant 48 : index
      %swap3A_2076 = tpu.vector_load %arg21[%swap3A_2074, %swap3A_2075] {strides = array<i32>} : memref<3x64xf32, #tpu.memory_space<vmem>>, vector<16xf32>,
      tpu.vector_store %arg21[%swap3A_2074, %swap3A_2075], %div3A_2072 {strides = array<i32>} : memref<3x64xf32, #tpu.memory_space<vmem>>, vector<16xf32>,
      %div3A_2077 = arith.constant 9.000000e+00 : f32
      %div3A_2078 = vector.broadcast %div3A_2077 : f32 to vector<16xf32>
      %div3A_2079 = arith.divf %add3A_2064, %div3A_2078 : vector<16xf32>
      %swap3A_2080 = arith.constant 1 : i32
      %swap3A_2081 = arith.index_cast %swap3A_2080 : i32 to index
      %swap3A_2082 = arith.constant 48 : index
      %swap3A_2083 = tpu.vector_load %arg21[%swap3A_2081, %swap3A_2082] {strides = array<i32>} : memref<3x64xf32, #tpu.memory_space<vmem>>, vector<16xf32>,
      tpu.vector_store %arg21[%swap3A_2081, %swap3A_2082], %div3A_2079 {strides = array<i32>} : memref<3x64xf32, #tpu.memory_space<vmem>>, vector<16xf32>,
      %div3A_2084 = arith.constant 9.000000e+00 : f32
      %div3A_2085 = vector.broadcast %div3A_2084 : f32 to vector<16xf32>
      %div3A_2086 = arith.divf %add3A_2069, %div3A_2085 : vector<16xf32>
      %swap3A_2087 = arith.constant 2 : i32
      %swap3A_2088 = arith.index_cast %swap3A_2087 : i32 to index
      %swap3A_2089 = arith.constant 48 : index
      %swap3A_2090 = tpu.vector_load %arg21[%swap3A_2088, %swap3A_2089] {strides = array<i32>} : memref<3x64xf32, #tpu.memory_space<vmem>>, vector<16xf32>,
      tpu.vector_store %arg21[%swap3A_2088, %swap3A_2089], %div3A_2086 {strides = array<i32>} : memref<3x64xf32, #tpu.memory_space<vmem>>, vector<16xf32>,
      "tpu.region"() ({
        %run_scoped3A = tpu.sem_alloc : memref<!tpu.dma_semaphore, #tpu.memory_space<semaphore_mem>>
        %dma_start3A_2091 = arith.constant 0 : i32
        %dma_start3A_2092 = arith.constant 0 : i32
        %dma_start3A_2093 = tpu.memref_slice %arg8[%add3A, %dma_start3A_2091, %dma_start3A_2092] : memref<8x1x64xf32, #tpu.memory_space<hbm>> -> memref<1x1x64xf32, #tpu.memory_space<hbm>>
        %dma_start3A_2094 = tpu.memref_squeeze %dma_start3A_2093 : memref<1x1x64xf32, #tpu.memory_space<hbm>> -> memref<1x64xf32, #tpu.memory_space<hbm>>
        %dma_start3A_2095 = arith.constant 0 : i32
        %dma_start3A_2096 = arith.constant 0 : i32
        %dma_start3A_2097 = tpu.memref_slice %arg8[%add3A, %dma_start3A_2095, %dma_start3A_2096] : memref<8x1x64xf32, #tpu.memory_space<hbm>> -> memref<1x1x64xf32, #tpu.memory_space<hbm>>
        %dma_start3A_2098 = tpu.memref_squeeze %dma_start3A_2097 : memref<1x1x64xf32, #tpu.memory_space<hbm>> -> memref<1x64xf32, #tpu.memory_space<hbm>>
        tpu.enqueue_dma source(%arg22 : memref<1x64xf32, #tpu.memory_space<vmem>>) target(%dma_start3A_2098 : memref<1x64xf32, #tpu.memory_space<hbm>>) target_semaphore(%run_scoped3A : memref<!tpu.dma_semaphore, #tpu.memory_space<semaphore_mem>>)
        %dma_wait3A_2099 = arith.constant 0 : i32
        %dma_wait3A_2100 = arith.constant 0 : i32
        %dma_wait3A_2101 = tpu.memref_slice %arg8[%add3A, %dma_wait3A_2099, %dma_wait3A_2100] : memref<8x1x64xf32, #tpu.memory_space<hbm>> -> memref<1x1x64xf32, #tpu.memory_space<hbm>>
        %dma_wait3A_2102 = tpu.memref_squeeze %dma_wait3A_2101 : memref<1x1x64xf32, #tpu.memory_space<hbm>> -> memref<1x64xf32, #tpu.memory_space<hbm>>
        %dma_wait3A_2103 = arith.constant 0 : i32
        %dma_wait3A_2104 = arith.constant 0 : i32
        %dma_wait3A_2105 = tpu.memref_slice %arg8[%add3A, %dma_wait3A_2103, %dma_wait3A_2104] : memref<8x1x64xf32, #tpu.memory_space<hbm>> -> memref<1x1x64xf32, #tpu.memory_space<hbm>>
        %dma_wait3A_2106 = tpu.memref_squeeze %dma_wait3A_2105 : memref<1x1x64xf32, #tpu.memory_space<hbm>> -> memref<1x64xf32, #tpu.memory_space<hbm>>
        tpu.wait_dma2 semaphore(%run_scoped3A : memref<!tpu.dma_semaphore, #tpu.memory_space<semaphore_mem>>) src(%arg22 : memref<1x64xf32, #tpu.memory_space<vmem>>) dst(%dma_wait3A_2106 : memref<1x64xf32, #tpu.memory_space<hbm>>)
        tpu.yield
      }) : () -> ()
      "tpu.region"() ({
        %run_scoped3A = tpu.sem_alloc : memref<!tpu.dma_semaphore, #tpu.memory_space<semaphore_mem>>
        %dma_start3A_2091 = arith.constant 0 : i32
        %dma_start3A_2092 = arith.constant 0 : i32
        %dma_start3A_2093 = tpu.memref_slice %arg7[%add3A, %dma_start3A_2091, %dma_start3A_2092] : memref<8x3x64xf32, #tpu.memory_space<hbm>> -> memref<1x3x64xf32, #tpu.memory_space<hbm>>
        %dma_start3A_2094 = tpu.memref_squeeze %dma_start3A_2093 : memref<1x3x64xf32, #tpu.memory_space<hbm>> -> memref<3x64xf32, #tpu.memory_space<hbm>>
        %dma_start3A_2095 = arith.constant 0 : i32
        %dma_start3A_2096 = arith.constant 0 : i32
        %dma_start3A_2097 = tpu.memref_slice %arg7[%add3A, %dma_start3A_2095, %dma_start3A_2096] : memref<8x3x64xf32, #tpu.memory_space<hbm>> -> memref<1x3x64xf32, #tpu.memory_space<hbm>>
        %dma_start3A_2098 = tpu.memref_squeeze %dma_start3A_2097 : memref<1x3x64xf32, #tpu.memory_space<hbm>> -> memref<3x64xf32, #tpu.memory_space<hbm>>
        tpu.enqueue_dma source(%arg21 : memref<3x64xf32, #tpu.memory_space<vmem>>) target(%dma_start3A_2098 : memref<3x64xf32, #tpu.memory_space<hbm>>) target_semaphore(%run_scoped3A : memref<!tpu.dma_semaphore, #tpu.memory_space<semaphore_mem>>)
        %dma_wait3A_2099 = arith.constant 0 : i32
        %dma_wait3A_2100 = arith.constant 0 : i32
        %dma_wait3A_2101 = tpu.memref_slice %arg7[%add3A, %dma_wait3A_2099, %dma_wait3A_2100] : memref<8x3x64xf32, #tpu.memory_space<hbm>> -> memref<1x3x64xf32, #tpu.memory_space<hbm>>
        %dma_wait3A_2102 = tpu.memref_squeeze %dma_wait3A_2101 : memref<1x3x64xf32, #tpu.memory_space<hbm>> -> memref<3x64xf32, #tpu.memory_space<hbm>>
        %dma_wait3A_2103 = arith.constant 0 : i32
        %dma_wait3A_2104 = arith.constant 0 : i32
        %dma_wait3A_2105 = tpu.memref_slice %arg7[%add3A, %dma_wait3A_2103, %dma_wait3A_2104] : memref<8x3x64xf32, #tpu.memory_space<hbm>> -> memref<1x3x64xf32, #tpu.memory_space<hbm>>
        %dma_wait3A_2106 = tpu.memref_squeeze %dma_wait3A_2105 : memref<1x3x64xf32, #tpu.memory_space<hbm>> -> memref<3x64xf32, #tpu.memory_space<hbm>>
        tpu.wait_dma2 semaphore(%run_scoped3A : memref<!tpu.dma_semaphore, #tpu.memory_space<semaphore_mem>>) src(%arg21 : memref<3x64xf32, #tpu.memory_space<vmem>>) dst(%dma_wait3A_2106 : memref<3x64xf32, #tpu.memory_space<hbm>>)
        tpu.yield
      }) : () -> ()
      "tpu.region"() ({
        %run_scoped3A = tpu.sem_alloc : memref<!tpu.dma_semaphore, #tpu.memory_space<semaphore_mem>>
        %dma_start3A_2091 = arith.constant 0 : i32
        %dma_start3A_2092 = tpu.memref_slice %arg26[%select_n3A_40, %dma_start3A_2091] : memref<4x256xf32, #tpu.memory_space<vmem_shared>> -> memref<1x256xf32, #tpu.memory_space<vmem_shared>>
        %dma_start3A_2093 = tpu.memref_squeeze %dma_start3A_2092 : memref<1x256xf32, #tpu.memory_space<vmem_shared>> -> memref<256xf32, #tpu.memory_space<vmem_shared>>
        %dma_start3A_2094 = arith.constant 0 : i32
        %dma_start3A_2095 = tpu.memref_slice %arg26[%select_n3A_40, %dma_start3A_2094] : memref<4x256xf32, #tpu.memory_space<vmem_shared>> -> memref<1x256xf32, #tpu.memory_space<vmem_shared>>
        %dma_start3A_2096 = tpu.memref_squeeze %dma_start3A_2095 : memref<1x256xf32, #tpu.memory_space<vmem_shared>> -> memref<256xf32, #tpu.memory_space<vmem_shared>>
        tpu.enqueue_dma source(%arg20 : memref<256xf32, #tpu.memory_space<vmem>>) target(%dma_start3A_2096 : memref<256xf32, #tpu.memory_space<vmem_shared>>) target_semaphore(%run_scoped3A : memref<!tpu.dma_semaphore, #tpu.memory_space<semaphore_mem>>)
        %dma_wait3A_2097 = arith.constant 0 : i32
        %dma_wait3A_2098 = tpu.memref_slice %arg26[%select_n3A_40, %dma_wait3A_2097] : memref<4x256xf32, #tpu.memory_space<vmem_shared>> -> memref<1x256xf32, #tpu.memory_space<vmem_shared>>
        %dma_wait3A_2099 = tpu.memref_squeeze %dma_wait3A_2098 : memref<1x256xf32, #tpu.memory_space<vmem_shared>> -> memref<256xf32, #tpu.memory_space<vmem_shared>>
        %dma_wait3A_2100 = arith.constant 0 : i32
        %dma_wait3A_2101 = tpu.memref_slice %arg26[%select_n3A_40, %dma_wait3A_2100] : memref<4x256xf32, #tpu.memory_space<vmem_shared>> -> memref<1x256xf32, #tpu.memory_space<vmem_shared>>
        %dma_wait3A_2102 = tpu.memref_squeeze %dma_wait3A_2101 : memref<1x256xf32, #tpu.memory_space<vmem_shared>> -> memref<256xf32, #tpu.memory_space<vmem_shared>>
        tpu.wait_dma2 semaphore(%run_scoped3A : memref<!tpu.dma_semaphore, #tpu.memory_space<semaphore_mem>>) src(%arg20 : memref<256xf32, #tpu.memory_space<vmem>>) dst(%dma_wait3A_2102 : memref<256xf32, #tpu.memory_space<vmem_shared>>)
        tpu.yield
      }) : () -> ()
    } else {
    }
    %barrier3A_917 = arith.constant 0 : index
    tpu.barrier barrier_id(%barrier3A_917)
    %ne3A_918 = arith.constant 0 : i32
    %ne3A_919 = arith.cmpi ne, %select_n3A_54, %ne3A_918 : i32
    %convert_element_type3A_920 = arith.extui %ne3A_919 : i1 to i32
    %cond3A_921 = arith.constant 0 : i32
    %cond3A_922 = arith.cmpi ne, %convert_element_type3A_920, %cond3A_921 : i32
    scf.if %cond3A_922 {
      "tpu.region"() ({
        %run_scoped3A = tpu.sem_alloc : memref<!tpu.dma_semaphore, #tpu.memory_space<semaphore_mem>>
        %dma_start3A_959 = arith.constant 0 : i32
        %dma_start3A_960 = tpu.memref_slice %arg26[%select_n3A_40, %dma_start3A_959] : memref<4x256xf32, #tpu.memory_space<vmem_shared>> -> memref<1x256xf32, #tpu.memory_space<vmem_shared>>
        %dma_start3A_961 = tpu.memref_squeeze %dma_start3A_960 : memref<1x256xf32, #tpu.memory_space<vmem_shared>> -> memref<256xf32, #tpu.memory_space<vmem_shared>>
        %dma_start3A_962 = arith.constant 0 : i32
        %dma_start3A_963 = tpu.memref_slice %arg26[%select_n3A_40, %dma_start3A_962] : memref<4x256xf32, #tpu.memory_space<vmem_shared>> -> memref<1x256xf32, #tpu.memory_space<vmem_shared>>
        %dma_start3A_964 = tpu.memref_squeeze %dma_start3A_963 : memref<1x256xf32, #tpu.memory_space<vmem_shared>> -> memref<256xf32, #tpu.memory_space<vmem_shared>>
        tpu.enqueue_dma source(%dma_start3A_964 : memref<256xf32, #tpu.memory_space<vmem_shared>>) target(%arg20 : memref<256xf32, #tpu.memory_space<vmem>>) target_semaphore(%run_scoped3A : memref<!tpu.dma_semaphore, #tpu.memory_space<semaphore_mem>>)
        %dma_wait3A_965 = arith.constant 0 : i32
        %dma_wait3A_966 = tpu.memref_slice %arg26[%select_n3A_40, %dma_wait3A_965] : memref<4x256xf32, #tpu.memory_space<vmem_shared>> -> memref<1x256xf32, #tpu.memory_space<vmem_shared>>
        %dma_wait3A_967 = tpu.memref_squeeze %dma_wait3A_966 : memref<1x256xf32, #tpu.memory_space<vmem_shared>> -> memref<256xf32, #tpu.memory_space<vmem_shared>>
        %dma_wait3A_968 = arith.constant 0 : i32
        %dma_wait3A_969 = tpu.memref_slice %arg26[%select_n3A_40, %dma_wait3A_968] : memref<4x256xf32, #tpu.memory_space<vmem_shared>> -> memref<1x256xf32, #tpu.memory_space<vmem_shared>>
        %dma_wait3A_970 = tpu.memref_squeeze %dma_wait3A_969 : memref<1x256xf32, #tpu.memory_space<vmem_shared>> -> memref<256xf32, #tpu.memory_space<vmem_shared>>
        tpu.wait_dma2 semaphore(%run_scoped3A : memref<!tpu.dma_semaphore, #tpu.memory_space<semaphore_mem>>) src(%dma_wait3A_970 : memref<256xf32, #tpu.memory_space<vmem_shared>>) dst(%arg20 : memref<256xf32, #tpu.memory_space<vmem>>)
        tpu.yield
      }) : () -> ()
    } else {
    }
    %scan3A_923 = arith.constant 0 : i32
    %scan3A_924 = arith.constant 0 : i32
    %scan3A_925 = arith.constant 128 : i32
    %scan3A_926 = arith.addi %scan3A_924, %scan3A_925 : i32
    %scan3A_927 = arith.constant 1 : i32
    %scan3A_928 = scf.for %scan3A_959 = %scan3A_924 to %scan3A_926 step %scan3A_927 iter_args(%scan3A_960 = %scan3A_923) -> (i32)  : i32 {
      %mul3A_961 = arith.constant 16 : i32
      %mul3A_962 = arith.muli %scan3A_959, %mul3A_961 : i32
      %add3A_963 = arith.constant 0 : i32
      %add3A_964 = arith.addi %add3A_963, %mul3A_962 : i32
      %get3A_965 = arith.index_cast %add3A_964 : i32 to index
      %get3A_966 = tpu.vector_load %arg13[%get3A_965] {strides = array<i32>} : memref<6144xi32, #tpu.memory_space<vmem>>, vector<16xi32>,
      %add3A_967 = arith.constant 0 : i32
      %add3A_968 = vector.broadcast %add3A_967 : i32 to vector<16xi32>
      %add3A_969 = arith.addi %get3A_966, %add3A_968 : vector<16xi32>
      %gather3A = tpu.vector_load_idx %arg20[%add3A_969] : memref<256xf32, #tpu.memory_space<vmem>>[vector<16xi32>], vector<16xf32>,
      %get3A_970 = arith.constant 0 : i32
      %get3A_971 = arith.index_cast %get3A_970 : i32 to index
      %get3A_972 = arith.index_cast %mul3A_962 : i32 to index
      %get3A_973 = tpu.vector_load %arg9[%get3A_971, %get3A_972] {strides = array<i32>} : memref<3x2048xf32, #tpu.memory_space<vmem>>, vector<16xf32>,
      %sub3A_974 = arith.subf %get3A_973, %gather3A : vector<16xf32>
      %swap3A_975 = arith.constant 0 : i32
      %swap3A_976 = arith.index_cast %swap3A_975 : i32 to index
      %swap3A_977 = arith.index_cast %mul3A_962 : i32 to index
      %swap3A_978 = tpu.vector_load %arg23[%swap3A_976, %swap3A_977] {strides = array<i32>} : memref<6x2048xf32, #tpu.memory_space<vmem>>, vector<16xf32>,
      tpu.vector_store %arg23[%swap3A_976, %swap3A_977], %sub3A_974 {strides = array<i32>} : memref<6x2048xf32, #tpu.memory_space<vmem>>, vector<16xf32>,
      %get3A_979 = arith.constant 0 : i32
      %get3A_980 = arith.index_cast %get3A_979 : i32 to index
      %get3A_981 = arith.index_cast %mul3A_962 : i32 to index
      %get3A_982 = tpu.vector_load %arg10[%get3A_980, %get3A_981] {strides = array<i32>} : memref<3x2048xf32, #tpu.memory_space<vmem>>, vector<16xf32>,
      %swap3A_983 = arith.constant 3 : i32
      %swap3A_984 = arith.index_cast %swap3A_983 : i32 to index
      %swap3A_985 = arith.index_cast %mul3A_962 : i32 to index
      %swap3A_986 = tpu.vector_load %arg23[%swap3A_984, %swap3A_985] {strides = array<i32>} : memref<6x2048xf32, #tpu.memory_space<vmem>>, vector<16xf32>,
      tpu.vector_store %arg23[%swap3A_984, %swap3A_985], %get3A_982 {strides = array<i32>} : memref<6x2048xf32, #tpu.memory_space<vmem>>, vector<16xf32>,
      %add3A_987 = arith.constant 64 : i32
      %add3A_988 = vector.broadcast %add3A_987 : i32 to vector<16xi32>
      %add3A_989 = arith.addi %get3A_966, %add3A_988 : vector<16xi32>
      %gather3A_990 = tpu.vector_load_idx %arg20[%add3A_989] : memref<256xf32, #tpu.memory_space<vmem>>[vector<16xi32>], vector<16xf32>,
      %get3A_991 = arith.constant 1 : i32
      %get3A_992 = arith.index_cast %get3A_991 : i32 to index
      %get3A_993 = arith.index_cast %mul3A_962 : i32 to index
      %get3A_994 = tpu.vector_load %arg9[%get3A_992, %get3A_993] {strides = array<i32>} : memref<3x2048xf32, #tpu.memory_space<vmem>>, vector<16xf32>,
      %sub3A_995 = arith.subf %get3A_994, %gather3A_990 : vector<16xf32>
      %swap3A_996 = arith.constant 1 : i32
      %swap3A_997 = arith.index_cast %swap3A_996 : i32 to index
      %swap3A_998 = arith.index_cast %mul3A_962 : i32 to index
      %swap3A_999 = tpu.vector_load %arg23[%swap3A_997, %swap3A_998] {strides = array<i32>} : memref<6x2048xf32, #tpu.memory_space<vmem>>, vector<16xf32>,
      tpu.vector_store %arg23[%swap3A_997, %swap3A_998], %sub3A_995 {strides = array<i32>} : memref<6x2048xf32, #tpu.memory_space<vmem>>, vector<16xf32>,
      %get3A_1000 = arith.constant 1 : i32
      %get3A_1001 = arith.index_cast %get3A_1000 : i32 to index
      %get3A_1002 = arith.index_cast %mul3A_962 : i32 to index
      %get3A_1003 = tpu.vector_load %arg10[%get3A_1001, %get3A_1002] {strides = array<i32>} : memref<3x2048xf32, #tpu.memory_space<vmem>>, vector<16xf32>,
      %swap3A_1004 = arith.constant 4 : i32
      %swap3A_1005 = arith.index_cast %swap3A_1004 : i32 to index
      %swap3A_1006 = arith.index_cast %mul3A_962 : i32 to index
      %swap3A_1007 = tpu.vector_load %arg23[%swap3A_1005, %swap3A_1006] {strides = array<i32>} : memref<6x2048xf32, #tpu.memory_space<vmem>>, vector<16xf32>,
      tpu.vector_store %arg23[%swap3A_1005, %swap3A_1006], %get3A_1003 {strides = array<i32>} : memref<6x2048xf32, #tpu.memory_space<vmem>>, vector<16xf32>,
      %add3A_1008 = arith.constant 128 : i32
      %add3A_1009 = vector.broadcast %add3A_1008 : i32 to vector<16xi32>
      %add3A_1010 = arith.addi %get3A_966, %add3A_1009 : vector<16xi32>
      %gather3A_1011 = tpu.vector_load_idx %arg20[%add3A_1010] : memref<256xf32, #tpu.memory_space<vmem>>[vector<16xi32>], vector<16xf32>,
      %get3A_1012 = arith.constant 2 : i32
      %get3A_1013 = arith.index_cast %get3A_1012 : i32 to index
      %get3A_1014 = arith.index_cast %mul3A_962 : i32 to index
      %get3A_1015 = tpu.vector_load %arg9[%get3A_1013, %get3A_1014] {strides = array<i32>} : memref<3x2048xf32, #tpu.memory_space<vmem>>, vector<16xf32>,
      %sub3A_1016 = arith.subf %get3A_1015, %gather3A_1011 : vector<16xf32>
      %swap3A_1017 = arith.constant 2 : i32
      %swap3A_1018 = arith.index_cast %swap3A_1017 : i32 to index
      %swap3A_1019 = arith.index_cast %mul3A_962 : i32 to index
      %swap3A_1020 = tpu.vector_load %arg23[%swap3A_1018, %swap3A_1019] {strides = array<i32>} : memref<6x2048xf32, #tpu.memory_space<vmem>>, vector<16xf32>,
      tpu.vector_store %arg23[%swap3A_1018, %swap3A_1019], %sub3A_1016 {strides = array<i32>} : memref<6x2048xf32, #tpu.memory_space<vmem>>, vector<16xf32>,
      %get3A_1021 = arith.constant 2 : i32
      %get3A_1022 = arith.index_cast %get3A_1021 : i32 to index
      %get3A_1023 = arith.index_cast %mul3A_962 : i32 to index
      %get3A_1024 = tpu.vector_load %arg10[%get3A_1022, %get3A_1023] {strides = array<i32>} : memref<3x2048xf32, #tpu.memory_space<vmem>>, vector<16xf32>,
      %swap3A_1025 = arith.constant 5 : i32
      %swap3A_1026 = arith.index_cast %swap3A_1025 : i32 to index
      %swap3A_1027 = arith.index_cast %mul3A_962 : i32 to index
      %swap3A_1028 = tpu.vector_load %arg23[%swap3A_1026, %swap3A_1027] {strides = array<i32>} : memref<6x2048xf32, #tpu.memory_space<vmem>>, vector<16xf32>,
      tpu.vector_store %arg23[%swap3A_1026, %swap3A_1027], %get3A_1024 {strides = array<i32>} : memref<6x2048xf32, #tpu.memory_space<vmem>>, vector<16xf32>,
      %scan3A_1029 = arith.constant 0 : i32
      scf.yield %scan3A_1029 : i32
    }
    %scan3A_929 = arith.constant 128 : i32
    %mul3A_930 = arith.constant 2048 : i32
    %mul3A_931 = arith.muli %select_n3A_54, %mul3A_930 : i32
    %add3A_932 = arith.constant 0 : i32
    %add3A_933 = arith.addi %add3A_932, %mul3A_931 : i32
    %multiple_of3A_934 = tpu.assume_multiple %add3A_933, 2048 : i32
    "tpu.region"() ({
      %run_scoped3A = tpu.sem_alloc : memref<!tpu.dma_semaphore, #tpu.memory_space<semaphore_mem>>
      %dma_start3A_959 = arith.constant 0 : i32
      %dma_start3A_960 = tpu.memref_slice %arg6[%add3A, %dma_start3A_959, %multiple_of3A_934] : memref<8x6x24576xf32, #tpu.memory_space<hbm>> -> memref<1x6x2048xf32, #tpu.memory_space<hbm>>
      %dma_start3A_961 = tpu.memref_squeeze %dma_start3A_960 : memref<1x6x2048xf32, #tpu.memory_space<hbm>> -> memref<6x2048xf32, #tpu.memory_space<hbm>>
      %dma_start3A_962 = arith.constant 0 : i32
      %dma_start3A_963 = tpu.memref_slice %arg6[%add3A, %dma_start3A_962, %multiple_of3A_934] : memref<8x6x24576xf32, #tpu.memory_space<hbm>> -> memref<1x6x2048xf32, #tpu.memory_space<hbm>>
      %dma_start3A_964 = tpu.memref_squeeze %dma_start3A_963 : memref<1x6x2048xf32, #tpu.memory_space<hbm>> -> memref<6x2048xf32, #tpu.memory_space<hbm>>
      tpu.enqueue_dma source(%arg23 : memref<6x2048xf32, #tpu.memory_space<vmem>>) target(%dma_start3A_964 : memref<6x2048xf32, #tpu.memory_space<hbm>>) target_semaphore(%run_scoped3A : memref<!tpu.dma_semaphore, #tpu.memory_space<semaphore_mem>>)
      %dma_wait3A_965 = arith.constant 0 : i32
      %dma_wait3A_966 = tpu.memref_slice %arg6[%add3A, %dma_wait3A_965, %multiple_of3A_934] : memref<8x6x24576xf32, #tpu.memory_space<hbm>> -> memref<1x6x2048xf32, #tpu.memory_space<hbm>>
      %dma_wait3A_967 = tpu.memref_squeeze %dma_wait3A_966 : memref<1x6x2048xf32, #tpu.memory_space<hbm>> -> memref<6x2048xf32, #tpu.memory_space<hbm>>
      %dma_wait3A_968 = arith.constant 0 : i32
      %dma_wait3A_969 = tpu.memref_slice %arg6[%add3A, %dma_wait3A_968, %multiple_of3A_934] : memref<8x6x24576xf32, #tpu.memory_space<hbm>> -> memref<1x6x2048xf32, #tpu.memory_space<hbm>>
      %dma_wait3A_970 = tpu.memref_squeeze %dma_wait3A_969 : memref<1x6x2048xf32, #tpu.memory_space<hbm>> -> memref<6x2048xf32, #tpu.memory_space<hbm>>
      tpu.wait_dma2 semaphore(%run_scoped3A : memref<!tpu.dma_semaphore, #tpu.memory_space<semaphore_mem>>) src(%arg23 : memref<6x2048xf32, #tpu.memory_space<vmem>>) dst(%dma_wait3A_970 : memref<6x2048xf32, #tpu.memory_space<hbm>>)
      tpu.yield
    }) : () -> ()
    %scan3A_935 = arith.constant 0 : i32
    %scan3A_936 = arith.constant 0 : i32
    %scan3A_937 = arith.constant 128 : i32
    %scan3A_938 = arith.addi %scan3A_936, %scan3A_937 : i32
    %scan3A_939 = arith.constant 1 : i32
    %scan3A_940 = scf.for %scan3A_959 = %scan3A_936 to %scan3A_938 step %scan3A_939 iter_args(%scan3A_960 = %scan3A_935) -> (i32)  : i32 {
      %mul3A_961 = arith.constant 16 : i32
      %mul3A_962 = arith.muli %scan3A_959, %mul3A_961 : i32
      %add3A_963 = arith.constant 2048 : i32
      %add3A_964 = arith.addi %add3A_963, %mul3A_962 : i32
      %get3A_965 = arith.index_cast %add3A_964 : i32 to index
      %get3A_966 = tpu.vector_load %arg13[%get3A_965] {strides = array<i32>} : memref<6144xi32, #tpu.memory_space<vmem>>, vector<16xi32>,
      %add3A_967 = arith.constant 0 : i32
      %add3A_968 = vector.broadcast %add3A_967 : i32 to vector<16xi32>
      %add3A_969 = arith.addi %get3A_966, %add3A_968 : vector<16xi32>
      %gather3A = tpu.vector_load_idx %arg20[%add3A_969] : memref<256xf32, #tpu.memory_space<vmem>>[vector<16xi32>], vector<16xf32>,
      %get3A_970 = arith.constant 0 : i32
      %get3A_971 = arith.index_cast %get3A_970 : i32 to index
      %get3A_972 = arith.index_cast %mul3A_962 : i32 to index
      %get3A_973 = tpu.vector_load %arg9[%get3A_971, %get3A_972] {strides = array<i32>} : memref<3x2048xf32, #tpu.memory_space<vmem>>, vector<16xf32>,
      %sub3A_974 = arith.subf %get3A_973, %gather3A : vector<16xf32>
      %swap3A_975 = arith.constant 0 : i32
      %swap3A_976 = arith.index_cast %swap3A_975 : i32 to index
      %swap3A_977 = arith.index_cast %mul3A_962 : i32 to index
      %swap3A_978 = tpu.vector_load %arg23[%swap3A_976, %swap3A_977] {strides = array<i32>} : memref<6x2048xf32, #tpu.memory_space<vmem>>, vector<16xf32>,
      tpu.vector_store %arg23[%swap3A_976, %swap3A_977], %sub3A_974 {strides = array<i32>} : memref<6x2048xf32, #tpu.memory_space<vmem>>, vector<16xf32>,
      %add3A_979 = arith.constant 64 : i32
      %add3A_980 = vector.broadcast %add3A_979 : i32 to vector<16xi32>
      %add3A_981 = arith.addi %get3A_966, %add3A_980 : vector<16xi32>
      %gather3A_982 = tpu.vector_load_idx %arg20[%add3A_981] : memref<256xf32, #tpu.memory_space<vmem>>[vector<16xi32>], vector<16xf32>,
      %get3A_983 = arith.constant 1 : i32
      %get3A_984 = arith.index_cast %get3A_983 : i32 to index
      %get3A_985 = arith.index_cast %mul3A_962 : i32 to index
      %get3A_986 = tpu.vector_load %arg9[%get3A_984, %get3A_985] {strides = array<i32>} : memref<3x2048xf32, #tpu.memory_space<vmem>>, vector<16xf32>,
      %sub3A_987 = arith.subf %get3A_986, %gather3A_982 : vector<16xf32>
      %swap3A_988 = arith.constant 1 : i32
      %swap3A_989 = arith.index_cast %swap3A_988 : i32 to index
      %swap3A_990 = arith.index_cast %mul3A_962 : i32 to index
      %swap3A_991 = tpu.vector_load %arg23[%swap3A_989, %swap3A_990] {strides = array<i32>} : memref<6x2048xf32, #tpu.memory_space<vmem>>, vector<16xf32>,
      tpu.vector_store %arg23[%swap3A_989, %swap3A_990], %sub3A_987 {strides = array<i32>} : memref<6x2048xf32, #tpu.memory_space<vmem>>, vector<16xf32>,
      %add3A_992 = arith.constant 128 : i32
      %add3A_993 = vector.broadcast %add3A_992 : i32 to vector<16xi32>
      %add3A_994 = arith.addi %get3A_966, %add3A_993 : vector<16xi32>
      %gather3A_995 = tpu.vector_load_idx %arg20[%add3A_994] : memref<256xf32, #tpu.memory_space<vmem>>[vector<16xi32>], vector<16xf32>,
      %get3A_996 = arith.constant 2 : i32
      %get3A_997 = arith.index_cast %get3A_996 : i32 to index
      %get3A_998 = arith.index_cast %mul3A_962 : i32 to index
      %get3A_999 = tpu.vector_load %arg9[%get3A_997, %get3A_998] {strides = array<i32>} : memref<3x2048xf32, #tpu.memory_space<vmem>>, vector<16xf32>,
      %sub3A_1000 = arith.subf %get3A_999, %gather3A_995 : vector<16xf32>
      %swap3A_1001 = arith.constant 2 : i32
      %swap3A_1002 = arith.index_cast %swap3A_1001 : i32 to index
      %swap3A_1003 = arith.index_cast %mul3A_962 : i32 to index
      %swap3A_1004 = tpu.vector_load %arg23[%swap3A_1002, %swap3A_1003] {strides = array<i32>} : memref<6x2048xf32, #tpu.memory_space<vmem>>, vector<16xf32>,
      tpu.vector_store %arg23[%swap3A_1002, %swap3A_1003], %sub3A_1000 {strides = array<i32>} : memref<6x2048xf32, #tpu.memory_space<vmem>>, vector<16xf32>,
      %scan3A_1005 = arith.constant 0 : i32
      scf.yield %scan3A_1005 : i32
    }
    %scan3A_941 = arith.constant 128 : i32
    %mul3A_942 = arith.constant 2048 : i32
    %mul3A_943 = arith.muli %select_n3A_54, %mul3A_942 : i32
    %add3A_944 = arith.constant 8192 : i32
    %add3A_945 = arith.addi %add3A_944, %mul3A_943 : i32
    %multiple_of3A_946 = tpu.assume_multiple %add3A_945, 2048 : i32
    "tpu.region"() ({
      %run_scoped3A = tpu.sem_alloc : memref<!tpu.dma_semaphore, #tpu.memory_space<semaphore_mem>>
      %dma_start3A_959 = arith.constant 0 : i32
      %dma_start3A_960 = tpu.memref_slice %arg6[%add3A, %dma_start3A_959, %multiple_of3A_946] : memref<8x6x24576xf32, #tpu.memory_space<hbm>> -> memref<1x6x2048xf32, #tpu.memory_space<hbm>>
      %dma_start3A_961 = tpu.memref_squeeze %dma_start3A_960 : memref<1x6x2048xf32, #tpu.memory_space<hbm>> -> memref<6x2048xf32, #tpu.memory_space<hbm>>
      %dma_start3A_962 = arith.constant 0 : i32
      %dma_start3A_963 = tpu.memref_slice %arg6[%add3A, %dma_start3A_962, %multiple_of3A_946] : memref<8x6x24576xf32, #tpu.memory_space<hbm>> -> memref<1x6x2048xf32, #tpu.memory_space<hbm>>
      %dma_start3A_964 = tpu.memref_squeeze %dma_start3A_963 : memref<1x6x2048xf32, #tpu.memory_space<hbm>> -> memref<6x2048xf32, #tpu.memory_space<hbm>>
      tpu.enqueue_dma source(%arg23 : memref<6x2048xf32, #tpu.memory_space<vmem>>) target(%dma_start3A_964 : memref<6x2048xf32, #tpu.memory_space<hbm>>) target_semaphore(%run_scoped3A : memref<!tpu.dma_semaphore, #tpu.memory_space<semaphore_mem>>)
      %dma_wait3A_965 = arith.constant 0 : i32
      %dma_wait3A_966 = tpu.memref_slice %arg6[%add3A, %dma_wait3A_965, %multiple_of3A_946] : memref<8x6x24576xf32, #tpu.memory_space<hbm>> -> memref<1x6x2048xf32, #tpu.memory_space<hbm>>
      %dma_wait3A_967 = tpu.memref_squeeze %dma_wait3A_966 : memref<1x6x2048xf32, #tpu.memory_space<hbm>> -> memref<6x2048xf32, #tpu.memory_space<hbm>>
      %dma_wait3A_968 = arith.constant 0 : i32
      %dma_wait3A_969 = tpu.memref_slice %arg6[%add3A, %dma_wait3A_968, %multiple_of3A_946] : memref<8x6x24576xf32, #tpu.memory_space<hbm>> -> memref<1x6x2048xf32, #tpu.memory_space<hbm>>
      %dma_wait3A_970 = tpu.memref_squeeze %dma_wait3A_969 : memref<1x6x2048xf32, #tpu.memory_space<hbm>> -> memref<6x2048xf32, #tpu.memory_space<hbm>>
      tpu.wait_dma2 semaphore(%run_scoped3A : memref<!tpu.dma_semaphore, #tpu.memory_space<semaphore_mem>>) src(%arg23 : memref<6x2048xf32, #tpu.memory_space<vmem>>) dst(%dma_wait3A_970 : memref<6x2048xf32, #tpu.memory_space<hbm>>)
      tpu.yield
    }) : () -> ()
    %scan3A_947 = arith.constant 0 : i32
    %scan3A_948 = arith.constant 0 : i32
    %scan3A_949 = arith.constant 128 : i32
    %scan3A_950 = arith.addi %scan3A_948, %scan3A_949 : i32
    %scan3A_951 = arith.constant 1 : i32
    %scan3A_952 = scf.for %scan3A_959 = %scan3A_948 to %scan3A_950 step %scan3A_951 iter_args(%scan3A_960 = %scan3A_947) -> (i32)  : i32 {
      %mul3A_961 = arith.constant 16 : i32
      %mul3A_962 = arith.muli %scan3A_959, %mul3A_961 : i32
      %add3A_963 = arith.constant 4096 : i32
      %add3A_964 = arith.addi %add3A_963, %mul3A_962 : i32
      %get3A_965 = arith.index_cast %add3A_964 : i32 to index
      %get3A_966 = tpu.vector_load %arg13[%get3A_965] {strides = array<i32>} : memref<6144xi32, #tpu.memory_space<vmem>>, vector<16xi32>,
      %add3A_967 = arith.constant 0 : i32
      %add3A_968 = vector.broadcast %add3A_967 : i32 to vector<16xi32>
      %add3A_969 = arith.addi %get3A_966, %add3A_968 : vector<16xi32>
      %gather3A = tpu.vector_load_idx %arg20[%add3A_969] : memref<256xf32, #tpu.memory_space<vmem>>[vector<16xi32>], vector<16xf32>,
      %get3A_970 = arith.constant 0 : i32
      %get3A_971 = arith.index_cast %get3A_970 : i32 to index
      %get3A_972 = arith.index_cast %mul3A_962 : i32 to index
      %get3A_973 = tpu.vector_load %arg9[%get3A_971, %get3A_972] {strides = array<i32>} : memref<3x2048xf32, #tpu.memory_space<vmem>>, vector<16xf32>,
      %sub3A_974 = arith.subf %get3A_973, %gather3A : vector<16xf32>
      %swap3A_975 = arith.constant 0 : i32
      %swap3A_976 = arith.index_cast %swap3A_975 : i32 to index
      %swap3A_977 = arith.index_cast %mul3A_962 : i32 to index
      %swap3A_978 = tpu.vector_load %arg23[%swap3A_976, %swap3A_977] {strides = array<i32>} : memref<6x2048xf32, #tpu.memory_space<vmem>>, vector<16xf32>,
      tpu.vector_store %arg23[%swap3A_976, %swap3A_977], %sub3A_974 {strides = array<i32>} : memref<6x2048xf32, #tpu.memory_space<vmem>>, vector<16xf32>,
      %add3A_979 = arith.constant 64 : i32
      %add3A_980 = vector.broadcast %add3A_979 : i32 to vector<16xi32>
      %add3A_981 = arith.addi %get3A_966, %add3A_980 : vector<16xi32>
      %gather3A_982 = tpu.vector_load_idx %arg20[%add3A_981] : memref<256xf32, #tpu.memory_space<vmem>>[vector<16xi32>], vector<16xf32>,
      %get3A_983 = arith.constant 1 : i32
      %get3A_984 = arith.index_cast %get3A_983 : i32 to index
      %get3A_985 = arith.index_cast %mul3A_962 : i32 to index
      %get3A_986 = tpu.vector_load %arg9[%get3A_984, %get3A_985] {strides = array<i32>} : memref<3x2048xf32, #tpu.memory_space<vmem>>, vector<16xf32>,
      %sub3A_987 = arith.subf %get3A_986, %gather3A_982 : vector<16xf32>
      %swap3A_988 = arith.constant 1 : i32
      %swap3A_989 = arith.index_cast %swap3A_988 : i32 to index
      %swap3A_990 = arith.index_cast %mul3A_962 : i32 to index
      %swap3A_991 = tpu.vector_load %arg23[%swap3A_989, %swap3A_990] {strides = array<i32>} : memref<6x2048xf32, #tpu.memory_space<vmem>>, vector<16xf32>,
      tpu.vector_store %arg23[%swap3A_989, %swap3A_990], %sub3A_987 {strides = array<i32>} : memref<6x2048xf32, #tpu.memory_space<vmem>>, vector<16xf32>,
      %add3A_992 = arith.constant 128 : i32
      %add3A_993 = vector.broadcast %add3A_992 : i32 to vector<16xi32>
      %add3A_994 = arith.addi %get3A_966, %add3A_993 : vector<16xi32>
      %gather3A_995 = tpu.vector_load_idx %arg20[%add3A_994] : memref<256xf32, #tpu.memory_space<vmem>>[vector<16xi32>], vector<16xf32>,
      %get3A_996 = arith.constant 2 : i32
      %get3A_997 = arith.index_cast %get3A_996 : i32 to index
      %get3A_998 = arith.index_cast %mul3A_962 : i32 to index
      %get3A_999 = tpu.vector_load %arg9[%get3A_997, %get3A_998] {strides = array<i32>} : memref<3x2048xf32, #tpu.memory_space<vmem>>, vector<16xf32>,
      %sub3A_1000 = arith.subf %get3A_999, %gather3A_995 : vector<16xf32>
      %swap3A_1001 = arith.constant 2 : i32
      %swap3A_1002 = arith.index_cast %swap3A_1001 : i32 to index
      %swap3A_1003 = arith.index_cast %mul3A_962 : i32 to index
      %swap3A_1004 = tpu.vector_load %arg23[%swap3A_1002, %swap3A_1003] {strides = array<i32>} : memref<6x2048xf32, #tpu.memory_space<vmem>>, vector<16xf32>,
      tpu.vector_store %arg23[%swap3A_1002, %swap3A_1003], %sub3A_1000 {strides = array<i32>} : memref<6x2048xf32, #tpu.memory_space<vmem>>, vector<16xf32>,
      %scan3A_1005 = arith.constant 0 : i32
      scf.yield %scan3A_1005 : i32
    }
    %scan3A_953 = arith.constant 128 : i32
    %mul3A_954 = arith.constant 2048 : i32
    %mul3A_955 = arith.muli %select_n3A_54, %mul3A_954 : i32
    %add3A_956 = arith.constant 16384 : i32
    %add3A_957 = arith.addi %add3A_956, %mul3A_955 : i32
    %multiple_of3A_958 = tpu.assume_multiple %add3A_957, 2048 : i32
    "tpu.region"() ({
      %run_scoped3A = tpu.sem_alloc : memref<!tpu.dma_semaphore, #tpu.memory_space<semaphore_mem>>
      %dma_start3A_959 = arith.constant 0 : i32
      %dma_start3A_960 = tpu.memref_slice %arg6[%add3A, %dma_start3A_959, %multiple_of3A_958] : memref<8x6x24576xf32, #tpu.memory_space<hbm>> -> memref<1x6x2048xf32, #tpu.memory_space<hbm>>
      %dma_start3A_961 = tpu.memref_squeeze %dma_start3A_960 : memref<1x6x2048xf32, #tpu.memory_space<hbm>> -> memref<6x2048xf32, #tpu.memory_space<hbm>>
      %dma_start3A_962 = arith.constant 0 : i32
      %dma_start3A_963 = tpu.memref_slice %arg6[%add3A, %dma_start3A_962, %multiple_of3A_958] : memref<8x6x24576xf32, #tpu.memory_space<hbm>> -> memref<1x6x2048xf32, #tpu.memory_space<hbm>>
      %dma_start3A_964 = tpu.memref_squeeze %dma_start3A_963 : memref<1x6x2048xf32, #tpu.memory_space<hbm>> -> memref<6x2048xf32, #tpu.memory_space<hbm>>
      tpu.enqueue_dma source(%arg23 : memref<6x2048xf32, #tpu.memory_space<vmem>>) target(%dma_start3A_964 : memref<6x2048xf32, #tpu.memory_space<hbm>>) target_semaphore(%run_scoped3A : memref<!tpu.dma_semaphore, #tpu.memory_space<semaphore_mem>>)
      %dma_wait3A_965 = arith.constant 0 : i32
      %dma_wait3A_966 = tpu.memref_slice %arg6[%add3A, %dma_wait3A_965, %multiple_of3A_958] : memref<8x6x24576xf32, #tpu.memory_space<hbm>> -> memref<1x6x2048xf32, #tpu.memory_space<hbm>>
      %dma_wait3A_967 = tpu.memref_squeeze %dma_wait3A_966 : memref<1x6x2048xf32, #tpu.memory_space<hbm>> -> memref<6x2048xf32, #tpu.memory_space<hbm>>
      %dma_wait3A_968 = arith.constant 0 : i32
      %dma_wait3A_969 = tpu.memref_slice %arg6[%add3A, %dma_wait3A_968, %multiple_of3A_958] : memref<8x6x24576xf32, #tpu.memory_space<hbm>> -> memref<1x6x2048xf32, #tpu.memory_space<hbm>>
      %dma_wait3A_970 = tpu.memref_squeeze %dma_wait3A_969 : memref<1x6x2048xf32, #tpu.memory_space<hbm>> -> memref<6x2048xf32, #tpu.memory_space<hbm>>
      tpu.wait_dma2 semaphore(%run_scoped3A : memref<!tpu.dma_semaphore, #tpu.memory_space<semaphore_mem>>) src(%arg23 : memref<6x2048xf32, #tpu.memory_space<vmem>>) dst(%dma_wait3A_970 : memref<6x2048xf32, #tpu.memory_space<hbm>>)
      tpu.yield
    }) : () -> ()
    return
  }
}

</mosaic_0001>

<sc_bundles>
// kernel: kernel.3.cloned.1.call-start
scs
__scs_entry_jumppad:
0x0: {  	(pc) =	sbr.rel $0x88, $3  }
0x1: {  	(tag) =	ssettag $0x0;
	lr =	simm.s32 $0x1  }
0x2: {  	[smem:$0x3F9D] =	sst lr;
	_ =	strace $0xD0000000  }
0x3: {  	_ = 	snop  }
0x4: {  	_ = 	snop  }
0x5: {  	_ = 	snop  }
0x6: {  	_ = 	snop  }
0x7: {  	_ = 	snop  }
__scs_overlays_trampoline_lowered:
0x8: {  	[smem:$0x3FAC] =	sst s0  }
0x9: {  	[smem:$0x3FAD] =	sst s1  }
0xa: {  	[smem:$0x3FAE] =	sst s2  }
0xb: {  	[smem:$0x3FAF] =	sst s3  }
0xc: {  	[smem:$0x3FB0] =	sst s4  }
0xd: {  	[smem:$0x3FB1] =	sst s5  }
0xe: {  	[smem:$0x3FB2] =	sst s6  }
0xf: {  	[smem:$0x3FB3] =	sst s7  }
0x10: {  	[smem:$0x3FB4] =	sst s8  }
0x11: {  	[smem:$0x3FB5] =	sst s9;
	s0 =	simm.s32 @!p0 $0x0  }
0x12: {  	s1 =	sld [smem:$0x3F9B];
	s0 =	simm.s32 @p0 $0x1  }
0x13: {  	[smem:$0x3FB6] =	sst s0;
	s0 =	simm.s32 @!p1 $0x0  }
0x14: {  	s2 =	sld [smem:$0x3F9A];
	s0 =	simm.s32 @p1 $0x1  }
0x15: {  	[smem:$0x3FB7] =	sst s0;
	s0 =	simm.s32 @!p2 $0x0  }
0x16: {  	s3 =	sld [smem:$0x3FDB];
	s0 =	simm.s32 @p2 $0x1  }
0x17: {  	s4 =	simm.s32 $0x1BF5;
	[smem:$0x3FB9] =	sst s0  }
0x18: {  	s0 =	sld [smem:$0x3F9C];
	_ =	swait.ge [sflag:s4], $0x0  }
0x19: {  	s7 =	sld [smem:$0x3F9D]  }
0x1a: {  	s8 =	sadd.s32 $0xFFFFE003, lr  }
0x1b: {  	s9 =	sadd.s32 $0xFFFFFEF7, lr;
	s5 =	simm.s32 $0xFFFFFFFF;
	p2 =	slt.u32 s8, $0xFFFFF086  }
0x1c: {  	p1 =	slt.u32 s9, $0xF7A;
	s5 =	simm.s32 @!p2 $0x0  }
0x1d: {  	s5 =	simm.s32 @p1 $0x1;
	p0 =	seq.s32 s7, s2  }
0x1e: {  	s7 =	smul.u32 @!p0 $0xF7A, s2;
	p2 =	seq.s32 @!p0 s5, $0x0  }
0x1f: {  	s9 =	smul.u32 $0xF7A, s1;
	s8 =	simm.s32 @!p0 $0x1BF5;
	p2 =	por !p2, p0  }
0x20: {  	[sflag:s8] =	ssyncset.s32 @!p0 $0xFFFFF086;
	s6 =	sadd.s32 @!p0 s3, s7;
	s7 =	simm.s32 @!p0 $0x108  }
0x21: {  	s3 =	sadd.s32 s3, s9;
	s6 =	sadd.s32 @!p0 $0x88, s6;
	s7 =	simm.s32 @p2 $0x1082  }
0x22: {  	[simem:s7], [sflag:s8] =	dma.local @!p0 [hbm:s6], $0xF7A  }
0x23: {  	s9 =	sor.u32 $0xD0000000, s2;
	s6 =	simm.s32 $0x108;
	_ =	swait.ge @!p0 [sflag:s8], $0x0  }
0x24: {  	s3 =	sadd.s32 $0x88, s3;
	s6 =	simm.s32 @!p1 $0x1082;
	[sflag:s4] =	ssyncset.s32 $0xFFFFF086  }
0x25: {  	[simem:s6], [sflag:s4] =	dma.local [hbm:s3], $0xF7A  }
0x26: {  	[smem:$0x3F9D] =	sst s1;
	(tag) =	ssettag s2;
	_ =	strace s9  }
0x27: {  	s1 =	sld [smem:$0x3FAD]  }
0x28: {  	s2 =	sld [smem:$0x3FAE]  }
0x29: {  	s4 =	sld [smem:$0x3FB0]  }
0x2a: {  	p0 =	seq.s32 s5, $0x0;
	s5 =	sld [smem:$0x3FB1]  }
0x2b: {  	s6 =	sld [smem:$0x3FB2]  }
0x2c: {  	s7 =	sld [smem:$0x3FB3]  }
0x2d: {  	s3 =	simm.s32 $0x108;
	s8 =	sld [smem:$0x3FB4]  }
0x2e: {  	s3 =	simm.s32 @!p0 $0x1082;
	s9 =	sld [smem:$0x3FB5]  }
0x2f: {  	lr =	sadd.s32 s0, s3;
	s0 =	sld [smem:$0x3FAC]  }
0x30: {  	s3 =	sld [smem:$0x3FAF]  }
0x31: {  	[smem:$0x3FB8] =	sst s10  }
0x32: {  	s10 =	sld [smem:$0x3FB6];
	_ =	sdelay $0x3  }
0x33: {  	p0 =	seq.s32 s10, $0x1;
	s10 =	sld [smem:$0x3FB8];
	_ =	sdelay $0x3  }
0x34: {  	[smem:$0x3FB8] =	sst s10  }
0x35: {  	s10 =	sld [smem:$0x3FB7];
	_ =	sdelay $0x3  }
0x36: {  	p1 =	seq.s32 s10, $0x1;
	s10 =	sld [smem:$0x3FB8];
	_ =	sdelay $0x3  }
0x37: {  	[smem:$0x3FB8] =	sst s10  }
0x38: {  	s10 =	sld [smem:$0x3FB9]  }
0x39: {  	_ = 	snop;
	(pc) =	sbr.ind lr, $3  }
0x3a: {  	_ = 	snop  }
0x3b: {  	_ = 	snop  }
0x3c: {  	p2 =	seq.s32 s10, $0x1;
	s10 =	sld [smem:$0x3FB8]  }
0x3d: {  	_ =	shalt  }
0x3e: {  	_ =	shalt  }
0x3f: {  	_ =	shalt  }
0x40: {  	_ =	shalt  }
0x41: {  	_ =	shalt  }
0x42: {  	_ =	shalt  }
0x43: {  	_ =	shalt  }
0x44: {  	_ =	shalt  }
0x45: {  	_ =	shalt  }
0x46: {  	_ =	shalt  }
0x47: {  	_ =	shalt  }
0x48: {  	_ =	shalt  }
0x49: {  	_ =	shalt  }
0x4a: {  	_ =	shalt  }
0x4b: {  	_ =	shalt  }
0x4c: {  	_ =	shalt  }
0x4d: {  	_ =	shalt  }
0x4e: {  	_ =	shalt  }
0x4f: {  	_ =	shalt  }
0x50: {  	_ =	shalt  }
0x51: {  	_ =	shalt  }
0x52: {  	_ =	shalt  }
0x53: {  	_ =	shalt  }
0x54: {  	_ =	shalt  }
0x55: {  	_ =	shalt  }
0x56: {  	_ =	shalt  }
0x57: {  	_ =	shalt  }
0x58: {  	_ =	shalt  }
0x59: {  	_ =	shalt  }
0x5a: {  	_ =	shalt  }
0x5b: {  	_ =	shalt  }
0x5c: {  	_ =	shalt  }
0x5d: {  	_ =	shalt  }
0x5e: {  	_ =	shalt  }
0x5f: {  	_ =	shalt  }
0x60: {  	_ =	shalt  }
0x61: {  	_ =	shalt  }
0x62: {  	_ =	shalt  }
0x63: {  	_ =	shalt  }
0x64: {  	_ =	shalt  }
0x65: {  	_ =	shalt  }
0x66: {  	_ =	shalt  }
0x67: {  	_ =	shalt  }
0x68: {  	_ =	shalt  }
0x69: {  	_ =	shalt  }
0x6a: {  	_ =	shalt  }
0x6b: {  	_ =	shalt  }
0x6c: {  	_ =	shalt  }
0x6d: {  	_ =	shalt  }
0x6e: {  	_ =	shalt  }
0x6f: {  	_ =	shalt  }
0x70: {  	_ =	shalt  }
0x71: {  	_ =	shalt  }
0x72: {  	_ =	shalt  }
0x73: {  	_ =	shalt  }
0x74: {  	_ =	shalt  }
0x75: {  	_ =	shalt  }
0x76: {  	_ =	shalt  }
0x77: {  	_ =	shalt  }
0x78: {  	_ =	shalt  }
0x79: {  	_ =	shalt  }
0x7a: {  	_ =	shalt  }
0x7b: {  	_ =	shalt  }
0x7c: {  	_ =	shalt  }
0x7d: {  	_ =	shalt  }
0x7e: {  	_ =	shalt  }
0x7f: {  	_ =	shalt  }
0x80: {  	_ =	shalt  }
0x81: {  	_ =	shalt  }
0x82: {  	_ =	shalt  }
0x83: {  	_ =	shalt  }
0x84: {  	_ =	shalt  }
0x85: {  	_ =	shalt  }
0x86: {  	_ =	shalt  }
0x87: {  	_ =	shalt  }
.Lfunc_end0:
.L_simem_size_0:
called_computation_lowered:
.L_overlay_start_0:
0x88: {  	s2 =	sld [smem:$0x3FD9]  }
0x89: {  	s3 =	sld [smem:$0x3FFE];
	_ =	sdelay $0x1  }
0x8a: {  	s1 =	srdreg.scid  }
0x8b: {  	s0 =	sand.u32 $0x1, s1  }
0x8c: {  	s14 =	sshll.u32 s0, $0xA;
	s2 =	sadd.s32 s3, s2  }
0x8d: {  	s2 =	sadd.s32 s2, s14  }
0x8e: {  	[smem:$0x3FC4] =	sst s2  }
0x8f: {  	_ = 	snop  }
0x90: {  	s2 =	sld [smem:$0x3FD0];
	_ =	sdelay $0x2  }
0x91: {  	s15 =	simm.s32 $0xA;
	s4 =	simm.s32 $0x10  }
0x92: {  	[smem:s4], [sflag:s15] =	dma.local [hbm:s2], $0x1  }
0x93: {  	_ =	swait.eq [sflag:s15], $0x1  }
0x94: {  	[sflag:s15] =	ssyncset.done $0x0  }
0x95: {  	s16 =	sld [smem:$0x10];
	[sflag:s15] =	ssyncadd.s32 $0xFFFFFFFF  }
0x96: {  	s17 =	sld [smem:$0x12];
	(tm) =	ssettm $0x1  }
0x97: {  	s18 =	sld [smem:$0x3FFB];
	_ =	sdelay $0x3  }
0x98: {  	_ =	strace s18  }
0x99: {  	s4 =	sld [smem:$0x3FFC];
	_ =	sdelay $0x3  }
0x9a: {  	_ =	strace s4  }
0x9b: {  	s4 =	sld [smem:$0x3FFD];
	_ =	sdelay $0x3  }
0x9c: {  	_ =	strace s4  }
0x9d: {  	_ =	strace $0x8FFFFFFF  }
0x9e: {  	s19 =	sld [smem:$0x3FDB];
	_ =	sdelay $0x1  }
0x9f: {  	s5 =	simm.s32 $_scs_section_size  }
0xa0: {  	s6 =	simm.s32 $_size__tile_overlayer_lowered;
	s7 =	simm.s32 $_tile_overlayer_lowered  }
0xa1: {  	s22 =	simm.s32 $0x1BFF;
	s21 =	sshll.u32 s7, $0x1;
	s4 =	sadd.s32 s5, s19  }
0xa2: {  	s8 =	simm.s32 $0x0;
	s20 =	sshll.u32 s6, $0x1;
	s6 =	sadd.s32 s21, s4  }
0xa3: {  	[timem:s8], [sflag:s22] =	dma.local [hbm:s6], s20  }
0xa4: {  	_ =	swait.ge [sflag:s22], s20  }
0xa5: {  	s5 =	ssub.s32 $0x0, s20;
	[sflag:s22] =	ssyncset.done $0x0  }
0xa6: {  	[sflag:s22] =	ssyncadd.s32 s5;
	_ =	sdelay $0x1  }
0xa7: {  	s23 =	simm.s32 $0x1B8B  }
0xa8: {  	_ =	swait.ge [sflag:s23], $0x1  }
0xa9: {  	[sflag:s23] =	ssyncset.done $0x0  }
0xaa: {  	s25 =	simm.s32 $0x1B8E;
	s24 =	sld [smem:$0x3FFE];
	[sflag:s23] =	ssyncadd.s32 $0xFFFFFFFF  }
0xab: {  	s26 =	simm.s32 $execute0_lowered;
	[smem:$0x3FD2] =	sst s25  }
0xac: {  	s6 =	sshll.u32 s26, $0x1;
	_ =	strace $0x80000046;
	[dreg:$0x1] =	wrdreg $0xFFFFFFFF  }
0xad: {  	s28 =	simm.s32 $_size_execute0_lowered;
	s4 =	sadd.s32 s4, s6;
	[dreg:$0x0] =	wrdreg $0x0  }
0xae: {  	s6 =	sshll.u32 s28, $0x1;
	[dreg:$0x2] =	wrdreg s4  }
0xaf: {  	[dreg:$0x3] =	wrdreg s6  }
0xb0: {  	[dreg:$0x4] =	wrdreg $0xC0  }
0xb1: {  	_ =	task [dreg:s8], $0x5FFFF  }
0xb2: {  	[dreg:$0x1] =	wrdreg $0xFFFFFFFF  }
0xb3: {  	[dreg:$0x0] =	wrdreg $0x60  }
0xb4: {  	[dreg:$0x2] =	wrdreg s16  }
0xb5: {  	[dreg:$0x3] =	wrdreg s24  }
0xb6: {  	[dreg:$0x4] =	wrdreg s17  }
0xb7: {  	[dreg:$0x5] =	wrdreg $0xC8800  }
0xb8: {  	[dreg:$0x6] =	wrdreg $0xC9800  }
0xb9: {  	[dreg:$0x7] =	wrdreg $0x9  }
0xba: {  	_ =	task.clear_ibuf [dreg:s8], $0x8FFFF;
	_ =	strace $0x90000046  }
0xbb: {  	s29 =	simm.s32 $0x9;
	_ =	strace $0x80000048  }
0xbc: {  	_ =	swait.ge [sflag:s29], $0x1  }
0xbd: {  	[sflag:s29] =	ssyncadd.s32 $0xFFFFFFFF  }
0xbe: {  	_ =	strace $0x90000048  }
0xbf: {  	_ =	sfence  }
0xc0: {  	s30 =	sld [smem:$0x0];
	_ =	sdelay $0x2  }
0xc1: {  	s31 =	sshll.u32 s1, $0xD;
	s1 =	sshrl.u32 s1, $0x2  }
0xc2: {  	s3 =	sand.u32 $0x4000, s31;
	s1 =	sadd.s32 s1, s30  }
0xc3: {  	s0 =	sor.u32 s3, s0;
	s1 =	sshll.u32 s1, $0x11  }
0xc4: {  	s0 =	sor.u32 s1, s0  }
0xc5: {  	s0 =	sadd.s32 $0x8F2B, s0  }
0xc6: {  	[sflag:s0] =	ssyncadd.remote.s32 $0x1  }
0xc7: {  	_ =	sfence.sel $0xFFFF  }
0xc8: {  	[dreg:$0x0] =	wrdreg $0xFFFFFFFF;
	(pc) =	sbr.abs _section_cstart, $3  }
0xc9: {  	[dreg:$0x1] =	wrdreg $0xFFFFFFFF  }
0xca: {  	_ =	task.clear_ibuf [dreg:s8], $0x2FFFF;
	_ =	strace $0x9FFFFFFF  }
0xcb: {  	(tm) =	ssettm $0x7FFFFFFF  }
tec
execute0_lowered:
.L_overlay_start_1:
0x0: {  	(tag) =	ssettag $0x1  }
0x1: {  	s0 =	rddreg [dreg:$0x0]  }
0x2: {  	s1 =	rddreg [dreg:$0x1]  }
0x3: {  	s3 =	rddreg [dreg:$0x2]  }
0x4: {  	s7 =	rddreg [dreg:$0x3];
	s2 =	srdreg.scid  }
0x5: {  	s8 =	rddreg [dreg:$0x4];
	s18 =	stileid.u32  }
0x6: {  	s30 =	simm.s32 $0x8880;
	s31 =	simm.s32 $0x0;
	s4 =	sand.u32 $0x1, s2  }
0x7: {  	s9 =	sshrl.u32 s18, $0x2;
	s2 =	simm.s32 $0x0;
	s10 =	sand.u32 $0x3, s18  }
0x8: {  	s16 =	sadd.s32 $0xA000, s1;
	s5 =	sshll.u32 s4, $0x2;
	[smem:$0x7FF] =	sst s2  }
0x9: {  	s6 =	sshll.u32 s10, $0xA;
	s4 =	ssub.s32 $0x2, s4;
	s29 =	sshll.u32 s10, $0xE  }
0xa: {  	p0 =	sne.s32 s10, $0x0;
	s11 =	sor.u32 s9, s5;
	_ =	strace $0x80000047  }
0xb: {  	s15 =	sshrl.u32 s4, $0x1;
	s9 =	sshll.u32 s9, $0x7;
	s5 =	sshll.u32 s11, $0xC  }
0xc: {  	s12 =	sshll.u32 s11, $0x9;
	s13 =	sshll.u32 s11, $0x8;
	s14 =	sshll.u32 s11, $0x6  }
0xd: {  	s17 =	ssub.s32 s4, s15;
	s15 =	sshll.u32 s18, $0x7;
	s20 =	sadd.s32 s9, s8  }
0xe: {  	s21 =	smul.u32 $0x30000, s11;
	s11 =	sshll.u32 s11, $0x4;
	s5 =	sor.u32 s6, s5  }
0xf: {  	s12 =	sadd.s32 s12, s1;
	s13 =	sadd.s32 s13, s1;
	s19 =	sand.u32 $0x380, s15  }
0x10: {  	[dreg:$0xa] =	wrdreg s20;
	s24 =	sadd.s32 s3, s11;
	s17 =	smax.u32 s17, $0x1  }
0x11: {  	s6 =	sadd.s32 s5, s1;
	s1 =	sadd.s32 s14, s1;
	s0 =	sadd.s32 s0, s5  }
0x12: {  	s12 =	sadd.s32 $0x1000, s12;
	[dreg:$0xe] =	wrdreg s24;
	s25 =	sor.u32 s29, s21  }
0x13: {  	v0 =	vimm.f32 $9.000000000e+00;
	s21 =	simm.s32 $0x1;
	[dreg:$0x6] =	wrdreg s0;
	s5 =	sadd.s32 $0x2000, s6  }
0x14: {  	(erf) = vrcp.f32 v0;
	s6 =	sshll.u32 s18, $0x8;
	[dreg:$0x8] =	wrdreg s12;
	s18 =	sadd.s32 $0x800, s13  }
0x15: {  	s12 =	sand.u32 $0x200, s15;
	s1 =	sadd.s32 $0x3A000, s1;
	[dreg:$0x7] =	wrdreg s5  }
0x16: {  	s26 =	sadd.s32 $0x10000, s25;
	s0 =	sand.u32 $0x800, s6;
	[dreg:$0x9] =	wrdreg s18  }
0x17: {  	[dreg:$0xf] =	wrdreg s1;
	s1 =	sshrl.u32 s26, $0x3;
	s0 =	sadd.s32 s0, s7  }
0x18: {  	s29 =	sadd.s32 s16, s1;
	s7 =	sadd.s32 s19, s0;
	s0 =	sadd.s32 s12, s0  }
0x19: {  	s24 =	simm.s32 $0x400;
	[dreg:$0x11] =	wrdreg s29;
	s22 =	sadd.s32 $0x80, s0  }
0x1a: {  	s28 =	sadd.s32 $0x20000, s25;
	s23 =	sadd.s32 $0x100, s0;
	[dreg:$0xb] =	wrdreg s22  }
0x1b: {  	v0 =	vlaneseq.u32;
	s3 =	sshrl.u32 s28, $0x3;
	s0 =	sadd.s32 $0x180, s0;
	[dreg:$0xc] =	wrdreg s23  }
0x1c: {  	v0 =	vmul.u32 $0x40, v0;
	s26 =	simm.s32 $0x2;
	[dreg:$0xd] =	wrdreg s0;
	s0 =	sshrl.u32 s25, $0x3  }
0x1d: {  	v1 =	vimm.f32 $0.0e+00;
	v6 =	vimm.f32 $1.000000000e+00;
	s22 =	simm.s32 $0x7000;
	s23 =	simm.s32 $0x80;
	s0 =	sadd.s32 s16, s0;
	v3 =	vpop (erf)  }
0x1e: {  	v2 =	vor.u32 $0x400, v0;
	v4 =	vor.u32 $0x800, v0;
	v5 =	vor.u32 $0xC00, v0;
	s16 =	sadd.s32 s16, s3;
	[dreg:$0x10] =	wrdreg s0;
	s0 =	simm.s32 $0x8500;
	[tilespmem:$0x1FFF0] =	vst v3  }
.LBB2_1:
0x1f: {  	s1 =	rddreg [dreg:$0x6]  }
0x20: {  	[tilespmem:s2], [sflag:$0x1] =	stream.linear.gather [hbm4b:s1+s2], $0x2000, $0x38;
	[tilespmem:$0xC9C0] =	vst v63  }
0x21: {  	s19 =	rddreg [dreg:$0x7];
	s3 =	simm.s32 $0x2000  }
0x22: {  	[tilespmem:s3], [sflag:$0x1] =	stream.linear.gather [hbm4b:s19+s2], $0x2000, $0x38;
	[tilespmem:$0xC9C0] =	vst v63  }
0x23: {  	s20 =	rddreg [dreg:$0x8];
	s25 =	simm.s32 $0x4800  }
0x24: {  	[tilespmem:s25], [sflag:$0x1] =	stream.linear.gather [hbm4b:s20+s2], $0x1000, $0x38;
	[tilespmem:$0xC9C0] =	vst v63  }
0x25: {  	s28 =	rddreg [dreg:$0x9];
	s29 =	simm.s32 $0x4000  }
0x26: {  	[tilespmem:s29], [sflag:$0x1] =	stream.linear.gather [hbm4b:s28+s2], $0x480, $0x38;
	[tilespmem:$0xC9C0] =	vst v63  }
0x27: {  	_ =	swait.ge [sflag:s21], $0x2000  }
0x28: {  	[sflag:s21] =	ssyncset.done $0x0  }
0x29: {  	[sflag:s21] =	ssyncadd.s32 $0xFFFFE000  }
0x2a: {  	_ =	swait.ge [sflag:s21], $0x2000  }
0x2b: {  	[sflag:s21] =	ssyncset.done $0x0  }
0x2c: {  	[sflag:s21] =	ssyncadd.s32 $0xFFFFE000  }
0x2d: {  	_ =	swait.ge [sflag:s21], $0x1000  }
0x2e: {  	[sflag:s21] =	ssyncset.done $0x0  }
0x2f: {  	[sflag:s21] =	ssyncadd.s32 $0xFFFFF000  }
0x30: {  	_ =	swait.ge [sflag:s21], $0x480  }
0x31: {  	[sflag:s21] =	ssyncset.done $0x0  }
0x32: {  	s1 =	simm.s32 $0x40;
	s3 =	simm.s32 $0x0;
	[sflag:s21] =	ssyncadd.s32 $0xFFFFFB80  }
.LBB2_2:
0x33: {  	p1 =	sne.s32 s1, $0x3FC0;
	[tilespmem:s3+$0x7000] =	vst v1;
	s3 =	smov.u32 s1;
	s1 =	sadd.s32 $0x40, s1  }
.Ltmp0:
0x34: {  	(pc) =	sbr.rel @p1 .LBB2_2-.Ltmp0, $2  }
0x35: {  	_ =	sdelay $0x2  }
0x36: {  	s3 =	sshra.s32 s3, $0x2  }
0x37: {  	[tilespmem:s3+$0x7000] =	vst v1;
	s1 =	simm.s32 $0x0;
	s28 =	simm.s32 $0x0  }
.LBB2_4:
0x38: {  	s9 =	sshll.u32 s28, $0x5;
	s3 =	sshll.u32 s28, $0x7  }
0x39: {  	s11 =	sand.u32 $0x60, s9;
	s3 =	sand.u32 $0x1E00, s3  }
0x3a: {  	s13 =	sand.u32 $0xE00, s1;
	s12 =	sor.u32 s11, s3  }
0x3b: {  	s18 =	sand.u32 $0x60, s1;
	s13 =	sadd.s32 $0x4800, s13;
	v11 =	vld [tilespmem:s12+$0x0]  }
0x3c: {  	s18 =	sor.u32 s18, s13;
	v10 =	vld [tilespmem:s12+$0x80]  }
0x3d: {  	s10 =	sor.u32 $0x10, s11;
	v3 =	vld [tilespmem:s18+$0x100]  }
0x3e: {  	s3 =	sor.u32 s10, s3;
	v13 =	vld [tilespmem:s18+$0x80]  }
0x3f: {  	v7 =	vld [tilespmem:s3+$0x0]  }
0x40: {  	s19 =	simm.s32 $0x10;
	v8 =	vld [tilespmem:s3+$0x80]  }
0x41: {  	v9 =	vld [tilespmem:s3+$0x100];
	s3 =	sand.u32 $0x70, s19;
	s19 =	sand.u32 $0x3, s1  }
0x42: {  	s20 =	sand.u32 $0x7, s1;
	v15 =	vld [tilespmem:s18+$0x0];
	s3 =	sor.u32 s3, s13;
	s19 =	sshll.u32 s19, $0x5  }
0x43: {  	s13 =	sshll.u32 s20, $0x4;
	v14 =	vld [tilespmem:s3+$0x80];
	s19 =	sadd.s32 $0x0, s19  }
0x44: {  	s13 =	sadd.s32 $0x10, s13;
	v17 =	vld [tilespmem:s3+$0x0];
	s25 =	sor.u32 $0x180, s19  }
0x45: {  	s13 =	sor.u32 $0x180, s13;
	v18 =	vld [tilespmem:s25+$0x4800]  }
0x46: {  	v19 =	vld [tilespmem:s13+$0x4800]  }
0x47: {  	v12 =	vld [tilespmem:s12+$0x100];
	v20 =	vmul.f32 v13, v10;
	v21 =	vmul.f32 v15, v11  }
0x48: {  	v15 =	vmul.f32 v15, v7;
	v13 =	vmul.f32 v13, v8  }
0x49: {  	v16 =	vimm.f32 $+Inf;
	v24 =	vld [tilespmem:s3+$0x100];
	v22 =	vmul.f32 v14, v8;
	v23 =	vmul.f32 v17, v7  }
0x4a: {  	v17 =	vmul.f32 v17, v11;
	v14 =	vmul.f32 v14, v10;
	v21 =	vsub.f32 v18, v21  }
0x4b: {  	v15 =	vsub.f32 v18, v15;
	v18 =	vmul.f32 v3, v9;
	v23 =	vsub.f32 v19, v23  }
0x4c: {  	v3 =	vmul.f32 v3, v12;
	v17 =	vsub.f32 v19, v17;
	v20 =	vsub.f32 v21, v20  }
0x4d: {  	v25 =	vimm.f32 $+Inf;
	v13 =	vsub.f32 v15, v13;
	v15 =	vsub.f32 v23, v22  }
0x4e: {  	v19 =	vmul.f32 v24, v9;
	v14 =	vsub.f32 v17, v14;
	v26 =	vsub.f32 v20, v3  }
0x4f: {  	v23 =	vsub.f32 v13, v18;
	v3 =	vimm.s32 $0x0;
	v20 =	vmul.f32 v24, v12  }
0x50: {  	v13 =	vsub.f32 v15, v19;
	v19 =	vimm.s32 $0x0;
	vm3 =	vlt.f32 v26, v16  }
0x51: {  	vm1 =	vlt.f32 v23, v16;
	v21 =	vsub.f32 v14, v20;
	v14 =	vimm.s32 $0x0  }
0x52: {  	v15 =	vnsel vm3, s1, v3;
	v28 =	vsel vm3, v16, v26;
	v22 =	vsel vm1, v16, v23  }
0x53: {  	v29 =	vsel vm3, v26, v16;
	v27 =	vnsel vm1, s1, v3;
	v24 =	vsel vm1, v23, v16  }
0x54: {  	s29 =	simm.s32 $0x80;
	s18 =	simm.s32 $0x1;
	vm5 =	vmmov vm3;
	vm2 =	vmmov vm1;
	vm4 =	vmmov vm3  }
0x55: {  	s12 =	simm.s32 $0x1;
	s20 =	simm.s32 $0x2;
	s3 =	simm.s32 $0x20;
	v23 =	vimm.s32 $0x0;
	vm0 =	vmmov vm1;
	v17 =	vsel vm3, v15, v3  }
0x56: {  	s19 =	simm.s32 $0x2;
	s25 =	simm.s32 $0x90;
	s13 =	simm.s32 $0x0;
	v18 =	vsel vm1, v22, v16;
	v20 =	vsel vm3, v15, v3;
	v15 =	vimm.f32 $+Inf  }
.LBB2_5:
0x57: {  	s4 =	sand.u32 $0x60, s3  }
0x58: {  	s5 =	sand.u32 $0xE00, s29;
	s6 =	sadd.s32 $0x10, s3;
	v30 =	vnsel vm1, s13, v3;
	v3 =	vsel vm1, s13, v3;
	vm1 =	vlt.f32 v13, v24;
	s8 =	smov.u32 s19  }
0x59: {  	s14 =	sand.u32 $0x3, s18;
	v26 =	vsel vm3, v16, v26;
	s5 =	sadd.s32 $0x4800, s5;
	s6 =	sand.u32 $0x70, s6;
	v31 =	vsel vm1, v24, v13;
	v32 =	vnsel vm1, s12, v3  }
0x5a: {  	s15 =	sand.u32 $0x7, s20;
	v19 =	vsel vm2, v27, v19;
	s14 =	sshll.u32 s14, $0x5;
	v25 =	vsel vm5, v26, v25;
	vm5 =	vlt.f32 v21, v29;
	s4 =	sor.u32 s4, s5  }
0x5b: {  	v16 =	vsel vm3, v28, v16;
	v23 =	vsel vm4, s13, v23;
	s15 =	sshll.u32 s15, $0x4;
	s14 =	sadd.s32 s14, s29;
	s5 =	sor.u32 s6, s5;
	v27 =	vsel vm5, v29, v21;
	v26 =	vld [tilespmem:s4+$0x100]  }
0x5c: {  	v15 =	vsel vm2, v22, v15;
	v24 =	vsel vm1, v13, v24;
	s6 =	sadd.s32 s15, s25;
	s15 =	sadd.s32 $0x1, s19;
	v29 =	vsel vm5, v21, v29;
	s14 =	sor.u32 $0x180, s14;
	v28 =	vld [tilespmem:s4+$0x80]  }
0x5d: {  	p1 =	sne.s32 s19, $0x3E;
	vm2 =	vlt.f32 v13, v18;
	v3 =	vsel vm1, s12, v3;
	s19 =	sadd.s32 $0x2, s19;
	v33 =	vnsel vm5, s12, v23;
	s6 =	sor.u32 $0x180, s6;
	v22 =	vld [tilespmem:s5+$0x80]  }
0x5e: {  	v14 =	vsel vm0, v30, v14;
	vm0 =	vlt.f32 v21, v16;
	v30 =	vsel vm2, v18, v13;
	s13 =	smov.u32 s8;
	v34 =	vld [tilespmem:s5+$0x0]  }
0x5f: {  	vm1 =	vlt.f32 v13, v15;
	v23 =	vsel vm5, s12, v23;
	v18 =	vsel vm2, v31, v18;
	v35 =	vld [tilespmem:s4+$0x0]  }
0x60: {  	v31 =	vsel vm0, v16, v21;
	v15 =	vsel vm1, v30, v15;
	v30 =	vnsel vm2, s12, v14;
	v13 =	vld [tilespmem:s6+$0x4800]  }
0x61: {  	v37 =	vnsel vm0, s12, v20;
	v14 =	vsel vm2, v32, v14;
	v16 =	vsel vm0, v27, v16;
	s12 =	smov.u32 s15;
	v36 =	vld [tilespmem:s14+$0x4800]  }
0x62: {  	v19 =	vsel vm1, v30, v19;
	v27 =	vmul.f32 v28, v10;
	v32 =	vmul.f32 v22, v8  }
0x63: {  	vm1 =	vlt.f32 v21, v25;
	v30 =	vmul.f32 v26, v9;
	v38 =	vmul.f32 v34, v7  }
0x64: {  	v25 =	vsel vm1, v31, v25;
	v26 =	vmul.f32 v26, v12;
	v21 =	vmul.f32 v35, v11;
	v39 =	vld [tilespmem:s5+$0x100]  }
0x65: {  	v34 =	vmul.f32 v34, v11;
	v31 =	vmul.f32 v35, v7;
	v35 =	vsub.f32 v13, v38  }
0x66: {  	v17 =	vsel vm1, v37, v17;
	v28 =	vmul.f32 v28, v8;
	v21 =	vsub.f32 v36, v21  }
0x67: {  	v20 =	vsel vm0, v33, v20;
	v31 =	vsub.f32 v36, v31;
	v32 =	vsub.f32 v35, v32  }
0x68: {  	v22 =	vmul.f32 v22, v10;
	v13 =	vsub.f32 v13, v34;
	v21 =	vsub.f32 v21, v27  }
0x69: {  	v27 =	vsub.f32 v31, v28;
	v28 =	vmul.f32 v39, v9  }
0x6a: {  	v26 =	vsub.f32 v21, v26;
	v21 =	vsub.f32 v13, v22  }
0x6b: {  	v30 =	vsub.f32 v27, v30;
	v27 =	vmul.f32 v39, v12;
	v13 =	vsub.f32 v32, v28  }
0x6c: {  	vm4 =	vlt.f32 v26, v29;
	vm3 =	vlt.f32 v26, v16;
	vm5 =	vlt.f32 v26, v25  }
.Ltmp1:
0x6d: {  	vm1 =	vlt.f32 v30, v24;
	v22 =	vnsel vm3, s13, v20;
	v28 =	vsel vm4, v29, v26;
	(pc) =	sbr.rel @p1 .LBB2_5-.Ltmp1, $4  }
0x6e: {  	vm0 =	vlt.f32 v30, v18;
	v31 =	vsel vm1, v24, v30;
	v17 =	vsel vm5, v22, v17  }
0x6f: {  	v21 =	vsub.f32 v21, v27;
	v22 =	vsel vm0, v18, v30;
	v18 =	vsel vm0, v31, v18  }
0x70: {  	s20 =	sadd.s32 $0x2, s20;
	s18 =	sadd.s32 $0x1, s18;
	vm2 =	vlt.f32 v30, v15;
	v27 =	vnsel vm4, s13, v23;
	v29 =	vsel vm4, v26, v29  }
0x71: {  	s3 =	sadd.s32 $0x20, s3;
	s25 =	sadd.s32 $0x80, s25;
	s29 =	sadd.s32 $0x80, s29;
	v24 =	vsel vm1, v30, v24;
	v20 =	vsel vm3, v27, v20;
	v27 =	vnsel vm0, s13, v14  }
0x72: {  	v23 =	vsel vm4, s13, v23;
	vm11 =	vlt.f32 v21, v29  }
0x73: {  	v26 =	vsel vm3, v16, v26;
	v34 =	vsel vm3, v28, v16;
	v35 =	vsel vm11, s12, v23  }
0x74: {  	v25 =	vsel vm5, v26, v25;
	vm3 =	vlt.f32 v21, v34;
	v36 =	vadd.s32 v0, v35  }
0x75: {  	s3 =	sand.u32 $0x780, s9;
	v23 =	vnsel vm11, s12, v23;
	v37 =	vnsel vm3, s12, v20;
	v38 =	vadd.s32 v2, v35  }
0x76: {  	s4 =	sor.u32 s11, s3;
	vm12 =	vlt.f32 v21, v25;
	v39 =	vsel vm3, v23, v20;
	[tilespmem:s9+$0x5800] =	vst v35;
	v40 =	vadd.s32 v4, v35  }
0x77: {  	v41 =	vadd.s32 v5, v35;
	v17 =	vsel vm12, v37, v17;
	[tilespmem:s4+$0x6000] =	vst v39  }
0x78: {  	v42 =	vadd.s32 v0, v39;
	[tilespmem:s4+$0x6800] =	vst v17  }
0x79: {  	v43 =	vadd.s32 v2, v39;
	[tilespmem:v36+s22+$0x0] =	vst.idx.add.f32.msk $0xffff, v11  }
0x7a: {  	v44 =	vadd.s32 v4, v39;
	[tilespmem:v38+s22+$0x0] =	vst.idx.add.f32.msk $0xffff, v10  }
0x7b: {  	v20 =	vadd.s32 v5, v39;
	[tilespmem:v40+s22+$0x0] =	vst.idx.add.f32.msk $0xffff, v12  }
0x7c: {  	v45 =	vadd.s32 v0, v17;
	[tilespmem:v41+s22+$0x0] =	vst.idx.add.f32.msk $0xffff, v6  }
0x7d: {  	v46 =	vadd.s32 v2, v17;
	[tilespmem:v42+s22+$0x0] =	vst.idx.add.f32.msk $0xffff, v11  }
0x7e: {  	v47 =	vadd.s32 v4, v17;
	[tilespmem:v43+s22+$0x0] =	vst.idx.add.f32.msk $0xffff, v10  }
0x7f: {  	v17 =	vadd.s32 v5, v17;
	[tilespmem:v44+s22+$0x0] =	vst.idx.add.f32.msk $0xffff, v12  }
0x80: {  	v48 =	vnsel vm1, s13, v3;
	[tilespmem:v20+s22+$0x0] =	vst.idx.add.f32.msk $0xffff, v6  }
0x81: {  	v3 =	vsel vm1, s13, v3;
	vm13 =	vlt.f32 v13, v24;
	v19 =	vsel vm2, v27, v19;
	[tilespmem:v45+s22+$0x0] =	vst.idx.add.f32.msk $0xffff, v11  }
0x82: {  	v49 =	vsel vm2, v22, v15;
	vm14 =	vlt.f32 v13, v18;
	v50 =	vsel vm13, s12, v3;
	[tilespmem:v46+s22+$0x0] =	vst.idx.add.f32.msk $0xffff, v10  }
0x83: {  	v51 =	vsel vm0, v48, v14;
	v52 =	vadd.s32 v0, v50;
	[tilespmem:v47+s22+$0x0] =	vst.idx.add.f32.msk $0xffff, v12  }
0x84: {  	v3 =	vnsel vm13, s12, v3;
	vm15 =	vlt.f32 v13, v49;
	s3 =	sor.u32 s10, s3;
	v53 =	vadd.s32 v2, v50;
	[tilespmem:v17+s22+$0x0] =	vst.idx.add.f32.msk $0xffff, v6  }
0x85: {  	v54 =	vnsel vm14, s12, v51;
	v3 =	vsel vm14, v3, v51;
	v55 =	vadd.s32 v4, v50;
	[tilespmem:s3+$0x5800] =	vst v50  }
0x86: {  	v56 =	vadd.s32 v5, v50;
	v13 =	vsel vm15, v54, v19;
	[tilespmem:s9+$0x6010] =	vst v3  }
0x87: {  	v57 =	vadd.s32 v0, v3;
	[tilespmem:s9+$0x6810] =	vst v13  }
0x88: {  	v58 =	vadd.s32 v2, v3;
	[tilespmem:v52+s22+$0x0] =	vst.idx.add.f32.msk $0xffff, v7  }
0x89: {  	v59 =	vadd.s32 v4, v3;
	[tilespmem:v53+s22+$0x0] =	vst.idx.add.f32.msk $0xffff, v8  }
0x8a: {  	v3 =	vadd.s32 v5, v3;
	[tilespmem:v55+s22+$0x0] =	vst.idx.add.f32.msk $0xffff, v9  }
0x8b: {  	v60 =	vadd.s32 v0, v13;
	[tilespmem:v56+s22+$0x0] =	vst.idx.add.f32.msk $0xffff, v6  }
0x8c: {  	v61 =	vadd.s32 v2, v13;
	[tilespmem:v57+s22+$0x0] =	vst.idx.add.f32.msk $0xffff, v7  }
0x8d: {  	s28 =	sadd.s32 $0x1, s28;
	v62 =	vadd.s32 v4, v13;
	[tilespmem:v58+s22+$0x0] =	vst.idx.add.f32.msk $0xffff, v8  }
0x8e: {  	p1 =	sne.s32 s28, $0x40;
	v63 =	vadd.s32 v5, v13;
	[tilespmem:v59+s22+$0x0] =	vst.idx.add.f32.msk $0xffff, v9  }
.Ltmp2:
0x8f: {  	[tilespmem:v3+s22+$0x0] =	vst.idx.add.f32.msk $0xffff, v6;
	(pc) =	sbr.rel @p1 .LBB2_4-.Ltmp2, $4  }
0x90: {  	[tilespmem:v60+s22+$0x0] =	vst.idx.add.f32.msk $0xffff, v7  }
0x91: {  	[tilespmem:v61+s22+$0x0] =	vst.idx.add.f32.msk $0xffff, v8  }
0x92: {  	[tilespmem:v62+s22+$0x0] =	vst.idx.add.f32.msk $0xffff, v9  }
0x93: {  	[tilespmem:v63+s22+$0x0] =	vst.idx.add.f32.msk $0xffff, v6  }
0x94: {  	v35 =	vld [tilespmem:$0x7000]  }
0x95: {  	v31 =	vld [tilespmem:$0x7040]  }
0x96: {  	v37 =	vld [tilespmem:$0x7080]  }
0x97: {  	v42 =	vld [tilespmem:$0x70C0]  }
0x98: {  	v49 =	vld [tilespmem:$0x7100]  }
0x99: {  	v58 =	vld [tilespmem:$0x7140]  }
0x9a: {  	v3 =	vld [tilespmem:$0x7180]  }
0x9b: {  	v20 =	vld [tilespmem:$0x7010]  }
0x9c: {  	v17 =	vld [tilespmem:$0x7050]  }
0x9d: {  	v22 =	vld [tilespmem:$0x7090]  }
0x9e: {  	v26 =	vld [tilespmem:$0x70D0]  }
0x9f: {  	v34 =	vld [tilespmem:$0x7110]  }
0xa0: {  	v46 =	vld [tilespmem:$0x7150]  }
0xa1: {  	v54 =	vld [tilespmem:$0x7190]  }
0xa2: {  	v59 =	vld [tilespmem:$0x71D0]  }
0xa3: {  	v62 =	vld [tilespmem:$0x7210]  }
0xa4: {  	v11 =	vld [tilespmem:$0x7020]  }
0xa5: {  	v10 =	vld [tilespmem:$0x7060]  }
0xa6: {  	v13 =	vld [tilespmem:$0x70A0]  }
0xa7: {  	v15 =	vld [tilespmem:$0x70E0]  }
0xa8: {  	v21 =	vld [tilespmem:$0x7120]  }
0xa9: {  	v25 =	vld [tilespmem:$0x7160]  }
0xaa: {  	v29 =	vld [tilespmem:$0x71A0]  }
0xab: {  	v38 =	vld [tilespmem:$0x71E0]  }
0xac: {  	v43 =	vld [tilespmem:$0x7220]  }
0xad: {  	v51 =	vld [tilespmem:$0x7260]  }
0xae: {  	v57 =	vld [tilespmem:$0x72A0]  }
0xaf: {  	v7 =	vld [tilespmem:$0x7030]  }
0xb0: {  	v8 =	vld [tilespmem:$0x70B0]  }
0xb1: {  	v9 =	vld [tilespmem:$0x70F0]  }
0xb2: {  	v12 =	vld [tilespmem:$0x7130]  }
0xb3: {  	v14 =	vld [tilespmem:$0x7170]  }
0xb4: {  	v16 =	vld [tilespmem:$0x71B0]  }
0xb5: {  	v23 =	vld [tilespmem:$0x71F0]  }
0xb6: {  	v27 =	vld [tilespmem:$0x7230]  }
0xb7: {  	v33 =	vld [tilespmem:$0x7270]  }
0xb8: {  	v40 =	vld [tilespmem:$0x72B0]  }
0xb9: {  	v45 =	vld [tilespmem:$0x72F0]  }
0xba: {  	v53 =	vld [tilespmem:$0x7330]  }
0xbb: {  	v61 =	vld [tilespmem:$0x7370]  }
0xbc: {  	v63 =	vld [tilespmem:$0x7640]  }
0xbd: {  	[tilespmem:$0x1FA00] =	vst v3;
	v3 =	vld [tilespmem:$0x71C0]  }
0xbe: {  	v18 =	vld [tilespmem:$0x73B0]  }
0xbf: {  	v39 =	vld [tilespmem:$0x73F0]  }
0xc0: {  	v41 =	vld [tilespmem:$0x7400]  }
0xc1: {  	[tilespmem:$0x1FC90] =	vst v63;
	v63 =	vld [tilespmem:$0x7650]  }
0xc2: {  	[tilespmem:$0x1FA10] =	vst v3;
	v3 =	vld [tilespmem:$0x7200]  }
0xc3: {  	v44 =	vld [tilespmem:$0x7440]  }
0xc4: {  	v47 =	vld [tilespmem:$0x7480]  }
0xc5: {  	v48 =	vld [tilespmem:$0x74C0]  }
0xc6: {  	[tilespmem:$0x1FCB0] =	vst v63;
	v63 =	vld [tilespmem:$0x7660]  }
0xc7: {  	[tilespmem:$0x1FA20] =	vst v3;
	v3 =	vld [tilespmem:$0x7240]  }
0xc8: {  	v50 =	vld [tilespmem:$0x7500]  }
0xc9: {  	v52 =	vld [tilespmem:$0x7540]  }
0xca: {  	v55 =	vld [tilespmem:$0x7580]  }
0xcb: {  	[tilespmem:$0x1FCE0] =	vst v63;
	v63 =	vld [tilespmem:$0x7630]  }
0xcc: {  	[tilespmem:$0x1FA30] =	vst v3;
	v3 =	vld [tilespmem:$0x7280]  }
0xcd: {  	v56 =	vld [tilespmem:$0x75C0]  }
0xce: {  	v60 =	vld [tilespmem:$0x7600]  }
0xcf: {  	v24 =	vld [tilespmem:$0x7680]  }
0xd0: {  	[tilespmem:$0x1FCC0] =	vst v63;
	v63 =	vld [tilespmem:$0x7670]  }
0xd1: {  	[tilespmem:$0x1FA50] =	vst v3;
	v3 =	vld [tilespmem:$0x72C0]  }
0xd2: {  	v28 =	vld [tilespmem:$0x76C0]  }
0xd3: {  	v30 =	vld [tilespmem:$0x7700]  }
0xd4: {  	v32 =	vld [tilespmem:$0x7740]  }
0xd5: {  	[tilespmem:$0x1FD00] =	vst v63;
	v63 =	vld [tilespmem:$0x76B0]  }
0xd6: {  	[tilespmem:$0x1FA70] =	vst v3;
	v3 =	vld [tilespmem:$0x7300]  }
0xd7: {  	v36 =	vld [tilespmem:$0x7780]  }
0xd8: {  	v19 =	vld [tilespmem:$0x7430]  }
0xd9: {  	[tilespmem:$0x1FB90] =	vst v39;
	v39 =	vld [tilespmem:$0x77C0]  }
0xda: {  	[tilespmem:$0x1FD40] =	vst v63;
	v63 =	vld [tilespmem:$0x76F0]  }
0xdb: {  	[tilespmem:$0x1FA90] =	vst v3;
	v3 =	vld [tilespmem:$0x7340]  }
0xdc: {  	[tilespmem:$0x1FBD0] =	vst v50;
	v50 =	vld [tilespmem:$0x7410]  }
0xdd: {  	[tilespmem:$0x1FBB0] =	vst v48;
	v48 =	vld [tilespmem:$0x7450]  }
0xde: {  	[tilespmem:$0x1FC30] =	vst v56;
	v56 =	vld [tilespmem:$0x7490]  }
0xdf: {  	[tilespmem:$0x1FD80] =	vst v63;
	v63 =	vld [tilespmem:$0x7730]  }
0xe0: {  	[tilespmem:$0x1FAC0] =	vst v3;
	v3 =	vld [tilespmem:$0x7380]  }
0xe1: {  	[tilespmem:$0x1FB70] =	vst v41;
	v41 =	vld [tilespmem:$0x74D0]  }
0xe2: {  	[tilespmem:$0x1FB80] =	vst v44;
	v44 =	vld [tilespmem:$0x7510]  }
0xe3: {  	[tilespmem:$0x1FBA0] =	vst v47;
	v47 =	vld [tilespmem:$0x7550]  }
0xe4: {  	[tilespmem:$0x1FDC0] =	vst v63;
	v63 =	vld [tilespmem:$0x7770]  }
0xe5: {  	[tilespmem:$0x1FAF0] =	vst v3;
	v3 =	vld [tilespmem:$0x73C0]  }
0xe6: {  	[tilespmem:$0x1FBF0] =	vst v52;
	v52 =	vld [tilespmem:$0x7590]  }
0xe7: {  	[tilespmem:$0x1FC10] =	vst v55;
	v55 =	vld [tilespmem:$0x75D0]  }
0xe8: {  	[tilespmem:$0x1FC60] =	vst v60;
	v60 =	vld [tilespmem:$0x7610]  }
0xe9: {  	[tilespmem:$0x1FE00] =	vst v63;
	v63 =	vld [tilespmem:$0x77B0]  }
0xea: {  	[tilespmem:$0x1FB20] =	vst v3;
	v3 =	vld [tilespmem:$0x7250]  }
0xeb: {  	[tilespmem:$0x1FCD0] =	vst v24;
	v24 =	vld [tilespmem:$0x7690]  }
0xec: {  	[tilespmem:$0x1FD10] =	vst v28;
	v28 =	vld [tilespmem:$0x76D0]  }
0xed: {  	[tilespmem:$0x1FD50] =	vst v30;
	v30 =	vld [tilespmem:$0x7710]  }
0xee: {  	[tilespmem:$0x1FE40] =	vst v63;
	v63 =	vld [tilespmem:$0x77F0]  }
0xef: {  	[tilespmem:$0x1FA40] =	vst v3;
	v3 =	vld [tilespmem:$0x7290]  }
0xf0: {  	[tilespmem:$0x1FD90] =	vst v32;
	v32 =	vld [tilespmem:$0x7750]  }
0xf1: {  	[tilespmem:$0x1FDD0] =	vst v36;
	v36 =	vld [tilespmem:$0x7790]  }
0xf2: {  	[tilespmem:$0x1FB50] =	vst v18;
	v18 =	vld [tilespmem:$0x7470]  }
0xf3: {  	[tilespmem:$0x1FE80] =	vst v63;
	v63 =	vld [tilespmem:$0x7800]  }
0xf4: {  	[tilespmem:$0x1FA60] =	vst v3;
	v3 =	vld [tilespmem:$0x72D0]  }
0xf5: {  	v31 =	vadd.f32 v31, v35;
	v35 =	vld [tilespmem:$0x7B00]  }
0xf6: {  	v10 =	vadd.f32 v10, v11;
	v11 =	vld [tilespmem:$0x7850]  }
0xf7: {  	v17 =	vadd.f32 v17, v20;
	v20 =	vld [tilespmem:$0x7AD0]  }
0xf8: {  	[tilespmem:$0x1FE60] =	vst v63;
	v63 =	vld [tilespmem:$0x7840]  }
0xf9: {  	[tilespmem:$0x1FA80] =	vst v3;
	v3 =	vld [tilespmem:$0x7310]  }
0xfa: {  	v17 =	vadd.f32 v22, v17;
	v22 =	vld [tilespmem:$0x7BC0]  }
0xfb: {  	[tilespmem:$0x1FE10] =	vst v39;
	v39 =	vld [tilespmem:$0x77D0]  }
0xfc: {  	[tilespmem:$0x1FDB0] =	vst v32;
	v32 =	vld [tilespmem:$0x7420]  }
0xfd: {  	[tilespmem:$0x1FE70] =	vst v63;
	v63 =	vld [tilespmem:$0x7880]  }
0xfe: {  	[tilespmem:$0x1FAB0] =	vst v3;
	v3 =	vld [tilespmem:$0x7350]  }
0xff: {  	[tilespmem:$0x1FD70] =	vst v30;
	v30 =	vld [tilespmem:$0x7460]  }
0x100: {  	[tilespmem:$0x1FBE0] =	vst v44;
	v44 =	vld [tilespmem:$0x74E0]  }
0x101: {  	[tilespmem:$0x1FC20] =	vst v52;
	v52 =	vld [tilespmem:$0x7520]  }
0x102: {  	[tilespmem:$0x1FE90] =	vst v63;
	v63 =	vld [tilespmem:$0x78C0]  }
0x103: {  	[tilespmem:$0x1FAE0] =	vst v3;
	v3 =	vld [tilespmem:$0x7390]  }
0x104: {  	[tilespmem:$0x1FC80] =	vst v60;
	v60 =	vld [tilespmem:$0x7560]  }
0x105: {  	[tilespmem:$0x1FBC0] =	vst v41;
	v41 =	vld [tilespmem:$0x75A0]  }
0x106: {  	[tilespmem:$0x1FC00] =	vst v47;
	v47 =	vld [tilespmem:$0x75E0]  }
0x107: {  	[tilespmem:$0x1FEA0] =	vst v63;
	v63 =	vld [tilespmem:$0x7900]  }
0x108: {  	[tilespmem:$0x1FB10] =	vst v3;
	v3 =	vld [tilespmem:$0x73D0]  }
0x109: {  	[tilespmem:$0x1FC50] =	vst v55;
	v55 =	vld [tilespmem:$0x7620]  }
0x10a: {  	[tilespmem:$0x1FCF0] =	vst v24;
	v24 =	vld [tilespmem:$0x76A0]  }
0x10b: {  	[tilespmem:$0x1FD30] =	vst v28;
	v28 =	vld [tilespmem:$0x76E0]  }
0x10c: {  	[tilespmem:$0x1FEB0] =	vst v63;
	v63 =	vld [tilespmem:$0x7940]  }
0x10d: {  	v37 =	vadd.f32 v37, v31;
	v31 =	vadd.f32 v26, v17;
	[tilespmem:$0x1FB40] =	vst v3;
	v3 =	vld [tilespmem:$0x72E0]  }
0x10e: {  	[tilespmem:$0x1FDF0] =	vst v36;
	v36 =	vld [tilespmem:$0x7720]  }
0x10f: {  	v10 =	vadd.f32 v13, v10;
	v13 =	vadd.f32 v34, v31;
	v34 =	vld [tilespmem:$0x1FA00]  }
0x110: {  	[tilespmem:$0x1FF40] =	vst v20;
	v20 =	vld [tilespmem:$0x1FBC0]  }
0x111: {  	[tilespmem:$0x1FEC0] =	vst v63;
	v63 =	vld [tilespmem:$0x7980]  }
0x112: {  	[tilespmem:$0x1FAA0] =	vst v3;
	v3 =	vld [tilespmem:$0x7320]  }
0x113: {  	[tilespmem:$0x1FFB0] =	vst v22;
	v22 =	vld [tilespmem:$0x7B10]  }
0x114: {  	v13 =	vadd.f32 v46, v13;
	v46 =	vld [tilespmem:$0x7910]  }
0x115: {  	[tilespmem:$0x1FE30] =	vst v39;
	v39 =	vld [tilespmem:$0x74A0]  }
0x116: {  	[tilespmem:$0x1FED0] =	vst v63;
	v63 =	vld [tilespmem:$0x79C0]  }
0x117: {  	[tilespmem:$0x1FAD0] =	vst v3;
	v3 =	vld [tilespmem:$0x7360]  }
0x118: {  	[tilespmem:$0x1FC40] =	vst v41;
	v41 =	vld [tilespmem:$0x7760]  }
0x119: {  	[tilespmem:$0x1FC70] =	vst v47;
	v47 =	vld [tilespmem:$0x77A0]  }
0x11a: {  	[tilespmem:$0x1FCA0] =	vst v55;
	v55 =	vld [tilespmem:$0x77E0]  }
0x11b: {  	[tilespmem:$0x1FEE0] =	vst v63;
	v63 =	vld [tilespmem:$0x7A00]  }
0x11c: {  	[tilespmem:$0x1FB00] =	vst v3;
	v3 =	vld [tilespmem:$0x73A0]  }
0x11d: {  	[tilespmem:$0x1FD20] =	vst v24;
	v24 =	vld [tilespmem:$0x74B0]  }
0x11e: {  	[tilespmem:$0x1FD60] =	vst v28;
	v28 =	vld [tilespmem:$0x74F0]  }
0x11f: {  	[tilespmem:$0x1FDA0] =	vst v36;
	v36 =	vld [tilespmem:$0x7530]  }
0x120: {  	[tilespmem:$0x1FEF0] =	vst v63;
	v63 =	vld [tilespmem:$0x7A40]  }
0x121: {  	[tilespmem:$0x1FB30] =	vst v3;
	v3 =	vld [tilespmem:$0x73E0]  }
0x122: {  	[tilespmem:$0x1FF50] =	vst v35;
	v35 =	vadd.f32 v54, v13;
	v54 =	vld [tilespmem:$0x7990]  }
0x123: {  	v13 =	vld [tilespmem:$0x7820]  }
0x124: {  	[tilespmem:$0x1FF60] =	vst v22;
	v22 =	vld [tilespmem:$0x7B60]  }
0x125: {  	[tilespmem:$0x1FF00] =	vst v63;
	v63 =	vld [tilespmem:$0x7A80]  }
0x126: {  	[tilespmem:$0x1FB60] =	vst v3;
	v3 =	vld [tilespmem:$0x7070]  }
0x127: {  	[tilespmem:$0x1FDE0] =	vst v41;
	v41 =	vld [tilespmem:$0x7570]  }
0x128: {  	[tilespmem:$0x1FE20] =	vst v47;
	v47 =	vld [tilespmem:$0x75B0]  }
0x129: {  	[tilespmem:$0x1FE50] =	vst v55;
	v55 =	vld [tilespmem:$0x75F0]  }
0x12a: {  	[tilespmem:$0x1FF20] =	vst v63;
	v63 =	vld [tilespmem:$0x7AC0]  }
0x12b: {  	v3 =	vadd.f32 v3, v7;
	v7 =	vld [tilespmem:$0x7B80]  }
0x12c: {  	v17 =	vld [tilespmem:$0x1FA30]  }
0x12d: {  	v31 =	vld [tilespmem:$0x1FA70]  }
0x12e: {  	v26 =	vld [tilespmem:$0x1FA60];
	v3 =	vadd.f32 v8, v3  }
0x12f: {  	[tilespmem:$0x1FF30] =	vst v63;
	v63 =	vld [tilespmem:$0x7B40];
	v8 =	vadd.f32 v15, v10  }
0x130: {  	v10 =	vld [tilespmem:$0x7890];
	v3 =	vadd.f32 v9, v3;
	[tilespmem:$0x1FF90] =	vst v7;
	v7 =	vadd.f32 v42, v37  }
0x131: {  	v15 =	vld [tilespmem:$0x7BE0]  }
0x132: {  	v9 =	vld [tilespmem:$0x78D0];
	v3 =	vadd.f32 v12, v3;
	v7 =	vadd.f32 v49, v7  }
0x133: {  	v8 =	vadd.f32 v21, v8;
	v21 =	vld [tilespmem:$0x1FA40]  }
0x134: {  	v3 =	vadd.f32 v14, v3;
	v7 =	vadd.f32 v58, v7;
	v58 =	vld [tilespmem:$0x1FA10]  }
0x135: {  	v37 =	vld [tilespmem:$0x7810]  }
0x136: {  	[tilespmem:$0x1FF70] =	vst v63;
	v63 =	vld [tilespmem:$0x1FA20];
	v3 =	vadd.f32 v16, v3  }
0x137: {  	v42 =	vld [tilespmem:$0x79D0];
	v7 =	vadd.f32 v34, v7  }
0x138: {  	v12 =	vadd.f32 v59, v35;
	v59 =	vld [tilespmem:$0x7A10];
	v3 =	vadd.f32 v23, v3  }
0x139: {  	v8 =	vadd.f32 v25, v8;
	v25 =	vld [tilespmem:$0x7B50];
	v7 =	vadd.f32 v58, v7  }
0x13a: {  	v23 =	vld [tilespmem:$0x1FA50];
	v3 =	vadd.f32 v27, v3  }
0x13b: {  	v35 =	vld [tilespmem:$0x1FA90];
	v7 =	vadd.f32 v63, v7  }
0x13c: {  	v49 =	vld [tilespmem:$0x7950];
	v8 =	vadd.f32 v29, v8;
	v3 =	vadd.f32 v33, v3  }
0x13d: {  	v29 =	vld [tilespmem:$0x7A90];
	v7 =	vadd.f32 v17, v7  }
0x13e: {  	v14 =	vld [tilespmem:$0x7860];
	v8 =	vadd.f32 v38, v8;
	v3 =	vadd.f32 v40, v3  }
0x13f: {  	v12 =	vadd.f32 v62, v12;
	v62 =	vld [tilespmem:$0x1FB20];
	v7 =	vadd.f32 v23, v7  }
0x140: {  	v8 =	vadd.f32 v43, v8;
	v43 =	vld [tilespmem:$0x1FAC0];
	v3 =	vadd.f32 v45, v3  }
0x141: {  	v16 =	vld [tilespmem:$0x7A50];
	v7 =	vadd.f32 v31, v7  }
0x142: {  	v3 =	vadd.f32 v53, v3;
	v53 =	vld [tilespmem:$0x1FAF0]  }
0x143: {  	v38 =	vld [tilespmem:$0x1FAA0];
	v7 =	vadd.f32 v35, v7  }
0x144: {  	v8 =	vadd.f32 v51, v8;
	v27 =	vld [tilespmem:$0x7B90]  }
0x145: {  	v45 =	vld [tilespmem:$0x1FAD0];
	v7 =	vadd.f32 v43, v7  }
0x146: {  	v34 =	vld [tilespmem:$0x1FA80];
	v8 =	vadd.f32 v57, v8  }
0x147: {  	v12 =	vadd.f32 v21, v12;
	v57 =	vld [tilespmem:$0x1FB00];
	v7 =	vadd.f32 v53, v7  }
0x148: {  	v8 =	vadd.f32 v38, v8;
	v40 =	vld [tilespmem:$0x1FAB0]  }
0x149: {  	v12 =	vadd.f32 v26, v12;
	[tilespmem:$0x1FFA0] =	vst v27;
	v27 =	vadd.f32 v62, v7;
	v7 =	vld [tilespmem:$0x1FB30]  }
0x14a: {  	v51 =	vld [tilespmem:$0x1FAE0];
	v8 =	vadd.f32 v45, v8  }
0x14b: {  	v21 =	vld [tilespmem:$0x1FBD0];
	v12 =	vadd.f32 v34, v12  }
0x14c: {  	v58 =	vld [tilespmem:$0x1FB10];
	v8 =	vadd.f32 v57, v8  }
0x14d: {  	v11 =	vadd.f32 v11, v37;
	v37 =	vld [tilespmem:$0x7E00];
	v12 =	vadd.f32 v40, v12  }
0x14e: {  	v7 =	vadd.f32 v7, v8;
	v8 =	vld [tilespmem:$0x1FB40]  }
0x14f: {  	[tilespmem:$0x1FF80] =	vst v25;
	v25 =	vld [tilespmem:$0x7AA0];
	v12 =	vadd.f32 v51, v12  }
0x150: {  	v26 =	vld [tilespmem:$0x79A0]  }
0x151: {  	v10 =	vadd.f32 v10, v11;
	v11 =	vld [tilespmem:$0x7EC0];
	v12 =	vadd.f32 v58, v12  }
0x152: {  	[tilespmem:$0x1FF10] =	vst v16;
	v16 =	vld [tilespmem:$0x7BA0]  }
0x153: {  	v35 =	vadd.f32 v8, v12;
	v8 =	vld [tilespmem:$0x1FB50]  }
0x154: {  	v33 =	vld [tilespmem:$0x7BD0]  }
0x155: {  	v34 =	vld [tilespmem:$0x7A60]  }
0x156: {  	v63 =	vadd.f32 v18, v19;
	v19 =	vld [tilespmem:$0x7B20];
	v3 =	vadd.f32 v61, v3  }
0x157: {  	v18 =	vld [tilespmem:$0x1FBB0]  }
0x158: {  	v3 =	vadd.f32 v8, v3;
	v8 =	vld [tilespmem:$0x1FB60]  }
0x159: {  	v38 =	vld [tilespmem:$0x78A0]  }
0x15a: {  	v23 =	vld [tilespmem:$0x7AE0]  }
0x15b: {  	[tilespmem:$0x1FFC0] =	vst v33;
	v33 =	vld [tilespmem:$0x7A20]  }
0x15c: {  	v31 =	vld [tilespmem:$0x79E0]  }
0x15d: {  	v40 =	vld [tilespmem:$0x78E0];
	v7 =	vadd.f32 v8, v7  }
0x15e: {  	v8 =	vld [tilespmem:$0x1FB80]  }
0x15f: {  	[tilespmem:$0x1FFD0] =	vst v7;
	v7 =	vld [tilespmem:$0x1FB70]  }
0x160: {  	v61 =	vld [tilespmem:$0x1FD10]  }
0x161: {  	v51 =	vld [tilespmem:$0x7960]  }
0x162: {  	v45 =	vld [tilespmem:$0x1FC60]  }
0x163: {  	v43 =	vld [tilespmem:$0x7920];
	v12 =	vadd.f32 v24, v63  }
0x164: {  	v13 =	vadd.f32 v14, v13;
	v7 =	vadd.f32 v8, v7;
	v8 =	vld [tilespmem:$0x1FB90]  }
0x165: {  	v57 =	vld [tilespmem:$0x1FCE0];
	v12 =	vadd.f32 v28, v12  }
0x166: {  	v13 =	vadd.f32 v38, v13;
	v58 =	vld [tilespmem:$0x1FCF0]  }
0x167: {  	v53 =	vld [tilespmem:$0x1FCB0];
	v12 =	vadd.f32 v36, v12  }
0x168: {  	v9 =	vadd.f32 v9, v10;
	v38 =	vadd.f32 v40, v13;
	v13 =	vld [tilespmem:$0x7F40]  }
0x169: {  	v12 =	vadd.f32 v41, v12;
	v3 =	vadd.f32 v8, v3;
	v8 =	vld [tilespmem:$0x1FBA0]  }
0x16a: {  	v40 =	vadd.f32 v46, v9;
	v9 =	vld [tilespmem:$0x7F80]  }
0x16b: {  	v46 =	vld [tilespmem:$0x1FEC0];
	v12 =	vadd.f32 v47, v12  }
0x16c: {  	v62 =	vld [tilespmem:$0x1FD20]  }
0x16d: {  	v24 =	vld [tilespmem:$0x1FBE0];
	v12 =	vadd.f32 v55, v12  }
0x16e: {  	v55 =	vld [tilespmem:$0x1FCC0];
	v7 =	vadd.f32 v8, v7;
	v8 =	vadd.f32 v30, v32  }
0x16f: {  	v28 =	vld [tilespmem:$0x1FBF0]  }
0x170: {  	v36 =	vld [tilespmem:$0x1FC20];
	v8 =	vadd.f32 v39, v8  }
0x171: {  	v41 =	vld [tilespmem:$0x1FC40];
	[tilespmem:$0x1FFE0] =	vst v3;
	v3 =	vadd.f32 v48, v50  }
0x172: {  	v47 =	vld [tilespmem:$0x1FC70];
	v8 =	vadd.f32 v44, v8  }
0x173: {  	v12 =	vadd.f32 v55, v12;
	v55 =	vld [tilespmem:$0x1FD60];
	v3 =	vadd.f32 v56, v3  }
0x174: {  	v30 =	vld [tilespmem:$0x1FC00];
	v7 =	vadd.f32 v18, v7;
	v8 =	vadd.f32 v52, v8  }
0x175: {  	v32 =	vld [tilespmem:$0x1FC10];
	v3 =	vadd.f32 v20, v3  }
0x176: {  	v39 =	vld [tilespmem:$0x1FC30];
	v7 =	vadd.f32 v21, v7;
	v8 =	vadd.f32 v60, v8  }
0x177: {  	v3 =	vadd.f32 v24, v3;
	v52 =	vld [tilespmem:$0x1FCA0]  }
0x178: {  	v44 =	vld [tilespmem:$0x1FC50];
	v7 =	vadd.f32 v28, v7;
	v8 =	vadd.f32 v41, v8  }
0x179: {  	v48 =	vld [tilespmem:$0x1FC80];
	v3 =	vadd.f32 v30, v3  }
0x17a: {  	v7 =	vadd.f32 v32, v7;
	v60 =	vld [tilespmem:$0x1FD00];
	v8 =	vadd.f32 v47, v8  }
0x17b: {  	v50 =	vld [tilespmem:$0x1FC90];
	v3 =	vadd.f32 v36, v3  }
0x17c: {  	v20 =	vld [tilespmem:$0x1FD40];
	v7 =	vadd.f32 v39, v7;
	v8 =	vadd.f32 v52, v8  }
0x17d: {  	v56 =	vld [tilespmem:$0x1FCD0];
	v3 =	vadd.f32 v44, v3  }
0x17e: {  	v63 =	vld [tilespmem:$0x1FD30];
	v7 =	vadd.f32 v45, v7;
	v8 =	vadd.f32 v57, v8  }
0x17f: {  	v3 =	vadd.f32 v48, v3;
	v12 =	vadd.f32 v60, v12;
	v60 =	vld [tilespmem:$0x1FDA0]  }
0x180: {  	v18 =	vld [tilespmem:$0x7830];
	v7 =	vadd.f32 v50, v7;
	v8 =	vadd.f32 v62, v8  }
0x181: {  	v3 =	vadd.f32 v53, v3;
	v12 =	vadd.f32 v20, v12;
	v20 =	vld [tilespmem:$0x1FDE0]  }
0x182: {  	v7 =	vadd.f32 v56, v7;
	v56 =	vld [tilespmem:$0x1FD70];
	v8 =	vadd.f32 v55, v8  }
0x183: {  	v24 =	vld [tilespmem:$0x7870];
	v3 =	vadd.f32 v58, v3  }
0x184: {  	v7 =	vadd.f32 v61, v7;
	v61 =	vld [tilespmem:$0x1FDB0];
	v8 =	vadd.f32 v60, v8  }
0x185: {  	v21 =	vld [tilespmem:$0x1FD50];
	v3 =	vadd.f32 v63, v3  }
0x186: {  	v17 =	vadd.f32 v20, v8;
	v8 =	vld [tilespmem:$0x1FDF0]  }
0x187: {  	v57 =	vld [tilespmem:$0x1FD80];
	v3 =	vadd.f32 v56, v3  }
0x188: {  	v30 =	vld [tilespmem:$0x78F0]  }
0x189: {  	v62 =	vld [tilespmem:$0x1FDC0];
	v3 =	vadd.f32 v61, v3  }
0x18a: {  	v28 =	vld [tilespmem:$0x78B0]  }
0x18b: {  	v3 =	vadd.f32 v8, v3;
	v8 =	vld [tilespmem:$0x1FE00]  }
0x18c: {  	v58 =	vld [tilespmem:$0x1FD90];
	v12 =	vadd.f32 v57, v12  }
0x18d: {  	v36 =	vld [tilespmem:$0x7970]  }
0x18e: {  	v63 =	vld [tilespmem:$0x1FDD0];
	v12 =	vadd.f32 v62, v12  }
0x18f: {  	v32 =	vld [tilespmem:$0x7930];
	v7 =	vadd.f32 v21, v7  }
0x190: {  	v12 =	vadd.f32 v8, v12;
	v8 =	vld [tilespmem:$0x1FE10]  }
0x191: {  	v14 =	vadd.f32 v24, v18;
	v18 =	vld [tilespmem:$0x7E80];
	v7 =	vadd.f32 v58, v7  }
0x192: {  	v24 =	vld [tilespmem:$0x1FEA0]  }
0x193: {  	v44 =	vld [tilespmem:$0x7A30];
	v7 =	vadd.f32 v63, v7  }
0x194: {  	v39 =	vld [tilespmem:$0x79B0]  }
0x195: {  	v8 =	vadd.f32 v8, v7;
	v7 =	vld [tilespmem:$0x1FE20]  }
0x196: {  	v41 =	vld [tilespmem:$0x79F0]  }
0x197: {  	v48 =	vld [tilespmem:$0x7AF0]  }
0x198: {  	v10 =	vadd.f32 v28, v14;
	v14 =	vld [tilespmem:$0x7F00]  }
0x199: {  	v28 =	vld [tilespmem:$0x1FEB0]  }
0x19a: {  	v17 =	vadd.f32 v7, v17;
	v7 =	vld [tilespmem:$0x1FE30]  }
0x19b: {  	v45 =	vld [tilespmem:$0x7A70]  }
0x19c: {  	v47 =	vld [tilespmem:$0x7AB0]  }
0x19d: {  	v53 =	vld [tilespmem:$0x7BB0]  }
0x19e: {  	v30 =	vadd.f32 v30, v10;
	v10 =	vld [tilespmem:$0x7FC0]  }
0x19f: {  	v20 =	vadd.f32 v7, v3;
	v3 =	vld [tilespmem:$0x1FE40]  }
0x1a0: {  	v7 =	vld [tilespmem:$0x1FE50]  }
0x1a1: {  	v50 =	vld [tilespmem:$0x7B30]  }
0x1a2: {  	v52 =	vld [tilespmem:$0x7B70];
	v30 =	vadd.f32 v32, v30  }
0x1a3: {  	v32 =	vld [tilespmem:$0x7C10]  }
0x1a4: {  	v30 =	vadd.f32 v36, v30;
	v21 =	vld [tilespmem:$0x1FE70]  }
0x1a5: {  	v3 =	vadd.f32 v3, v12;
	v12 =	vadd.f32 v7, v17;
	v7 =	vld [tilespmem:$0x1FE60]  }
0x1a6: {  	v36 =	vld [tilespmem:$0x7C90]  }
0x1a7: {  	v30 =	vadd.f32 v39, v30;
	v39 =	vld [tilespmem:$0x7D10]  }
0x1a8: {  	v55 =	vld [tilespmem:$0x7BF0]  }
0x1a9: {  	v56 =	vld [tilespmem:$0x7C00]  }
0x1aa: {  	v17 =	vadd.f32 v21, v7;
	v21 =	vld [tilespmem:$0x1FE80]  }
0x1ab: {  	v57 =	vld [tilespmem:$0x7C40]  }
0x1ac: {  	v30 =	vadd.f32 v41, v30;
	v41 =	vld [tilespmem:$0x7E10]  }
0x1ad: {  	v58 =	vld [tilespmem:$0x7C80]  }
0x1ae: {  	v60 =	vld [tilespmem:$0x7CC0]  }
0x1af: {  	v21 =	vadd.f32 v21, v3;
	v3 =	vld [tilespmem:$0x1FE90]  }
0x1b0: {  	v61 =	vld [tilespmem:$0x7D00]  }
0x1b1: {  	v62 =	vld [tilespmem:$0x7D40]  }
0x1b2: {  	v30 =	vadd.f32 v44, v30;
	v44 =	vld [tilespmem:$0x7C20]  }
0x1b3: {  	v63 =	vld [tilespmem:$0x7D80]  }
0x1b4: {  	v7 =	vld [tilespmem:$0x7DC0];
	v3 =	vadd.f32 v3, v17  }
0x1b5: {  	v17 =	vld [tilespmem:$0x7E40]  }
0x1b6: {  	v3 =	vadd.f32 v24, v3;
	v24 =	vadd.f32 v43, v38;
	v38 =	vld [tilespmem:$0x7C50]  }
0x1b7: {  	v43 =	vld [tilespmem:$0x7F90]  }
0x1b8: {  	v3 =	vadd.f32 v28, v3;
	v28 =	vadd.f32 v49, v40;
	v49 =	vld [tilespmem:$0x1FED0]  }
0x1b9: {  	v24 =	vadd.f32 v51, v24;
	v51 =	vld [tilespmem:$0x1FEE0]  }
0x1ba: {  	v40 =	vld [tilespmem:$0x7D90]  }
0x1bb: {  	v24 =	vadd.f32 v26, v24;
	v26 =	vld [tilespmem:$0x7CD0]  }
0x1bc: {  	v28 =	vadd.f32 v54, v28;
	v54 =	vld [tilespmem:$0x1FEF0]  }
0x1bd: {  	v3 =	vadd.f32 v46, v3;
	v46 =	vld [tilespmem:$0x1FF00]  }
0x1be: {  	v24 =	vadd.f32 v31, v24;
	v31 =	vld [tilespmem:$0x7D50]  }
0x1bf: {  	v28 =	vadd.f32 v42, v28;
	v42 =	vld [tilespmem:$0x7F10]  }
0x1c0: {  	v32 =	vadd.f32 v38, v32;
	v3 =	vadd.f32 v49, v3;
	v49 =	vld [tilespmem:$0x1FF10]  }
0x1c1: {  	v24 =	vadd.f32 v33, v24;
	v33 =	vld [tilespmem:$0x7DD0]  }
0x1c2: {  	v32 =	vadd.f32 v36, v32;
	v28 =	vadd.f32 v59, v28;
	v59 =	vld [tilespmem:$0x1FF30]  }
0x1c3: {  	v3 =	vadd.f32 v51, v3;
	v51 =	vld [tilespmem:$0x1FF20]  }
0x1c4: {  	v26 =	vadd.f32 v26, v32;
	v24 =	vadd.f32 v34, v24;
	v34 =	vld [tilespmem:$0x7E50]  }
0x1c5: {  	v3 =	vadd.f32 v54, v3;
	v54 =	vadd.f32 v45, v30;
	v30 =	vld [tilespmem:$0x7E90]  }
0x1c6: {  	v45 =	vld [tilespmem:$0x1FF40]  }
0x1c7: {  	v26 =	vadd.f32 v39, v26;
	v39 =	vld [tilespmem:$0x7E30]  }
0x1c8: {  	v24 =	vadd.f32 v25, v24;
	v25 =	vld [tilespmem:$0x7ED0]  }
0x1c9: {  	v28 =	vadd.f32 v49, v28;
	v49 =	vld [tilespmem:$0x1FF80]  }
0x1ca: {  	v3 =	vadd.f32 v46, v3;
	v46 =	vld [tilespmem:$0x1FF50]  }
0x1cb: {  	v23 =	vadd.f32 v23, v24;
	v24 =	vld [tilespmem:$0x7F50]  }
0x1cc: {  	v28 =	vadd.f32 v29, v28;
	v29 =	vadd.f32 v47, v54;
	v47 =	vld [tilespmem:$0x1FF60]  }
0x1cd: {  	v26 =	vadd.f32 v31, v26;
	v54 =	vld [tilespmem:$0x1FFB0]  }
0x1ce: {  	v3 =	vadd.f32 v51, v3;
	v51 =	vld [tilespmem:$0x1FFA0]  }
0x1cf: {  	v26 =	vadd.f32 v40, v26;
	v40 =	vld [tilespmem:$0x7E60]  }
0x1d0: {  	v29 =	vadd.f32 v48, v29;
	v48 =	vld [tilespmem:$0x1FF70]  }
0x1d1: {  	v19 =	vadd.f32 v19, v23;
	v23 =	vld [tilespmem:$0x7FD0];
	v3 =	vadd.f32 v59, v3  }
0x1d2: {  	v28 =	vadd.f32 v45, v28;
	v29 =	vadd.f32 v50, v29;
	v50 =	vld [tilespmem:$0x1FF90]  }
0x1d3: {  	v45 =	vld [tilespmem:$0x7C30];
	v3 =	vadd.f32 v46, v3  }
0x1d4: {  	v59 =	vld [tilespmem:$0x7C70];
	v19 =	vadd.f32 v22, v19;
	v28 =	vadd.f32 v47, v28  }
0x1d5: {  	v22 =	vld [tilespmem:$0x7C60];
	v29 =	vadd.f32 v52, v29;
	v3 =	vadd.f32 v48, v3  }
0x1d6: {  	v46 =	vld [tilespmem:$0x7EB0];
	v16 =	vadd.f32 v16, v19;
	v28 =	vadd.f32 v49, v28  }
0x1d7: {  	v49 =	vld [tilespmem:$0x7CA0];
	v29 =	vadd.f32 v53, v29;
	v3 =	vadd.f32 v50, v3  }
0x1d8: {  	v28 =	vadd.f32 v51, v28;
	v50 =	vadd.f32 v57, v56;
	v51 =	vld [tilespmem:$0x7CB0]  }
0x1d9: {  	v52 =	vld [tilespmem:$0x7CE0];
	v15 =	vadd.f32 v15, v16;
	v19 =	vadd.f32 v59, v45  }
0x1da: {  	v53 =	vld [tilespmem:$0x7CF0];
	v22 =	vadd.f32 v22, v44;
	v16 =	vadd.f32 v58, v50  }
0x1db: {  	v29 =	vadd.f32 v55, v29;
	v3 =	vadd.f32 v54, v3;
	v54 =	vld [tilespmem:$0x7D20]  }
0x1dc: {  	v55 =	vld [tilespmem:$0x7D30];
	v22 =	vadd.f32 v49, v22;
	v16 =	vadd.f32 v60, v16  }
0x1dd: {  	v56 =	vld [tilespmem:$0x7D60];
	v19 =	vadd.f32 v51, v19  }
0x1de: {  	v57 =	vld [tilespmem:$0x7D70];
	v22 =	vadd.f32 v52, v22;
	v16 =	vadd.f32 v61, v16  }
0x1df: {  	v58 =	vld [tilespmem:$0x7DA0];
	v19 =	vadd.f32 v53, v19  }
0x1e0: {  	v59 =	vld [tilespmem:$0x7DB0];
	v22 =	vadd.f32 v54, v22;
	v16 =	vadd.f32 v62, v16  }
0x1e1: {  	v60 =	vld [tilespmem:$0x7DE0];
	v19 =	vadd.f32 v55, v19  }
0x1e2: {  	v61 =	vld [tilespmem:$0x7DF0];
	v22 =	vadd.f32 v56, v22;
	v16 =	vadd.f32 v63, v16  }
0x1e3: {  	v26 =	vadd.f32 v33, v26;
	v62 =	vld [tilespmem:$0x7E20];
	v19 =	vadd.f32 v57, v19  }
0x1e4: {  	v48 =	vld [tilespmem:$0x1FFC0];
	v63 =	vadd.f32 v58, v22;
	v7 =	vadd.f32 v7, v16  }
0x1e5: {  	v26 =	vadd.f32 v41, v26;
	v47 =	vld [tilespmem:$0x7EE0];
	v19 =	vadd.f32 v59, v19  }
0x1e6: {  	v44 =	vld [tilespmem:$0x7E70];
	v16 =	vadd.f32 v60, v63;
	v7 =	vadd.f32 v37, v7  }
0x1e7: {  	v26 =	vadd.f32 v34, v26;
	v45 =	vld [tilespmem:$0x7EA0];
	v19 =	vadd.f32 v61, v19  }
0x1e8: {  	v50 =	vld [tilespmem:$0x1FFD0];
	v16 =	vadd.f32 v62, v16;
	v7 =	vadd.f32 v17, v7  }
0x1e9: {  	v28 =	vadd.f32 v48, v28;
	v48 =	vld [tilespmem:$0x7EF0];
	v19 =	vadd.f32 v39, v19  }
0x1ea: {  	[tilespmem:$0x8000] =	vst v27;
	v49 =	vld [tilespmem:$0x7F20];
	v16 =	vadd.f32 v40, v16;
	v7 =	vadd.f32 v18, v7  }
0x1eb: {  	[tilespmem:$0x8010] =	vst v35;
	v26 =	vadd.f32 v30, v26;
	v52 =	vld [tilespmem:$0x7F30];
	v19 =	vadd.f32 v44, v19  }
0x1ec: {  	[tilespmem:$0x8040] =	vst v8;
	v53 =	vld [tilespmem:$0x1FFE0];
	v51 =	vadd.f32 v45, v16;
	v7 =	vadd.f32 v11, v7  }
0x1ed: {  	[tilespmem:$0x8050] =	vst v20;
	v25 =	vadd.f32 v25, v26;
	v54 =	vld [tilespmem:$0x7F60];
	v17 =	vadd.f32 v46, v19  }
0x1ee: {  	[tilespmem:$0x8060] =	vst v12;
	v55 =	vld [tilespmem:$0x7F70];
	v8 =	vadd.f32 v47, v51;
	v7 =	vadd.f32 v14, v7  }
0x1ef: {  	[tilespmem:$0x8070] =	vst v21;
	v56 =	vadd.f32 v42, v25;
	v57 =	vld [tilespmem:$0x7FA0];
	v17 =	vadd.f32 v48, v17  }
0x1f0: {  	[tilespmem:$0x80A0] =	vst v15;
	v58 =	vld [tilespmem:$0x7FB0];
	v8 =	vadd.f32 v49, v8;
	v7 =	vadd.f32 v13, v7  }
0x1f1: {  	[tilespmem:$0x80B0] =	vst v29;
	v59 =	vadd.f32 v24, v56;
	v61 =	vld [tilespmem:$0x7FE0];
	v60 =	vadd.f32 v52, v17  }
0x1f2: {  	[tilespmem:$0x8080] =	vst v3;
	v3 =	vadd.f32 v9, v7;
	v7 =	vadd.f32 v54, v8;
	v8 =	vld [tilespmem:$0x7FF0]  }
0x1f3: {  	[tilespmem:$0x8090] =	vst v28;
	v62 =	vadd.f32 v43, v59;
	v11 =	vadd.f32 v55, v60  }
0x1f4: {  	[tilespmem:$0x8020] =	vst v50;
	v3 =	vadd.f32 v10, v3;
	v7 =	vadd.f32 v57, v7  }
0x1f5: {  	[tilespmem:$0x8030] =	vst v53;
	v9 =	vadd.f32 v23, v62;
	v63 =	vadd.f32 v58, v11  }
0x1f6: {  	[tilespmem:$0x80C0] =	vst v3;
	v3 =	vadd.f32 v61, v7  }
0x1f7: {  	[tilespmem:$0x80D0] =	vst v9;
	v7 =	vadd.f32 v8, v63  }
0x1f8: {  	[tilespmem:$0x80E0] =	vst v3  }
0x1f9: {  	s1 =	simm.s32 $0x8000;
	[tilespmem:$0x80F0] =	vst v7  }
0x1fa: {  	[spmem:s7] =	stream.strided.scatter [tilespmem:s1], [sflag:$0x2], $0x100, s24, s23, $0x38;
	[tilespmem:$0xC9C0] =	vst v63  }
.Ltmp3:
0x1fb: {  	_ =	swait.ge [sflag:s26], $0x100;
	(pc) =	sbr.rel @!p0 .LBB2_8-.Ltmp3, $3  }
0x1fc: {  	[sflag:s26] =	ssyncset.done $0x0  }
0x1fd: {  	[sflag:s26] =	ssyncadd.s32 $0xFFFFFF00  }
0x1fe: {  	[bflag:$0x0] =	sbarrier.arrive $0xFFFF;
	_ =	sdelay $0x1  }
0x1ff: {  	[bflag:$0x0] =	sbarrier.arrive $0xFFFF  }
.Ltmp4:
0x200: {  	s3 =	simm.s32 $0x200;
	s1 =	rddreg [dreg:$0xa];
	(pc) =	sbr.rel .LBB2_10-.Ltmp4, $4  }
0x201: {  	[tilespmem:s0], [sflag:$0x2] =	stream.strided.gather [spmem:s1], $0x100, s3, s23, $0x38;
	[tilespmem:$0xC9C0] =	vst v63  }
0x202: {  	_ =	swait.ge [sflag:s26], $0x100  }
0x203: {  	[sflag:s26] =	ssyncset.done $0x0  }
0x204: {  	[sflag:s26] =	ssyncadd.s32 $0xFFFFFF00  }
.LBB2_8:
0x205: {  	s1 =	simm.s32 $0x8100  }
0x206: {  	[tilespmem:s1], [sflag:$0x2] =	stream.strided.gather [spmem:s7], $0x100, s24, s23, $0x38;
	[tilespmem:$0xC9C0] =	vst v63  }
0x207: {  	_ =	swait.ge [sflag:s26], $0x100  }
0x208: {  	[sflag:s26] =	ssyncset.done $0x0  }
0x209: {  	s3 =	simm.s32 $0x8200;
	s11 =	rddreg [dreg:$0xb];
	[sflag:s26] =	ssyncadd.s32 $0xFFFFFF00  }
0x20a: {  	[tilespmem:s3], [sflag:$0x2] =	stream.strided.gather [spmem:s11], $0x100, s24, s23, $0x38;
	[tilespmem:$0xC9C0] =	vst v63  }
0x20b: {  	_ =	swait.ge [sflag:s26], $0x100  }
0x20c: {  	[sflag:s26] =	ssyncset.done $0x0  }
0x20d: {  	s13 =	simm.s32 $0x8300;
	s12 =	rddreg [dreg:$0xc];
	[sflag:s26] =	ssyncadd.s32 $0xFFFFFF00  }
0x20e: {  	[tilespmem:s13], [sflag:$0x2] =	stream.strided.gather [spmem:s12], $0x100, s24, s23, $0x38;
	[tilespmem:$0xC9C0] =	vst v63  }
0x20f: {  	_ =	swait.ge [sflag:s26], $0x100  }
0x210: {  	[sflag:s26] =	ssyncset.done $0x0  }
0x211: {  	s15 =	simm.s32 $0x8400;
	s14 =	rddreg [dreg:$0xd];
	[sflag:s26] =	ssyncadd.s32 $0xFFFFFF00  }
0x212: {  	[tilespmem:s15], [sflag:$0x2] =	stream.strided.gather [spmem:s14], $0x100, s24, s23, $0x38;
	[tilespmem:$0xC9C0] =	vst v63  }
0x213: {  	_ =	swait.ge [sflag:s26], $0x100  }
0x214: {  	[sflag:s26] =	ssyncset.done $0x0  }
0x215: {  	[sflag:s26] =	ssyncadd.s32 $0xFFFFFF00  }
0x216: {  	v3 =	vld [tilespmem:$0x8100]  }
0x217: {  	v7 =	vld [tilespmem:$0x8200]  }
0x218: {  	v8 =	vld [tilespmem:$0x8300]  }
0x219: {  	v9 =	vld [tilespmem:$0x8400]  }
0x21a: {  	v10 =	vld [tilespmem:$0x8110]  }
0x21b: {  	v11 =	vld [tilespmem:$0x8210]  }
0x21c: {  	v12 =	vld [tilespmem:$0x8310]  }
0x21d: {  	v13 =	vld [tilespmem:$0x8410]  }
0x21e: {  	v14 =	vld [tilespmem:$0x8120]  }
0x21f: {  	v15 =	vld [tilespmem:$0x8220]  }
0x220: {  	v16 =	vld [tilespmem:$0x8320]  }
0x221: {  	v17 =	vld [tilespmem:$0x8420]  }
0x222: {  	v18 =	vld [tilespmem:$0x8130]  }
0x223: {  	v19 =	vld [tilespmem:$0x8230]  }
0x224: {  	v20 =	vld [tilespmem:$0x8330]  }
0x225: {  	v21 =	vld [tilespmem:$0x8430]  }
0x226: {  	v22 =	vld [tilespmem:$0x8140]  }
0x227: {  	v23 =	vld [tilespmem:$0x8240]  }
0x228: {  	v24 =	vld [tilespmem:$0x8340]  }
0x229: {  	v25 =	vld [tilespmem:$0x8440]  }
0x22a: {  	v26 =	vld [tilespmem:$0x8150]  }
0x22b: {  	v27 =	vld [tilespmem:$0x8250]  }
0x22c: {  	v28 =	vld [tilespmem:$0x8350]  }
0x22d: {  	v29 =	vld [tilespmem:$0x8450]  }
0x22e: {  	v30 =	vld [tilespmem:$0x8160]  }
0x22f: {  	v31 =	vld [tilespmem:$0x8260]  }
0x230: {  	v32 =	vld [tilespmem:$0x8360]  }
0x231: {  	v33 =	vld [tilespmem:$0x8460]  }
0x232: {  	v34 =	vld [tilespmem:$0x8170]  }
0x233: {  	v35 =	vld [tilespmem:$0x8270]  }
0x234: {  	v36 =	vld [tilespmem:$0x8370]  }
0x235: {  	v37 =	vld [tilespmem:$0x8470]  }
0x236: {  	v38 =	vld [tilespmem:$0x8180]  }
0x237: {  	v39 =	vld [tilespmem:$0x8280]  }
0x238: {  	v40 =	vld [tilespmem:$0x8380]  }
0x239: {  	v41 =	vld [tilespmem:$0x8480]  }
0x23a: {  	v42 =	vld [tilespmem:$0x8190]  }
0x23b: {  	v43 =	vld [tilespmem:$0x8290]  }
0x23c: {  	v44 =	vld [tilespmem:$0x8390]  }
0x23d: {  	v45 =	vld [tilespmem:$0x8490]  }
0x23e: {  	v46 =	vld [tilespmem:$0x81A0]  }
0x23f: {  	v48 =	vld [tilespmem:$0x81C0]  }
0x240: {  	v53 =	vld [tilespmem:$0x82C0]  }
0x241: {  	v47 =	vld [tilespmem:$0x82A0]  }
0x242: {  	v54 =	vld [tilespmem:$0x83C0];
	v3 =	vadd.f32 v7, v3  }
0x243: {  	v56 =	vld [tilespmem:$0x81D0];
	v7 =	vadd.f32 v11, v10;
	v55 =	vadd.f32 v15, v14  }
0x244: {  	v57 =	vld [tilespmem:$0x82D0];
	v58 =	vadd.f32 v19, v18;
	v60 =	vadd.f32 v23, v22  }
0x245: {  	v59 =	vld [tilespmem:$0x83D0];
	v61 =	vadd.f32 v27, v26;
	v10 =	vadd.f32 v53, v48  }
0x246: {  	v62 =	vld [tilespmem:$0x81E0];
	v34 =	vadd.f32 v35, v34;
	v3 =	vadd.f32 v8, v3  }
0x247: {  	v63 =	vld [tilespmem:$0x82E0];
	v7 =	vadd.f32 v12, v7;
	v12 =	vadd.f32 v16, v55  }
0x248: {  	v16 =	vadd.f32 v24, v60;
	v18 =	vadd.f32 v28, v61;
	v24 =	vld [tilespmem:$0x84D0]  }
0x249: {  	v26 =	vld [tilespmem:$0x83E0];
	v3 =	vadd.f32 v9, v3;
	v9 =	vadd.f32 v57, v56  }
0x24a: {  	v8 =	vld [tilespmem:$0x84C0];
	v10 =	vadd.f32 v54, v10;
	v54 =	vadd.f32 v39, v38  }
0x24b: {  	v27 =	vld [tilespmem:$0x84E0];
	v12 =	vadd.f32 v17, v12;
	v9 =	vadd.f32 v59, v9  }
0x24c: {  	v28 =	vld [tilespmem:$0x81F0];
	v18 =	vadd.f32 v29, v18;
	v29 =	vadd.f32 v31, v30  }
0x24d: {  	v17 =	vadd.f32 v63, v62;
	v30 =	vld [tilespmem:$0x82F0];
	v9 =	vadd.f32 v24, v9  }
0x24e: {  	v35 =	vld [tilespmem:$0x83F0];
	v7 =	vadd.f32 v13, v7;
	v13 =	vadd.f32 v20, v58  }
0x24f: {  	v48 =	vld [tilespmem:$0x84F0];
	v14 =	vadd.f32 v26, v17;
	v8 =	vadd.f32 v8, v10;
	[tilespmem:$0x80D0] =	vst v9  }
0x250: {  	v16 =	vadd.f32 v25, v16;
	v58 =	vadd.f32 v40, v54;
	v50 =	vld [tilespmem:$0x80D0]  }
0x251: {  	v31 =	vld [tilespmem:$0x83A0];
	[tilespmem:$0x8010] =	vst v7;
	v49 =	vadd.f32 v27, v14;
	v52 =	vadd.f32 $9.999999740e-06, v8  }
0x252: {  	v51 =	vld [tilespmem:$0x81B0];
	v13 =	vadd.f32 v21, v13;
	[tilespmem:$0x8020] =	vst v12;
	v15 =	vadd.f32 v30, v28  }
0x253: {  	v61 =	vld [tilespmem:$0x84A0];
	v7 =	vadd.f32 v36, v34;
	v59 =	vadd.f32 v43, v42;
	[tilespmem:$0x80E0] =	vst v49;
	(erf) = vrcp.f32 v52  }
0x254: {  	[tilespmem:$0x8000] =	vst v3;
	v24 =	vadd.f32 v47, v46;
	v56 =	vadd.f32 v35, v15;
	v60 =	vld [tilespmem:$0x80E0]  }
0x255: {  	v55 =	vld [tilespmem:$0x82B0];
	[tilespmem:$0x8040] =	vst v16;
	v7 =	vadd.f32 v37, v7;
	v62 =	vadd.f32 $9.999999740e-06, v50  }
0x256: {  	v57 =	vld [tilespmem:$0x83B0];
	[tilespmem:$0x8050] =	vst v18;
	v27 =	vadd.f32 v31, v24;
	v9 =	vadd.f32 v48, v56  }
0x257: {  	v25 =	vld [tilespmem:$0x84B0];
	v17 =	vadd.f32 v41, v58;
	v63 =	vadd.f32 v44, v59;
	[tilespmem:$0x8070] =	vst v7;
	(erf) = vrcp.f32 v62  }
0x258: {  	v22 =	vadd.f32 v32, v29;
	v29 =	vld [tilespmem:$0x8040];
	v7 =	vadd.f32 v61, v27;
	[tilespmem:$0x80F0] =	vst v9  }
0x259: {  	[tilespmem:$0x8080] =	vst v17;
	v26 =	vadd.f32 v45, v63;
	v28 =	vld [tilespmem:$0x80F0];
	v30 =	vadd.f32 $9.999999740e-06, v60  }
0x25a: {  	v12 =	vadd.f32 v55, v51;
	[tilespmem:$0x8030] =	vst v13;
	v31 =	vld [tilespmem:$0x8080]  }
0x25b: {  	v34 =	vld [tilespmem:$0x8050];
	[tilespmem:$0x8090] =	vst v26;
	(erf) = vrcp.f32 v30  }
0x25c: {  	v53 =	vadd.f32 v33, v22;
	v33 =	vld [tilespmem:$0x8010];
	v12 =	vadd.f32 v57, v12;
	[tilespmem:$0x80A0] =	vst v7;
	v7 =	vpop (erf)  }
0x25d: {  	[tilespmem:$0x80C0] =	vst v8;
	v36 =	vld [tilespmem:$0x8090];
	v3 =	vmul.f32 v7, v3  }
0x25e: {  	[tilespmem:$0x8060] =	vst v53;
	v32 =	vadd.f32 v25, v12;
	v35 =	vadd.f32 $9.999999740e-06, v28  }
0x25f: {  	[tilespmem:$0x8500] =	vst v3;
	v3 =	vmul.f32 v31, v7  }
0x260: {  	vm0 =	vgt.f32 v8, $5.000000000e-01;
	v38 =	vld [tilespmem:$0x8060];
	[tilespmem:$0x80B0] =	vst v32;
	v13 =	vmul.f32 v29, v7;
	(erf) = vrcp.f32 v35;
	v7 =	vpop (erf)  }
0x261: {  	v8 =	vld [tilespmem:$0x8020];
	[tilespmem:$0x8580] =	vst v3;
	v3 =	vsel vm0, $0x3F800000, v1;
	v37 =	vmul.f32 v7, v33  }
0x262: {  	v43 =	vld [tilespmem:$0x4000];
	[tilespmem:$0x8800] =	vst v3;
	v3 =	vmul.f32 v34, v7;
	v7 =	vmul.f32 v36, v7  }
0x263: {  	v39 =	vld [tilespmem:$0x80A0];
	vm13 =	vgt.f32 v50, $5.000000000e-01;
	[tilespmem:$0x8540] =	vst v13  }
0x264: {  	v58 =	vld [tilespmem:$0x4300];
	v41 =	vpop (erf);
	[tilespmem:$0x8590] =	vst v7;
	v7 =	vsel vm13, $0x3F800000, v1  }
0x265: {  	v40 =	vld [tilespmem:$0x8030];
	[tilespmem:$0x8810] =	vst v7;
	v7 =	vmul.f32 v38, v41  }
0x266: {  	v8 =	vmul.f32 v41, v8;
	[tilespmem:$0x8550] =	vst v3;
	v3 =	vld [tilespmem:$0x8070]  }
0x267: {  	v42 =	vld [tilespmem:$0x80B0];
	[tilespmem:$0x8510] =	vst v37  }
0x268: {  	v49 =	vld [tilespmem:$0x4180];
	[tilespmem:$0x8520] =	vst v8;
	v8 =	vmul.f32 v39, v41  }
0x269: {  	v52 =	vld [tilespmem:$0x4200];
	vm14 =	vgt.f32 v60, $5.000000000e-01;
	[tilespmem:$0x8560] =	vst v7;
	v7 =	vpop (erf)  }
0x26a: {  	v61 =	vld [tilespmem:$0x4380];
	[tilespmem:$0x85A0] =	vst v8;
	v8 =	vsel vm14, $0x3F800000, v1;
	v44 =	vmul.f32 v7, v40  }
0x26b: {  	v56 =	vld [tilespmem:$0x4280];
	[tilespmem:$0x8820] =	vst v8;
	v3 =	vmul.f32 v3, v7  }
0x26c: {  	v45 =	vadd.s32 $0x40, v43;
	v30 =	vld [tilespmem:$0x4400];
	v7 =	vmul.f32 v42, v7;
	[tilespmem:$0x8530] =	vst v44  }
0x26d: {  	vm15 =	vgt.f32 v28, $5.000000000e-01;
	v28 =	vld [tilespmem:$0x1FFF0];
	[tilespmem:$0x8570] =	vst v3  }
0x26e: {  	v53 =	vadd.s32 $0x40, v49;
	v8 =	vld [tilespmem:$0x4080];
	[tilespmem:$0x85B0] =	vst v7;
	v7 =	vsel vm15, $0x3F800000, v1  }
0x26f: {  	v54 =	vadd.s32 $0x80, v49;
	[tilespmem:$0x8830] =	vst v7;
	v7 =	vld [tilespmem:$0x4100]  }
0x270: {  	v46 =	vld.idx.msk [tilespmem:v43+s0+$0x0], $0xffff  }
0x271: {  	v55 =	vadd.s32 $0x40, v52;
	v9 =	vld.idx.msk [tilespmem:v45+s0+$0x0], $0xffff  }
0x272: {  	v57 =	vadd.s32 $0x80, v52;
	v13 =	vld.idx.msk [tilespmem:v49+s0+$0x0], $0xffff  }
0x273: {  	v17 =	vld.idx.msk [tilespmem:v53+s0+$0x0], $0xffff  }
0x274: {  	v3 =	vadd.s32 $0x80, v43;
	v18 =	vld.idx.msk [tilespmem:v54+s0+$0x0], $0xffff  }
0x275: {  	v47 =	vadd.s32 $0x40, v8;
	v16 =	vld.idx.msk [tilespmem:v52+s0+$0x0], $0xffff  }
0x276: {  	v48 =	vadd.s32 $0x80, v8;
	v19 =	vld.idx.msk [tilespmem:v55+s0+$0x0], $0xffff  }
0x277: {  	v21 =	vld.idx.msk [tilespmem:v57+s0+$0x0], $0xffff  }
0x278: {  	v8 =	vld.idx.msk [tilespmem:v8+s0+$0x0], $0xffff;
	v50 =	vadd.s32 $0x40, v7  }
0x279: {  	v3 =	vld.idx.msk [tilespmem:v3+s0+$0x0], $0xffff;
	v51 =	vadd.s32 $0x80, v7  }
0x27a: {  	v11 =	vld.idx.msk [tilespmem:v47+s0+$0x0], $0xffff  }
0x27b: {  	v59 =	vadd.s32 $0x40, v56;
	v12 =	vld.idx.msk [tilespmem:v48+s0+$0x0], $0xffff  }
0x27c: {  	v7 =	vld.idx.msk [tilespmem:v7+s0+$0x0], $0xffff  }
0x27d: {  	v62 =	vadd.s32 $0x40, v58;
	v10 =	vadd.f32 $0.0e+00, v46;
	v14 =	vld.idx.msk [tilespmem:v50+s0+$0x0], $0xffff  }
0x27e: {  	v9 =	vadd.f32 $0.0e+00, v9;
	v15 =	vld.idx.msk [tilespmem:v51+s0+$0x0], $0xffff  }
0x27f: {  	v60 =	vadd.s32 $0x80, v56;
	v20 =	vld.idx.msk [tilespmem:v56+s0+$0x0], $0xffff;
	v8 =	vadd.f32 v8, v10;
	v3 =	vadd.f32 $0.0e+00, v3  }
0x280: {  	v34 =	vadd.s32 $0x80, v61;
	v31 =	vld.idx.msk [tilespmem:v59+s0+$0x0], $0xffff;
	v9 =	vadd.f32 v11, v9  }
0x281: {  	v63 =	vadd.s32 $0x80, v58;
	v33 =	vld.idx.msk [tilespmem:v58+s0+$0x0], $0xffff;
	v3 =	vadd.f32 v12, v3;
	v7 =	vadd.f32 v7, v8  }
0x282: {  	v32 =	vadd.s32 $0x40, v61;
	v35 =	vld.idx.msk [tilespmem:v62+s0+$0x0], $0xffff;
	v9 =	vadd.f32 v14, v9  }
0x283: {  	v37 =	vld.idx.msk [tilespmem:v61+s0+$0x0], $0xffff;
	v3 =	vadd.f32 v15, v3;
	v7 =	vadd.f32 v13, v7  }
0x284: {  	v36 =	vadd.s32 $0x40, v30;
	v8 =	vld.idx.msk [tilespmem:v60+s0+$0x0], $0xffff;
	v9 =	vadd.f32 v17, v9  }
0x285: {  	v38 =	vadd.s32 $0x80, v30;
	v39 =	vld.idx.msk [tilespmem:v34+s0+$0x0], $0xffff;
	v3 =	vadd.f32 v18, v3;
	v7 =	vadd.f32 v16, v7  }
0x286: {  	v10 =	vld.idx.msk [tilespmem:v63+s0+$0x0], $0xffff;
	v9 =	vadd.f32 v19, v9  }
0x287: {  	v12 =	vld.idx.msk [tilespmem:v32+s0+$0x0], $0xffff;
	v3 =	vadd.f32 v21, v3;
	v7 =	vadd.f32 v20, v7  }
0x288: {  	v40 =	vld.idx.msk [tilespmem:v30+s0+$0x0], $0xffff;
	v9 =	vadd.f32 v31, v9  }
0x289: {  	v3 =	vadd.f32 v8, v3;
	v7 =	vadd.f32 v33, v7;
	v8 =	vld.idx.msk [tilespmem:v36+s0+$0x0], $0xffff  }
0x28a: {  	v41 =	vld.idx.msk [tilespmem:v38+s0+$0x0], $0xffff;
	v9 =	vadd.f32 v35, v9  }
0x28b: {  	v42 =	vld [tilespmem:$0x4010];
	v3 =	vadd.f32 v10, v3;
	v7 =	vadd.f32 v37, v7  }
0x28c: {  	v43 =	vld [tilespmem:$0x4090];
	v9 =	vadd.f32 v12, v9  }
0x28d: {  	v54 =	vld [tilespmem:$0x4290];
	v3 =	vadd.f32 v39, v3;
	v7 =	vadd.f32 v40, v7  }
0x28e: {  	v56 =	vld [tilespmem:$0x4310];
	v8 =	vadd.f32 v8, v9  }
0x28f: {  	v59 =	vld [tilespmem:$0x4390];
	v3 =	vadd.f32 v41, v3;
	v7 =	vmul.f32 v7, v28  }
0x290: {  	v44 =	vadd.s32 $0x40, v42;
	v47 =	vld [tilespmem:$0x4190];
	v8 =	vmul.f32 v8, v28  }
0x291: {  	v62 =	vld [tilespmem:$0x4410];
	[tilespmem:$0x8600] =	vst v7;
	v3 =	vmul.f32 v3, v28  }
0x292: {  	v45 =	vadd.s32 $0x40, v43;
	v50 =	vld [tilespmem:$0x4210];
	[tilespmem:$0x8680] =	vst v8  }
0x293: {  	v46 =	vadd.s32 $0x80, v43;
	[tilespmem:$0x8700] =	vst v3;
	v3 =	vld [tilespmem:$0x4110]  }
0x294: {  	v8 =	vld.idx.msk [tilespmem:v42+s0+$0x0], $0xffff  }
0x295: {  	v51 =	vadd.s32 $0x40, v47;
	v11 =	vld.idx.msk [tilespmem:v44+s0+$0x0], $0xffff  }
0x296: {  	v52 =	vadd.s32 $0x80, v47;
	v9 =	vld.idx.msk [tilespmem:v43+s0+$0x0], $0xffff  }
0x297: {  	v10 =	vld.idx.msk [tilespmem:v45+s0+$0x0], $0xffff  }
0x298: {  	v53 =	vadd.s32 $0x40, v50;
	v12 =	vld.idx.msk [tilespmem:v46+s0+$0x0], $0xffff  }
0x299: {  	v7 =	vadd.s32 $0x80, v42;
	v13 =	vld.idx.msk [tilespmem:v47+s0+$0x0], $0xffff  }
0x29a: {  	v55 =	vadd.s32 $0x80, v50;
	v17 =	vld.idx.msk [tilespmem:v51+s0+$0x0], $0xffff  }
0x29b: {  	v18 =	vld.idx.msk [tilespmem:v52+s0+$0x0], $0xffff  }
0x29c: {  	v16 =	vld.idx.msk [tilespmem:v50+s0+$0x0], $0xffff;
	v48 =	vadd.s32 $0x40, v3  }
0x29d: {  	v19 =	vld.idx.msk [tilespmem:v53+s0+$0x0], $0xffff;
	v49 =	vadd.s32 $0x80, v3  }
0x29e: {  	v7 =	vld.idx.msk [tilespmem:v7+s0+$0x0], $0xffff  }
0x29f: {  	v57 =	vadd.s32 $0x40, v54;
	v21 =	vld.idx.msk [tilespmem:v55+s0+$0x0], $0xffff  }
0x2a0: {  	v3 =	vld.idx.msk [tilespmem:v3+s0+$0x0], $0xffff  }
0x2a1: {  	v60 =	vadd.s32 $0x40, v56;
	v8 =	vadd.f32 $0.0e+00, v8;
	v14 =	vld.idx.msk [tilespmem:v48+s0+$0x0], $0xffff  }
0x2a2: {  	v11 =	vadd.f32 $0.0e+00, v11;
	v15 =	vld.idx.msk [tilespmem:v49+s0+$0x0], $0xffff  }
0x2a3: {  	v58 =	vadd.s32 $0x80, v54;
	v20 =	vld.idx.msk [tilespmem:v54+s0+$0x0], $0xffff;
	v7 =	vadd.f32 $0.0e+00, v7;
	v8 =	vadd.f32 v9, v8  }
0x2a4: {  	v30 =	vadd.s32 $0x80, v59;
	v63 =	vld.idx.msk [tilespmem:v57+s0+$0x0], $0xffff;
	v10 =	vadd.f32 v10, v11  }
0x2a5: {  	v61 =	vadd.s32 $0x80, v56;
	v29 =	vld.idx.msk [tilespmem:v56+s0+$0x0], $0xffff;
	v7 =	vadd.f32 v12, v7;
	v3 =	vadd.f32 v3, v8  }
0x2a6: {  	v24 =	vadd.s32 $0x40, v59;
	v31 =	vld.idx.msk [tilespmem:v60+s0+$0x0], $0xffff;
	v10 =	vadd.f32 v14, v10  }
0x2a7: {  	v33 =	vld.idx.msk [tilespmem:v59+s0+$0x0], $0xffff;
	v7 =	vadd.f32 v15, v7;
	v3 =	vadd.f32 v13, v3  }
0x2a8: {  	v32 =	vadd.s32 $0x40, v62;
	v8 =	vld.idx.msk [tilespmem:v58+s0+$0x0], $0xffff;
	v10 =	vadd.f32 v17, v10  }
0x2a9: {  	v34 =	vadd.s32 $0x80, v62;
	v35 =	vld.idx.msk [tilespmem:v30+s0+$0x0], $0xffff;
	v7 =	vadd.f32 v18, v7;
	v3 =	vadd.f32 v16, v3  }
0x2aa: {  	v9 =	vld.idx.msk [tilespmem:v61+s0+$0x0], $0xffff;
	v10 =	vadd.f32 v19, v10  }
0x2ab: {  	v12 =	vld.idx.msk [tilespmem:v24+s0+$0x0], $0xffff;
	v7 =	vadd.f32 v21, v7;
	v3 =	vadd.f32 v20, v3  }
0x2ac: {  	v36 =	vld.idx.msk [tilespmem:v62+s0+$0x0], $0xffff;
	v10 =	vadd.f32 v63, v10  }
0x2ad: {  	v7 =	vadd.f32 v8, v7;
	v3 =	vadd.f32 v29, v3;
	v8 =	vld.idx.msk [tilespmem:v32+s0+$0x0], $0xffff  }
0x2ae: {  	v37 =	vld.idx.msk [tilespmem:v34+s0+$0x0], $0xffff;
	v10 =	vadd.f32 v31, v10  }
0x2af: {  	v38 =	vld [tilespmem:$0x4020];
	v7 =	vadd.f32 v9, v7;
	v3 =	vadd.f32 v33, v3  }
0x2b0: {  	v39 =	vld [tilespmem:$0x40A0];
	v10 =	vadd.f32 v12, v10  }
0x2b1: {  	v43 =	vld [tilespmem:$0x41A0];
	v7 =	vadd.f32 v35, v7;
	v3 =	vadd.f32 v36, v3  }
0x2b2: {  	v46 =	vld [tilespmem:$0x4220];
	v8 =	vadd.f32 v8, v10  }
0x2b3: {  	v50 =	vld [tilespmem:$0x42A0];
	v7 =	vadd.f32 v37, v7;
	v3 =	vmul.f32 v3, v28  }
0x2b4: {  	v40 =	vadd.s32 $0x40, v38;
	v52 =	vld [tilespmem:$0x4320];
	v8 =	vmul.f32 v8, v28  }
0x2b5: {  	v55 =	vld [tilespmem:$0x43A0];
	[tilespmem:$0x8610] =	vst v3;
	v3 =	vmul.f32 v7, v28  }
0x2b6: {  	v41 =	vadd.s32 $0x40, v39;
	v58 =	vld [tilespmem:$0x4420];
	[tilespmem:$0x8690] =	vst v8  }
0x2b7: {  	v42 =	vadd.s32 $0x80, v39;
	[tilespmem:$0x8710] =	vst v3;
	v3 =	vld [tilespmem:$0x4120]  }
0x2b8: {  	v8 =	vld.idx.msk [tilespmem:v38+s0+$0x0], $0xffff  }
0x2b9: {  	v47 =	vadd.s32 $0x40, v43;
	v11 =	vld.idx.msk [tilespmem:v40+s0+$0x0], $0xffff  }
0x2ba: {  	v48 =	vadd.s32 $0x80, v43;
	v10 =	vld.idx.msk [tilespmem:v39+s0+$0x0], $0xffff  }
0x2bb: {  	v9 =	vld.idx.msk [tilespmem:v41+s0+$0x0], $0xffff  }
0x2bc: {  	v49 =	vadd.s32 $0x40, v46;
	v12 =	vld.idx.msk [tilespmem:v42+s0+$0x0], $0xffff  }
0x2bd: {  	v7 =	vadd.s32 $0x80, v38;
	v13 =	vld.idx.msk [tilespmem:v43+s0+$0x0], $0xffff  }
0x2be: {  	v51 =	vadd.s32 $0x80, v46;
	v17 =	vld.idx.msk [tilespmem:v47+s0+$0x0], $0xffff  }
0x2bf: {  	v18 =	vld.idx.msk [tilespmem:v48+s0+$0x0], $0xffff  }
0x2c0: {  	v16 =	vld.idx.msk [tilespmem:v46+s0+$0x0], $0xffff;
	v44 =	vadd.s32 $0x40, v3  }
0x2c1: {  	v19 =	vld.idx.msk [tilespmem:v49+s0+$0x0], $0xffff;
	v45 =	vadd.s32 $0x80, v3  }
0x2c2: {  	v7 =	vld.idx.msk [tilespmem:v7+s0+$0x0], $0xffff  }
0x2c3: {  	v53 =	vadd.s32 $0x40, v50;
	v21 =	vld.idx.msk [tilespmem:v51+s0+$0x0], $0xffff  }
0x2c4: {  	v3 =	vld.idx.msk [tilespmem:v3+s0+$0x0], $0xffff  }
0x2c5: {  	v56 =	vadd.s32 $0x40, v52;
	v8 =	vadd.f32 $0.0e+00, v8;
	v14 =	vld.idx.msk [tilespmem:v44+s0+$0x0], $0xffff  }
0x2c6: {  	v11 =	vadd.f32 $0.0e+00, v11;
	v15 =	vld.idx.msk [tilespmem:v45+s0+$0x0], $0xffff  }
0x2c7: {  	v54 =	vadd.s32 $0x80, v50;
	v20 =	vld.idx.msk [tilespmem:v50+s0+$0x0], $0xffff;
	v7 =	vadd.f32 $0.0e+00, v7;
	v8 =	vadd.f32 v10, v8  }
0x2c8: {  	v62 =	vadd.s32 $0x80, v55;
	v59 =	vld.idx.msk [tilespmem:v53+s0+$0x0], $0xffff;
	v9 =	vadd.f32 v9, v11  }
0x2c9: {  	v57 =	vadd.s32 $0x80, v52;
	v61 =	vld.idx.msk [tilespmem:v52+s0+$0x0], $0xffff;
	v7 =	vadd.f32 v12, v7;
	v3 =	vadd.f32 v3, v8  }
0x2ca: {  	v60 =	vadd.s32 $0x40, v55;
	v63 =	vld.idx.msk [tilespmem:v56+s0+$0x0], $0xffff;
	v9 =	vadd.f32 v14, v9  }
0x2cb: {  	v24 =	vld.idx.msk [tilespmem:v55+s0+$0x0], $0xffff;
	v7 =	vadd.f32 v15, v7;
	v3 =	vadd.f32 v13, v3  }
0x2cc: {  	v23 =	vadd.s32 $0x40, v58;
	v8 =	vld.idx.msk [tilespmem:v54+s0+$0x0], $0xffff;
	v9 =	vadd.f32 v17, v9  }
0x2cd: {  	v25 =	vadd.s32 $0x80, v58;
	v26 =	vld.idx.msk [tilespmem:v62+s0+$0x0], $0xffff;
	v7 =	vadd.f32 v18, v7;
	v3 =	vadd.f32 v16, v3  }
0x2ce: {  	v10 =	vld.idx.msk [tilespmem:v57+s0+$0x0], $0xffff;
	v9 =	vadd.f32 v19, v9  }
0x2cf: {  	v12 =	vld.idx.msk [tilespmem:v60+s0+$0x0], $0xffff;
	v7 =	vadd.f32 v21, v7;
	v3 =	vadd.f32 v20, v3  }
0x2d0: {  	v29 =	vld.idx.msk [tilespmem:v58+s0+$0x0], $0xffff;
	v9 =	vadd.f32 v59, v9  }
0x2d1: {  	v7 =	vadd.f32 v8, v7;
	v3 =	vadd.f32 v61, v3;
	v8 =	vld.idx.msk [tilespmem:v23+s0+$0x0], $0xffff  }
0x2d2: {  	v30 =	vld.idx.msk [tilespmem:v25+s0+$0x0], $0xffff;
	v9 =	vadd.f32 v63, v9  }
0x2d3: {  	v31 =	vld [tilespmem:$0x4030];
	v7 =	vadd.f32 v10, v7;
	v3 =	vadd.f32 v24, v3  }
0x2d4: {  	v32 =	vld [tilespmem:$0x40B0];
	v9 =	vadd.f32 v12, v9  }
0x2d5: {  	v36 =	vld [tilespmem:$0x41B0];
	v7 =	vadd.f32 v26, v7;
	v3 =	vadd.f32 v29, v3  }
0x2d6: {  	v39 =	vld [tilespmem:$0x4230];
	v8 =	vadd.f32 v8, v9  }
0x2d7: {  	v43 =	vld [tilespmem:$0x42B0];
	v7 =	vadd.f32 v30, v7;
	v3 =	vmul.f32 v3, v28  }
0x2d8: {  	v33 =	vadd.s32 $0x40, v31;
	v48 =	vld [tilespmem:$0x43B0];
	v8 =	vmul.f32 v8, v28  }
0x2d9: {  	v51 =	vld [tilespmem:$0x4430];
	[tilespmem:$0x8620] =	vst v3;
	v3 =	vmul.f32 v7, v28  }
0x2da: {  	v34 =	vadd.s32 $0x40, v32;
	v45 =	vld [tilespmem:$0x4330];
	[tilespmem:$0x86A0] =	vst v8  }
0x2db: {  	v35 =	vadd.s32 $0x80, v32;
	[tilespmem:$0x8720] =	vst v3;
	v3 =	vld [tilespmem:$0x4130]  }
0x2dc: {  	v8 =	vld.idx.msk [tilespmem:v31+s0+$0x0], $0xffff  }
0x2dd: {  	v40 =	vadd.s32 $0x40, v36;
	v11 =	vld.idx.msk [tilespmem:v33+s0+$0x0], $0xffff  }
0x2de: {  	v41 =	vadd.s32 $0x80, v36;
	v9 =	vld.idx.msk [tilespmem:v32+s0+$0x0], $0xffff  }
0x2df: {  	v10 =	vld.idx.msk [tilespmem:v34+s0+$0x0], $0xffff  }
0x2e0: {  	v42 =	vadd.s32 $0x40, v39;
	v12 =	vld.idx.msk [tilespmem:v35+s0+$0x0], $0xffff  }
0x2e1: {  	v7 =	vadd.s32 $0x80, v31;
	v13 =	vld.idx.msk [tilespmem:v36+s0+$0x0], $0xffff  }
0x2e2: {  	v44 =	vadd.s32 $0x80, v39;
	v17 =	vld.idx.msk [tilespmem:v40+s0+$0x0], $0xffff  }
0x2e3: {  	v18 =	vld.idx.msk [tilespmem:v41+s0+$0x0], $0xffff  }
0x2e4: {  	v16 =	vld.idx.msk [tilespmem:v39+s0+$0x0], $0xffff;
	v37 =	vadd.s32 $0x40, v3  }
0x2e5: {  	v19 =	vld.idx.msk [tilespmem:v42+s0+$0x0], $0xffff;
	v38 =	vadd.s32 $0x80, v3  }
0x2e6: {  	v7 =	vld.idx.msk [tilespmem:v7+s0+$0x0], $0xffff  }
0x2e7: {  	v46 =	vadd.s32 $0x40, v43;
	v21 =	vld.idx.msk [tilespmem:v44+s0+$0x0], $0xffff  }
0x2e8: {  	v3 =	vld.idx.msk [tilespmem:v3+s0+$0x0], $0xffff  }
0x2e9: {  	v49 =	vadd.s32 $0x40, v45;
	v8 =	vadd.f32 $0.0e+00, v8;
	v14 =	vld.idx.msk [tilespmem:v37+s0+$0x0], $0xffff  }
0x2ea: {  	v11 =	vadd.f32 $0.0e+00, v11;
	v15 =	vld.idx.msk [tilespmem:v38+s0+$0x0], $0xffff  }
0x2eb: {  	v47 =	vadd.s32 $0x80, v43;
	v20 =	vld.idx.msk [tilespmem:v43+s0+$0x0], $0xffff;
	v7 =	vadd.f32 $0.0e+00, v7;
	v8 =	vadd.f32 v9, v8  }
0x2ec: {  	v55 =	vadd.s32 $0x80, v48;
	v52 =	vld.idx.msk [tilespmem:v46+s0+$0x0], $0xffff;
	v10 =	vadd.f32 v10, v11  }
0x2ed: {  	v50 =	vadd.s32 $0x80, v45;
	v54 =	vld.idx.msk [tilespmem:v45+s0+$0x0], $0xffff;
	v7 =	vadd.f32 v12, v7;
	v3 =	vadd.f32 v3, v8  }
0x2ee: {  	v53 =	vadd.s32 $0x40, v48;
	v56 =	vld.idx.msk [tilespmem:v49+s0+$0x0], $0xffff;
	v10 =	vadd.f32 v14, v10  }
0x2ef: {  	v58 =	vld.idx.msk [tilespmem:v48+s0+$0x0], $0xffff;
	v7 =	vadd.f32 v15, v7;
	v3 =	vadd.f32 v13, v3  }
0x2f0: {  	v57 =	vadd.s32 $0x40, v51;
	v8 =	vld.idx.msk [tilespmem:v47+s0+$0x0], $0xffff;
	v10 =	vadd.f32 v17, v10  }
0x2f1: {  	v59 =	vadd.s32 $0x80, v51;
	v60 =	vld.idx.msk [tilespmem:v55+s0+$0x0], $0xffff;
	v7 =	vadd.f32 v18, v7;
	v3 =	vadd.f32 v16, v3  }
0x2f2: {  	v9 =	vld.idx.msk [tilespmem:v50+s0+$0x0], $0xffff;
	v10 =	vadd.f32 v19, v10  }
0x2f3: {  	v12 =	vld.idx.msk [tilespmem:v53+s0+$0x0], $0xffff;
	v7 =	vadd.f32 v21, v7;
	v3 =	vadd.f32 v20, v3  }
0x2f4: {  	v61 =	vld.idx.msk [tilespmem:v51+s0+$0x0], $0xffff;
	v10 =	vadd.f32 v52, v10  }
0x2f5: {  	v7 =	vadd.f32 v8, v7;
	v3 =	vadd.f32 v54, v3;
	v8 =	vld.idx.msk [tilespmem:v57+s0+$0x0], $0xffff  }
0x2f6: {  	v62 =	vld.idx.msk [tilespmem:v59+s0+$0x0], $0xffff;
	v10 =	vadd.f32 v56, v10  }
0x2f7: {  	v7 =	vadd.f32 v9, v7;
	v3 =	vadd.f32 v58, v3  }
0x2f8: {  	v63 =	vadd.f32 v12, v10  }
0x2f9: {  	v7 =	vadd.f32 v60, v7;
	v3 =	vadd.f32 v61, v3  }
0x2fa: {  	v8 =	vadd.f32 v8, v63  }
0x2fb: {  	v7 =	vadd.f32 v62, v7;
	v3 =	vmul.f32 v3, v28  }
0x2fc: {  	v8 =	vmul.f32 v8, v28  }
0x2fd: {  	[tilespmem:$0x8630] =	vst v3;
	v3 =	vmul.f32 v7, v28  }
0x2fe: {  	[tilespmem:$0x86B0] =	vst v8  }
0x2ff: {  	s19 =	simm.s32 $0x8800;
	s18 =	rddreg [dreg:$0xe];
	[tilespmem:$0x8730] =	vst v3  }
0x300: {  	[hbm4b:s18+s2] =	stream.linear.scatter [tilespmem:s19], [sflag:$0x2], $0x80, $0x38;
	[tilespmem:$0xC9C0] =	vst v63  }
0x301: {  	_ =	swait.ge [sflag:s26], $0x80  }
0x302: {  	[sflag:s26] =	ssyncset.done $0x0  }
0x303: {  	s25 =	simm.s32 $0x8600;
	s20 =	rddreg [dreg:$0xf];
	[sflag:s26] =	ssyncadd.s32 $0xFFFFFF80  }
0x304: {  	[hbm4b:s20+s2] =	stream.linear.scatter [tilespmem:s25], [sflag:$0x2], $0x180, $0x38;
	[tilespmem:$0xC9C0] =	vst v63  }
0x305: {  	_ =	swait.ge [sflag:s26], $0x180  }
0x306: {  	[sflag:s26] =	ssyncset.done $0x0  }
0x307: {  	s29 =	simm.s32 $0x200;
	s28 =	rddreg [dreg:$0xa];
	[sflag:s26] =	ssyncadd.s32 $0xFFFFFE80  }
0x308: {  	[spmem:s28] =	stream.strided.scatter [tilespmem:s0], [sflag:$0x2], $0x100, s29, s23, $0x38;
	[tilespmem:$0xC9C0] =	vst v63  }
0x309: {  	_ =	swait.ge [sflag:s26], $0x100  }
0x30a: {  	[sflag:s26] =	ssyncset.done $0x0  }
0x30b: {  	[sflag:s26] =	ssyncadd.s32 $0xFFFFFF00  }
0x30c: {  	[bflag:$0x0] =	sbarrier.arrive $0xFFFF  }
.LBB2_10:
0x30d: {  	s1 =	simm.s32 $0x5800  }
0x30e: {  	v3 =	vld [tilespmem:s1+$0x0];
	_ =	sdelay $0x3  }
0x30f: {  	s3 =	simm.s32 $0x0;
	s1 =	simm.s32 $0x0  }
0x310: {  	s3 =	sand.u32 $0xFFFFFE00, s3;
	s4 =	sand.u32 $0x70, s1  }
0x311: {  	s3 =	sor.u32 s4, s3  }
0x312: {  	v8 =	vld [tilespmem:s3+$0x0]  }
0x313: {  	v7 =	vld.idx.msk [tilespmem:v3+s0+$0x0], $0xffff;
	_ =	sdelay $0x3  }
0x314: {  	s5 =	simm.s32 $0x0  }
0x315: {  	s5 =	sand.u32 $0x3FFFFC00, s5;
	v7 =	vsub.f32 v8, v7  }
0x316: {  	s4 =	sor.u32 s4, s5  }
0x317: {  	[tilespmem:s4+$0x8880] =	vst v7  }
0x318: {  	v7 =	vld [tilespmem:s3+$0x2000]  }
0x319: {  	v8 =	vadd.s32 $0x40, v3;
	_ =	sdelay $0x3  }
0x31a: {  	[tilespmem:s4+$0x8A00] =	vst v7  }
0x31b: {  	v7 =	vld.idx.msk [tilespmem:v8+s0+$0x0], $0xffff  }
0x31c: {  	v8 =	vld [tilespmem:s3+$0x80];
	_ =	sdelay $0x4  }
0x31d: {  	v7 =	vsub.f32 v8, v7;
	_ =	sdelay $0x1  }
0x31e: {  	[tilespmem:s4+$0x8900] =	vst v7  }
0x31f: {  	v7 =	vld [tilespmem:s3+$0x2080]  }
0x320: {  	v3 =	vadd.s32 $0x80, v3;
	_ =	sdelay $0x3  }
0x321: {  	[tilespmem:s4+$0x8A80] =	vst v7  }
0x322: {  	v3 =	vld.idx.msk [tilespmem:v3+s0+$0x0], $0xffff  }
0x323: {  	v7 =	vld [tilespmem:s3+$0x100];
	_ =	sdelay $0x4  }
0x324: {  	v3 =	vsub.f32 v7, v3;
	_ =	sdelay $0x1  }
0x325: {  	[tilespmem:s4+$0x8980] =	vst v3  }
0x326: {  	v3 =	vld [tilespmem:s3+$0x2100];
	_ =	sdelay $0x4  }
0x327: {  	s9 =	simm.s32 $0x5810;
	[tilespmem:s4+$0x8B00] =	vst v3  }
0x328: {  	s10 =	simm.s32 $0x2;
	s3 =	simm.s32 $0x1;
	v3 =	vld [tilespmem:s9+$0x0]  }
.LBB2_11:
0x329: {  	p1 =	sne.s32 s10, $0x7F;
	_ =	sdelay $0x3  }
0x32a: {  	v7 =	vadd.s32 $0x40, v3;
	v8 =	vadd.s32 $0x80, v3  }
0x32b: {  	s4 =	sshll.u32 s3, $0x6;
	s1 =	sadd.s32 $0x10, s1  }
0x32c: {  	s5 =	sand.u32 $0x70, s1;
	s4 =	sand.u32 $0xFFFFFE00, s4  }
0x32d: {  	s4 =	sor.u32 s5, s4;
	v3 =	vld.idx.msk [tilespmem:v3+s0+$0x0], $0xffff  }
0x32e: {  	v9 =	vld [tilespmem:s4+$0x0];
	_ =	sdelay $0x3  }
0x32f: {  	s6 =	sshll.u32 s3, $0x7;
	s3 =	smov.u32 s10  }
0x330: {  	s6 =	sand.u32 $0x3FFFFC00, s6;
	v3 =	vsub.f32 v9, v3  }
0x331: {  	s5 =	sor.u32 s5, s6  }
0x332: {  	[tilespmem:s5+$0x8880] =	vst v3  }
0x333: {  	v3 =	vld [tilespmem:s4+$0x2000];
	_ =	sdelay $0x4  }
0x334: {  	[tilespmem:s5+$0x8A00] =	vst v3  }
0x335: {  	v3 =	vld.idx.msk [tilespmem:v7+s0+$0x0], $0xffff  }
0x336: {  	v7 =	vld [tilespmem:s4+$0x80];
	_ =	sdelay $0x4  }
0x337: {  	v3 =	vsub.f32 v7, v3;
	_ =	sdelay $0x1  }
0x338: {  	[tilespmem:s5+$0x8900] =	vst v3  }
0x339: {  	v3 =	vld [tilespmem:s4+$0x2080];
	_ =	sdelay $0x4  }
0x33a: {  	[tilespmem:s5+$0x8A80] =	vst v3  }
0x33b: {  	v3 =	vld.idx.msk [tilespmem:v8+s0+$0x0], $0xffff  }
0x33c: {  	v7 =	vld [tilespmem:s4+$0x100];
	_ =	sdelay $0x4  }
0x33d: {  	v3 =	vsub.f32 v7, v3;
	_ =	sdelay $0x1  }
0x33e: {  	[tilespmem:s5+$0x8980] =	vst v3  }
0x33f: {  	v3 =	vld [tilespmem:s4+$0x2100];
	_ =	sdelay $0x1  }
.Ltmp5:
0x340: {  	(pc) =	sbr.rel @p1 .LBB2_11-.Ltmp5, $3  }
0x341: {  	_ =	sdelay $0x1  }
0x342: {  	s9 =	sadd.s32 $0x10, s9;
	[tilespmem:s5+$0x8B00] =	vst v3  }
0x343: {  	s10 =	sadd.s32 $0x1, s10;
	v3 =	vld [tilespmem:s9+$0x0]  }
0x344: {  	_ =	sdelay $0x3  }
0x345: {  	s4 =	sshll.u32 s3, $0x6;
	s1 =	sadd.s32 $0x10, s1  }
0x346: {  	s1 =	sand.u32 $0x70, s1;
	s4 =	sand.u32 $0xFFFFFE00, s4  }
0x347: {  	s4 =	sor.u32 s1, s4  }
0x348: {  	v8 =	vld [tilespmem:s4+$0x0]  }
0x349: {  	v7 =	vld.idx.msk [tilespmem:v3+s0+$0x0], $0xffff;
	_ =	sdelay $0x3  }
0x34a: {  	s18 =	sshll.u32 s3, $0x7  }
0x34b: {  	s3 =	sand.u32 $0x3FFFFC00, s18;
	v7 =	vsub.f32 v8, v7  }
0x34c: {  	s1 =	sor.u32 s1, s3  }
0x34d: {  	[tilespmem:s1+$0x8880] =	vst v7  }
0x34e: {  	v7 =	vld [tilespmem:s4+$0x2000]  }
0x34f: {  	v8 =	vadd.s32 $0x40, v3;
	_ =	sdelay $0x3  }
0x350: {  	[tilespmem:s1+$0x8A00] =	vst v7  }
0x351: {  	v7 =	vld.idx.msk [tilespmem:v8+s0+$0x0], $0xffff  }
0x352: {  	v8 =	vld [tilespmem:s4+$0x80];
	_ =	sdelay $0x4  }
0x353: {  	v7 =	vsub.f32 v8, v7;
	_ =	sdelay $0x1  }
0x354: {  	[tilespmem:s1+$0x8900] =	vst v7  }
0x355: {  	v7 =	vld [tilespmem:s4+$0x2080]  }
0x356: {  	v3 =	vadd.s32 $0x80, v3;
	_ =	sdelay $0x3  }
0x357: {  	[tilespmem:s1+$0x8A80] =	vst v7  }
0x358: {  	v3 =	vld.idx.msk [tilespmem:v3+s0+$0x0], $0xffff  }
0x359: {  	v7 =	vld [tilespmem:s4+$0x100];
	_ =	sdelay $0x4  }
0x35a: {  	v3 =	vsub.f32 v7, v3;
	_ =	sdelay $0x1  }
0x35b: {  	[tilespmem:s1+$0x8980] =	vst v3  }
0x35c: {  	v3 =	vld [tilespmem:s4+$0x2100];
	_ =	sdelay $0x4  }
0x35d: {  	s19 =	simm.s32 $0x0;
	s20 =	rddreg [dreg:$0x10];
	[tilespmem:s1+$0x8B00] =	vst v3  }
0x35e: {  	[hbm4b:s20+s19] =	stream.linear.scatter [tilespmem:s30], [sflag:$0x2], $0x4000, $0x38;
	[tilespmem:$0xC9C0] =	vst v63  }
0x35f: {  	_ =	swait.ge [sflag:s26], $0x4000  }
0x360: {  	[sflag:s26] =	ssyncset.done $0x0  }
0x361: {  	s25 =	sand.u32 $0x7F0, s19;
	[sflag:s26] =	ssyncadd.s32 $0xFFFFC000  }
0x362: {  	v3 =	vld [tilespmem:s25+$0x6000];
	_ =	sdelay $0x3  }
0x363: {  	s28 =	simm.s32 $0x0  }
0x364: {  	s3 =	sand.u32 $0x3FFFFE00, s28;
	s1 =	sand.u32 $0x70, s19  }
0x365: {  	s3 =	sor.u32 s1, s3  }
0x366: {  	v8 =	vld [tilespmem:s3+$0x0]  }
0x367: {  	v7 =	vld.idx.msk [tilespmem:v3+s0+$0x0], $0xffff;
	_ =	sdelay $0x2  }
0x368: {  	v9 =	vadd.s32 $0x40, v3  }
0x369: {  	s29 =	simm.s32 $0x0  }
0x36a: {  	s4 =	sand.u32 $0x3FFFFC00, s29;
	v7 =	vsub.f32 v8, v7  }
0x36b: {  	s10 =	sor.u32 s1, s4  }
0x36c: {  	[tilespmem:s10+$0x8880] =	vst v7  }
0x36d: {  	v7 =	vld.idx.msk [tilespmem:v9+s0+$0x0], $0xffff  }
0x36e: {  	v8 =	vld [tilespmem:s3+$0x80];
	_ =	sdelay $0x2  }
0x36f: {  	v3 =	vadd.s32 $0x80, v3;
	_ =	sdelay $0x1  }
0x370: {  	v7 =	vsub.f32 v8, v7;
	_ =	sdelay $0x1  }
0x371: {  	[tilespmem:s10+$0x8900] =	vst v7  }
0x372: {  	v3 =	vld.idx.msk [tilespmem:v3+s0+$0x0], $0xffff  }
0x373: {  	v7 =	vld [tilespmem:s3+$0x100];
	_ =	sdelay $0x4  }
0x374: {  	s9 =	simm.s32 $0x2;
	s1 =	simm.s32 $0x1;
	s3 =	simm.s32 $0x10;
	v3 =	vsub.f32 v7, v3  }
.LBB2_13:
0x375: {  	p1 =	sne.s32 s9, $0x7F  }
0x376: {  	s4 =	sand.u32 $0x7F0, s3;
	[tilespmem:s10+$0x8980] =	vst v3;
	s5 =	smov.u32 s9;
	s9 =	sadd.s32 $0x1, s9  }
0x377: {  	v3 =	vld [tilespmem:s4+$0x6000];
	_ =	sdelay $0x5  }
0x378: {  	s4 =	sshll.u32 s1, $0x6  }
0x379: {  	s6 =	sand.u32 $0x70, s3;
	s4 =	sand.u32 $0x3FFFFE00, s4  }
0x37a: {  	s4 =	sor.u32 s6, s4;
	v7 =	vld.idx.msk [tilespmem:v3+s0+$0x0], $0xffff  }
0x37b: {  	v8 =	vld [tilespmem:s4+$0x0];
	_ =	sdelay $0x2  }
0x37c: {  	v9 =	vadd.s32 $0x40, v3  }
0x37d: {  	s8 =	sshll.u32 s1, $0x7;
	s1 =	smov.u32 s5  }
0x37e: {  	s5 =	sand.u32 $0x3FFFFC00, s8;
	v7 =	vsub.f32 v8, v7  }
0x37f: {  	s10 =	sor.u32 s6, s5  }
0x380: {  	[tilespmem:s10+$0x8880] =	vst v7  }
0x381: {  	v7 =	vld.idx.msk [tilespmem:v9+s0+$0x0], $0xffff  }
0x382: {  	v8 =	vld [tilespmem:s4+$0x80];
	_ =	sdelay $0x2  }
0x383: {  	v3 =	vadd.s32 $0x80, v3;
	_ =	sdelay $0x1  }
0x384: {  	v7 =	vsub.f32 v8, v7;
	_ =	sdelay $0x1  }
0x385: {  	[tilespmem:s10+$0x8900] =	vst v7  }
0x386: {  	v3 =	vld.idx.msk [tilespmem:v3+s0+$0x0], $0xffff  }
0x387: {  	v7 =	vld [tilespmem:s4+$0x100];
	_ =	sdelay $0x1  }
.Ltmp6:
0x388: {  	(pc) =	sbr.rel @p1 .LBB2_13-.Ltmp6, $3  }
0x389: {  	_ =	sdelay $0x1  }
0x38a: {  	v3 =	vsub.f32 v7, v3  }
0x38b: {  	s3 =	sadd.s32 $0x10, s3  }
0x38c: {  	s4 =	sand.u32 $0x7F0, s3;
	[tilespmem:s10+$0x8980] =	vst v3  }
0x38d: {  	v3 =	vld [tilespmem:s4+$0x6000];
	_ =	sdelay $0x3  }
0x38e: {  	s14 =	sshll.u32 s1, $0x6  }
0x38f: {  	s15 =	sand.u32 $0x70, s3;
	s4 =	sand.u32 $0x3FFFFE00, s14  }
0x390: {  	s4 =	sor.u32 s15, s4  }
0x391: {  	v8 =	vld [tilespmem:s4+$0x0]  }
0x392: {  	v7 =	vld.idx.msk [tilespmem:v3+s0+$0x0], $0xffff;
	_ =	sdelay $0x2  }
0x393: {  	v9 =	vadd.s32 $0x40, v3  }
0x394: {  	s18 =	sshll.u32 s1, $0x7  }
0x395: {  	s1 =	sand.u32 $0x3FFFFC00, s18;
	v7 =	vsub.f32 v8, v7  }
0x396: {  	s1 =	sor.u32 s15, s1  }
0x397: {  	[tilespmem:s1+$0x8880] =	vst v7  }
0x398: {  	v7 =	vld.idx.msk [tilespmem:v9+s0+$0x0], $0xffff  }
0x399: {  	v8 =	vld [tilespmem:s4+$0x80];
	_ =	sdelay $0x2  }
0x39a: {  	v3 =	vadd.s32 $0x80, v3;
	_ =	sdelay $0x1  }
0x39b: {  	v7 =	vsub.f32 v8, v7;
	_ =	sdelay $0x1  }
0x39c: {  	[tilespmem:s1+$0x8900] =	vst v7  }
0x39d: {  	v3 =	vld.idx.msk [tilespmem:v3+s0+$0x0], $0xffff  }
0x39e: {  	v7 =	vld [tilespmem:s4+$0x100];
	_ =	sdelay $0x4  }
0x39f: {  	v3 =	vsub.f32 v7, v3;
	_ =	sdelay $0x1  }
0x3a0: {  	s19 =	simm.s32 $0x0;
	s20 =	rddreg [dreg:$0x11];
	[tilespmem:s1+$0x8980] =	vst v3  }
0x3a1: {  	[hbm4b:s20+s19] =	stream.linear.scatter [tilespmem:s30], [sflag:$0x2], $0x4000, $0x38;
	[tilespmem:$0xC9C0] =	vst v63  }
0x3a2: {  	_ =	swait.ge [sflag:s26], $0x4000  }
0x3a3: {  	[sflag:s26] =	ssyncset.done $0x0  }
0x3a4: {  	s25 =	sand.u32 $0x7F0, s19;
	[sflag:s26] =	ssyncadd.s32 $0xFFFFC000  }
0x3a5: {  	v3 =	vld [tilespmem:s25+$0x6800];
	_ =	sdelay $0x3  }
0x3a6: {  	s28 =	simm.s32 $0x0  }
0x3a7: {  	s3 =	sand.u32 $0x3FFFFE00, s28;
	s1 =	sand.u32 $0x70, s19  }
0x3a8: {  	s3 =	sor.u32 s1, s3  }
0x3a9: {  	v8 =	vld [tilespmem:s3+$0x0]  }
0x3aa: {  	v7 =	vld.idx.msk [tilespmem:v3+s0+$0x0], $0xffff;
	_ =	sdelay $0x2  }
0x3ab: {  	v63 =	vadd.s32 $0x40, v3  }
0x3ac: {  	s29 =	simm.s32 $0x0  }
0x3ad: {  	s4 =	sand.u32 $0x3FFFFC00, s29;
	v7 =	vsub.f32 v8, v7  }
0x3ae: {  	s10 =	sor.u32 s1, s4  }
0x3af: {  	[tilespmem:s10+$0x8880] =	vst v7  }
0x3b0: {  	v7 =	vld.idx.msk [tilespmem:v63+s0+$0x0], $0xffff  }
0x3b1: {  	v8 =	vld [tilespmem:s3+$0x80];
	_ =	sdelay $0x2  }
0x3b2: {  	v3 =	vadd.s32 $0x80, v3;
	_ =	sdelay $0x1  }
0x3b3: {  	v7 =	vsub.f32 v8, v7;
	_ =	sdelay $0x1  }
0x3b4: {  	[tilespmem:s10+$0x8900] =	vst v7  }
0x3b5: {  	v3 =	vld.idx.msk [tilespmem:v3+s0+$0x0], $0xffff  }
0x3b6: {  	v7 =	vld [tilespmem:s3+$0x100];
	_ =	sdelay $0x4  }
0x3b7: {  	s9 =	simm.s32 $0x2;
	s1 =	simm.s32 $0x1;
	s3 =	simm.s32 $0x10;
	v3 =	vsub.f32 v7, v3  }
.LBB2_15:
0x3b8: {  	p1 =	sne.s32 s9, $0x7F  }
0x3b9: {  	s4 =	sand.u32 $0x7F0, s3;
	[tilespmem:s10+$0x8980] =	vst v3;
	s5 =	smov.u32 s9;
	s9 =	sadd.s32 $0x1, s9  }
0x3ba: {  	v3 =	vld [tilespmem:s4+$0x6800];
	_ =	sdelay $0x5  }
0x3bb: {  	s4 =	sshll.u32 s1, $0x6  }
0x3bc: {  	s6 =	sand.u32 $0x70, s3;
	s4 =	sand.u32 $0x3FFFFE00, s4  }
0x3bd: {  	s4 =	sor.u32 s6, s4;
	v7 =	vld.idx.msk [tilespmem:v3+s0+$0x0], $0xffff  }
0x3be: {  	v8 =	vld [tilespmem:s4+$0x0];
	_ =	sdelay $0x2  }
0x3bf: {  	v9 =	vadd.s32 $0x40, v3  }
0x3c0: {  	s8 =	sshll.u32 s1, $0x7;
	s1 =	smov.u32 s5  }
0x3c1: {  	s5 =	sand.u32 $0x3FFFFC00, s8;
	v7 =	vsub.f32 v8, v7  }
0x3c2: {  	s10 =	sor.u32 s6, s5  }
0x3c3: {  	[tilespmem:s10+$0x8880] =	vst v7  }
0x3c4: {  	v7 =	vld.idx.msk [tilespmem:v9+s0+$0x0], $0xffff  }
0x3c5: {  	v8 =	vld [tilespmem:s4+$0x80];
	_ =	sdelay $0x2  }
0x3c6: {  	v3 =	vadd.s32 $0x80, v3;
	_ =	sdelay $0x1  }
0x3c7: {  	v7 =	vsub.f32 v8, v7;
	_ =	sdelay $0x1  }
0x3c8: {  	[tilespmem:s10+$0x8900] =	vst v7  }
0x3c9: {  	v3 =	vld.idx.msk [tilespmem:v3+s0+$0x0], $0xffff  }
0x3ca: {  	v7 =	vld [tilespmem:s4+$0x100];
	_ =	sdelay $0x1  }
.Ltmp7:
0x3cb: {  	(pc) =	sbr.rel @p1 .LBB2_15-.Ltmp7, $3  }
0x3cc: {  	_ =	sdelay $0x1  }
0x3cd: {  	v3 =	vsub.f32 v7, v3  }
0x3ce: {  	s3 =	sadd.s32 $0x10, s3  }
0x3cf: {  	s4 =	sand.u32 $0x7F0, s3;
	[tilespmem:s10+$0x8980] =	vst v3  }
0x3d0: {  	v3 =	vld [tilespmem:s4+$0x6800];
	_ =	sdelay $0x3  }
0x3d1: {  	s25 =	sshll.u32 s1, $0x6  }
0x3d2: {  	s28 =	sand.u32 $0x70, s3;
	s4 =	sand.u32 $0x3FFFFE00, s25  }
0x3d3: {  	s4 =	sor.u32 s28, s4  }
0x3d4: {  	v8 =	vld [tilespmem:s4+$0x0]  }
0x3d5: {  	v7 =	vld.idx.msk [tilespmem:v3+s0+$0x0], $0xffff;
	_ =	sdelay $0x2  }
0x3d6: {  	v9 =	vadd.s32 $0x40, v3  }
0x3d7: {  	s29 =	sshll.u32 s1, $0x7  }
0x3d8: {  	s1 =	sand.u32 $0x3FFFFC00, s29;
	v7 =	vsub.f32 v8, v7  }
0x3d9: {  	s1 =	sor.u32 s28, s1  }
0x3da: {  	[tilespmem:s1+$0x8880] =	vst v7  }
0x3db: {  	v7 =	vld.idx.msk [tilespmem:v9+s0+$0x0], $0xffff  }
0x3dc: {  	v8 =	vld [tilespmem:s4+$0x80];
	_ =	sdelay $0x2  }
0x3dd: {  	v3 =	vadd.s32 $0x80, v3;
	_ =	sdelay $0x1  }
0x3de: {  	v7 =	vsub.f32 v8, v7;
	_ =	sdelay $0x1  }
0x3df: {  	[tilespmem:s1+$0x8900] =	vst v7  }
0x3e0: {  	v3 =	vld.idx.msk [tilespmem:v3+s0+$0x0], $0xffff  }
0x3e1: {  	v7 =	vld [tilespmem:s4+$0x100];
	_ =	sdelay $0x4  }
0x3e2: {  	s31 =	sadd.s32 $0x1, s31;
	v3 =	vsub.f32 v7, v3  }
0x3e3: {  	p1 =	sne.s32 s31, s17  }
.Ltmp8:
0x3e4: {  	[tilespmem:s1+$0x8980] =	vst v3;
	(pc) =	sbr.rel @p1 .LBB2_1-.Ltmp8, $4  }
0x3e5: {  	[hbm4b:s16+s2] =	stream.linear.scatter [tilespmem:s30], [sflag:$0x2], $0x4000, $0x38;
	[tilespmem:$0xC9C0] =	vst v63  }
0x3e6: {  	_ =	swait.ge [sflag:s26], $0x4000  }
0x3e7: {  	[sflag:s26] =	ssyncset.done $0x0  }
0x3e8: {  	[sflag:s26] =	ssyncadd.s32 $0xFFFFC000  }
0x3e9: {  	_ =	sfence.sel $0x180000  }
0x3ea: {  	[bflag:$0x0] =	sbarrier.arrive $0xFFFF  }
0x3eb: {  	_ =	strace $0x90000047  }
0x3ec: {  	s0 =	stileid.u32;
	[bflag:$0x2] =	sbarrier.arrive $0xFFFF  }
0x3ed: {  	p0 =	sne.s32 s0, $0x0;
	s0 =	rddreg [dreg:$0x5]  }
0x3ee: {  	s0 =	sadd.s32 @!p0 $0x100000, s0  }
0x3ef: {  	[sflag:s0] =	ssyncadd.tile.s32 @!p0 $0x1;
	_ =	shalt  }
.Lfunc_end2:
_tile_overlayer_lowered:
.L_overlay_start_2:
0x3f0: {  	(tag) =	ssettag $0x2  }
0x3f1: {  	s0 =	rddreg [dreg:$0x0];
	s2 =	stileid.u32  }
0x3f2: {  	s1 =	rddreg [dreg:$0x1];
	p0 =	sne.s32 s2, $0x0  }
0x3f3: {  	s3 =	rddreg [dreg:$0x2];
	[bflag:$0x3] =	sbarrier.arrive $0xFFFF;
	s2 =	simm.s32 @!p0 $0x1C02  }
0x3f4: {  	[timem:s3], [sflag:s2] =	dma.local @!p0 [hbm:s0], s1  }
0x3f5: {  	s0 =	simm.s32 @!p0 $0x2  }
0x3f6: {  	_ =	swait.ge @!p0 [sflag:s0], s1  }
0x3f7: {  	s1 =	ssub.s32 @!p0 $0x0, s1;
	[sflag:s0] =	ssyncset.done @!p0 $0x0  }
0x3f8: {  	[sflag:s0] =	ssyncadd.s32 @!p0 s1  }
0x3f9: {  	[bflag:$0x3] =	sbarrier.arrive $0xFFFF  }
0x3fa: {  	_ =	shalt  }

</sc_bundles>
